<compile_context>
chip_gen: v7x
topology: tpu7x:2x2x1
jax: 0.10.2.dev20260603
libtpu: 0.0.44.dev20260713+nightly
codegen_flags: <defaults>
</compile_context>

<pallas_src>
import functools

import jax
import jax.numpy as jnp
from jax import lax
from jax.experimental import pallas as pl
from jax.experimental.pallas import tpu as pltpu
from jax.experimental.pallas import tpu_sc as plsc

ENT = 1000000
REL = 1000
D = 64
MARGIN = 1.0
B = 4096
NEG = 25

NC = 2
NS = 16
L = 16
NW = NC * NS

PAIRS = NEG + 1
B_PER_W = B // NW
E_PER_C = 4
CHUNK = E_PER_C * PAIRS
NCHUNK = B_PER_W // E_PER_C
KD = D // L


def _body(h_hbm, t_hbm, r_hbm, ent_hbm, rel_hbm, out_hbm,
          h_idx, t_idx, r_idx, bh, bt, br, loss_v,
          semh, semt, semr):
    wid = lax.axis_index("s") * NC + lax.axis_index("c")
    iota = lax.iota(jnp.int32, L)

    pltpu.sync_copy(h_hbm.at[wid], h_idx)
    pltpu.sync_copy(t_hbm.at[wid], t_idx)
    pltpu.sync_copy(r_hbm.at[wid], r_idx)

    def row_copies(c, e, idx_ref, table, buf, sem):
        eoff = e * PAIRS
        v0 = idx_ref.at[c][pl.ds(eoff, L)]
        v1 = idx_ref.at[c][pl.ds(eoff + PAIRS - L, L)]
        for j in range(PAIRS):
            row = v0[j] if j < L else v1[j - (PAIRS - L)]
            pltpu.async_copy(table.at[pl.ds(row, 1)],
                             buf.at[pl.ds(eoff + j, 1)], sem)

    def pair_acc(acc, p):
        for k in range(KD):
            sl = pl.ds(k * L, L)
            acc = acc + jnp.abs(bh[p, sl] - bt[p, sl] + br[p, sl])
        return acc

    def chunk_body(c, loss):
        def issue(e, carry):
            row_copies(c, e, h_idx, ent_hbm, bh, semh)
            row_copies(c, e, t_idx, ent_hbm, bt, semt)
            row_copies(c, e, r_idx, rel_hbm, br, semr)
            return carry

        lax.fori_loop(0, E_PER_C, issue, jnp.int32(0))

        def e_body(e, loss):
            for sem in (semh, semt, semr):
                for _ in range(PAIRS):
                    pltpu.make_async_copy(ent_hbm.at[pl.ds(0, 1)],
                                          bh.at[pl.ds(0, 1)], sem).wait()
            base = e * PAIRS
            snv = jnp.zeros((L,), jnp.float32)
            for j in range(NEG):
                snv = pair_acc(snv, base + j)
            spv = pair_acc(jnp.zeros((L,), jnp.float32), base + NEG)
            sn = lax.reduce_sum_p.bind(snv, axes=(0,))
            sp = lax.reduce_sum_p.bind(spv, axes=(0,))
            return loss + jnp.maximum(sp - sn * (1.0 / NEG) + MARGIN, 0.0)

        return lax.fori_loop(0, E_PER_C, e_body, loss)

    loss = lax.fori_loop(0, NCHUNK, chunk_body, jnp.float32(0.0))

    loss_v[...] = jnp.where(iota == 0, loss, 0.0)
    pltpu.sync_copy(loss_v, out_hbm.at[wid])


def kernel(pos_h, pos_t, pos_r, neg_h, neg_t, neg_r, ent_embeddings, rel_embeddings):
    h3 = jnp.concatenate([neg_h, pos_h], axis=1).reshape(NW, NCHUNK, CHUNK)
    t3 = jnp.concatenate([neg_t, pos_t], axis=1).reshape(NW, NCHUNK, CHUNK)
    r3 = jnp.concatenate([neg_r, pos_r], axis=1).reshape(NW, NCHUNK, CHUNK)

    run = functools.partial(
        pl.kernel,
        mesh=plsc.VectorSubcoreMesh(core_axis_name="c", subcore_axis_name="s"),
        compiler_params=pltpu.CompilerParams(
            needs_layout_passes=False, use_tc_tiling_on_sc=True),
        out_type=jax.ShapeDtypeStruct((NW, L), jnp.float32),
        scratch_types=[
            pltpu.VMEM((NCHUNK, CHUNK), jnp.int32),
            pltpu.VMEM((NCHUNK, CHUNK), jnp.int32),
            pltpu.VMEM((NCHUNK, CHUNK), jnp.int32),
            pltpu.VMEM((CHUNK, D), jnp.float32),
            pltpu.VMEM((CHUNK, D), jnp.float32),
            pltpu.VMEM((CHUNK, D), jnp.float32),
            pltpu.VMEM((L,), jnp.float32),
            pltpu.SemaphoreType.DMA,
            pltpu.SemaphoreType.DMA,
            pltpu.SemaphoreType.DMA,
        ],
    )(_body)

    partials = run(h3, t3, r3, ent_embeddings, rel_embeddings)
    return jnp.sum(partials)

# --- scband reference (transcript-rebuilt; emitter-appended) ---
"""Pipeline reference for scband-trans-e-69544110456885 (READ-ONLY COPY).

The authoritative reference and input builder live on the scoring server;
editing this copy changes nothing except your own understanding.
"""

import jax, jax.numpy as jnp
import numpy as np

ENT = 1000000
REL = 1000
D = 64
MARGIN = 1.0
B = 4096
NEG = 25

def setup_inputs(seed: int = 0) -> dict:
    key = jax.random.key(seed)
    ks = jax.random.split(key, 8)
    pos_h = jax.random.randint(ks[0], (B, 1), 0, ENT, dtype=jnp.int32)
    pos_t = jax.random.randint(ks[1], (B, 1), 0, ENT, dtype=jnp.int32)
    pos_r = jax.random.randint(ks[2], (B, 1), 0, REL, dtype=jnp.int32)
    neg_h = jax.random.randint(ks[3], (B, NEG), 0, ENT, dtype=jnp.int32)
    neg_t = jax.random.randint(ks[4], (B, NEG), 0, ENT, dtype=jnp.int32)
    neg_r = jax.random.randint(ks[5], (B, NEG), 0, REL, dtype=jnp.int32)
    # xavier-like init for embedding tables
    ent_embeddings = jax.random.normal(ks[6], (ENT, D), dtype=jnp.float32) * (2.0 / (ENT + D)) ** 0.5
    rel_embeddings = jax.random.normal(ks[7], (REL, D), dtype=jnp.float32) * (2.0 / (REL + D)) ** 0.5
    return {
        'pos_h': pos_h, 'pos_t': pos_t, 'pos_r': pos_r,
        'neg_h': neg_h, 'neg_t': neg_t, 'neg_r': neg_r,
        'ent_embeddings': ent_embeddings, 'rel_embeddings': rel_embeddings,
    }

def reference(pos_h, pos_t, pos_r, neg_h, neg_t, neg_r, ent_embeddings, rel_embeddings):
    # embedding lookups (SparseCore gathers)
    ph = jnp.take(ent_embeddings, pos_h, axis=0)   # [B, 1, D]
    pt = jnp.take(ent_embeddings, pos_t, axis=0)   # [B, 1, D]
    pr = jnp.take(rel_embeddings, pos_r, axis=0)   # [B, 1, D]
    nh = jnp.take(ent_embeddings, neg_h, axis=0)   # [B, NEG, D]
    nt = jnp.take(ent_embeddings, neg_t, axis=0)   # [B, NEG, D]
    nr = jnp.take(rel_embeddings, neg_r, axis=0)   # [B, NEG, D]
    # TransE L1 scores: mean over instance axis, sum over feature axis
    sp = jnp.sum(jnp.mean(jnp.abs(ph - pt + pr), axis=1), axis=1, keepdims=True)  # [B, 1]
    sn = jnp.sum(jnp.mean(jnp.abs(nh - nt + nr), axis=1), axis=1, keepdims=True)  # [B, 1]
    loss = jnp.sum(jnp.maximum(sp - sn + MARGIN, 0.0))
    return loss

if __name__ == "__main__":
    import jax
    _d = setup_inputs()
    print(jax.jit(kernel)(*tuple(_d.values())))

</pallas_src>

<mosaic_0001>
#map = affine_map<(d0, d1) -> (0, 0, 0)>
#map1 = affine_map<(d0, d1) -> (0, 0)>
module attributes {stable_mosaic.version = 14 : i64} {
  func.func @_body(%arg0: i32, %arg1: i32, %arg2: memref<32x32x104xi32, #tpu.memory_space<hbm>>, %arg3: memref<32x32x104xi32, #tpu.memory_space<hbm>>, %arg4: memref<32x32x104xi32, #tpu.memory_space<hbm>>, %arg5: memref<1000000x64xf32, #tpu.memory_space<hbm>>, %arg6: memref<1000x64xf32, #tpu.memory_space<hbm>>, %arg7: memref<32x16xf32, #tpu.memory_space<hbm>>, %arg8: memref<32x104xi32, #tpu.memory_space<vmem>>, %arg9: memref<32x104xi32, #tpu.memory_space<vmem>>, %arg10: memref<32x104xi32, #tpu.memory_space<vmem>>, %arg11: memref<104x64xf32, #tpu.memory_space<vmem>>, %arg12: memref<104x64xf32, #tpu.memory_space<vmem>>, %arg13: memref<104x64xf32, #tpu.memory_space<vmem>>, %arg14: memref<16xf32, #tpu.memory_space<vmem>>, %arg15: memref<!tpu.dma_semaphore, #tpu.memory_space<semaphore_mem>>, %arg16: memref<!tpu.dma_semaphore, #tpu.memory_space<semaphore_mem>>, %arg17: memref<!tpu.dma_semaphore, #tpu.memory_space<semaphore_mem>>) attributes {dimension_semantics = [#tpu.dimension_semantics<core_parallel>, #tpu.dimension_semantics<subcore_parallel>], iteration_bounds = array<i64: 2, 16>, scalar_prefetch = 0 : i64, scratch_operands = 10 : i64, tpu.core_type = #tpu.core_type<sc_vector_subcore>, window_params = [{transform_indices = #map}, {transform_indices = #map}, {transform_indices = #map}, {transform_indices = #map1}, {transform_indices = #map1}, {transform_indices = #map1}]} {
    %mul3A = arith.constant 2 : i32
    %mul3A_0 = arith.muli %arg1, %mul3A : i32
    %add3A = arith.addi %mul3A_0, %arg0 : i32
    %iota3A = tpu.iota {dimensions = array<i32: 0>} : vector<16xi32>
    "tpu.region"() ({
      %run_scoped3A = tpu.sem_alloc : memref<!tpu.dma_semaphore, #tpu.memory_space<semaphore_mem>>
      %dma_start3A = arith.constant 0 : i32
      %dma_start3A_11 = arith.constant 0 : i32
      %dma_start3A_12 = tpu.memref_slice %arg2[%add3A, %dma_start3A, %dma_start3A_11] : memref<32x32x104xi32, #tpu.memory_space<hbm>> -> memref<1x32x104xi32, #tpu.memory_space<hbm>>
      %dma_start3A_13 = tpu.memref_squeeze %dma_start3A_12 : memref<1x32x104xi32, #tpu.memory_space<hbm>> -> memref<32x104xi32, #tpu.memory_space<hbm>>
      %dma_start3A_14 = arith.constant 0 : i32
      %dma_start3A_15 = arith.constant 0 : i32
      %dma_start3A_16 = tpu.memref_slice %arg2[%add3A, %dma_start3A_14, %dma_start3A_15] : memref<32x32x104xi32, #tpu.memory_space<hbm>> -> memref<1x32x104xi32, #tpu.memory_space<hbm>>
      %dma_start3A_17 = tpu.memref_squeeze %dma_start3A_16 : memref<1x32x104xi32, #tpu.memory_space<hbm>> -> memref<32x104xi32, #tpu.memory_space<hbm>>
      tpu.enqueue_dma source(%dma_start3A_17 : memref<32x104xi32, #tpu.memory_space<hbm>>) target(%arg8 : memref<32x104xi32, #tpu.memory_space<vmem>>) target_semaphore(%run_scoped3A : memref<!tpu.dma_semaphore, #tpu.memory_space<semaphore_mem>>)
      %dma_wait3A = arith.constant 0 : i32
      %dma_wait3A_18 = arith.constant 0 : i32
      %dma_wait3A_19 = tpu.memref_slice %arg2[%add3A, %dma_wait3A, %dma_wait3A_18] : memref<32x32x104xi32, #tpu.memory_space<hbm>> -> memref<1x32x104xi32, #tpu.memory_space<hbm>>
      %dma_wait3A_20 = tpu.memref_squeeze %dma_wait3A_19 : memref<1x32x104xi32, #tpu.memory_space<hbm>> -> memref<32x104xi32, #tpu.memory_space<hbm>>
      %dma_wait3A_21 = arith.constant 0 : i32
      %dma_wait3A_22 = arith.constant 0 : i32
      %dma_wait3A_23 = tpu.memref_slice %arg2[%add3A, %dma_wait3A_21, %dma_wait3A_22] : memref<32x32x104xi32, #tpu.memory_space<hbm>> -> memref<1x32x104xi32, #tpu.memory_space<hbm>>
      %dma_wait3A_24 = tpu.memref_squeeze %dma_wait3A_23 : memref<1x32x104xi32, #tpu.memory_space<hbm>> -> memref<32x104xi32, #tpu.memory_space<hbm>>
      tpu.wait_dma2 semaphore(%run_scoped3A : memref<!tpu.dma_semaphore, #tpu.memory_space<semaphore_mem>>) src(%dma_wait3A_24 : memref<32x104xi32, #tpu.memory_space<hbm>>) dst(%arg8 : memref<32x104xi32, #tpu.memory_space<vmem>>)
      tpu.yield
    }) : () -> ()
    "tpu.region"() ({
      %run_scoped3A = tpu.sem_alloc : memref<!tpu.dma_semaphore, #tpu.memory_space<semaphore_mem>>
      %dma_start3A = arith.constant 0 : i32
      %dma_start3A_11 = arith.constant 0 : i32
      %dma_start3A_12 = tpu.memref_slice %arg3[%add3A, %dma_start3A, %dma_start3A_11] : memref<32x32x104xi32, #tpu.memory_space<hbm>> -> memref<1x32x104xi32, #tpu.memory_space<hbm>>
      %dma_start3A_13 = tpu.memref_squeeze %dma_start3A_12 : memref<1x32x104xi32, #tpu.memory_space<hbm>> -> memref<32x104xi32, #tpu.memory_space<hbm>>
      %dma_start3A_14 = arith.constant 0 : i32
      %dma_start3A_15 = arith.constant 0 : i32
      %dma_start3A_16 = tpu.memref_slice %arg3[%add3A, %dma_start3A_14, %dma_start3A_15] : memref<32x32x104xi32, #tpu.memory_space<hbm>> -> memref<1x32x104xi32, #tpu.memory_space<hbm>>
      %dma_start3A_17 = tpu.memref_squeeze %dma_start3A_16 : memref<1x32x104xi32, #tpu.memory_space<hbm>> -> memref<32x104xi32, #tpu.memory_space<hbm>>
      tpu.enqueue_dma source(%dma_start3A_17 : memref<32x104xi32, #tpu.memory_space<hbm>>) target(%arg9 : memref<32x104xi32, #tpu.memory_space<vmem>>) target_semaphore(%run_scoped3A : memref<!tpu.dma_semaphore, #tpu.memory_space<semaphore_mem>>)
      %dma_wait3A = arith.constant 0 : i32
      %dma_wait3A_18 = arith.constant 0 : i32
      %dma_wait3A_19 = tpu.memref_slice %arg3[%add3A, %dma_wait3A, %dma_wait3A_18] : memref<32x32x104xi32, #tpu.memory_space<hbm>> -> memref<1x32x104xi32, #tpu.memory_space<hbm>>
      %dma_wait3A_20 = tpu.memref_squeeze %dma_wait3A_19 : memref<1x32x104xi32, #tpu.memory_space<hbm>> -> memref<32x104xi32, #tpu.memory_space<hbm>>
      %dma_wait3A_21 = arith.constant 0 : i32
      %dma_wait3A_22 = arith.constant 0 : i32
      %dma_wait3A_23 = tpu.memref_slice %arg3[%add3A, %dma_wait3A_21, %dma_wait3A_22] : memref<32x32x104xi32, #tpu.memory_space<hbm>> -> memref<1x32x104xi32, #tpu.memory_space<hbm>>
      %dma_wait3A_24 = tpu.memref_squeeze %dma_wait3A_23 : memref<1x32x104xi32, #tpu.memory_space<hbm>> -> memref<32x104xi32, #tpu.memory_space<hbm>>
      tpu.wait_dma2 semaphore(%run_scoped3A : memref<!tpu.dma_semaphore, #tpu.memory_space<semaphore_mem>>) src(%dma_wait3A_24 : memref<32x104xi32, #tpu.memory_space<hbm>>) dst(%arg9 : memref<32x104xi32, #tpu.memory_space<vmem>>)
      tpu.yield
    }) : () -> ()
    "tpu.region"() ({
      %run_scoped3A = tpu.sem_alloc : memref<!tpu.dma_semaphore, #tpu.memory_space<semaphore_mem>>
      %dma_start3A = arith.constant 0 : i32
      %dma_start3A_11 = arith.constant 0 : i32
      %dma_start3A_12 = tpu.memref_slice %arg4[%add3A, %dma_start3A, %dma_start3A_11] : memref<32x32x104xi32, #tpu.memory_space<hbm>> -> memref<1x32x104xi32, #tpu.memory_space<hbm>>
      %dma_start3A_13 = tpu.memref_squeeze %dma_start3A_12 : memref<1x32x104xi32, #tpu.memory_space<hbm>> -> memref<32x104xi32, #tpu.memory_space<hbm>>
      %dma_start3A_14 = arith.constant 0 : i32
      %dma_start3A_15 = arith.constant 0 : i32
      %dma_start3A_16 = tpu.memref_slice %arg4[%add3A, %dma_start3A_14, %dma_start3A_15] : memref<32x32x104xi32, #tpu.memory_space<hbm>> -> memref<1x32x104xi32, #tpu.memory_space<hbm>>
      %dma_start3A_17 = tpu.memref_squeeze %dma_start3A_16 : memref<1x32x104xi32, #tpu.memory_space<hbm>> -> memref<32x104xi32, #tpu.memory_space<hbm>>
      tpu.enqueue_dma source(%dma_start3A_17 : memref<32x104xi32, #tpu.memory_space<hbm>>) target(%arg10 : memref<32x104xi32, #tpu.memory_space<vmem>>) target_semaphore(%run_scoped3A : memref<!tpu.dma_semaphore, #tpu.memory_space<semaphore_mem>>)
      %dma_wait3A = arith.constant 0 : i32
      %dma_wait3A_18 = arith.constant 0 : i32
      %dma_wait3A_19 = tpu.memref_slice %arg4[%add3A, %dma_wait3A, %dma_wait3A_18] : memref<32x32x104xi32, #tpu.memory_space<hbm>> -> memref<1x32x104xi32, #tpu.memory_space<hbm>>
      %dma_wait3A_20 = tpu.memref_squeeze %dma_wait3A_19 : memref<1x32x104xi32, #tpu.memory_space<hbm>> -> memref<32x104xi32, #tpu.memory_space<hbm>>
      %dma_wait3A_21 = arith.constant 0 : i32
      %dma_wait3A_22 = arith.constant 0 : i32
      %dma_wait3A_23 = tpu.memref_slice %arg4[%add3A, %dma_wait3A_21, %dma_wait3A_22] : memref<32x32x104xi32, #tpu.memory_space<hbm>> -> memref<1x32x104xi32, #tpu.memory_space<hbm>>
      %dma_wait3A_24 = tpu.memref_squeeze %dma_wait3A_23 : memref<1x32x104xi32, #tpu.memory_space<hbm>> -> memref<32x104xi32, #tpu.memory_space<hbm>>
      tpu.wait_dma2 semaphore(%run_scoped3A : memref<!tpu.dma_semaphore, #tpu.memory_space<semaphore_mem>>) src(%dma_wait3A_24 : memref<32x104xi32, #tpu.memory_space<hbm>>) dst(%arg10 : memref<32x104xi32, #tpu.memory_space<vmem>>)
      tpu.yield
    }) : () -> ()
    %scan3A = arith.constant 0.000000e+00 : f32
    %scan3A_1 = arith.constant 0 : i32
    %scan3A_2 = arith.constant 32 : i32
    %scan3A_3 = arith.addi %scan3A_1, %scan3A_2 : i32
    %scan3A_4 = arith.constant 1 : i32
    %scan3A_5 = scf.for %scan3A_11 = %scan3A_1 to %scan3A_3 step %scan3A_4 iter_args(%scan3A_12 = %scan3A) -> (f32)  : i32 {
      %scan3A_13 = arith.constant 0 : i32
      %scan3A_14 = arith.constant 0 : i32
      %scan3A_15 = arith.constant 4 : i32
      %scan3A_16 = arith.addi %scan3A_14, %scan3A_15 : i32
      %scan3A_17 = arith.constant 1 : i32
      scf.for %scan3A_25 = %scan3A_14 to %scan3A_16 step %scan3A_17  : i32 {
        %mul3A_26 = arith.constant 26 : i32
        %mul3A_27 = arith.muli %scan3A_25, %mul3A_26 : i32
        %get3A = arith.constant 0 : i32
        %get3A_28 = tpu.memref_slice %arg8[%scan3A_11, %get3A] : memref<32x104xi32, #tpu.memory_space<vmem>> -> memref<1x104xi32, #tpu.memory_space<vmem>>
        %get3A_29 = tpu.memref_squeeze %get3A_28 : memref<1x104xi32, #tpu.memory_space<vmem>> -> memref<104xi32, #tpu.memory_space<vmem>>
        %get3A_30 = arith.index_cast %mul3A_27 : i32 to index
        %get3A_31 = tpu.vector_load %get3A_29[%get3A_30] {strides = array<i32>} : memref<104xi32, #tpu.memory_space<vmem>>, vector<16xi32>,
        %add3A_32 = arith.constant 26 : i32
        %add3A_33 = arith.addi %mul3A_27, %add3A_32 : i32
        %sub3A = arith.constant 16 : i32
        %sub3A_34 = arith.subi %add3A_33, %sub3A : i32
        %get3A_35 = arith.constant 0 : i32
        %get3A_36 = tpu.memref_slice %arg8[%scan3A_11, %get3A_35] : memref<32x104xi32, #tpu.memory_space<vmem>> -> memref<1x104xi32, #tpu.memory_space<vmem>>
        %get3A_37 = tpu.memref_squeeze %get3A_36 : memref<1x104xi32, #tpu.memory_space<vmem>> -> memref<104xi32, #tpu.memory_space<vmem>>
        %get3A_38 = arith.index_cast %sub3A_34 : i32 to index
        %get3A_39 = tpu.vector_load %get3A_37[%get3A_38] {strides = array<i32>} : memref<104xi32, #tpu.memory_space<vmem>>, vector<16xi32>,
        %slice3A = vector.extract_strided_slice %get3A_31 {offsets = [0], sizes = [1], strides = [1]} : vector<16xi32> to vector<1xi32>
        %squeeze3A = vector.extract %slice3A[0] : i32 from vector<1xi32>
        %add3A_40 = arith.constant 0 : i32
        %add3A_41 = arith.addi %mul3A_27, %add3A_40 : i32
        %dma_start3A = arith.constant 0 : i32
        %dma_start3A_42 = tpu.memref_slice %arg11[%add3A_41, %dma_start3A] : memref<104x64xf32, #tpu.memory_space<vmem>> -> memref<1x64xf32, #tpu.memory_space<vmem>>
        %dma_start3A_43 = arith.constant 0 : i32
        %dma_start3A_44 = tpu.memref_slice %arg5[%squeeze3A, %dma_start3A_43] : memref<1000000x64xf32, #tpu.memory_space<hbm>> -> memref<1x64xf32, #tpu.memory_space<hbm>>
        %dma_start3A_45 = arith.constant 0 : i32
        %dma_start3A_46 = tpu.memref_slice %arg11[%add3A_41, %dma_start3A_45] : memref<104x64xf32, #tpu.memory_space<vmem>> -> memref<1x64xf32, #tpu.memory_space<vmem>>
        %dma_start3A_47 = arith.constant 0 : i32
        %dma_start3A_48 = tpu.memref_slice %arg5[%squeeze3A, %dma_start3A_47] : memref<1000000x64xf32, #tpu.memory_space<hbm>> -> memref<1x64xf32, #tpu.memory_space<hbm>>
        tpu.enqueue_dma source(%dma_start3A_48 : memref<1x64xf32, #tpu.memory_space<hbm>>) target(%dma_start3A_46 : memref<1x64xf32, #tpu.memory_space<vmem>>) target_semaphore(%arg15 : memref<!tpu.dma_semaphore, #tpu.memory_space<semaphore_mem>>)
        %slice3A_49 = vector.extract_strided_slice %get3A_31 {offsets = [1], sizes = [1], strides = [1]} : vector<16xi32> to vector<1xi32>
        %squeeze3A_50 = vector.extract %slice3A_49[0] : i32 from vector<1xi32>
        %add3A_51 = arith.constant 1 : i32
        %add3A_52 = arith.addi %mul3A_27, %add3A_51 : i32
        %dma_start3A_53 = arith.constant 0 : i32
        %dma_start3A_54 = tpu.memref_slice %arg11[%add3A_52, %dma_start3A_53] : memref<104x64xf32, #tpu.memory_space<vmem>> -> memref<1x64xf32, #tpu.memory_space<vmem>>
        %dma_start3A_55 = arith.constant 0 : i32
        %dma_start3A_56 = tpu.memref_slice %arg5[%squeeze3A_50, %dma_start3A_55] : memref<1000000x64xf32, #tpu.memory_space<hbm>> -> memref<1x64xf32, #tpu.memory_space<hbm>>
        %dma_start3A_57 = arith.constant 0 : i32
        %dma_start3A_58 = tpu.memref_slice %arg11[%add3A_52, %dma_start3A_57] : memref<104x64xf32, #tpu.memory_space<vmem>> -> memref<1x64xf32, #tpu.memory_space<vmem>>
        %dma_start3A_59 = arith.constant 0 : i32
        %dma_start3A_60 = tpu.memref_slice %arg5[%squeeze3A_50, %dma_start3A_59] : memref<1000000x64xf32, #tpu.memory_space<hbm>> -> memref<1x64xf32, #tpu.memory_space<hbm>>
        tpu.enqueue_dma source(%dma_start3A_60 : memref<1x64xf32, #tpu.memory_space<hbm>>) target(%dma_start3A_58 : memref<1x64xf32, #tpu.memory_space<vmem>>) target_semaphore(%arg15 : memref<!tpu.dma_semaphore, #tpu.memory_space<semaphore_mem>>)
        %slice3A_61 = vector.extract_strided_slice %get3A_31 {offsets = [2], sizes = [1], strides = [1]} : vector<16xi32> to vector<1xi32>
        %squeeze3A_62 = vector.extract %slice3A_61[0] : i32 from vector<1xi32>
        %add3A_63 = arith.constant 2 : i32
        %add3A_64 = arith.addi %mul3A_27, %add3A_63 : i32
        %dma_start3A_65 = arith.constant 0 : i32
        %dma_start3A_66 = tpu.memref_slice %arg11[%add3A_64, %dma_start3A_65] : memref<104x64xf32, #tpu.memory_space<vmem>> -> memref<1x64xf32, #tpu.memory_space<vmem>>
        %dma_start3A_67 = arith.constant 0 : i32
        %dma_start3A_68 = tpu.memref_slice %arg5[%squeeze3A_62, %dma_start3A_67] : memref<1000000x64xf32, #tpu.memory_space<hbm>> -> memref<1x64xf32, #tpu.memory_space<hbm>>
        %dma_start3A_69 = arith.constant 0 : i32
        %dma_start3A_70 = tpu.memref_slice %arg11[%add3A_64, %dma_start3A_69] : memref<104x64xf32, #tpu.memory_space<vmem>> -> memref<1x64xf32, #tpu.memory_space<vmem>>
        %dma_start3A_71 = arith.constant 0 : i32
        %dma_start3A_72 = tpu.memref_slice %arg5[%squeeze3A_62, %dma_start3A_71] : memref<1000000x64xf32, #tpu.memory_space<hbm>> -> memref<1x64xf32, #tpu.memory_space<hbm>>
        tpu.enqueue_dma source(%dma_start3A_72 : memref<1x64xf32, #tpu.memory_space<hbm>>) target(%dma_start3A_70 : memref<1x64xf32, #tpu.memory_space<vmem>>) target_semaphore(%arg15 : memref<!tpu.dma_semaphore, #tpu.memory_space<semaphore_mem>>)
        %slice3A_73 = vector.extract_strided_slice %get3A_31 {offsets = [3], sizes = [1], strides = [1]} : vector<16xi32> to vector<1xi32>
        %squeeze3A_74 = vector.extract %slice3A_73[0] : i32 from vector<1xi32>
        %add3A_75 = arith.constant 3 : i32
        %add3A_76 = arith.addi %mul3A_27, %add3A_75 : i32
        %dma_start3A_77 = arith.constant 0 : i32
        %dma_start3A_78 = tpu.memref_slice %arg11[%add3A_76, %dma_start3A_77] : memref<104x64xf32, #tpu.memory_space<vmem>> -> memref<1x64xf32, #tpu.memory_space<vmem>>
        %dma_start3A_79 = arith.constant 0 : i32
        %dma_start3A_80 = tpu.memref_slice %arg5[%squeeze3A_74, %dma_start3A_79] : memref<1000000x64xf32, #tpu.memory_space<hbm>> -> memref<1x64xf32, #tpu.memory_space<hbm>>
        %dma_start3A_81 = arith.constant 0 : i32
        %dma_start3A_82 = tpu.memref_slice %arg11[%add3A_76, %dma_start3A_81] : memref<104x64xf32, #tpu.memory_space<vmem>> -> memref<1x64xf32, #tpu.memory_space<vmem>>
        %dma_start3A_83 = arith.constant 0 : i32
        %dma_start3A_84 = tpu.memref_slice %arg5[%squeeze3A_74, %dma_start3A_83] : memref<1000000x64xf32, #tpu.memory_space<hbm>> -> memref<1x64xf32, #tpu.memory_space<hbm>>
        tpu.enqueue_dma source(%dma_start3A_84 : memref<1x64xf32, #tpu.memory_space<hbm>>) target(%dma_start3A_82 : memref<1x64xf32, #tpu.memory_space<vmem>>) target_semaphore(%arg15 : memref<!tpu.dma_semaphore, #tpu.memory_space<semaphore_mem>>)
        %slice3A_85 = vector.extract_strided_slice %get3A_31 {offsets = [4], sizes = [1], strides = [1]} : vector<16xi32> to vector<1xi32>
        %squeeze3A_86 = vector.extract %slice3A_85[0] : i32 from vector<1xi32>
        %add3A_87 = arith.constant 4 : i32
        %add3A_88 = arith.addi %mul3A_27, %add3A_87 : i32
        %dma_start3A_89 = arith.constant 0 : i32
        %dma_start3A_90 = tpu.memref_slice %arg11[%add3A_88, %dma_start3A_89] : memref<104x64xf32, #tpu.memory_space<vmem>> -> memref<1x64xf32, #tpu.memory_space<vmem>>
        %dma_start3A_91 = arith.constant 0 : i32
        %dma_start3A_92 = tpu.memref_slice %arg5[%squeeze3A_86, %dma_start3A_91] : memref<1000000x64xf32, #tpu.memory_space<hbm>> -> memref<1x64xf32, #tpu.memory_space<hbm>>
        %dma_start3A_93 = arith.constant 0 : i32
        %dma_start3A_94 = tpu.memref_slice %arg11[%add3A_88, %dma_start3A_93] : memref<104x64xf32, #tpu.memory_space<vmem>> -> memref<1x64xf32, #tpu.memory_space<vmem>>
        %dma_start3A_95 = arith.constant 0 : i32
        %dma_start3A_96 = tpu.memref_slice %arg5[%squeeze3A_86, %dma_start3A_95] : memref<1000000x64xf32, #tpu.memory_space<hbm>> -> memref<1x64xf32, #tpu.memory_space<hbm>>
        tpu.enqueue_dma source(%dma_start3A_96 : memref<1x64xf32, #tpu.memory_space<hbm>>) target(%dma_start3A_94 : memref<1x64xf32, #tpu.memory_space<vmem>>) target_semaphore(%arg15 : memref<!tpu.dma_semaphore, #tpu.memory_space<semaphore_mem>>)
        %slice3A_97 = vector.extract_strided_slice %get3A_31 {offsets = [5], sizes = [1], strides = [1]} : vector<16xi32> to vector<1xi32>
        %squeeze3A_98 = vector.extract %slice3A_97[0] : i32 from vector<1xi32>
        %add3A_99 = arith.constant 5 : i32
        %add3A_100 = arith.addi %mul3A_27, %add3A_99 : i32
        %dma_start3A_101 = arith.constant 0 : i32
        %dma_start3A_102 = tpu.memref_slice %arg11[%add3A_100, %dma_start3A_101] : memref<104x64xf32, #tpu.memory_space<vmem>> -> memref<1x64xf32, #tpu.memory_space<vmem>>
        %dma_start3A_103 = arith.constant 0 : i32
        %dma_start3A_104 = tpu.memref_slice %arg5[%squeeze3A_98, %dma_start3A_103] : memref<1000000x64xf32, #tpu.memory_space<hbm>> -> memref<1x64xf32, #tpu.memory_space<hbm>>
        %dma_start3A_105 = arith.constant 0 : i32
        %dma_start3A_106 = tpu.memref_slice %arg11[%add3A_100, %dma_start3A_105] : memref<104x64xf32, #tpu.memory_space<vmem>> -> memref<1x64xf32, #tpu.memory_space<vmem>>
        %dma_start3A_107 = arith.constant 0 : i32
        %dma_start3A_108 = tpu.memref_slice %arg5[%squeeze3A_98, %dma_start3A_107] : memref<1000000x64xf32, #tpu.memory_space<hbm>> -> memref<1x64xf32, #tpu.memory_space<hbm>>
        tpu.enqueue_dma source(%dma_start3A_108 : memref<1x64xf32, #tpu.memory_space<hbm>>) target(%dma_start3A_106 : memref<1x64xf32, #tpu.memory_space<vmem>>) target_semaphore(%arg15 : memref<!tpu.dma_semaphore, #tpu.memory_space<semaphore_mem>>)
        %slice3A_109 = vector.extract_strided_slice %get3A_31 {offsets = [6], sizes = [1], strides = [1]} : vector<16xi32> to vector<1xi32>
        %squeeze3A_110 = vector.extract %slice3A_109[0] : i32 from vector<1xi32>
        %add3A_111 = arith.constant 6 : i32
        %add3A_112 = arith.addi %mul3A_27, %add3A_111 : i32
        %dma_start3A_113 = arith.constant 0 : i32
        %dma_start3A_114 = tpu.memref_slice %arg11[%add3A_112, %dma_start3A_113] : memref<104x64xf32, #tpu.memory_space<vmem>> -> memref<1x64xf32, #tpu.memory_space<vmem>>
        %dma_start3A_115 = arith.constant 0 : i32
        %dma_start3A_116 = tpu.memref_slice %arg5[%squeeze3A_110, %dma_start3A_115] : memref<1000000x64xf32, #tpu.memory_space<hbm>> -> memref<1x64xf32, #tpu.memory_space<hbm>>
        %dma_start3A_117 = arith.constant 0 : i32
        %dma_start3A_118 = tpu.memref_slice %arg11[%add3A_112, %dma_start3A_117] : memref<104x64xf32, #tpu.memory_space<vmem>> -> memref<1x64xf32, #tpu.memory_space<vmem>>
        %dma_start3A_119 = arith.constant 0 : i32
        %dma_start3A_120 = tpu.memref_slice %arg5[%squeeze3A_110, %dma_start3A_119] : memref<1000000x64xf32, #tpu.memory_space<hbm>> -> memref<1x64xf32, #tpu.memory_space<hbm>>
        tpu.enqueue_dma source(%dma_start3A_120 : memref<1x64xf32, #tpu.memory_space<hbm>>) target(%dma_start3A_118 : memref<1x64xf32, #tpu.memory_space<vmem>>) target_semaphore(%arg15 : memref<!tpu.dma_semaphore, #tpu.memory_space<semaphore_mem>>)
        %slice3A_121 = vector.extract_strided_slice %get3A_31 {offsets = [7], sizes = [1], strides = [1]} : vector<16xi32> to vector<1xi32>
        %squeeze3A_122 = vector.extract %slice3A_121[0] : i32 from vector<1xi32>
        %add3A_123 = arith.constant 7 : i32
        %add3A_124 = arith.addi %mul3A_27, %add3A_123 : i32
        %dma_start3A_125 = arith.constant 0 : i32
        %dma_start3A_126 = tpu.memref_slice %arg11[%add3A_124, %dma_start3A_125] : memref<104x64xf32, #tpu.memory_space<vmem>> -> memref<1x64xf32, #tpu.memory_space<vmem>>
        %dma_start3A_127 = arith.constant 0 : i32
        %dma_start3A_128 = tpu.memref_slice %arg5[%squeeze3A_122, %dma_start3A_127] : memref<1000000x64xf32, #tpu.memory_space<hbm>> -> memref<1x64xf32, #tpu.memory_space<hbm>>
        %dma_start3A_129 = arith.constant 0 : i32
        %dma_start3A_130 = tpu.memref_slice %arg11[%add3A_124, %dma_start3A_129] : memref<104x64xf32, #tpu.memory_space<vmem>> -> memref<1x64xf32, #tpu.memory_space<vmem>>
        %dma_start3A_131 = arith.constant 0 : i32
        %dma_start3A_132 = tpu.memref_slice %arg5[%squeeze3A_122, %dma_start3A_131] : memref<1000000x64xf32, #tpu.memory_space<hbm>> -> memref<1x64xf32, #tpu.memory_space<hbm>>
        tpu.enqueue_dma source(%dma_start3A_132 : memref<1x64xf32, #tpu.memory_space<hbm>>) target(%dma_start3A_130 : memref<1x64xf32, #tpu.memory_space<vmem>>) target_semaphore(%arg15 : memref<!tpu.dma_semaphore, #tpu.memory_space<semaphore_mem>>)
        %slice3A_133 = vector.extract_strided_slice %get3A_31 {offsets = [8], sizes = [1], strides = [1]} : vector<16xi32> to vector<1xi32>
        %squeeze3A_134 = vector.extract %slice3A_133[0] : i32 from vector<1xi32>
        %add3A_135 = arith.constant 8 : i32
        %add3A_136 = arith.addi %mul3A_27, %add3A_135 : i32
        %dma_start3A_137 = arith.constant 0 : i32
        %dma_start3A_138 = tpu.memref_slice %arg11[%add3A_136, %dma_start3A_137] : memref<104x64xf32, #tpu.memory_space<vmem>> -> memref<1x64xf32, #tpu.memory_space<vmem>>
        %dma_start3A_139 = arith.constant 0 : i32
        %dma_start3A_140 = tpu.memref_slice %arg5[%squeeze3A_134, %dma_start3A_139] : memref<1000000x64xf32, #tpu.memory_space<hbm>> -> memref<1x64xf32, #tpu.memory_space<hbm>>
        %dma_start3A_141 = arith.constant 0 : i32
        %dma_start3A_142 = tpu.memref_slice %arg11[%add3A_136, %dma_start3A_141] : memref<104x64xf32, #tpu.memory_space<vmem>> -> memref<1x64xf32, #tpu.memory_space<vmem>>
        %dma_start3A_143 = arith.constant 0 : i32
        %dma_start3A_144 = tpu.memref_slice %arg5[%squeeze3A_134, %dma_start3A_143] : memref<1000000x64xf32, #tpu.memory_space<hbm>> -> memref<1x64xf32, #tpu.memory_space<hbm>>
        tpu.enqueue_dma source(%dma_start3A_144 : memref<1x64xf32, #tpu.memory_space<hbm>>) target(%dma_start3A_142 : memref<1x64xf32, #tpu.memory_space<vmem>>) target_semaphore(%arg15 : memref<!tpu.dma_semaphore, #tpu.memory_space<semaphore_mem>>)
        %slice3A_145 = vector.extract_strided_slice %get3A_31 {offsets = [9], sizes = [1], strides = [1]} : vector<16xi32> to vector<1xi32>
        %squeeze3A_146 = vector.extract %slice3A_145[0] : i32 from vector<1xi32>
        %add3A_147 = arith.constant 9 : i32
        %add3A_148 = arith.addi %mul3A_27, %add3A_147 : i32
        %dma_start3A_149 = arith.constant 0 : i32
        %dma_start3A_150 = tpu.memref_slice %arg11[%add3A_148, %dma_start3A_149] : memref<104x64xf32, #tpu.memory_space<vmem>> -> memref<1x64xf32, #tpu.memory_space<vmem>>
        %dma_start3A_151 = arith.constant 0 : i32
        %dma_start3A_152 = tpu.memref_slice %arg5[%squeeze3A_146, %dma_start3A_151] : memref<1000000x64xf32, #tpu.memory_space<hbm>> -> memref<1x64xf32, #tpu.memory_space<hbm>>
        %dma_start3A_153 = arith.constant 0 : i32
        %dma_start3A_154 = tpu.memref_slice %arg11[%add3A_148, %dma_start3A_153] : memref<104x64xf32, #tpu.memory_space<vmem>> -> memref<1x64xf32, #tpu.memory_space<vmem>>
        %dma_start3A_155 = arith.constant 0 : i32
        %dma_start3A_156 = tpu.memref_slice %arg5[%squeeze3A_146, %dma_start3A_155] : memref<1000000x64xf32, #tpu.memory_space<hbm>> -> memref<1x64xf32, #tpu.memory_space<hbm>>
        tpu.enqueue_dma source(%dma_start3A_156 : memref<1x64xf32, #tpu.memory_space<hbm>>) target(%dma_start3A_154 : memref<1x64xf32, #tpu.memory_space<vmem>>) target_semaphore(%arg15 : memref<!tpu.dma_semaphore, #tpu.memory_space<semaphore_mem>>)
        %slice3A_157 = vector.extract_strided_slice %get3A_31 {offsets = [10], sizes = [1], strides = [1]} : vector<16xi32> to vector<1xi32>
        %squeeze3A_158 = vector.extract %slice3A_157[0] : i32 from vector<1xi32>
        %add3A_159 = arith.constant 10 : i32
        %add3A_160 = arith.addi %mul3A_27, %add3A_159 : i32
        %dma_start3A_161 = arith.constant 0 : i32
        %dma_start3A_162 = tpu.memref_slice %arg11[%add3A_160, %dma_start3A_161] : memref<104x64xf32, #tpu.memory_space<vmem>> -> memref<1x64xf32, #tpu.memory_space<vmem>>
        %dma_start3A_163 = arith.constant 0 : i32
        %dma_start3A_164 = tpu.memref_slice %arg5[%squeeze3A_158, %dma_start3A_163] : memref<1000000x64xf32, #tpu.memory_space<hbm>> -> memref<1x64xf32, #tpu.memory_space<hbm>>
        %dma_start3A_165 = arith.constant 0 : i32
        %dma_start3A_166 = tpu.memref_slice %arg11[%add3A_160, %dma_start3A_165] : memref<104x64xf32, #tpu.memory_space<vmem>> -> memref<1x64xf32, #tpu.memory_space<vmem>>
        %dma_start3A_167 = arith.constant 0 : i32
        %dma_start3A_168 = tpu.memref_slice %arg5[%squeeze3A_158, %dma_start3A_167] : memref<1000000x64xf32, #tpu.memory_space<hbm>> -> memref<1x64xf32, #tpu.memory_space<hbm>>
        tpu.enqueue_dma source(%dma_start3A_168 : memref<1x64xf32, #tpu.memory_space<hbm>>) target(%dma_start3A_166 : memref<1x64xf32, #tpu.memory_space<vmem>>) target_semaphore(%arg15 : memref<!tpu.dma_semaphore, #tpu.memory_space<semaphore_mem>>)
        %slice3A_169 = vector.extract_strided_slice %get3A_31 {offsets = [11], sizes = [1], strides = [1]} : vector<16xi32> to vector<1xi32>
        %squeeze3A_170 = vector.extract %slice3A_169[0] : i32 from vector<1xi32>
        %add3A_171 = arith.constant 11 : i32
        %add3A_172 = arith.addi %mul3A_27, %add3A_171 : i32
        %dma_start3A_173 = arith.constant 0 : i32
        %dma_start3A_174 = tpu.memref_slice %arg11[%add3A_172, %dma_start3A_173] : memref<104x64xf32, #tpu.memory_space<vmem>> -> memref<1x64xf32, #tpu.memory_space<vmem>>
        %dma_start3A_175 = arith.constant 0 : i32
        %dma_start3A_176 = tpu.memref_slice %arg5[%squeeze3A_170, %dma_start3A_175] : memref<1000000x64xf32, #tpu.memory_space<hbm>> -> memref<1x64xf32, #tpu.memory_space<hbm>>
        %dma_start3A_177 = arith.constant 0 : i32
        %dma_start3A_178 = tpu.memref_slice %arg11[%add3A_172, %dma_start3A_177] : memref<104x64xf32, #tpu.memory_space<vmem>> -> memref<1x64xf32, #tpu.memory_space<vmem>>
        %dma_start3A_179 = arith.constant 0 : i32
        %dma_start3A_180 = tpu.memref_slice %arg5[%squeeze3A_170, %dma_start3A_179] : memref<1000000x64xf32, #tpu.memory_space<hbm>> -> memref<1x64xf32, #tpu.memory_space<hbm>>
        tpu.enqueue_dma source(%dma_start3A_180 : memref<1x64xf32, #tpu.memory_space<hbm>>) target(%dma_start3A_178 : memref<1x64xf32, #tpu.memory_space<vmem>>) target_semaphore(%arg15 : memref<!tpu.dma_semaphore, #tpu.memory_space<semaphore_mem>>)
        %slice3A_181 = vector.extract_strided_slice %get3A_31 {offsets = [12], sizes = [1], strides = [1]} : vector<16xi32> to vector<1xi32>
        %squeeze3A_182 = vector.extract %slice3A_181[0] : i32 from vector<1xi32>
        %add3A_183 = arith.constant 12 : i32
        %add3A_184 = arith.addi %mul3A_27, %add3A_183 : i32
        %dma_start3A_185 = arith.constant 0 : i32
        %dma_start3A_186 = tpu.memref_slice %arg11[%add3A_184, %dma_start3A_185] : memref<104x64xf32, #tpu.memory_space<vmem>> -> memref<1x64xf32, #tpu.memory_space<vmem>>
        %dma_start3A_187 = arith.constant 0 : i32
        %dma_start3A_188 = tpu.memref_slice %arg5[%squeeze3A_182, %dma_start3A_187] : memref<1000000x64xf32, #tpu.memory_space<hbm>> -> memref<1x64xf32, #tpu.memory_space<hbm>>
        %dma_start3A_189 = arith.constant 0 : i32
        %dma_start3A_190 = tpu.memref_slice %arg11[%add3A_184, %dma_start3A_189] : memref<104x64xf32, #tpu.memory_space<vmem>> -> memref<1x64xf32, #tpu.memory_space<vmem>>
        %dma_start3A_191 = arith.constant 0 : i32
        %dma_start3A_192 = tpu.memref_slice %arg5[%squeeze3A_182, %dma_start3A_191] : memref<1000000x64xf32, #tpu.memory_space<hbm>> -> memref<1x64xf32, #tpu.memory_space<hbm>>
        tpu.enqueue_dma source(%dma_start3A_192 : memref<1x64xf32, #tpu.memory_space<hbm>>) target(%dma_start3A_190 : memref<1x64xf32, #tpu.memory_space<vmem>>) target_semaphore(%arg15 : memref<!tpu.dma_semaphore, #tpu.memory_space<semaphore_mem>>)
        %slice3A_193 = vector.extract_strided_slice %get3A_31 {offsets = [13], sizes = [1], strides = [1]} : vector<16xi32> to vector<1xi32>
        %squeeze3A_194 = vector.extract %slice3A_193[0] : i32 from vector<1xi32>
        %add3A_195 = arith.constant 13 : i32
        %add3A_196 = arith.addi %mul3A_27, %add3A_195 : i32
        %dma_start3A_197 = arith.constant 0 : i32
        %dma_start3A_198 = tpu.memref_slice %arg11[%add3A_196, %dma_start3A_197] : memref<104x64xf32, #tpu.memory_space<vmem>> -> memref<1x64xf32, #tpu.memory_space<vmem>>
        %dma_start3A_199 = arith.constant 0 : i32
        %dma_start3A_200 = tpu.memref_slice %arg5[%squeeze3A_194, %dma_start3A_199] : memref<1000000x64xf32, #tpu.memory_space<hbm>> -> memref<1x64xf32, #tpu.memory_space<hbm>>
        %dma_start3A_201 = arith.constant 0 : i32
        %dma_start3A_202 = tpu.memref_slice %arg11[%add3A_196, %dma_start3A_201] : memref<104x64xf32, #tpu.memory_space<vmem>> -> memref<1x64xf32, #tpu.memory_space<vmem>>
        %dma_start3A_203 = arith.constant 0 : i32
        %dma_start3A_204 = tpu.memref_slice %arg5[%squeeze3A_194, %dma_start3A_203] : memref<1000000x64xf32, #tpu.memory_space<hbm>> -> memref<1x64xf32, #tpu.memory_space<hbm>>
        tpu.enqueue_dma source(%dma_start3A_204 : memref<1x64xf32, #tpu.memory_space<hbm>>) target(%dma_start3A_202 : memref<1x64xf32, #tpu.memory_space<vmem>>) target_semaphore(%arg15 : memref<!tpu.dma_semaphore, #tpu.memory_space<semaphore_mem>>)
        %slice3A_205 = vector.extract_strided_slice %get3A_31 {offsets = [14], sizes = [1], strides = [1]} : vector<16xi32> to vector<1xi32>
        %squeeze3A_206 = vector.extract %slice3A_205[0] : i32 from vector<1xi32>
        %add3A_207 = arith.constant 14 : i32
        %add3A_208 = arith.addi %mul3A_27, %add3A_207 : i32
        %dma_start3A_209 = arith.constant 0 : i32
        %dma_start3A_210 = tpu.memref_slice %arg11[%add3A_208, %dma_start3A_209] : memref<104x64xf32, #tpu.memory_space<vmem>> -> memref<1x64xf32, #tpu.memory_space<vmem>>
        %dma_start3A_211 = arith.constant 0 : i32
        %dma_start3A_212 = tpu.memref_slice %arg5[%squeeze3A_206, %dma_start3A_211] : memref<1000000x64xf32, #tpu.memory_space<hbm>> -> memref<1x64xf32, #tpu.memory_space<hbm>>
        %dma_start3A_213 = arith.constant 0 : i32
        %dma_start3A_214 = tpu.memref_slice %arg11[%add3A_208, %dma_start3A_213] : memref<104x64xf32, #tpu.memory_space<vmem>> -> memref<1x64xf32, #tpu.memory_space<vmem>>
        %dma_start3A_215 = arith.constant 0 : i32
        %dma_start3A_216 = tpu.memref_slice %arg5[%squeeze3A_206, %dma_start3A_215] : memref<1000000x64xf32, #tpu.memory_space<hbm>> -> memref<1x64xf32, #tpu.memory_space<hbm>>
        tpu.enqueue_dma source(%dma_start3A_216 : memref<1x64xf32, #tpu.memory_space<hbm>>) target(%dma_start3A_214 : memref<1x64xf32, #tpu.memory_space<vmem>>) target_semaphore(%arg15 : memref<!tpu.dma_semaphore, #tpu.memory_space<semaphore_mem>>)
        %slice3A_217 = vector.extract_strided_slice %get3A_31 {offsets = [15], sizes = [1], strides = [1]} : vector<16xi32> to vector<1xi32>
        %squeeze3A_218 = vector.extract %slice3A_217[0] : i32 from vector<1xi32>
        %add3A_219 = arith.constant 15 : i32
        %add3A_220 = arith.addi %mul3A_27, %add3A_219 : i32
        %dma_start3A_221 = arith.constant 0 : i32
        %dma_start3A_222 = tpu.memref_slice %arg11[%add3A_220, %dma_start3A_221] : memref<104x64xf32, #tpu.memory_space<vmem>> -> memref<1x64xf32, #tpu.memory_space<vmem>>
        %dma_start3A_223 = arith.constant 0 : i32
        %dma_start3A_224 = tpu.memref_slice %arg5[%squeeze3A_218, %dma_start3A_223] : memref<1000000x64xf32, #tpu.memory_space<hbm>> -> memref<1x64xf32, #tpu.memory_space<hbm>>
        %dma_start3A_225 = arith.constant 0 : i32
        %dma_start3A_226 = tpu.memref_slice %arg11[%add3A_220, %dma_start3A_225] : memref<104x64xf32, #tpu.memory_space<vmem>> -> memref<1x64xf32, #tpu.memory_space<vmem>>
        %dma_start3A_227 = arith.constant 0 : i32
        %dma_start3A_228 = tpu.memref_slice %arg5[%squeeze3A_218, %dma_start3A_227] : memref<1000000x64xf32, #tpu.memory_space<hbm>> -> memref<1x64xf32, #tpu.memory_space<hbm>>
        tpu.enqueue_dma source(%dma_start3A_228 : memref<1x64xf32, #tpu.memory_space<hbm>>) target(%dma_start3A_226 : memref<1x64xf32, #tpu.memory_space<vmem>>) target_semaphore(%arg15 : memref<!tpu.dma_semaphore, #tpu.memory_space<semaphore_mem>>)
        %slice3A_229 = vector.extract_strided_slice %get3A_39 {offsets = [6], sizes = [1], strides = [1]} : vector<16xi32> to vector<1xi32>
        %squeeze3A_230 = vector.extract %slice3A_229[0] : i32 from vector<1xi32>
        %add3A_231 = arith.constant 16 : i32
        %add3A_232 = arith.addi %mul3A_27, %add3A_231 : i32
        %dma_start3A_233 = arith.constant 0 : i32
        %dma_start3A_234 = tpu.memref_slice %arg11[%add3A_232, %dma_start3A_233] : memref<104x64xf32, #tpu.memory_space<vmem>> -> memref<1x64xf32, #tpu.memory_space<vmem>>
        %dma_start3A_235 = arith.constant 0 : i32
        %dma_start3A_236 = tpu.memref_slice %arg5[%squeeze3A_230, %dma_start3A_235] : memref<1000000x64xf32, #tpu.memory_space<hbm>> -> memref<1x64xf32, #tpu.memory_space<hbm>>
        %dma_start3A_237 = arith.constant 0 : i32
        %dma_start3A_238 = tpu.memref_slice %arg11[%add3A_232, %dma_start3A_237] : memref<104x64xf32, #tpu.memory_space<vmem>> -> memref<1x64xf32, #tpu.memory_space<vmem>>
        %dma_start3A_239 = arith.constant 0 : i32
        %dma_start3A_240 = tpu.memref_slice %arg5[%squeeze3A_230, %dma_start3A_239] : memref<1000000x64xf32, #tpu.memory_space<hbm>> -> memref<1x64xf32, #tpu.memory_space<hbm>>
        tpu.enqueue_dma source(%dma_start3A_240 : memref<1x64xf32, #tpu.memory_space<hbm>>) target(%dma_start3A_238 : memref<1x64xf32, #tpu.memory_space<vmem>>) target_semaphore(%arg15 : memref<!tpu.dma_semaphore, #tpu.memory_space<semaphore_mem>>)
        %slice3A_241 = vector.extract_strided_slice %get3A_39 {offsets = [7], sizes = [1], strides = [1]} : vector<16xi32> to vector<1xi32>
        %squeeze3A_242 = vector.extract %slice3A_241[0] : i32 from vector<1xi32>
        %add3A_243 = arith.constant 17 : i32
        %add3A_244 = arith.addi %mul3A_27, %add3A_243 : i32
        %dma_start3A_245 = arith.constant 0 : i32
        %dma_start3A_246 = tpu.memref_slice %arg11[%add3A_244, %dma_start3A_245] : memref<104x64xf32, #tpu.memory_space<vmem>> -> memref<1x64xf32, #tpu.memory_space<vmem>>
        %dma_start3A_247 = arith.constant 0 : i32
        %dma_start3A_248 = tpu.memref_slice %arg5[%squeeze3A_242, %dma_start3A_247] : memref<1000000x64xf32, #tpu.memory_space<hbm>> -> memref<1x64xf32, #tpu.memory_space<hbm>>
        %dma_start3A_249 = arith.constant 0 : i32
        %dma_start3A_250 = tpu.memref_slice %arg11[%add3A_244, %dma_start3A_249] : memref<104x64xf32, #tpu.memory_space<vmem>> -> memref<1x64xf32, #tpu.memory_space<vmem>>
        %dma_start3A_251 = arith.constant 0 : i32
        %dma_start3A_252 = tpu.memref_slice %arg5[%squeeze3A_242, %dma_start3A_251] : memref<1000000x64xf32, #tpu.memory_space<hbm>> -> memref<1x64xf32, #tpu.memory_space<hbm>>
        tpu.enqueue_dma source(%dma_start3A_252 : memref<1x64xf32, #tpu.memory_space<hbm>>) target(%dma_start3A_250 : memref<1x64xf32, #tpu.memory_space<vmem>>) target_semaphore(%arg15 : memref<!tpu.dma_semaphore, #tpu.memory_space<semaphore_mem>>)
        %slice3A_253 = vector.extract_strided_slice %get3A_39 {offsets = [8], sizes = [1], strides = [1]} : vector<16xi32> to vector<1xi32>
        %squeeze3A_254 = vector.extract %slice3A_253[0] : i32 from vector<1xi32>
        %add3A_255 = arith.constant 18 : i32
        %add3A_256 = arith.addi %mul3A_27, %add3A_255 : i32
        %dma_start3A_257 = arith.constant 0 : i32
        %dma_start3A_258 = tpu.memref_slice %arg11[%add3A_256, %dma_start3A_257] : memref<104x64xf32, #tpu.memory_space<vmem>> -> memref<1x64xf32, #tpu.memory_space<vmem>>
        %dma_start3A_259 = arith.constant 0 : i32
        %dma_start3A_260 = tpu.memref_slice %arg5[%squeeze3A_254, %dma_start3A_259] : memref<1000000x64xf32, #tpu.memory_space<hbm>> -> memref<1x64xf32, #tpu.memory_space<hbm>>
        %dma_start3A_261 = arith.constant 0 : i32
        %dma_start3A_262 = tpu.memref_slice %arg11[%add3A_256, %dma_start3A_261] : memref<104x64xf32, #tpu.memory_space<vmem>> -> memref<1x64xf32, #tpu.memory_space<vmem>>
        %dma_start3A_263 = arith.constant 0 : i32
        %dma_start3A_264 = tpu.memref_slice %arg5[%squeeze3A_254, %dma_start3A_263] : memref<1000000x64xf32, #tpu.memory_space<hbm>> -> memref<1x64xf32, #tpu.memory_space<hbm>>
        tpu.enqueue_dma source(%dma_start3A_264 : memref<1x64xf32, #tpu.memory_space<hbm>>) target(%dma_start3A_262 : memref<1x64xf32, #tpu.memory_space<vmem>>) target_semaphore(%arg15 : memref<!tpu.dma_semaphore, #tpu.memory_space<semaphore_mem>>)
        %slice3A_265 = vector.extract_strided_slice %get3A_39 {offsets = [9], sizes = [1], strides = [1]} : vector<16xi32> to vector<1xi32>
        %squeeze3A_266 = vector.extract %slice3A_265[0] : i32 from vector<1xi32>
        %add3A_267 = arith.constant 19 : i32
        %add3A_268 = arith.addi %mul3A_27, %add3A_267 : i32
        %dma_start3A_269 = arith.constant 0 : i32
        %dma_start3A_270 = tpu.memref_slice %arg11[%add3A_268, %dma_start3A_269] : memref<104x64xf32, #tpu.memory_space<vmem>> -> memref<1x64xf32, #tpu.memory_space<vmem>>
        %dma_start3A_271 = arith.constant 0 : i32
        %dma_start3A_272 = tpu.memref_slice %arg5[%squeeze3A_266, %dma_start3A_271] : memref<1000000x64xf32, #tpu.memory_space<hbm>> -> memref<1x64xf32, #tpu.memory_space<hbm>>
        %dma_start3A_273 = arith.constant 0 : i32
        %dma_start3A_274 = tpu.memref_slice %arg11[%add3A_268, %dma_start3A_273] : memref<104x64xf32, #tpu.memory_space<vmem>> -> memref<1x64xf32, #tpu.memory_space<vmem>>
        %dma_start3A_275 = arith.constant 0 : i32
        %dma_start3A_276 = tpu.memref_slice %arg5[%squeeze3A_266, %dma_start3A_275] : memref<1000000x64xf32, #tpu.memory_space<hbm>> -> memref<1x64xf32, #tpu.memory_space<hbm>>
        tpu.enqueue_dma source(%dma_start3A_276 : memref<1x64xf32, #tpu.memory_space<hbm>>) target(%dma_start3A_274 : memref<1x64xf32, #tpu.memory_space<vmem>>) target_semaphore(%arg15 : memref<!tpu.dma_semaphore, #tpu.memory_space<semaphore_mem>>)
        %slice3A_277 = vector.extract_strided_slice %get3A_39 {offsets = [10], sizes = [1], strides = [1]} : vector<16xi32> to vector<1xi32>
        %squeeze3A_278 = vector.extract %slice3A_277[0] : i32 from vector<1xi32>
        %add3A_279 = arith.constant 20 : i32
        %add3A_280 = arith.addi %mul3A_27, %add3A_279 : i32
        %dma_start3A_281 = arith.constant 0 : i32
        %dma_start3A_282 = tpu.memref_slice %arg11[%add3A_280, %dma_start3A_281] : memref<104x64xf32, #tpu.memory_space<vmem>> -> memref<1x64xf32, #tpu.memory_space<vmem>>
        %dma_start3A_283 = arith.constant 0 : i32
        %dma_start3A_284 = tpu.memref_slice %arg5[%squeeze3A_278, %dma_start3A_283] : memref<1000000x64xf32, #tpu.memory_space<hbm>> -> memref<1x64xf32, #tpu.memory_space<hbm>>
        %dma_start3A_285 = arith.constant 0 : i32
        %dma_start3A_286 = tpu.memref_slice %arg11[%add3A_280, %dma_start3A_285] : memref<104x64xf32, #tpu.memory_space<vmem>> -> memref<1x64xf32, #tpu.memory_space<vmem>>
        %dma_start3A_287 = arith.constant 0 : i32
        %dma_start3A_288 = tpu.memref_slice %arg5[%squeeze3A_278, %dma_start3A_287] : memref<1000000x64xf32, #tpu.memory_space<hbm>> -> memref<1x64xf32, #tpu.memory_space<hbm>>
        tpu.enqueue_dma source(%dma_start3A_288 : memref<1x64xf32, #tpu.memory_space<hbm>>) target(%dma_start3A_286 : memref<1x64xf32, #tpu.memory_space<vmem>>) target_semaphore(%arg15 : memref<!tpu.dma_semaphore, #tpu.memory_space<semaphore_mem>>)
        %slice3A_289 = vector.extract_strided_slice %get3A_39 {offsets = [11], sizes = [1], strides = [1]} : vector<16xi32> to vector<1xi32>
        %squeeze3A_290 = vector.extract %slice3A_289[0] : i32 from vector<1xi32>
        %add3A_291 = arith.constant 21 : i32
        %add3A_292 = arith.addi %mul3A_27, %add3A_291 : i32
        %dma_start3A_293 = arith.constant 0 : i32
        %dma_start3A_294 = tpu.memref_slice %arg11[%add3A_292, %dma_start3A_293] : memref<104x64xf32, #tpu.memory_space<vmem>> -> memref<1x64xf32, #tpu.memory_space<vmem>>
        %dma_start3A_295 = arith.constant 0 : i32
        %dma_start3A_296 = tpu.memref_slice %arg5[%squeeze3A_290, %dma_start3A_295] : memref<1000000x64xf32, #tpu.memory_space<hbm>> -> memref<1x64xf32, #tpu.memory_space<hbm>>
        %dma_start3A_297 = arith.constant 0 : i32
        %dma_start3A_298 = tpu.memref_slice %arg11[%add3A_292, %dma_start3A_297] : memref<104x64xf32, #tpu.memory_space<vmem>> -> memref<1x64xf32, #tpu.memory_space<vmem>>
        %dma_start3A_299 = arith.constant 0 : i32
        %dma_start3A_300 = tpu.memref_slice %arg5[%squeeze3A_290, %dma_start3A_299] : memref<1000000x64xf32, #tpu.memory_space<hbm>> -> memref<1x64xf32, #tpu.memory_space<hbm>>
        tpu.enqueue_dma source(%dma_start3A_300 : memref<1x64xf32, #tpu.memory_space<hbm>>) target(%dma_start3A_298 : memref<1x64xf32, #tpu.memory_space<vmem>>) target_semaphore(%arg15 : memref<!tpu.dma_semaphore, #tpu.memory_space<semaphore_mem>>)
        %slice3A_301 = vector.extract_strided_slice %get3A_39 {offsets = [12], sizes = [1], strides = [1]} : vector<16xi32> to vector<1xi32>
        %squeeze3A_302 = vector.extract %slice3A_301[0] : i32 from vector<1xi32>
        %add3A_303 = arith.constant 22 : i32
        %add3A_304 = arith.addi %mul3A_27, %add3A_303 : i32
        %dma_start3A_305 = arith.constant 0 : i32
        %dma_start3A_306 = tpu.memref_slice %arg11[%add3A_304, %dma_start3A_305] : memref<104x64xf32, #tpu.memory_space<vmem>> -> memref<1x64xf32, #tpu.memory_space<vmem>>
        %dma_start3A_307 = arith.constant 0 : i32
        %dma_start3A_308 = tpu.memref_slice %arg5[%squeeze3A_302, %dma_start3A_307] : memref<1000000x64xf32, #tpu.memory_space<hbm>> -> memref<1x64xf32, #tpu.memory_space<hbm>>
        %dma_start3A_309 = arith.constant 0 : i32
        %dma_start3A_310 = tpu.memref_slice %arg11[%add3A_304, %dma_start3A_309] : memref<104x64xf32, #tpu.memory_space<vmem>> -> memref<1x64xf32, #tpu.memory_space<vmem>>
        %dma_start3A_311 = arith.constant 0 : i32
        %dma_start3A_312 = tpu.memref_slice %arg5[%squeeze3A_302, %dma_start3A_311] : memref<1000000x64xf32, #tpu.memory_space<hbm>> -> memref<1x64xf32, #tpu.memory_space<hbm>>
        tpu.enqueue_dma source(%dma_start3A_312 : memref<1x64xf32, #tpu.memory_space<hbm>>) target(%dma_start3A_310 : memref<1x64xf32, #tpu.memory_space<vmem>>) target_semaphore(%arg15 : memref<!tpu.dma_semaphore, #tpu.memory_space<semaphore_mem>>)
        %slice3A_313 = vector.extract_strided_slice %get3A_39 {offsets = [13], sizes = [1], strides = [1]} : vector<16xi32> to vector<1xi32>
        %squeeze3A_314 = vector.extract %slice3A_313[0] : i32 from vector<1xi32>
        %add3A_315 = arith.constant 23 : i32
        %add3A_316 = arith.addi %mul3A_27, %add3A_315 : i32
        %dma_start3A_317 = arith.constant 0 : i32
        %dma_start3A_318 = tpu.memref_slice %arg11[%add3A_316, %dma_start3A_317] : memref<104x64xf32, #tpu.memory_space<vmem>> -> memref<1x64xf32, #tpu.memory_space<vmem>>
        %dma_start3A_319 = arith.constant 0 : i32
        %dma_start3A_320 = tpu.memref_slice %arg5[%squeeze3A_314, %dma_start3A_319] : memref<1000000x64xf32, #tpu.memory_space<hbm>> -> memref<1x64xf32, #tpu.memory_space<hbm>>
        %dma_start3A_321 = arith.constant 0 : i32
        %dma_start3A_322 = tpu.memref_slice %arg11[%add3A_316, %dma_start3A_321] : memref<104x64xf32, #tpu.memory_space<vmem>> -> memref<1x64xf32, #tpu.memory_space<vmem>>
        %dma_start3A_323 = arith.constant 0 : i32
        %dma_start3A_324 = tpu.memref_slice %arg5[%squeeze3A_314, %dma_start3A_323] : memref<1000000x64xf32, #tpu.memory_space<hbm>> -> memref<1x64xf32, #tpu.memory_space<hbm>>
        tpu.enqueue_dma source(%dma_start3A_324 : memref<1x64xf32, #tpu.memory_space<hbm>>) target(%dma_start3A_322 : memref<1x64xf32, #tpu.memory_space<vmem>>) target_semaphore(%arg15 : memref<!tpu.dma_semaphore, #tpu.memory_space<semaphore_mem>>)
        %slice3A_325 = vector.extract_strided_slice %get3A_39 {offsets = [14], sizes = [1], strides = [1]} : vector<16xi32> to vector<1xi32>
        %squeeze3A_326 = vector.extract %slice3A_325[0] : i32 from vector<1xi32>
        %add3A_327 = arith.constant 24 : i32
        %add3A_328 = arith.addi %mul3A_27, %add3A_327 : i32
        %dma_start3A_329 = arith.constant 0 : i32
        %dma_start3A_330 = tpu.memref_slice %arg11[%add3A_328, %dma_start3A_329] : memref<104x64xf32, #tpu.memory_space<vmem>> -> memref<1x64xf32, #tpu.memory_space<vmem>>
        %dma_start3A_331 = arith.constant 0 : i32
        %dma_start3A_332 = tpu.memref_slice %arg5[%squeeze3A_326, %dma_start3A_331] : memref<1000000x64xf32, #tpu.memory_space<hbm>> -> memref<1x64xf32, #tpu.memory_space<hbm>>
        %dma_start3A_333 = arith.constant 0 : i32
        %dma_start3A_334 = tpu.memref_slice %arg11[%add3A_328, %dma_start3A_333] : memref<104x64xf32, #tpu.memory_space<vmem>> -> memref<1x64xf32, #tpu.memory_space<vmem>>
        %dma_start3A_335 = arith.constant 0 : i32
        %dma_start3A_336 = tpu.memref_slice %arg5[%squeeze3A_326, %dma_start3A_335] : memref<1000000x64xf32, #tpu.memory_space<hbm>> -> memref<1x64xf32, #tpu.memory_space<hbm>>
        tpu.enqueue_dma source(%dma_start3A_336 : memref<1x64xf32, #tpu.memory_space<hbm>>) target(%dma_start3A_334 : memref<1x64xf32, #tpu.memory_space<vmem>>) target_semaphore(%arg15 : memref<!tpu.dma_semaphore, #tpu.memory_space<semaphore_mem>>)
        %slice3A_337 = vector.extract_strided_slice %get3A_39 {offsets = [15], sizes = [1], strides = [1]} : vector<16xi32> to vector<1xi32>
        %squeeze3A_338 = vector.extract %slice3A_337[0] : i32 from vector<1xi32>
        %add3A_339 = arith.constant 25 : i32
        %add3A_340 = arith.addi %mul3A_27, %add3A_339 : i32
        %dma_start3A_341 = arith.constant 0 : i32
        %dma_start3A_342 = tpu.memref_slice %arg11[%add3A_340, %dma_start3A_341] : memref<104x64xf32, #tpu.memory_space<vmem>> -> memref<1x64xf32, #tpu.memory_space<vmem>>
        %dma_start3A_343 = arith.constant 0 : i32
        %dma_start3A_344 = tpu.memref_slice %arg5[%squeeze3A_338, %dma_start3A_343] : memref<1000000x64xf32, #tpu.memory_space<hbm>> -> memref<1x64xf32, #tpu.memory_space<hbm>>
        %dma_start3A_345 = arith.constant 0 : i32
        %dma_start3A_346 = tpu.memref_slice %arg11[%add3A_340, %dma_start3A_345] : memref<104x64xf32, #tpu.memory_space<vmem>> -> memref<1x64xf32, #tpu.memory_space<vmem>>
        %dma_start3A_347 = arith.constant 0 : i32
        %dma_start3A_348 = tpu.memref_slice %arg5[%squeeze3A_338, %dma_start3A_347] : memref<1000000x64xf32, #tpu.memory_space<hbm>> -> memref<1x64xf32, #tpu.memory_space<hbm>>
        tpu.enqueue_dma source(%dma_start3A_348 : memref<1x64xf32, #tpu.memory_space<hbm>>) target(%dma_start3A_346 : memref<1x64xf32, #tpu.memory_space<vmem>>) target_semaphore(%arg15 : memref<!tpu.dma_semaphore, #tpu.memory_space<semaphore_mem>>)
        %mul3A_349 = arith.constant 26 : i32
        %mul3A_350 = arith.muli %scan3A_25, %mul3A_349 : i32
        %get3A_351 = arith.constant 0 : i32
        %get3A_352 = tpu.memref_slice %arg9[%scan3A_11, %get3A_351] : memref<32x104xi32, #tpu.memory_space<vmem>> -> memref<1x104xi32, #tpu.memory_space<vmem>>
        %get3A_353 = tpu.memref_squeeze %get3A_352 : memref<1x104xi32, #tpu.memory_space<vmem>> -> memref<104xi32, #tpu.memory_space<vmem>>
        %get3A_354 = arith.index_cast %mul3A_350 : i32 to index
        %get3A_355 = tpu.vector_load %get3A_353[%get3A_354] {strides = array<i32>} : memref<104xi32, #tpu.memory_space<vmem>>, vector<16xi32>,
        %add3A_356 = arith.constant 26 : i32
        %add3A_357 = arith.addi %mul3A_350, %add3A_356 : i32
        %sub3A_358 = arith.constant 16 : i32
        %sub3A_359 = arith.subi %add3A_357, %sub3A_358 : i32
        %get3A_360 = arith.constant 0 : i32
        %get3A_361 = tpu.memref_slice %arg9[%scan3A_11, %get3A_360] : memref<32x104xi32, #tpu.memory_space<vmem>> -> memref<1x104xi32, #tpu.memory_space<vmem>>
        %get3A_362 = tpu.memref_squeeze %get3A_361 : memref<1x104xi32, #tpu.memory_space<vmem>> -> memref<104xi32, #tpu.memory_space<vmem>>
        %get3A_363 = arith.index_cast %sub3A_359 : i32 to index
        %get3A_364 = tpu.vector_load %get3A_362[%get3A_363] {strides = array<i32>} : memref<104xi32, #tpu.memory_space<vmem>>, vector<16xi32>,
        %slice3A_365 = vector.extract_strided_slice %get3A_355 {offsets = [0], sizes = [1], strides = [1]} : vector<16xi32> to vector<1xi32>
        %squeeze3A_366 = vector.extract %slice3A_365[0] : i32 from vector<1xi32>
        %add3A_367 = arith.constant 0 : i32
        %add3A_368 = arith.addi %mul3A_350, %add3A_367 : i32
        %dma_start3A_369 = arith.constant 0 : i32
        %dma_start3A_370 = tpu.memref_slice %arg12[%add3A_368, %dma_start3A_369] : memref<104x64xf32, #tpu.memory_space<vmem>> -> memref<1x64xf32, #tpu.memory_space<vmem>>
        %dma_start3A_371 = arith.constant 0 : i32
        %dma_start3A_372 = tpu.memref_slice %arg5[%squeeze3A_366, %dma_start3A_371] : memref<1000000x64xf32, #tpu.memory_space<hbm>> -> memref<1x64xf32, #tpu.memory_space<hbm>>
        %dma_start3A_373 = arith.constant 0 : i32
        %dma_start3A_374 = tpu.memref_slice %arg12[%add3A_368, %dma_start3A_373] : memref<104x64xf32, #tpu.memory_space<vmem>> -> memref<1x64xf32, #tpu.memory_space<vmem>>
        %dma_start3A_375 = arith.constant 0 : i32
        %dma_start3A_376 = tpu.memref_slice %arg5[%squeeze3A_366, %dma_start3A_375] : memref<1000000x64xf32, #tpu.memory_space<hbm>> -> memref<1x64xf32, #tpu.memory_space<hbm>>
        tpu.enqueue_dma source(%dma_start3A_376 : memref<1x64xf32, #tpu.memory_space<hbm>>) target(%dma_start3A_374 : memref<1x64xf32, #tpu.memory_space<vmem>>) target_semaphore(%arg16 : memref<!tpu.dma_semaphore, #tpu.memory_space<semaphore_mem>>)
        %slice3A_377 = vector.extract_strided_slice %get3A_355 {offsets = [1], sizes = [1], strides = [1]} : vector<16xi32> to vector<1xi32>
        %squeeze3A_378 = vector.extract %slice3A_377[0] : i32 from vector<1xi32>
        %add3A_379 = arith.constant 1 : i32
        %add3A_380 = arith.addi %mul3A_350, %add3A_379 : i32
        %dma_start3A_381 = arith.constant 0 : i32
        %dma_start3A_382 = tpu.memref_slice %arg12[%add3A_380, %dma_start3A_381] : memref<104x64xf32, #tpu.memory_space<vmem>> -> memref<1x64xf32, #tpu.memory_space<vmem>>
        %dma_start3A_383 = arith.constant 0 : i32
        %dma_start3A_384 = tpu.memref_slice %arg5[%squeeze3A_378, %dma_start3A_383] : memref<1000000x64xf32, #tpu.memory_space<hbm>> -> memref<1x64xf32, #tpu.memory_space<hbm>>
        %dma_start3A_385 = arith.constant 0 : i32
        %dma_start3A_386 = tpu.memref_slice %arg12[%add3A_380, %dma_start3A_385] : memref<104x64xf32, #tpu.memory_space<vmem>> -> memref<1x64xf32, #tpu.memory_space<vmem>>
        %dma_start3A_387 = arith.constant 0 : i32
        %dma_start3A_388 = tpu.memref_slice %arg5[%squeeze3A_378, %dma_start3A_387] : memref<1000000x64xf32, #tpu.memory_space<hbm>> -> memref<1x64xf32, #tpu.memory_space<hbm>>
        tpu.enqueue_dma source(%dma_start3A_388 : memref<1x64xf32, #tpu.memory_space<hbm>>) target(%dma_start3A_386 : memref<1x64xf32, #tpu.memory_space<vmem>>) target_semaphore(%arg16 : memref<!tpu.dma_semaphore, #tpu.memory_space<semaphore_mem>>)
        %slice3A_389 = vector.extract_strided_slice %get3A_355 {offsets = [2], sizes = [1], strides = [1]} : vector<16xi32> to vector<1xi32>
        %squeeze3A_390 = vector.extract %slice3A_389[0] : i32 from vector<1xi32>
        %add3A_391 = arith.constant 2 : i32
        %add3A_392 = arith.addi %mul3A_350, %add3A_391 : i32
        %dma_start3A_393 = arith.constant 0 : i32
        %dma_start3A_394 = tpu.memref_slice %arg12[%add3A_392, %dma_start3A_393] : memref<104x64xf32, #tpu.memory_space<vmem>> -> memref<1x64xf32, #tpu.memory_space<vmem>>
        %dma_start3A_395 = arith.constant 0 : i32
        %dma_start3A_396 = tpu.memref_slice %arg5[%squeeze3A_390, %dma_start3A_395] : memref<1000000x64xf32, #tpu.memory_space<hbm>> -> memref<1x64xf32, #tpu.memory_space<hbm>>
        %dma_start3A_397 = arith.constant 0 : i32
        %dma_start3A_398 = tpu.memref_slice %arg12[%add3A_392, %dma_start3A_397] : memref<104x64xf32, #tpu.memory_space<vmem>> -> memref<1x64xf32, #tpu.memory_space<vmem>>
        %dma_start3A_399 = arith.constant 0 : i32
        %dma_start3A_400 = tpu.memref_slice %arg5[%squeeze3A_390, %dma_start3A_399] : memref<1000000x64xf32, #tpu.memory_space<hbm>> -> memref<1x64xf32, #tpu.memory_space<hbm>>
        tpu.enqueue_dma source(%dma_start3A_400 : memref<1x64xf32, #tpu.memory_space<hbm>>) target(%dma_start3A_398 : memref<1x64xf32, #tpu.memory_space<vmem>>) target_semaphore(%arg16 : memref<!tpu.dma_semaphore, #tpu.memory_space<semaphore_mem>>)
        %slice3A_401 = vector.extract_strided_slice %get3A_355 {offsets = [3], sizes = [1], strides = [1]} : vector<16xi32> to vector<1xi32>
        %squeeze3A_402 = vector.extract %slice3A_401[0] : i32 from vector<1xi32>
        %add3A_403 = arith.constant 3 : i32
        %add3A_404 = arith.addi %mul3A_350, %add3A_403 : i32
        %dma_start3A_405 = arith.constant 0 : i32
        %dma_start3A_406 = tpu.memref_slice %arg12[%add3A_404, %dma_start3A_405] : memref<104x64xf32, #tpu.memory_space<vmem>> -> memref<1x64xf32, #tpu.memory_space<vmem>>
        %dma_start3A_407 = arith.constant 0 : i32
        %dma_start3A_408 = tpu.memref_slice %arg5[%squeeze3A_402, %dma_start3A_407] : memref<1000000x64xf32, #tpu.memory_space<hbm>> -> memref<1x64xf32, #tpu.memory_space<hbm>>
        %dma_start3A_409 = arith.constant 0 : i32
        %dma_start3A_410 = tpu.memref_slice %arg12[%add3A_404, %dma_start3A_409] : memref<104x64xf32, #tpu.memory_space<vmem>> -> memref<1x64xf32, #tpu.memory_space<vmem>>
        %dma_start3A_411 = arith.constant 0 : i32
        %dma_start3A_412 = tpu.memref_slice %arg5[%squeeze3A_402, %dma_start3A_411] : memref<1000000x64xf32, #tpu.memory_space<hbm>> -> memref<1x64xf32, #tpu.memory_space<hbm>>
        tpu.enqueue_dma source(%dma_start3A_412 : memref<1x64xf32, #tpu.memory_space<hbm>>) target(%dma_start3A_410 : memref<1x64xf32, #tpu.memory_space<vmem>>) target_semaphore(%arg16 : memref<!tpu.dma_semaphore, #tpu.memory_space<semaphore_mem>>)
        %slice3A_413 = vector.extract_strided_slice %get3A_355 {offsets = [4], sizes = [1], strides = [1]} : vector<16xi32> to vector<1xi32>
        %squeeze3A_414 = vector.extract %slice3A_413[0] : i32 from vector<1xi32>
        %add3A_415 = arith.constant 4 : i32
        %add3A_416 = arith.addi %mul3A_350, %add3A_415 : i32
        %dma_start3A_417 = arith.constant 0 : i32
        %dma_start3A_418 = tpu.memref_slice %arg12[%add3A_416, %dma_start3A_417] : memref<104x64xf32, #tpu.memory_space<vmem>> -> memref<1x64xf32, #tpu.memory_space<vmem>>
        %dma_start3A_419 = arith.constant 0 : i32
        %dma_start3A_420 = tpu.memref_slice %arg5[%squeeze3A_414, %dma_start3A_419] : memref<1000000x64xf32, #tpu.memory_space<hbm>> -> memref<1x64xf32, #tpu.memory_space<hbm>>
        %dma_start3A_421 = arith.constant 0 : i32
        %dma_start3A_422 = tpu.memref_slice %arg12[%add3A_416, %dma_start3A_421] : memref<104x64xf32, #tpu.memory_space<vmem>> -> memref<1x64xf32, #tpu.memory_space<vmem>>
        %dma_start3A_423 = arith.constant 0 : i32
        %dma_start3A_424 = tpu.memref_slice %arg5[%squeeze3A_414, %dma_start3A_423] : memref<1000000x64xf32, #tpu.memory_space<hbm>> -> memref<1x64xf32, #tpu.memory_space<hbm>>
        tpu.enqueue_dma source(%dma_start3A_424 : memref<1x64xf32, #tpu.memory_space<hbm>>) target(%dma_start3A_422 : memref<1x64xf32, #tpu.memory_space<vmem>>) target_semaphore(%arg16 : memref<!tpu.dma_semaphore, #tpu.memory_space<semaphore_mem>>)
        %slice3A_425 = vector.extract_strided_slice %get3A_355 {offsets = [5], sizes = [1], strides = [1]} : vector<16xi32> to vector<1xi32>
        %squeeze3A_426 = vector.extract %slice3A_425[0] : i32 from vector<1xi32>
        %add3A_427 = arith.constant 5 : i32
        %add3A_428 = arith.addi %mul3A_350, %add3A_427 : i32
        %dma_start3A_429 = arith.constant 0 : i32
        %dma_start3A_430 = tpu.memref_slice %arg12[%add3A_428, %dma_start3A_429] : memref<104x64xf32, #tpu.memory_space<vmem>> -> memref<1x64xf32, #tpu.memory_space<vmem>>
        %dma_start3A_431 = arith.constant 0 : i32
        %dma_start3A_432 = tpu.memref_slice %arg5[%squeeze3A_426, %dma_start3A_431] : memref<1000000x64xf32, #tpu.memory_space<hbm>> -> memref<1x64xf32, #tpu.memory_space<hbm>>
        %dma_start3A_433 = arith.constant 0 : i32
        %dma_start3A_434 = tpu.memref_slice %arg12[%add3A_428, %dma_start3A_433] : memref<104x64xf32, #tpu.memory_space<vmem>> -> memref<1x64xf32, #tpu.memory_space<vmem>>
        %dma_start3A_435 = arith.constant 0 : i32
        %dma_start3A_436 = tpu.memref_slice %arg5[%squeeze3A_426, %dma_start3A_435] : memref<1000000x64xf32, #tpu.memory_space<hbm>> -> memref<1x64xf32, #tpu.memory_space<hbm>>
        tpu.enqueue_dma source(%dma_start3A_436 : memref<1x64xf32, #tpu.memory_space<hbm>>) target(%dma_start3A_434 : memref<1x64xf32, #tpu.memory_space<vmem>>) target_semaphore(%arg16 : memref<!tpu.dma_semaphore, #tpu.memory_space<semaphore_mem>>)
        %slice3A_437 = vector.extract_strided_slice %get3A_355 {offsets = [6], sizes = [1], strides = [1]} : vector<16xi32> to vector<1xi32>
        %squeeze3A_438 = vector.extract %slice3A_437[0] : i32 from vector<1xi32>
        %add3A_439 = arith.constant 6 : i32
        %add3A_440 = arith.addi %mul3A_350, %add3A_439 : i32
        %dma_start3A_441 = arith.constant 0 : i32
        %dma_start3A_442 = tpu.memref_slice %arg12[%add3A_440, %dma_start3A_441] : memref<104x64xf32, #tpu.memory_space<vmem>> -> memref<1x64xf32, #tpu.memory_space<vmem>>
        %dma_start3A_443 = arith.constant 0 : i32
        %dma_start3A_444 = tpu.memref_slice %arg5[%squeeze3A_438, %dma_start3A_443] : memref<1000000x64xf32, #tpu.memory_space<hbm>> -> memref<1x64xf32, #tpu.memory_space<hbm>>
        %dma_start3A_445 = arith.constant 0 : i32
        %dma_start3A_446 = tpu.memref_slice %arg12[%add3A_440, %dma_start3A_445] : memref<104x64xf32, #tpu.memory_space<vmem>> -> memref<1x64xf32, #tpu.memory_space<vmem>>
        %dma_start3A_447 = arith.constant 0 : i32
        %dma_start3A_448 = tpu.memref_slice %arg5[%squeeze3A_438, %dma_start3A_447] : memref<1000000x64xf32, #tpu.memory_space<hbm>> -> memref<1x64xf32, #tpu.memory_space<hbm>>
        tpu.enqueue_dma source(%dma_start3A_448 : memref<1x64xf32, #tpu.memory_space<hbm>>) target(%dma_start3A_446 : memref<1x64xf32, #tpu.memory_space<vmem>>) target_semaphore(%arg16 : memref<!tpu.dma_semaphore, #tpu.memory_space<semaphore_mem>>)
        %slice3A_449 = vector.extract_strided_slice %get3A_355 {offsets = [7], sizes = [1], strides = [1]} : vector<16xi32> to vector<1xi32>
        %squeeze3A_450 = vector.extract %slice3A_449[0] : i32 from vector<1xi32>
        %add3A_451 = arith.constant 7 : i32
        %add3A_452 = arith.addi %mul3A_350, %add3A_451 : i32
        %dma_start3A_453 = arith.constant 0 : i32
        %dma_start3A_454 = tpu.memref_slice %arg12[%add3A_452, %dma_start3A_453] : memref<104x64xf32, #tpu.memory_space<vmem>> -> memref<1x64xf32, #tpu.memory_space<vmem>>
        %dma_start3A_455 = arith.constant 0 : i32
        %dma_start3A_456 = tpu.memref_slice %arg5[%squeeze3A_450, %dma_start3A_455] : memref<1000000x64xf32, #tpu.memory_space<hbm>> -> memref<1x64xf32, #tpu.memory_space<hbm>>
        %dma_start3A_457 = arith.constant 0 : i32
        %dma_start3A_458 = tpu.memref_slice %arg12[%add3A_452, %dma_start3A_457] : memref<104x64xf32, #tpu.memory_space<vmem>> -> memref<1x64xf32, #tpu.memory_space<vmem>>
        %dma_start3A_459 = arith.constant 0 : i32
        %dma_start3A_460 = tpu.memref_slice %arg5[%squeeze3A_450, %dma_start3A_459] : memref<1000000x64xf32, #tpu.memory_space<hbm>> -> memref<1x64xf32, #tpu.memory_space<hbm>>
        tpu.enqueue_dma source(%dma_start3A_460 : memref<1x64xf32, #tpu.memory_space<hbm>>) target(%dma_start3A_458 : memref<1x64xf32, #tpu.memory_space<vmem>>) target_semaphore(%arg16 : memref<!tpu.dma_semaphore, #tpu.memory_space<semaphore_mem>>)
        %slice3A_461 = vector.extract_strided_slice %get3A_355 {offsets = [8], sizes = [1], strides = [1]} : vector<16xi32> to vector<1xi32>
        %squeeze3A_462 = vector.extract %slice3A_461[0] : i32 from vector<1xi32>
        %add3A_463 = arith.constant 8 : i32
        %add3A_464 = arith.addi %mul3A_350, %add3A_463 : i32
        %dma_start3A_465 = arith.constant 0 : i32
        %dma_start3A_466 = tpu.memref_slice %arg12[%add3A_464, %dma_start3A_465] : memref<104x64xf32, #tpu.memory_space<vmem>> -> memref<1x64xf32, #tpu.memory_space<vmem>>
        %dma_start3A_467 = arith.constant 0 : i32
        %dma_start3A_468 = tpu.memref_slice %arg5[%squeeze3A_462, %dma_start3A_467] : memref<1000000x64xf32, #tpu.memory_space<hbm>> -> memref<1x64xf32, #tpu.memory_space<hbm>>
        %dma_start3A_469 = arith.constant 0 : i32
        %dma_start3A_470 = tpu.memref_slice %arg12[%add3A_464, %dma_start3A_469] : memref<104x64xf32, #tpu.memory_space<vmem>> -> memref<1x64xf32, #tpu.memory_space<vmem>>
        %dma_start3A_471 = arith.constant 0 : i32
        %dma_start3A_472 = tpu.memref_slice %arg5[%squeeze3A_462, %dma_start3A_471] : memref<1000000x64xf32, #tpu.memory_space<hbm>> -> memref<1x64xf32, #tpu.memory_space<hbm>>
        tpu.enqueue_dma source(%dma_start3A_472 : memref<1x64xf32, #tpu.memory_space<hbm>>) target(%dma_start3A_470 : memref<1x64xf32, #tpu.memory_space<vmem>>) target_semaphore(%arg16 : memref<!tpu.dma_semaphore, #tpu.memory_space<semaphore_mem>>)
        %slice3A_473 = vector.extract_strided_slice %get3A_355 {offsets = [9], sizes = [1], strides = [1]} : vector<16xi32> to vector<1xi32>
        %squeeze3A_474 = vector.extract %slice3A_473[0] : i32 from vector<1xi32>
        %add3A_475 = arith.constant 9 : i32
        %add3A_476 = arith.addi %mul3A_350, %add3A_475 : i32
        %dma_start3A_477 = arith.constant 0 : i32
        %dma_start3A_478 = tpu.memref_slice %arg12[%add3A_476, %dma_start3A_477] : memref<104x64xf32, #tpu.memory_space<vmem>> -> memref<1x64xf32, #tpu.memory_space<vmem>>
        %dma_start3A_479 = arith.constant 0 : i32
        %dma_start3A_480 = tpu.memref_slice %arg5[%squeeze3A_474, %dma_start3A_479] : memref<1000000x64xf32, #tpu.memory_space<hbm>> -> memref<1x64xf32, #tpu.memory_space<hbm>>
        %dma_start3A_481 = arith.constant 0 : i32
        %dma_start3A_482 = tpu.memref_slice %arg12[%add3A_476, %dma_start3A_481] : memref<104x64xf32, #tpu.memory_space<vmem>> -> memref<1x64xf32, #tpu.memory_space<vmem>>
        %dma_start3A_483 = arith.constant 0 : i32
        %dma_start3A_484 = tpu.memref_slice %arg5[%squeeze3A_474, %dma_start3A_483] : memref<1000000x64xf32, #tpu.memory_space<hbm>> -> memref<1x64xf32, #tpu.memory_space<hbm>>
        tpu.enqueue_dma source(%dma_start3A_484 : memref<1x64xf32, #tpu.memory_space<hbm>>) target(%dma_start3A_482 : memref<1x64xf32, #tpu.memory_space<vmem>>) target_semaphore(%arg16 : memref<!tpu.dma_semaphore, #tpu.memory_space<semaphore_mem>>)
        %slice3A_485 = vector.extract_strided_slice %get3A_355 {offsets = [10], sizes = [1], strides = [1]} : vector<16xi32> to vector<1xi32>
        %squeeze3A_486 = vector.extract %slice3A_485[0] : i32 from vector<1xi32>
        %add3A_487 = arith.constant 10 : i32
        %add3A_488 = arith.addi %mul3A_350, %add3A_487 : i32
        %dma_start3A_489 = arith.constant 0 : i32
        %dma_start3A_490 = tpu.memref_slice %arg12[%add3A_488, %dma_start3A_489] : memref<104x64xf32, #tpu.memory_space<vmem>> -> memref<1x64xf32, #tpu.memory_space<vmem>>
        %dma_start3A_491 = arith.constant 0 : i32
        %dma_start3A_492 = tpu.memref_slice %arg5[%squeeze3A_486, %dma_start3A_491] : memref<1000000x64xf32, #tpu.memory_space<hbm>> -> memref<1x64xf32, #tpu.memory_space<hbm>>
        %dma_start3A_493 = arith.constant 0 : i32
        %dma_start3A_494 = tpu.memref_slice %arg12[%add3A_488, %dma_start3A_493] : memref<104x64xf32, #tpu.memory_space<vmem>> -> memref<1x64xf32, #tpu.memory_space<vmem>>
        %dma_start3A_495 = arith.constant 0 : i32
        %dma_start3A_496 = tpu.memref_slice %arg5[%squeeze3A_486, %dma_start3A_495] : memref<1000000x64xf32, #tpu.memory_space<hbm>> -> memref<1x64xf32, #tpu.memory_space<hbm>>
        tpu.enqueue_dma source(%dma_start3A_496 : memref<1x64xf32, #tpu.memory_space<hbm>>) target(%dma_start3A_494 : memref<1x64xf32, #tpu.memory_space<vmem>>) target_semaphore(%arg16 : memref<!tpu.dma_semaphore, #tpu.memory_space<semaphore_mem>>)
        %slice3A_497 = vector.extract_strided_slice %get3A_355 {offsets = [11], sizes = [1], strides = [1]} : vector<16xi32> to vector<1xi32>
        %squeeze3A_498 = vector.extract %slice3A_497[0] : i32 from vector<1xi32>
        %add3A_499 = arith.constant 11 : i32
        %add3A_500 = arith.addi %mul3A_350, %add3A_499 : i32
        %dma_start3A_501 = arith.constant 0 : i32
        %dma_start3A_502 = tpu.memref_slice %arg12[%add3A_500, %dma_start3A_501] : memref<104x64xf32, #tpu.memory_space<vmem>> -> memref<1x64xf32, #tpu.memory_space<vmem>>
        %dma_start3A_503 = arith.constant 0 : i32
        %dma_start3A_504 = tpu.memref_slice %arg5[%squeeze3A_498, %dma_start3A_503] : memref<1000000x64xf32, #tpu.memory_space<hbm>> -> memref<1x64xf32, #tpu.memory_space<hbm>>
        %dma_start3A_505 = arith.constant 0 : i32
        %dma_start3A_506 = tpu.memref_slice %arg12[%add3A_500, %dma_start3A_505] : memref<104x64xf32, #tpu.memory_space<vmem>> -> memref<1x64xf32, #tpu.memory_space<vmem>>
        %dma_start3A_507 = arith.constant 0 : i32
        %dma_start3A_508 = tpu.memref_slice %arg5[%squeeze3A_498, %dma_start3A_507] : memref<1000000x64xf32, #tpu.memory_space<hbm>> -> memref<1x64xf32, #tpu.memory_space<hbm>>
        tpu.enqueue_dma source(%dma_start3A_508 : memref<1x64xf32, #tpu.memory_space<hbm>>) target(%dma_start3A_506 : memref<1x64xf32, #tpu.memory_space<vmem>>) target_semaphore(%arg16 : memref<!tpu.dma_semaphore, #tpu.memory_space<semaphore_mem>>)
        %slice3A_509 = vector.extract_strided_slice %get3A_355 {offsets = [12], sizes = [1], strides = [1]} : vector<16xi32> to vector<1xi32>
        %squeeze3A_510 = vector.extract %slice3A_509[0] : i32 from vector<1xi32>
        %add3A_511 = arith.constant 12 : i32
        %add3A_512 = arith.addi %mul3A_350, %add3A_511 : i32
        %dma_start3A_513 = arith.constant 0 : i32
        %dma_start3A_514 = tpu.memref_slice %arg12[%add3A_512, %dma_start3A_513] : memref<104x64xf32, #tpu.memory_space<vmem>> -> memref<1x64xf32, #tpu.memory_space<vmem>>
        %dma_start3A_515 = arith.constant 0 : i32
        %dma_start3A_516 = tpu.memref_slice %arg5[%squeeze3A_510, %dma_start3A_515] : memref<1000000x64xf32, #tpu.memory_space<hbm>> -> memref<1x64xf32, #tpu.memory_space<hbm>>
        %dma_start3A_517 = arith.constant 0 : i32
        %dma_start3A_518 = tpu.memref_slice %arg12[%add3A_512, %dma_start3A_517] : memref<104x64xf32, #tpu.memory_space<vmem>> -> memref<1x64xf32, #tpu.memory_space<vmem>>
        %dma_start3A_519 = arith.constant 0 : i32
        %dma_start3A_520 = tpu.memref_slice %arg5[%squeeze3A_510, %dma_start3A_519] : memref<1000000x64xf32, #tpu.memory_space<hbm>> -> memref<1x64xf32, #tpu.memory_space<hbm>>
        tpu.enqueue_dma source(%dma_start3A_520 : memref<1x64xf32, #tpu.memory_space<hbm>>) target(%dma_start3A_518 : memref<1x64xf32, #tpu.memory_space<vmem>>) target_semaphore(%arg16 : memref<!tpu.dma_semaphore, #tpu.memory_space<semaphore_mem>>)
        %slice3A_521 = vector.extract_strided_slice %get3A_355 {offsets = [13], sizes = [1], strides = [1]} : vector<16xi32> to vector<1xi32>
        %squeeze3A_522 = vector.extract %slice3A_521[0] : i32 from vector<1xi32>
        %add3A_523 = arith.constant 13 : i32
        %add3A_524 = arith.addi %mul3A_350, %add3A_523 : i32
        %dma_start3A_525 = arith.constant 0 : i32
        %dma_start3A_526 = tpu.memref_slice %arg12[%add3A_524, %dma_start3A_525] : memref<104x64xf32, #tpu.memory_space<vmem>> -> memref<1x64xf32, #tpu.memory_space<vmem>>
        %dma_start3A_527 = arith.constant 0 : i32
        %dma_start3A_528 = tpu.memref_slice %arg5[%squeeze3A_522, %dma_start3A_527] : memref<1000000x64xf32, #tpu.memory_space<hbm>> -> memref<1x64xf32, #tpu.memory_space<hbm>>
        %dma_start3A_529 = arith.constant 0 : i32
        %dma_start3A_530 = tpu.memref_slice %arg12[%add3A_524, %dma_start3A_529] : memref<104x64xf32, #tpu.memory_space<vmem>> -> memref<1x64xf32, #tpu.memory_space<vmem>>
        %dma_start3A_531 = arith.constant 0 : i32
        %dma_start3A_532 = tpu.memref_slice %arg5[%squeeze3A_522, %dma_start3A_531] : memref<1000000x64xf32, #tpu.memory_space<hbm>> -> memref<1x64xf32, #tpu.memory_space<hbm>>
        tpu.enqueue_dma source(%dma_start3A_532 : memref<1x64xf32, #tpu.memory_space<hbm>>) target(%dma_start3A_530 : memref<1x64xf32, #tpu.memory_space<vmem>>) target_semaphore(%arg16 : memref<!tpu.dma_semaphore, #tpu.memory_space<semaphore_mem>>)
        %slice3A_533 = vector.extract_strided_slice %get3A_355 {offsets = [14], sizes = [1], strides = [1]} : vector<16xi32> to vector<1xi32>
        %squeeze3A_534 = vector.extract %slice3A_533[0] : i32 from vector<1xi32>
        %add3A_535 = arith.constant 14 : i32
        %add3A_536 = arith.addi %mul3A_350, %add3A_535 : i32
        %dma_start3A_537 = arith.constant 0 : i32
        %dma_start3A_538 = tpu.memref_slice %arg12[%add3A_536, %dma_start3A_537] : memref<104x64xf32, #tpu.memory_space<vmem>> -> memref<1x64xf32, #tpu.memory_space<vmem>>
        %dma_start3A_539 = arith.constant 0 : i32
        %dma_start3A_540 = tpu.memref_slice %arg5[%squeeze3A_534, %dma_start3A_539] : memref<1000000x64xf32, #tpu.memory_space<hbm>> -> memref<1x64xf32, #tpu.memory_space<hbm>>
        %dma_start3A_541 = arith.constant 0 : i32
        %dma_start3A_542 = tpu.memref_slice %arg12[%add3A_536, %dma_start3A_541] : memref<104x64xf32, #tpu.memory_space<vmem>> -> memref<1x64xf32, #tpu.memory_space<vmem>>
        %dma_start3A_543 = arith.constant 0 : i32
        %dma_start3A_544 = tpu.memref_slice %arg5[%squeeze3A_534, %dma_start3A_543] : memref<1000000x64xf32, #tpu.memory_space<hbm>> -> memref<1x64xf32, #tpu.memory_space<hbm>>
        tpu.enqueue_dma source(%dma_start3A_544 : memref<1x64xf32, #tpu.memory_space<hbm>>) target(%dma_start3A_542 : memref<1x64xf32, #tpu.memory_space<vmem>>) target_semaphore(%arg16 : memref<!tpu.dma_semaphore, #tpu.memory_space<semaphore_mem>>)
        %slice3A_545 = vector.extract_strided_slice %get3A_355 {offsets = [15], sizes = [1], strides = [1]} : vector<16xi32> to vector<1xi32>
        %squeeze3A_546 = vector.extract %slice3A_545[0] : i32 from vector<1xi32>
        %add3A_547 = arith.constant 15 : i32
        %add3A_548 = arith.addi %mul3A_350, %add3A_547 : i32
        %dma_start3A_549 = arith.constant 0 : i32
        %dma_start3A_550 = tpu.memref_slice %arg12[%add3A_548, %dma_start3A_549] : memref<104x64xf32, #tpu.memory_space<vmem>> -> memref<1x64xf32, #tpu.memory_space<vmem>>
        %dma_start3A_551 = arith.constant 0 : i32
        %dma_start3A_552 = tpu.memref_slice %arg5[%squeeze3A_546, %dma_start3A_551] : memref<1000000x64xf32, #tpu.memory_space<hbm>> -> memref<1x64xf32, #tpu.memory_space<hbm>>
        %dma_start3A_553 = arith.constant 0 : i32
        %dma_start3A_554 = tpu.memref_slice %arg12[%add3A_548, %dma_start3A_553] : memref<104x64xf32, #tpu.memory_space<vmem>> -> memref<1x64xf32, #tpu.memory_space<vmem>>
        %dma_start3A_555 = arith.constant 0 : i32
        %dma_start3A_556 = tpu.memref_slice %arg5[%squeeze3A_546, %dma_start3A_555] : memref<1000000x64xf32, #tpu.memory_space<hbm>> -> memref<1x64xf32, #tpu.memory_space<hbm>>
        tpu.enqueue_dma source(%dma_start3A_556 : memref<1x64xf32, #tpu.memory_space<hbm>>) target(%dma_start3A_554 : memref<1x64xf32, #tpu.memory_space<vmem>>) target_semaphore(%arg16 : memref<!tpu.dma_semaphore, #tpu.memory_space<semaphore_mem>>)
        %slice3A_557 = vector.extract_strided_slice %get3A_364 {offsets = [6], sizes = [1], strides = [1]} : vector<16xi32> to vector<1xi32>
        %squeeze3A_558 = vector.extract %slice3A_557[0] : i32 from vector<1xi32>
        %add3A_559 = arith.constant 16 : i32
        %add3A_560 = arith.addi %mul3A_350, %add3A_559 : i32
        %dma_start3A_561 = arith.constant 0 : i32
        %dma_start3A_562 = tpu.memref_slice %arg12[%add3A_560, %dma_start3A_561] : memref<104x64xf32, #tpu.memory_space<vmem>> -> memref<1x64xf32, #tpu.memory_space<vmem>>
        %dma_start3A_563 = arith.constant 0 : i32
        %dma_start3A_564 = tpu.memref_slice %arg5[%squeeze3A_558, %dma_start3A_563] : memref<1000000x64xf32, #tpu.memory_space<hbm>> -> memref<1x64xf32, #tpu.memory_space<hbm>>
        %dma_start3A_565 = arith.constant 0 : i32
        %dma_start3A_566 = tpu.memref_slice %arg12[%add3A_560, %dma_start3A_565] : memref<104x64xf32, #tpu.memory_space<vmem>> -> memref<1x64xf32, #tpu.memory_space<vmem>>
        %dma_start3A_567 = arith.constant 0 : i32
        %dma_start3A_568 = tpu.memref_slice %arg5[%squeeze3A_558, %dma_start3A_567] : memref<1000000x64xf32, #tpu.memory_space<hbm>> -> memref<1x64xf32, #tpu.memory_space<hbm>>
        tpu.enqueue_dma source(%dma_start3A_568 : memref<1x64xf32, #tpu.memory_space<hbm>>) target(%dma_start3A_566 : memref<1x64xf32, #tpu.memory_space<vmem>>) target_semaphore(%arg16 : memref<!tpu.dma_semaphore, #tpu.memory_space<semaphore_mem>>)
        %slice3A_569 = vector.extract_strided_slice %get3A_364 {offsets = [7], sizes = [1], strides = [1]} : vector<16xi32> to vector<1xi32>
        %squeeze3A_570 = vector.extract %slice3A_569[0] : i32 from vector<1xi32>
        %add3A_571 = arith.constant 17 : i32
        %add3A_572 = arith.addi %mul3A_350, %add3A_571 : i32
        %dma_start3A_573 = arith.constant 0 : i32
        %dma_start3A_574 = tpu.memref_slice %arg12[%add3A_572, %dma_start3A_573] : memref<104x64xf32, #tpu.memory_space<vmem>> -> memref<1x64xf32, #tpu.memory_space<vmem>>
        %dma_start3A_575 = arith.constant 0 : i32
        %dma_start3A_576 = tpu.memref_slice %arg5[%squeeze3A_570, %dma_start3A_575] : memref<1000000x64xf32, #tpu.memory_space<hbm>> -> memref<1x64xf32, #tpu.memory_space<hbm>>
        %dma_start3A_577 = arith.constant 0 : i32
        %dma_start3A_578 = tpu.memref_slice %arg12[%add3A_572, %dma_start3A_577] : memref<104x64xf32, #tpu.memory_space<vmem>> -> memref<1x64xf32, #tpu.memory_space<vmem>>
        %dma_start3A_579 = arith.constant 0 : i32
        %dma_start3A_580 = tpu.memref_slice %arg5[%squeeze3A_570, %dma_start3A_579] : memref<1000000x64xf32, #tpu.memory_space<hbm>> -> memref<1x64xf32, #tpu.memory_space<hbm>>
        tpu.enqueue_dma source(%dma_start3A_580 : memref<1x64xf32, #tpu.memory_space<hbm>>) target(%dma_start3A_578 : memref<1x64xf32, #tpu.memory_space<vmem>>) target_semaphore(%arg16 : memref<!tpu.dma_semaphore, #tpu.memory_space<semaphore_mem>>)
        %slice3A_581 = vector.extract_strided_slice %get3A_364 {offsets = [8], sizes = [1], strides = [1]} : vector<16xi32> to vector<1xi32>
        %squeeze3A_582 = vector.extract %slice3A_581[0] : i32 from vector<1xi32>
        %add3A_583 = arith.constant 18 : i32
        %add3A_584 = arith.addi %mul3A_350, %add3A_583 : i32
        %dma_start3A_585 = arith.constant 0 : i32
        %dma_start3A_586 = tpu.memref_slice %arg12[%add3A_584, %dma_start3A_585] : memref<104x64xf32, #tpu.memory_space<vmem>> -> memref<1x64xf32, #tpu.memory_space<vmem>>
        %dma_start3A_587 = arith.constant 0 : i32
        %dma_start3A_588 = tpu.memref_slice %arg5[%squeeze3A_582, %dma_start3A_587] : memref<1000000x64xf32, #tpu.memory_space<hbm>> -> memref<1x64xf32, #tpu.memory_space<hbm>>
        %dma_start3A_589 = arith.constant 0 : i32
        %dma_start3A_590 = tpu.memref_slice %arg12[%add3A_584, %dma_start3A_589] : memref<104x64xf32, #tpu.memory_space<vmem>> -> memref<1x64xf32, #tpu.memory_space<vmem>>
        %dma_start3A_591 = arith.constant 0 : i32
        %dma_start3A_592 = tpu.memref_slice %arg5[%squeeze3A_582, %dma_start3A_591] : memref<1000000x64xf32, #tpu.memory_space<hbm>> -> memref<1x64xf32, #tpu.memory_space<hbm>>
        tpu.enqueue_dma source(%dma_start3A_592 : memref<1x64xf32, #tpu.memory_space<hbm>>) target(%dma_start3A_590 : memref<1x64xf32, #tpu.memory_space<vmem>>) target_semaphore(%arg16 : memref<!tpu.dma_semaphore, #tpu.memory_space<semaphore_mem>>)
        %slice3A_593 = vector.extract_strided_slice %get3A_364 {offsets = [9], sizes = [1], strides = [1]} : vector<16xi32> to vector<1xi32>
        %squeeze3A_594 = vector.extract %slice3A_593[0] : i32 from vector<1xi32>
        %add3A_595 = arith.constant 19 : i32
        %add3A_596 = arith.addi %mul3A_350, %add3A_595 : i32
        %dma_start3A_597 = arith.constant 0 : i32
        %dma_start3A_598 = tpu.memref_slice %arg12[%add3A_596, %dma_start3A_597] : memref<104x64xf32, #tpu.memory_space<vmem>> -> memref<1x64xf32, #tpu.memory_space<vmem>>
        %dma_start3A_599 = arith.constant 0 : i32
        %dma_start3A_600 = tpu.memref_slice %arg5[%squeeze3A_594, %dma_start3A_599] : memref<1000000x64xf32, #tpu.memory_space<hbm>> -> memref<1x64xf32, #tpu.memory_space<hbm>>
        %dma_start3A_601 = arith.constant 0 : i32
        %dma_start3A_602 = tpu.memref_slice %arg12[%add3A_596, %dma_start3A_601] : memref<104x64xf32, #tpu.memory_space<vmem>> -> memref<1x64xf32, #tpu.memory_space<vmem>>
        %dma_start3A_603 = arith.constant 0 : i32
        %dma_start3A_604 = tpu.memref_slice %arg5[%squeeze3A_594, %dma_start3A_603] : memref<1000000x64xf32, #tpu.memory_space<hbm>> -> memref<1x64xf32, #tpu.memory_space<hbm>>
        tpu.enqueue_dma source(%dma_start3A_604 : memref<1x64xf32, #tpu.memory_space<hbm>>) target(%dma_start3A_602 : memref<1x64xf32, #tpu.memory_space<vmem>>) target_semaphore(%arg16 : memref<!tpu.dma_semaphore, #tpu.memory_space<semaphore_mem>>)
        %slice3A_605 = vector.extract_strided_slice %get3A_364 {offsets = [10], sizes = [1], strides = [1]} : vector<16xi32> to vector<1xi32>
        %squeeze3A_606 = vector.extract %slice3A_605[0] : i32 from vector<1xi32>
        %add3A_607 = arith.constant 20 : i32
        %add3A_608 = arith.addi %mul3A_350, %add3A_607 : i32
        %dma_start3A_609 = arith.constant 0 : i32
        %dma_start3A_610 = tpu.memref_slice %arg12[%add3A_608, %dma_start3A_609] : memref<104x64xf32, #tpu.memory_space<vmem>> -> memref<1x64xf32, #tpu.memory_space<vmem>>
        %dma_start3A_611 = arith.constant 0 : i32
        %dma_start3A_612 = tpu.memref_slice %arg5[%squeeze3A_606, %dma_start3A_611] : memref<1000000x64xf32, #tpu.memory_space<hbm>> -> memref<1x64xf32, #tpu.memory_space<hbm>>
        %dma_start3A_613 = arith.constant 0 : i32
        %dma_start3A_614 = tpu.memref_slice %arg12[%add3A_608, %dma_start3A_613] : memref<104x64xf32, #tpu.memory_space<vmem>> -> memref<1x64xf32, #tpu.memory_space<vmem>>
        %dma_start3A_615 = arith.constant 0 : i32
        %dma_start3A_616 = tpu.memref_slice %arg5[%squeeze3A_606, %dma_start3A_615] : memref<1000000x64xf32, #tpu.memory_space<hbm>> -> memref<1x64xf32, #tpu.memory_space<hbm>>
        tpu.enqueue_dma source(%dma_start3A_616 : memref<1x64xf32, #tpu.memory_space<hbm>>) target(%dma_start3A_614 : memref<1x64xf32, #tpu.memory_space<vmem>>) target_semaphore(%arg16 : memref<!tpu.dma_semaphore, #tpu.memory_space<semaphore_mem>>)
        %slice3A_617 = vector.extract_strided_slice %get3A_364 {offsets = [11], sizes = [1], strides = [1]} : vector<16xi32> to vector<1xi32>
        %squeeze3A_618 = vector.extract %slice3A_617[0] : i32 from vector<1xi32>
        %add3A_619 = arith.constant 21 : i32
        %add3A_620 = arith.addi %mul3A_350, %add3A_619 : i32
        %dma_start3A_621 = arith.constant 0 : i32
        %dma_start3A_622 = tpu.memref_slice %arg12[%add3A_620, %dma_start3A_621] : memref<104x64xf32, #tpu.memory_space<vmem>> -> memref<1x64xf32, #tpu.memory_space<vmem>>
        %dma_start3A_623 = arith.constant 0 : i32
        %dma_start3A_624 = tpu.memref_slice %arg5[%squeeze3A_618, %dma_start3A_623] : memref<1000000x64xf32, #tpu.memory_space<hbm>> -> memref<1x64xf32, #tpu.memory_space<hbm>>
        %dma_start3A_625 = arith.constant 0 : i32
        %dma_start3A_626 = tpu.memref_slice %arg12[%add3A_620, %dma_start3A_625] : memref<104x64xf32, #tpu.memory_space<vmem>> -> memref<1x64xf32, #tpu.memory_space<vmem>>
        %dma_start3A_627 = arith.constant 0 : i32
        %dma_start3A_628 = tpu.memref_slice %arg5[%squeeze3A_618, %dma_start3A_627] : memref<1000000x64xf32, #tpu.memory_space<hbm>> -> memref<1x64xf32, #tpu.memory_space<hbm>>
        tpu.enqueue_dma source(%dma_start3A_628 : memref<1x64xf32, #tpu.memory_space<hbm>>) target(%dma_start3A_626 : memref<1x64xf32, #tpu.memory_space<vmem>>) target_semaphore(%arg16 : memref<!tpu.dma_semaphore, #tpu.memory_space<semaphore_mem>>)
        %slice3A_629 = vector.extract_strided_slice %get3A_364 {offsets = [12], sizes = [1], strides = [1]} : vector<16xi32> to vector<1xi32>
        %squeeze3A_630 = vector.extract %slice3A_629[0] : i32 from vector<1xi32>
        %add3A_631 = arith.constant 22 : i32
        %add3A_632 = arith.addi %mul3A_350, %add3A_631 : i32
        %dma_start3A_633 = arith.constant 0 : i32
        %dma_start3A_634 = tpu.memref_slice %arg12[%add3A_632, %dma_start3A_633] : memref<104x64xf32, #tpu.memory_space<vmem>> -> memref<1x64xf32, #tpu.memory_space<vmem>>
        %dma_start3A_635 = arith.constant 0 : i32
        %dma_start3A_636 = tpu.memref_slice %arg5[%squeeze3A_630, %dma_start3A_635] : memref<1000000x64xf32, #tpu.memory_space<hbm>> -> memref<1x64xf32, #tpu.memory_space<hbm>>
        %dma_start3A_637 = arith.constant 0 : i32
        %dma_start3A_638 = tpu.memref_slice %arg12[%add3A_632, %dma_start3A_637] : memref<104x64xf32, #tpu.memory_space<vmem>> -> memref<1x64xf32, #tpu.memory_space<vmem>>
        %dma_start3A_639 = arith.constant 0 : i32
        %dma_start3A_640 = tpu.memref_slice %arg5[%squeeze3A_630, %dma_start3A_639] : memref<1000000x64xf32, #tpu.memory_space<hbm>> -> memref<1x64xf32, #tpu.memory_space<hbm>>
        tpu.enqueue_dma source(%dma_start3A_640 : memref<1x64xf32, #tpu.memory_space<hbm>>) target(%dma_start3A_638 : memref<1x64xf32, #tpu.memory_space<vmem>>) target_semaphore(%arg16 : memref<!tpu.dma_semaphore, #tpu.memory_space<semaphore_mem>>)
        %slice3A_641 = vector.extract_strided_slice %get3A_364 {offsets = [13], sizes = [1], strides = [1]} : vector<16xi32> to vector<1xi32>
        %squeeze3A_642 = vector.extract %slice3A_641[0] : i32 from vector<1xi32>
        %add3A_643 = arith.constant 23 : i32
        %add3A_644 = arith.addi %mul3A_350, %add3A_643 : i32
        %dma_start3A_645 = arith.constant 0 : i32
        %dma_start3A_646 = tpu.memref_slice %arg12[%add3A_644, %dma_start3A_645] : memref<104x64xf32, #tpu.memory_space<vmem>> -> memref<1x64xf32, #tpu.memory_space<vmem>>
        %dma_start3A_647 = arith.constant 0 : i32
        %dma_start3A_648 = tpu.memref_slice %arg5[%squeeze3A_642, %dma_start3A_647] : memref<1000000x64xf32, #tpu.memory_space<hbm>> -> memref<1x64xf32, #tpu.memory_space<hbm>>
        %dma_start3A_649 = arith.constant 0 : i32
        %dma_start3A_650 = tpu.memref_slice %arg12[%add3A_644, %dma_start3A_649] : memref<104x64xf32, #tpu.memory_space<vmem>> -> memref<1x64xf32, #tpu.memory_space<vmem>>
        %dma_start3A_651 = arith.constant 0 : i32
        %dma_start3A_652 = tpu.memref_slice %arg5[%squeeze3A_642, %dma_start3A_651] : memref<1000000x64xf32, #tpu.memory_space<hbm>> -> memref<1x64xf32, #tpu.memory_space<hbm>>
        tpu.enqueue_dma source(%dma_start3A_652 : memref<1x64xf32, #tpu.memory_space<hbm>>) target(%dma_start3A_650 : memref<1x64xf32, #tpu.memory_space<vmem>>) target_semaphore(%arg16 : memref<!tpu.dma_semaphore, #tpu.memory_space<semaphore_mem>>)
        %slice3A_653 = vector.extract_strided_slice %get3A_364 {offsets = [14], sizes = [1], strides = [1]} : vector<16xi32> to vector<1xi32>
        %squeeze3A_654 = vector.extract %slice3A_653[0] : i32 from vector<1xi32>
        %add3A_655 = arith.constant 24 : i32
        %add3A_656 = arith.addi %mul3A_350, %add3A_655 : i32
        %dma_start3A_657 = arith.constant 0 : i32
        %dma_start3A_658 = tpu.memref_slice %arg12[%add3A_656, %dma_start3A_657] : memref<104x64xf32, #tpu.memory_space<vmem>> -> memref<1x64xf32, #tpu.memory_space<vmem>>
        %dma_start3A_659 = arith.constant 0 : i32
        %dma_start3A_660 = tpu.memref_slice %arg5[%squeeze3A_654, %dma_start3A_659] : memref<1000000x64xf32, #tpu.memory_space<hbm>> -> memref<1x64xf32, #tpu.memory_space<hbm>>
        %dma_start3A_661 = arith.constant 0 : i32
        %dma_start3A_662 = tpu.memref_slice %arg12[%add3A_656, %dma_start3A_661] : memref<104x64xf32, #tpu.memory_space<vmem>> -> memref<1x64xf32, #tpu.memory_space<vmem>>
        %dma_start3A_663 = arith.constant 0 : i32
        %dma_start3A_664 = tpu.memref_slice %arg5[%squeeze3A_654, %dma_start3A_663] : memref<1000000x64xf32, #tpu.memory_space<hbm>> -> memref<1x64xf32, #tpu.memory_space<hbm>>
        tpu.enqueue_dma source(%dma_start3A_664 : memref<1x64xf32, #tpu.memory_space<hbm>>) target(%dma_start3A_662 : memref<1x64xf32, #tpu.memory_space<vmem>>) target_semaphore(%arg16 : memref<!tpu.dma_semaphore, #tpu.memory_space<semaphore_mem>>)
        %slice3A_665 = vector.extract_strided_slice %get3A_364 {offsets = [15], sizes = [1], strides = [1]} : vector<16xi32> to vector<1xi32>
        %squeeze3A_666 = vector.extract %slice3A_665[0] : i32 from vector<1xi32>
        %add3A_667 = arith.constant 25 : i32
        %add3A_668 = arith.addi %mul3A_350, %add3A_667 : i32
        %dma_start3A_669 = arith.constant 0 : i32
        %dma_start3A_670 = tpu.memref_slice %arg12[%add3A_668, %dma_start3A_669] : memref<104x64xf32, #tpu.memory_space<vmem>> -> memref<1x64xf32, #tpu.memory_space<vmem>>
        %dma_start3A_671 = arith.constant 0 : i32
        %dma_start3A_672 = tpu.memref_slice %arg5[%squeeze3A_666, %dma_start3A_671] : memref<1000000x64xf32, #tpu.memory_space<hbm>> -> memref<1x64xf32, #tpu.memory_space<hbm>>
        %dma_start3A_673 = arith.constant 0 : i32
        %dma_start3A_674 = tpu.memref_slice %arg12[%add3A_668, %dma_start3A_673] : memref<104x64xf32, #tpu.memory_space<vmem>> -> memref<1x64xf32, #tpu.memory_space<vmem>>
        %dma_start3A_675 = arith.constant 0 : i32
        %dma_start3A_676 = tpu.memref_slice %arg5[%squeeze3A_666, %dma_start3A_675] : memref<1000000x64xf32, #tpu.memory_space<hbm>> -> memref<1x64xf32, #tpu.memory_space<hbm>>
        tpu.enqueue_dma source(%dma_start3A_676 : memref<1x64xf32, #tpu.memory_space<hbm>>) target(%dma_start3A_674 : memref<1x64xf32, #tpu.memory_space<vmem>>) target_semaphore(%arg16 : memref<!tpu.dma_semaphore, #tpu.memory_space<semaphore_mem>>)
        %mul3A_677 = arith.constant 26 : i32
        %mul3A_678 = arith.muli %scan3A_25, %mul3A_677 : i32
        %get3A_679 = arith.constant 0 : i32
        %get3A_680 = tpu.memref_slice %arg10[%scan3A_11, %get3A_679] : memref<32x104xi32, #tpu.memory_space<vmem>> -> memref<1x104xi32, #tpu.memory_space<vmem>>
        %get3A_681 = tpu.memref_squeeze %get3A_680 : memref<1x104xi32, #tpu.memory_space<vmem>> -> memref<104xi32, #tpu.memory_space<vmem>>
        %get3A_682 = arith.index_cast %mul3A_678 : i32 to index
        %get3A_683 = tpu.vector_load %get3A_681[%get3A_682] {strides = array<i32>} : memref<104xi32, #tpu.memory_space<vmem>>, vector<16xi32>,
        %add3A_684 = arith.constant 26 : i32
        %add3A_685 = arith.addi %mul3A_678, %add3A_684 : i32
        %sub3A_686 = arith.constant 16 : i32
        %sub3A_687 = arith.subi %add3A_685, %sub3A_686 : i32
        %get3A_688 = arith.constant 0 : i32
        %get3A_689 = tpu.memref_slice %arg10[%scan3A_11, %get3A_688] : memref<32x104xi32, #tpu.memory_space<vmem>> -> memref<1x104xi32, #tpu.memory_space<vmem>>
        %get3A_690 = tpu.memref_squeeze %get3A_689 : memref<1x104xi32, #tpu.memory_space<vmem>> -> memref<104xi32, #tpu.memory_space<vmem>>
        %get3A_691 = arith.index_cast %sub3A_687 : i32 to index
        %get3A_692 = tpu.vector_load %get3A_690[%get3A_691] {strides = array<i32>} : memref<104xi32, #tpu.memory_space<vmem>>, vector<16xi32>,
        %slice3A_693 = vector.extract_strided_slice %get3A_683 {offsets = [0], sizes = [1], strides = [1]} : vector<16xi32> to vector<1xi32>
        %squeeze3A_694 = vector.extract %slice3A_693[0] : i32 from vector<1xi32>
        %add3A_695 = arith.constant 0 : i32
        %add3A_696 = arith.addi %mul3A_678, %add3A_695 : i32
        %dma_start3A_697 = arith.constant 0 : i32
        %dma_start3A_698 = tpu.memref_slice %arg13[%add3A_696, %dma_start3A_697] : memref<104x64xf32, #tpu.memory_space<vmem>> -> memref<1x64xf32, #tpu.memory_space<vmem>>
        %dma_start3A_699 = arith.constant 0 : i32
        %dma_start3A_700 = tpu.memref_slice %arg6[%squeeze3A_694, %dma_start3A_699] : memref<1000x64xf32, #tpu.memory_space<hbm>> -> memref<1x64xf32, #tpu.memory_space<hbm>>
        %dma_start3A_701 = arith.constant 0 : i32
        %dma_start3A_702 = tpu.memref_slice %arg13[%add3A_696, %dma_start3A_701] : memref<104x64xf32, #tpu.memory_space<vmem>> -> memref<1x64xf32, #tpu.memory_space<vmem>>
        %dma_start3A_703 = arith.constant 0 : i32
        %dma_start3A_704 = tpu.memref_slice %arg6[%squeeze3A_694, %dma_start3A_703] : memref<1000x64xf32, #tpu.memory_space<hbm>> -> memref<1x64xf32, #tpu.memory_space<hbm>>
        tpu.enqueue_dma source(%dma_start3A_704 : memref<1x64xf32, #tpu.memory_space<hbm>>) target(%dma_start3A_702 : memref<1x64xf32, #tpu.memory_space<vmem>>) target_semaphore(%arg17 : memref<!tpu.dma_semaphore, #tpu.memory_space<semaphore_mem>>)
        %slice3A_705 = vector.extract_strided_slice %get3A_683 {offsets = [1], sizes = [1], strides = [1]} : vector<16xi32> to vector<1xi32>
        %squeeze3A_706 = vector.extract %slice3A_705[0] : i32 from vector<1xi32>
        %add3A_707 = arith.constant 1 : i32
        %add3A_708 = arith.addi %mul3A_678, %add3A_707 : i32
        %dma_start3A_709 = arith.constant 0 : i32
        %dma_start3A_710 = tpu.memref_slice %arg13[%add3A_708, %dma_start3A_709] : memref<104x64xf32, #tpu.memory_space<vmem>> -> memref<1x64xf32, #tpu.memory_space<vmem>>
        %dma_start3A_711 = arith.constant 0 : i32
        %dma_start3A_712 = tpu.memref_slice %arg6[%squeeze3A_706, %dma_start3A_711] : memref<1000x64xf32, #tpu.memory_space<hbm>> -> memref<1x64xf32, #tpu.memory_space<hbm>>
        %dma_start3A_713 = arith.constant 0 : i32
        %dma_start3A_714 = tpu.memref_slice %arg13[%add3A_708, %dma_start3A_713] : memref<104x64xf32, #tpu.memory_space<vmem>> -> memref<1x64xf32, #tpu.memory_space<vmem>>
        %dma_start3A_715 = arith.constant 0 : i32
        %dma_start3A_716 = tpu.memref_slice %arg6[%squeeze3A_706, %dma_start3A_715] : memref<1000x64xf32, #tpu.memory_space<hbm>> -> memref<1x64xf32, #tpu.memory_space<hbm>>
        tpu.enqueue_dma source(%dma_start3A_716 : memref<1x64xf32, #tpu.memory_space<hbm>>) target(%dma_start3A_714 : memref<1x64xf32, #tpu.memory_space<vmem>>) target_semaphore(%arg17 : memref<!tpu.dma_semaphore, #tpu.memory_space<semaphore_mem>>)
        %slice3A_717 = vector.extract_strided_slice %get3A_683 {offsets = [2], sizes = [1], strides = [1]} : vector<16xi32> to vector<1xi32>
        %squeeze3A_718 = vector.extract %slice3A_717[0] : i32 from vector<1xi32>
        %add3A_719 = arith.constant 2 : i32
        %add3A_720 = arith.addi %mul3A_678, %add3A_719 : i32
        %dma_start3A_721 = arith.constant 0 : i32
        %dma_start3A_722 = tpu.memref_slice %arg13[%add3A_720, %dma_start3A_721] : memref<104x64xf32, #tpu.memory_space<vmem>> -> memref<1x64xf32, #tpu.memory_space<vmem>>
        %dma_start3A_723 = arith.constant 0 : i32
        %dma_start3A_724 = tpu.memref_slice %arg6[%squeeze3A_718, %dma_start3A_723] : memref<1000x64xf32, #tpu.memory_space<hbm>> -> memref<1x64xf32, #tpu.memory_space<hbm>>
        %dma_start3A_725 = arith.constant 0 : i32
        %dma_start3A_726 = tpu.memref_slice %arg13[%add3A_720, %dma_start3A_725] : memref<104x64xf32, #tpu.memory_space<vmem>> -> memref<1x64xf32, #tpu.memory_space<vmem>>
        %dma_start3A_727 = arith.constant 0 : i32
        %dma_start3A_728 = tpu.memref_slice %arg6[%squeeze3A_718, %dma_start3A_727] : memref<1000x64xf32, #tpu.memory_space<hbm>> -> memref<1x64xf32, #tpu.memory_space<hbm>>
        tpu.enqueue_dma source(%dma_start3A_728 : memref<1x64xf32, #tpu.memory_space<hbm>>) target(%dma_start3A_726 : memref<1x64xf32, #tpu.memory_space<vmem>>) target_semaphore(%arg17 : memref<!tpu.dma_semaphore, #tpu.memory_space<semaphore_mem>>)
        %slice3A_729 = vector.extract_strided_slice %get3A_683 {offsets = [3], sizes = [1], strides = [1]} : vector<16xi32> to vector<1xi32>
        %squeeze3A_730 = vector.extract %slice3A_729[0] : i32 from vector<1xi32>
        %add3A_731 = arith.constant 3 : i32
        %add3A_732 = arith.addi %mul3A_678, %add3A_731 : i32
        %dma_start3A_733 = arith.constant 0 : i32
        %dma_start3A_734 = tpu.memref_slice %arg13[%add3A_732, %dma_start3A_733] : memref<104x64xf32, #tpu.memory_space<vmem>> -> memref<1x64xf32, #tpu.memory_space<vmem>>
        %dma_start3A_735 = arith.constant 0 : i32
        %dma_start3A_736 = tpu.memref_slice %arg6[%squeeze3A_730, %dma_start3A_735] : memref<1000x64xf32, #tpu.memory_space<hbm>> -> memref<1x64xf32, #tpu.memory_space<hbm>>
        %dma_start3A_737 = arith.constant 0 : i32
        %dma_start3A_738 = tpu.memref_slice %arg13[%add3A_732, %dma_start3A_737] : memref<104x64xf32, #tpu.memory_space<vmem>> -> memref<1x64xf32, #tpu.memory_space<vmem>>
        %dma_start3A_739 = arith.constant 0 : i32
        %dma_start3A_740 = tpu.memref_slice %arg6[%squeeze3A_730, %dma_start3A_739] : memref<1000x64xf32, #tpu.memory_space<hbm>> -> memref<1x64xf32, #tpu.memory_space<hbm>>
        tpu.enqueue_dma source(%dma_start3A_740 : memref<1x64xf32, #tpu.memory_space<hbm>>) target(%dma_start3A_738 : memref<1x64xf32, #tpu.memory_space<vmem>>) target_semaphore(%arg17 : memref<!tpu.dma_semaphore, #tpu.memory_space<semaphore_mem>>)
        %slice3A_741 = vector.extract_strided_slice %get3A_683 {offsets = [4], sizes = [1], strides = [1]} : vector<16xi32> to vector<1xi32>
        %squeeze3A_742 = vector.extract %slice3A_741[0] : i32 from vector<1xi32>
        %add3A_743 = arith.constant 4 : i32
        %add3A_744 = arith.addi %mul3A_678, %add3A_743 : i32
        %dma_start3A_745 = arith.constant 0 : i32
        %dma_start3A_746 = tpu.memref_slice %arg13[%add3A_744, %dma_start3A_745] : memref<104x64xf32, #tpu.memory_space<vmem>> -> memref<1x64xf32, #tpu.memory_space<vmem>>
        %dma_start3A_747 = arith.constant 0 : i32
        %dma_start3A_748 = tpu.memref_slice %arg6[%squeeze3A_742, %dma_start3A_747] : memref<1000x64xf32, #tpu.memory_space<hbm>> -> memref<1x64xf32, #tpu.memory_space<hbm>>
        %dma_start3A_749 = arith.constant 0 : i32
        %dma_start3A_750 = tpu.memref_slice %arg13[%add3A_744, %dma_start3A_749] : memref<104x64xf32, #tpu.memory_space<vmem>> -> memref<1x64xf32, #tpu.memory_space<vmem>>
        %dma_start3A_751 = arith.constant 0 : i32
        %dma_start3A_752 = tpu.memref_slice %arg6[%squeeze3A_742, %dma_start3A_751] : memref<1000x64xf32, #tpu.memory_space<hbm>> -> memref<1x64xf32, #tpu.memory_space<hbm>>
        tpu.enqueue_dma source(%dma_start3A_752 : memref<1x64xf32, #tpu.memory_space<hbm>>) target(%dma_start3A_750 : memref<1x64xf32, #tpu.memory_space<vmem>>) target_semaphore(%arg17 : memref<!tpu.dma_semaphore, #tpu.memory_space<semaphore_mem>>)
        %slice3A_753 = vector.extract_strided_slice %get3A_683 {offsets = [5], sizes = [1], strides = [1]} : vector<16xi32> to vector<1xi32>
        %squeeze3A_754 = vector.extract %slice3A_753[0] : i32 from vector<1xi32>
        %add3A_755 = arith.constant 5 : i32
        %add3A_756 = arith.addi %mul3A_678, %add3A_755 : i32
        %dma_start3A_757 = arith.constant 0 : i32
        %dma_start3A_758 = tpu.memref_slice %arg13[%add3A_756, %dma_start3A_757] : memref<104x64xf32, #tpu.memory_space<vmem>> -> memref<1x64xf32, #tpu.memory_space<vmem>>
        %dma_start3A_759 = arith.constant 0 : i32
        %dma_start3A_760 = tpu.memref_slice %arg6[%squeeze3A_754, %dma_start3A_759] : memref<1000x64xf32, #tpu.memory_space<hbm>> -> memref<1x64xf32, #tpu.memory_space<hbm>>
        %dma_start3A_761 = arith.constant 0 : i32
        %dma_start3A_762 = tpu.memref_slice %arg13[%add3A_756, %dma_start3A_761] : memref<104x64xf32, #tpu.memory_space<vmem>> -> memref<1x64xf32, #tpu.memory_space<vmem>>
        %dma_start3A_763 = arith.constant 0 : i32
        %dma_start3A_764 = tpu.memref_slice %arg6[%squeeze3A_754, %dma_start3A_763] : memref<1000x64xf32, #tpu.memory_space<hbm>> -> memref<1x64xf32, #tpu.memory_space<hbm>>
        tpu.enqueue_dma source(%dma_start3A_764 : memref<1x64xf32, #tpu.memory_space<hbm>>) target(%dma_start3A_762 : memref<1x64xf32, #tpu.memory_space<vmem>>) target_semaphore(%arg17 : memref<!tpu.dma_semaphore, #tpu.memory_space<semaphore_mem>>)
        %slice3A_765 = vector.extract_strided_slice %get3A_683 {offsets = [6], sizes = [1], strides = [1]} : vector<16xi32> to vector<1xi32>
        %squeeze3A_766 = vector.extract %slice3A_765[0] : i32 from vector<1xi32>
        %add3A_767 = arith.constant 6 : i32
        %add3A_768 = arith.addi %mul3A_678, %add3A_767 : i32
        %dma_start3A_769 = arith.constant 0 : i32
        %dma_start3A_770 = tpu.memref_slice %arg13[%add3A_768, %dma_start3A_769] : memref<104x64xf32, #tpu.memory_space<vmem>> -> memref<1x64xf32, #tpu.memory_space<vmem>>
        %dma_start3A_771 = arith.constant 0 : i32
        %dma_start3A_772 = tpu.memref_slice %arg6[%squeeze3A_766, %dma_start3A_771] : memref<1000x64xf32, #tpu.memory_space<hbm>> -> memref<1x64xf32, #tpu.memory_space<hbm>>
        %dma_start3A_773 = arith.constant 0 : i32
        %dma_start3A_774 = tpu.memref_slice %arg13[%add3A_768, %dma_start3A_773] : memref<104x64xf32, #tpu.memory_space<vmem>> -> memref<1x64xf32, #tpu.memory_space<vmem>>
        %dma_start3A_775 = arith.constant 0 : i32
        %dma_start3A_776 = tpu.memref_slice %arg6[%squeeze3A_766, %dma_start3A_775] : memref<1000x64xf32, #tpu.memory_space<hbm>> -> memref<1x64xf32, #tpu.memory_space<hbm>>
        tpu.enqueue_dma source(%dma_start3A_776 : memref<1x64xf32, #tpu.memory_space<hbm>>) target(%dma_start3A_774 : memref<1x64xf32, #tpu.memory_space<vmem>>) target_semaphore(%arg17 : memref<!tpu.dma_semaphore, #tpu.memory_space<semaphore_mem>>)
        %slice3A_777 = vector.extract_strided_slice %get3A_683 {offsets = [7], sizes = [1], strides = [1]} : vector<16xi32> to vector<1xi32>
        %squeeze3A_778 = vector.extract %slice3A_777[0] : i32 from vector<1xi32>
        %add3A_779 = arith.constant 7 : i32
        %add3A_780 = arith.addi %mul3A_678, %add3A_779 : i32
        %dma_start3A_781 = arith.constant 0 : i32
        %dma_start3A_782 = tpu.memref_slice %arg13[%add3A_780, %dma_start3A_781] : memref<104x64xf32, #tpu.memory_space<vmem>> -> memref<1x64xf32, #tpu.memory_space<vmem>>
        %dma_start3A_783 = arith.constant 0 : i32
        %dma_start3A_784 = tpu.memref_slice %arg6[%squeeze3A_778, %dma_start3A_783] : memref<1000x64xf32, #tpu.memory_space<hbm>> -> memref<1x64xf32, #tpu.memory_space<hbm>>
        %dma_start3A_785 = arith.constant 0 : i32
        %dma_start3A_786 = tpu.memref_slice %arg13[%add3A_780, %dma_start3A_785] : memref<104x64xf32, #tpu.memory_space<vmem>> -> memref<1x64xf32, #tpu.memory_space<vmem>>
        %dma_start3A_787 = arith.constant 0 : i32
        %dma_start3A_788 = tpu.memref_slice %arg6[%squeeze3A_778, %dma_start3A_787] : memref<1000x64xf32, #tpu.memory_space<hbm>> -> memref<1x64xf32, #tpu.memory_space<hbm>>
        tpu.enqueue_dma source(%dma_start3A_788 : memref<1x64xf32, #tpu.memory_space<hbm>>) target(%dma_start3A_786 : memref<1x64xf32, #tpu.memory_space<vmem>>) target_semaphore(%arg17 : memref<!tpu.dma_semaphore, #tpu.memory_space<semaphore_mem>>)
        %slice3A_789 = vector.extract_strided_slice %get3A_683 {offsets = [8], sizes = [1], strides = [1]} : vector<16xi32> to vector<1xi32>
        %squeeze3A_790 = vector.extract %slice3A_789[0] : i32 from vector<1xi32>
        %add3A_791 = arith.constant 8 : i32
        %add3A_792 = arith.addi %mul3A_678, %add3A_791 : i32
        %dma_start3A_793 = arith.constant 0 : i32
        %dma_start3A_794 = tpu.memref_slice %arg13[%add3A_792, %dma_start3A_793] : memref<104x64xf32, #tpu.memory_space<vmem>> -> memref<1x64xf32, #tpu.memory_space<vmem>>
        %dma_start3A_795 = arith.constant 0 : i32
        %dma_start3A_796 = tpu.memref_slice %arg6[%squeeze3A_790, %dma_start3A_795] : memref<1000x64xf32, #tpu.memory_space<hbm>> -> memref<1x64xf32, #tpu.memory_space<hbm>>
        %dma_start3A_797 = arith.constant 0 : i32
        %dma_start3A_798 = tpu.memref_slice %arg13[%add3A_792, %dma_start3A_797] : memref<104x64xf32, #tpu.memory_space<vmem>> -> memref<1x64xf32, #tpu.memory_space<vmem>>
        %dma_start3A_799 = arith.constant 0 : i32
        %dma_start3A_800 = tpu.memref_slice %arg6[%squeeze3A_790, %dma_start3A_799] : memref<1000x64xf32, #tpu.memory_space<hbm>> -> memref<1x64xf32, #tpu.memory_space<hbm>>
        tpu.enqueue_dma source(%dma_start3A_800 : memref<1x64xf32, #tpu.memory_space<hbm>>) target(%dma_start3A_798 : memref<1x64xf32, #tpu.memory_space<vmem>>) target_semaphore(%arg17 : memref<!tpu.dma_semaphore, #tpu.memory_space<semaphore_mem>>)
        %slice3A_801 = vector.extract_strided_slice %get3A_683 {offsets = [9], sizes = [1], strides = [1]} : vector<16xi32> to vector<1xi32>
        %squeeze3A_802 = vector.extract %slice3A_801[0] : i32 from vector<1xi32>
        %add3A_803 = arith.constant 9 : i32
        %add3A_804 = arith.addi %mul3A_678, %add3A_803 : i32
        %dma_start3A_805 = arith.constant 0 : i32
        %dma_start3A_806 = tpu.memref_slice %arg13[%add3A_804, %dma_start3A_805] : memref<104x64xf32, #tpu.memory_space<vmem>> -> memref<1x64xf32, #tpu.memory_space<vmem>>
        %dma_start3A_807 = arith.constant 0 : i32
        %dma_start3A_808 = tpu.memref_slice %arg6[%squeeze3A_802, %dma_start3A_807] : memref<1000x64xf32, #tpu.memory_space<hbm>> -> memref<1x64xf32, #tpu.memory_space<hbm>>
        %dma_start3A_809 = arith.constant 0 : i32
        %dma_start3A_810 = tpu.memref_slice %arg13[%add3A_804, %dma_start3A_809] : memref<104x64xf32, #tpu.memory_space<vmem>> -> memref<1x64xf32, #tpu.memory_space<vmem>>
        %dma_start3A_811 = arith.constant 0 : i32
        %dma_start3A_812 = tpu.memref_slice %arg6[%squeeze3A_802, %dma_start3A_811] : memref<1000x64xf32, #tpu.memory_space<hbm>> -> memref<1x64xf32, #tpu.memory_space<hbm>>
        tpu.enqueue_dma source(%dma_start3A_812 : memref<1x64xf32, #tpu.memory_space<hbm>>) target(%dma_start3A_810 : memref<1x64xf32, #tpu.memory_space<vmem>>) target_semaphore(%arg17 : memref<!tpu.dma_semaphore, #tpu.memory_space<semaphore_mem>>)
        %slice3A_813 = vector.extract_strided_slice %get3A_683 {offsets = [10], sizes = [1], strides = [1]} : vector<16xi32> to vector<1xi32>
        %squeeze3A_814 = vector.extract %slice3A_813[0] : i32 from vector<1xi32>
        %add3A_815 = arith.constant 10 : i32
        %add3A_816 = arith.addi %mul3A_678, %add3A_815 : i32
        %dma_start3A_817 = arith.constant 0 : i32
        %dma_start3A_818 = tpu.memref_slice %arg13[%add3A_816, %dma_start3A_817] : memref<104x64xf32, #tpu.memory_space<vmem>> -> memref<1x64xf32, #tpu.memory_space<vmem>>
        %dma_start3A_819 = arith.constant 0 : i32
        %dma_start3A_820 = tpu.memref_slice %arg6[%squeeze3A_814, %dma_start3A_819] : memref<1000x64xf32, #tpu.memory_space<hbm>> -> memref<1x64xf32, #tpu.memory_space<hbm>>
        %dma_start3A_821 = arith.constant 0 : i32
        %dma_start3A_822 = tpu.memref_slice %arg13[%add3A_816, %dma_start3A_821] : memref<104x64xf32, #tpu.memory_space<vmem>> -> memref<1x64xf32, #tpu.memory_space<vmem>>
        %dma_start3A_823 = arith.constant 0 : i32
        %dma_start3A_824 = tpu.memref_slice %arg6[%squeeze3A_814, %dma_start3A_823] : memref<1000x64xf32, #tpu.memory_space<hbm>> -> memref<1x64xf32, #tpu.memory_space<hbm>>
        tpu.enqueue_dma source(%dma_start3A_824 : memref<1x64xf32, #tpu.memory_space<hbm>>) target(%dma_start3A_822 : memref<1x64xf32, #tpu.memory_space<vmem>>) target_semaphore(%arg17 : memref<!tpu.dma_semaphore, #tpu.memory_space<semaphore_mem>>)
        %slice3A_825 = vector.extract_strided_slice %get3A_683 {offsets = [11], sizes = [1], strides = [1]} : vector<16xi32> to vector<1xi32>
        %squeeze3A_826 = vector.extract %slice3A_825[0] : i32 from vector<1xi32>
        %add3A_827 = arith.constant 11 : i32
        %add3A_828 = arith.addi %mul3A_678, %add3A_827 : i32
        %dma_start3A_829 = arith.constant 0 : i32
        %dma_start3A_830 = tpu.memref_slice %arg13[%add3A_828, %dma_start3A_829] : memref<104x64xf32, #tpu.memory_space<vmem>> -> memref<1x64xf32, #tpu.memory_space<vmem>>
        %dma_start3A_831 = arith.constant 0 : i32
        %dma_start3A_832 = tpu.memref_slice %arg6[%squeeze3A_826, %dma_start3A_831] : memref<1000x64xf32, #tpu.memory_space<hbm>> -> memref<1x64xf32, #tpu.memory_space<hbm>>
        %dma_start3A_833 = arith.constant 0 : i32
        %dma_start3A_834 = tpu.memref_slice %arg13[%add3A_828, %dma_start3A_833] : memref<104x64xf32, #tpu.memory_space<vmem>> -> memref<1x64xf32, #tpu.memory_space<vmem>>
        %dma_start3A_835 = arith.constant 0 : i32
        %dma_start3A_836 = tpu.memref_slice %arg6[%squeeze3A_826, %dma_start3A_835] : memref<1000x64xf32, #tpu.memory_space<hbm>> -> memref<1x64xf32, #tpu.memory_space<hbm>>
        tpu.enqueue_dma source(%dma_start3A_836 : memref<1x64xf32, #tpu.memory_space<hbm>>) target(%dma_start3A_834 : memref<1x64xf32, #tpu.memory_space<vmem>>) target_semaphore(%arg17 : memref<!tpu.dma_semaphore, #tpu.memory_space<semaphore_mem>>)
        %slice3A_837 = vector.extract_strided_slice %get3A_683 {offsets = [12], sizes = [1], strides = [1]} : vector<16xi32> to vector<1xi32>
        %squeeze3A_838 = vector.extract %slice3A_837[0] : i32 from vector<1xi32>
        %add3A_839 = arith.constant 12 : i32
        %add3A_840 = arith.addi %mul3A_678, %add3A_839 : i32
        %dma_start3A_841 = arith.constant 0 : i32
        %dma_start3A_842 = tpu.memref_slice %arg13[%add3A_840, %dma_start3A_841] : memref<104x64xf32, #tpu.memory_space<vmem>> -> memref<1x64xf32, #tpu.memory_space<vmem>>
        %dma_start3A_843 = arith.constant 0 : i32
        %dma_start3A_844 = tpu.memref_slice %arg6[%squeeze3A_838, %dma_start3A_843] : memref<1000x64xf32, #tpu.memory_space<hbm>> -> memref<1x64xf32, #tpu.memory_space<hbm>>
        %dma_start3A_845 = arith.constant 0 : i32
        %dma_start3A_846 = tpu.memref_slice %arg13[%add3A_840, %dma_start3A_845] : memref<104x64xf32, #tpu.memory_space<vmem>> -> memref<1x64xf32, #tpu.memory_space<vmem>>
        %dma_start3A_847 = arith.constant 0 : i32
        %dma_start3A_848 = tpu.memref_slice %arg6[%squeeze3A_838, %dma_start3A_847] : memref<1000x64xf32, #tpu.memory_space<hbm>> -> memref<1x64xf32, #tpu.memory_space<hbm>>
        tpu.enqueue_dma source(%dma_start3A_848 : memref<1x64xf32, #tpu.memory_space<hbm>>) target(%dma_start3A_846 : memref<1x64xf32, #tpu.memory_space<vmem>>) target_semaphore(%arg17 : memref<!tpu.dma_semaphore, #tpu.memory_space<semaphore_mem>>)
        %slice3A_849 = vector.extract_strided_slice %get3A_683 {offsets = [13], sizes = [1], strides = [1]} : vector<16xi32> to vector<1xi32>
        %squeeze3A_850 = vector.extract %slice3A_849[0] : i32 from vector<1xi32>
        %add3A_851 = arith.constant 13 : i32
        %add3A_852 = arith.addi %mul3A_678, %add3A_851 : i32
        %dma_start3A_853 = arith.constant 0 : i32
        %dma_start3A_854 = tpu.memref_slice %arg13[%add3A_852, %dma_start3A_853] : memref<104x64xf32, #tpu.memory_space<vmem>> -> memref<1x64xf32, #tpu.memory_space<vmem>>
        %dma_start3A_855 = arith.constant 0 : i32
        %dma_start3A_856 = tpu.memref_slice %arg6[%squeeze3A_850, %dma_start3A_855] : memref<1000x64xf32, #tpu.memory_space<hbm>> -> memref<1x64xf32, #tpu.memory_space<hbm>>
        %dma_start3A_857 = arith.constant 0 : i32
        %dma_start3A_858 = tpu.memref_slice %arg13[%add3A_852, %dma_start3A_857] : memref<104x64xf32, #tpu.memory_space<vmem>> -> memref<1x64xf32, #tpu.memory_space<vmem>>
        %dma_start3A_859 = arith.constant 0 : i32
        %dma_start3A_860 = tpu.memref_slice %arg6[%squeeze3A_850, %dma_start3A_859] : memref<1000x64xf32, #tpu.memory_space<hbm>> -> memref<1x64xf32, #tpu.memory_space<hbm>>
        tpu.enqueue_dma source(%dma_start3A_860 : memref<1x64xf32, #tpu.memory_space<hbm>>) target(%dma_start3A_858 : memref<1x64xf32, #tpu.memory_space<vmem>>) target_semaphore(%arg17 : memref<!tpu.dma_semaphore, #tpu.memory_space<semaphore_mem>>)
        %slice3A_861 = vector.extract_strided_slice %get3A_683 {offsets = [14], sizes = [1], strides = [1]} : vector<16xi32> to vector<1xi32>
        %squeeze3A_862 = vector.extract %slice3A_861[0] : i32 from vector<1xi32>
        %add3A_863 = arith.constant 14 : i32
        %add3A_864 = arith.addi %mul3A_678, %add3A_863 : i32
        %dma_start3A_865 = arith.constant 0 : i32
        %dma_start3A_866 = tpu.memref_slice %arg13[%add3A_864, %dma_start3A_865] : memref<104x64xf32, #tpu.memory_space<vmem>> -> memref<1x64xf32, #tpu.memory_space<vmem>>
        %dma_start3A_867 = arith.constant 0 : i32
        %dma_start3A_868 = tpu.memref_slice %arg6[%squeeze3A_862, %dma_start3A_867] : memref<1000x64xf32, #tpu.memory_space<hbm>> -> memref<1x64xf32, #tpu.memory_space<hbm>>
        %dma_start3A_869 = arith.constant 0 : i32
        %dma_start3A_870 = tpu.memref_slice %arg13[%add3A_864, %dma_start3A_869] : memref<104x64xf32, #tpu.memory_space<vmem>> -> memref<1x64xf32, #tpu.memory_space<vmem>>
        %dma_start3A_871 = arith.constant 0 : i32
        %dma_start3A_872 = tpu.memref_slice %arg6[%squeeze3A_862, %dma_start3A_871] : memref<1000x64xf32, #tpu.memory_space<hbm>> -> memref<1x64xf32, #tpu.memory_space<hbm>>
        tpu.enqueue_dma source(%dma_start3A_872 : memref<1x64xf32, #tpu.memory_space<hbm>>) target(%dma_start3A_870 : memref<1x64xf32, #tpu.memory_space<vmem>>) target_semaphore(%arg17 : memref<!tpu.dma_semaphore, #tpu.memory_space<semaphore_mem>>)
        %slice3A_873 = vector.extract_strided_slice %get3A_683 {offsets = [15], sizes = [1], strides = [1]} : vector<16xi32> to vector<1xi32>
        %squeeze3A_874 = vector.extract %slice3A_873[0] : i32 from vector<1xi32>
        %add3A_875 = arith.constant 15 : i32
        %add3A_876 = arith.addi %mul3A_678, %add3A_875 : i32
        %dma_start3A_877 = arith.constant 0 : i32
        %dma_start3A_878 = tpu.memref_slice %arg13[%add3A_876, %dma_start3A_877] : memref<104x64xf32, #tpu.memory_space<vmem>> -> memref<1x64xf32, #tpu.memory_space<vmem>>
        %dma_start3A_879 = arith.constant 0 : i32
        %dma_start3A_880 = tpu.memref_slice %arg6[%squeeze3A_874, %dma_start3A_879] : memref<1000x64xf32, #tpu.memory_space<hbm>> -> memref<1x64xf32, #tpu.memory_space<hbm>>
        %dma_start3A_881 = arith.constant 0 : i32
        %dma_start3A_882 = tpu.memref_slice %arg13[%add3A_876, %dma_start3A_881] : memref<104x64xf32, #tpu.memory_space<vmem>> -> memref<1x64xf32, #tpu.memory_space<vmem>>
        %dma_start3A_883 = arith.constant 0 : i32
        %dma_start3A_884 = tpu.memref_slice %arg6[%squeeze3A_874, %dma_start3A_883] : memref<1000x64xf32, #tpu.memory_space<hbm>> -> memref<1x64xf32, #tpu.memory_space<hbm>>
        tpu.enqueue_dma source(%dma_start3A_884 : memref<1x64xf32, #tpu.memory_space<hbm>>) target(%dma_start3A_882 : memref<1x64xf32, #tpu.memory_space<vmem>>) target_semaphore(%arg17 : memref<!tpu.dma_semaphore, #tpu.memory_space<semaphore_mem>>)
        %slice3A_885 = vector.extract_strided_slice %get3A_692 {offsets = [6], sizes = [1], strides = [1]} : vector<16xi32> to vector<1xi32>
        %squeeze3A_886 = vector.extract %slice3A_885[0] : i32 from vector<1xi32>
        %add3A_887 = arith.constant 16 : i32
        %add3A_888 = arith.addi %mul3A_678, %add3A_887 : i32
        %dma_start3A_889 = arith.constant 0 : i32
        %dma_start3A_890 = tpu.memref_slice %arg13[%add3A_888, %dma_start3A_889] : memref<104x64xf32, #tpu.memory_space<vmem>> -> memref<1x64xf32, #tpu.memory_space<vmem>>
        %dma_start3A_891 = arith.constant 0 : i32
        %dma_start3A_892 = tpu.memref_slice %arg6[%squeeze3A_886, %dma_start3A_891] : memref<1000x64xf32, #tpu.memory_space<hbm>> -> memref<1x64xf32, #tpu.memory_space<hbm>>
        %dma_start3A_893 = arith.constant 0 : i32
        %dma_start3A_894 = tpu.memref_slice %arg13[%add3A_888, %dma_start3A_893] : memref<104x64xf32, #tpu.memory_space<vmem>> -> memref<1x64xf32, #tpu.memory_space<vmem>>
        %dma_start3A_895 = arith.constant 0 : i32
        %dma_start3A_896 = tpu.memref_slice %arg6[%squeeze3A_886, %dma_start3A_895] : memref<1000x64xf32, #tpu.memory_space<hbm>> -> memref<1x64xf32, #tpu.memory_space<hbm>>
        tpu.enqueue_dma source(%dma_start3A_896 : memref<1x64xf32, #tpu.memory_space<hbm>>) target(%dma_start3A_894 : memref<1x64xf32, #tpu.memory_space<vmem>>) target_semaphore(%arg17 : memref<!tpu.dma_semaphore, #tpu.memory_space<semaphore_mem>>)
        %slice3A_897 = vector.extract_strided_slice %get3A_692 {offsets = [7], sizes = [1], strides = [1]} : vector<16xi32> to vector<1xi32>
        %squeeze3A_898 = vector.extract %slice3A_897[0] : i32 from vector<1xi32>
        %add3A_899 = arith.constant 17 : i32
        %add3A_900 = arith.addi %mul3A_678, %add3A_899 : i32
        %dma_start3A_901 = arith.constant 0 : i32
        %dma_start3A_902 = tpu.memref_slice %arg13[%add3A_900, %dma_start3A_901] : memref<104x64xf32, #tpu.memory_space<vmem>> -> memref<1x64xf32, #tpu.memory_space<vmem>>
        %dma_start3A_903 = arith.constant 0 : i32
        %dma_start3A_904 = tpu.memref_slice %arg6[%squeeze3A_898, %dma_start3A_903] : memref<1000x64xf32, #tpu.memory_space<hbm>> -> memref<1x64xf32, #tpu.memory_space<hbm>>
        %dma_start3A_905 = arith.constant 0 : i32
        %dma_start3A_906 = tpu.memref_slice %arg13[%add3A_900, %dma_start3A_905] : memref<104x64xf32, #tpu.memory_space<vmem>> -> memref<1x64xf32, #tpu.memory_space<vmem>>
        %dma_start3A_907 = arith.constant 0 : i32
        %dma_start3A_908 = tpu.memref_slice %arg6[%squeeze3A_898, %dma_start3A_907] : memref<1000x64xf32, #tpu.memory_space<hbm>> -> memref<1x64xf32, #tpu.memory_space<hbm>>
        tpu.enqueue_dma source(%dma_start3A_908 : memref<1x64xf32, #tpu.memory_space<hbm>>) target(%dma_start3A_906 : memref<1x64xf32, #tpu.memory_space<vmem>>) target_semaphore(%arg17 : memref<!tpu.dma_semaphore, #tpu.memory_space<semaphore_mem>>)
        %slice3A_909 = vector.extract_strided_slice %get3A_692 {offsets = [8], sizes = [1], strides = [1]} : vector<16xi32> to vector<1xi32>
        %squeeze3A_910 = vector.extract %slice3A_909[0] : i32 from vector<1xi32>
        %add3A_911 = arith.constant 18 : i32
        %add3A_912 = arith.addi %mul3A_678, %add3A_911 : i32
        %dma_start3A_913 = arith.constant 0 : i32
        %dma_start3A_914 = tpu.memref_slice %arg13[%add3A_912, %dma_start3A_913] : memref<104x64xf32, #tpu.memory_space<vmem>> -> memref<1x64xf32, #tpu.memory_space<vmem>>
        %dma_start3A_915 = arith.constant 0 : i32
        %dma_start3A_916 = tpu.memref_slice %arg6[%squeeze3A_910, %dma_start3A_915] : memref<1000x64xf32, #tpu.memory_space<hbm>> -> memref<1x64xf32, #tpu.memory_space<hbm>>
        %dma_start3A_917 = arith.constant 0 : i32
        %dma_start3A_918 = tpu.memref_slice %arg13[%add3A_912, %dma_start3A_917] : memref<104x64xf32, #tpu.memory_space<vmem>> -> memref<1x64xf32, #tpu.memory_space<vmem>>
        %dma_start3A_919 = arith.constant 0 : i32
        %dma_start3A_920 = tpu.memref_slice %arg6[%squeeze3A_910, %dma_start3A_919] : memref<1000x64xf32, #tpu.memory_space<hbm>> -> memref<1x64xf32, #tpu.memory_space<hbm>>
        tpu.enqueue_dma source(%dma_start3A_920 : memref<1x64xf32, #tpu.memory_space<hbm>>) target(%dma_start3A_918 : memref<1x64xf32, #tpu.memory_space<vmem>>) target_semaphore(%arg17 : memref<!tpu.dma_semaphore, #tpu.memory_space<semaphore_mem>>)
        %slice3A_921 = vector.extract_strided_slice %get3A_692 {offsets = [9], sizes = [1], strides = [1]} : vector<16xi32> to vector<1xi32>
        %squeeze3A_922 = vector.extract %slice3A_921[0] : i32 from vector<1xi32>
        %add3A_923 = arith.constant 19 : i32
        %add3A_924 = arith.addi %mul3A_678, %add3A_923 : i32
        %dma_start3A_925 = arith.constant 0 : i32
        %dma_start3A_926 = tpu.memref_slice %arg13[%add3A_924, %dma_start3A_925] : memref<104x64xf32, #tpu.memory_space<vmem>> -> memref<1x64xf32, #tpu.memory_space<vmem>>
        %dma_start3A_927 = arith.constant 0 : i32
        %dma_start3A_928 = tpu.memref_slice %arg6[%squeeze3A_922, %dma_start3A_927] : memref<1000x64xf32, #tpu.memory_space<hbm>> -> memref<1x64xf32, #tpu.memory_space<hbm>>
        %dma_start3A_929 = arith.constant 0 : i32
        %dma_start3A_930 = tpu.memref_slice %arg13[%add3A_924, %dma_start3A_929] : memref<104x64xf32, #tpu.memory_space<vmem>> -> memref<1x64xf32, #tpu.memory_space<vmem>>
        %dma_start3A_931 = arith.constant 0 : i32
        %dma_start3A_932 = tpu.memref_slice %arg6[%squeeze3A_922, %dma_start3A_931] : memref<1000x64xf32, #tpu.memory_space<hbm>> -> memref<1x64xf32, #tpu.memory_space<hbm>>
        tpu.enqueue_dma source(%dma_start3A_932 : memref<1x64xf32, #tpu.memory_space<hbm>>) target(%dma_start3A_930 : memref<1x64xf32, #tpu.memory_space<vmem>>) target_semaphore(%arg17 : memref<!tpu.dma_semaphore, #tpu.memory_space<semaphore_mem>>)
        %slice3A_933 = vector.extract_strided_slice %get3A_692 {offsets = [10], sizes = [1], strides = [1]} : vector<16xi32> to vector<1xi32>
        %squeeze3A_934 = vector.extract %slice3A_933[0] : i32 from vector<1xi32>
        %add3A_935 = arith.constant 20 : i32
        %add3A_936 = arith.addi %mul3A_678, %add3A_935 : i32
        %dma_start3A_937 = arith.constant 0 : i32
        %dma_start3A_938 = tpu.memref_slice %arg13[%add3A_936, %dma_start3A_937] : memref<104x64xf32, #tpu.memory_space<vmem>> -> memref<1x64xf32, #tpu.memory_space<vmem>>
        %dma_start3A_939 = arith.constant 0 : i32
        %dma_start3A_940 = tpu.memref_slice %arg6[%squeeze3A_934, %dma_start3A_939] : memref<1000x64xf32, #tpu.memory_space<hbm>> -> memref<1x64xf32, #tpu.memory_space<hbm>>
        %dma_start3A_941 = arith.constant 0 : i32
        %dma_start3A_942 = tpu.memref_slice %arg13[%add3A_936, %dma_start3A_941] : memref<104x64xf32, #tpu.memory_space<vmem>> -> memref<1x64xf32, #tpu.memory_space<vmem>>
        %dma_start3A_943 = arith.constant 0 : i32
        %dma_start3A_944 = tpu.memref_slice %arg6[%squeeze3A_934, %dma_start3A_943] : memref<1000x64xf32, #tpu.memory_space<hbm>> -> memref<1x64xf32, #tpu.memory_space<hbm>>
        tpu.enqueue_dma source(%dma_start3A_944 : memref<1x64xf32, #tpu.memory_space<hbm>>) target(%dma_start3A_942 : memref<1x64xf32, #tpu.memory_space<vmem>>) target_semaphore(%arg17 : memref<!tpu.dma_semaphore, #tpu.memory_space<semaphore_mem>>)
        %slice3A_945 = vector.extract_strided_slice %get3A_692 {offsets = [11], sizes = [1], strides = [1]} : vector<16xi32> to vector<1xi32>
        %squeeze3A_946 = vector.extract %slice3A_945[0] : i32 from vector<1xi32>
        %add3A_947 = arith.constant 21 : i32
        %add3A_948 = arith.addi %mul3A_678, %add3A_947 : i32
        %dma_start3A_949 = arith.constant 0 : i32
        %dma_start3A_950 = tpu.memref_slice %arg13[%add3A_948, %dma_start3A_949] : memref<104x64xf32, #tpu.memory_space<vmem>> -> memref<1x64xf32, #tpu.memory_space<vmem>>
        %dma_start3A_951 = arith.constant 0 : i32
        %dma_start3A_952 = tpu.memref_slice %arg6[%squeeze3A_946, %dma_start3A_951] : memref<1000x64xf32, #tpu.memory_space<hbm>> -> memref<1x64xf32, #tpu.memory_space<hbm>>
        %dma_start3A_953 = arith.constant 0 : i32
        %dma_start3A_954 = tpu.memref_slice %arg13[%add3A_948, %dma_start3A_953] : memref<104x64xf32, #tpu.memory_space<vmem>> -> memref<1x64xf32, #tpu.memory_space<vmem>>
        %dma_start3A_955 = arith.constant 0 : i32
        %dma_start3A_956 = tpu.memref_slice %arg6[%squeeze3A_946, %dma_start3A_955] : memref<1000x64xf32, #tpu.memory_space<hbm>> -> memref<1x64xf32, #tpu.memory_space<hbm>>
        tpu.enqueue_dma source(%dma_start3A_956 : memref<1x64xf32, #tpu.memory_space<hbm>>) target(%dma_start3A_954 : memref<1x64xf32, #tpu.memory_space<vmem>>) target_semaphore(%arg17 : memref<!tpu.dma_semaphore, #tpu.memory_space<semaphore_mem>>)
        %slice3A_957 = vector.extract_strided_slice %get3A_692 {offsets = [12], sizes = [1], strides = [1]} : vector<16xi32> to vector<1xi32>
        %squeeze3A_958 = vector.extract %slice3A_957[0] : i32 from vector<1xi32>
        %add3A_959 = arith.constant 22 : i32
        %add3A_960 = arith.addi %mul3A_678, %add3A_959 : i32
        %dma_start3A_961 = arith.constant 0 : i32
        %dma_start3A_962 = tpu.memref_slice %arg13[%add3A_960, %dma_start3A_961] : memref<104x64xf32, #tpu.memory_space<vmem>> -> memref<1x64xf32, #tpu.memory_space<vmem>>
        %dma_start3A_963 = arith.constant 0 : i32
        %dma_start3A_964 = tpu.memref_slice %arg6[%squeeze3A_958, %dma_start3A_963] : memref<1000x64xf32, #tpu.memory_space<hbm>> -> memref<1x64xf32, #tpu.memory_space<hbm>>
        %dma_start3A_965 = arith.constant 0 : i32
        %dma_start3A_966 = tpu.memref_slice %arg13[%add3A_960, %dma_start3A_965] : memref<104x64xf32, #tpu.memory_space<vmem>> -> memref<1x64xf32, #tpu.memory_space<vmem>>
        %dma_start3A_967 = arith.constant 0 : i32
        %dma_start3A_968 = tpu.memref_slice %arg6[%squeeze3A_958, %dma_start3A_967] : memref<1000x64xf32, #tpu.memory_space<hbm>> -> memref<1x64xf32, #tpu.memory_space<hbm>>
        tpu.enqueue_dma source(%dma_start3A_968 : memref<1x64xf32, #tpu.memory_space<hbm>>) target(%dma_start3A_966 : memref<1x64xf32, #tpu.memory_space<vmem>>) target_semaphore(%arg17 : memref<!tpu.dma_semaphore, #tpu.memory_space<semaphore_mem>>)
        %slice3A_969 = vector.extract_strided_slice %get3A_692 {offsets = [13], sizes = [1], strides = [1]} : vector<16xi32> to vector<1xi32>
        %squeeze3A_970 = vector.extract %slice3A_969[0] : i32 from vector<1xi32>
        %add3A_971 = arith.constant 23 : i32
        %add3A_972 = arith.addi %mul3A_678, %add3A_971 : i32
        %dma_start3A_973 = arith.constant 0 : i32
        %dma_start3A_974 = tpu.memref_slice %arg13[%add3A_972, %dma_start3A_973] : memref<104x64xf32, #tpu.memory_space<vmem>> -> memref<1x64xf32, #tpu.memory_space<vmem>>
        %dma_start3A_975 = arith.constant 0 : i32
        %dma_start3A_976 = tpu.memref_slice %arg6[%squeeze3A_970, %dma_start3A_975] : memref<1000x64xf32, #tpu.memory_space<hbm>> -> memref<1x64xf32, #tpu.memory_space<hbm>>
        %dma_start3A_977 = arith.constant 0 : i32
        %dma_start3A_978 = tpu.memref_slice %arg13[%add3A_972, %dma_start3A_977] : memref<104x64xf32, #tpu.memory_space<vmem>> -> memref<1x64xf32, #tpu.memory_space<vmem>>
        %dma_start3A_979 = arith.constant 0 : i32
        %dma_start3A_980 = tpu.memref_slice %arg6[%squeeze3A_970, %dma_start3A_979] : memref<1000x64xf32, #tpu.memory_space<hbm>> -> memref<1x64xf32, #tpu.memory_space<hbm>>
        tpu.enqueue_dma source(%dma_start3A_980 : memref<1x64xf32, #tpu.memory_space<hbm>>) target(%dma_start3A_978 : memref<1x64xf32, #tpu.memory_space<vmem>>) target_semaphore(%arg17 : memref<!tpu.dma_semaphore, #tpu.memory_space<semaphore_mem>>)
        %slice3A_981 = vector.extract_strided_slice %get3A_692 {offsets = [14], sizes = [1], strides = [1]} : vector<16xi32> to vector<1xi32>
        %squeeze3A_982 = vector.extract %slice3A_981[0] : i32 from vector<1xi32>
        %add3A_983 = arith.constant 24 : i32
        %add3A_984 = arith.addi %mul3A_678, %add3A_983 : i32
        %dma_start3A_985 = arith.constant 0 : i32
        %dma_start3A_986 = tpu.memref_slice %arg13[%add3A_984, %dma_start3A_985] : memref<104x64xf32, #tpu.memory_space<vmem>> -> memref<1x64xf32, #tpu.memory_space<vmem>>
        %dma_start3A_987 = arith.constant 0 : i32
        %dma_start3A_988 = tpu.memref_slice %arg6[%squeeze3A_982, %dma_start3A_987] : memref<1000x64xf32, #tpu.memory_space<hbm>> -> memref<1x64xf32, #tpu.memory_space<hbm>>
        %dma_start3A_989 = arith.constant 0 : i32
        %dma_start3A_990 = tpu.memref_slice %arg13[%add3A_984, %dma_start3A_989] : memref<104x64xf32, #tpu.memory_space<vmem>> -> memref<1x64xf32, #tpu.memory_space<vmem>>
        %dma_start3A_991 = arith.constant 0 : i32
        %dma_start3A_992 = tpu.memref_slice %arg6[%squeeze3A_982, %dma_start3A_991] : memref<1000x64xf32, #tpu.memory_space<hbm>> -> memref<1x64xf32, #tpu.memory_space<hbm>>
        tpu.enqueue_dma source(%dma_start3A_992 : memref<1x64xf32, #tpu.memory_space<hbm>>) target(%dma_start3A_990 : memref<1x64xf32, #tpu.memory_space<vmem>>) target_semaphore(%arg17 : memref<!tpu.dma_semaphore, #tpu.memory_space<semaphore_mem>>)
        %slice3A_993 = vector.extract_strided_slice %get3A_692 {offsets = [15], sizes = [1], strides = [1]} : vector<16xi32> to vector<1xi32>
        %squeeze3A_994 = vector.extract %slice3A_993[0] : i32 from vector<1xi32>
        %add3A_995 = arith.constant 25 : i32
        %add3A_996 = arith.addi %mul3A_678, %add3A_995 : i32
        %dma_start3A_997 = arith.constant 0 : i32
        %dma_start3A_998 = tpu.memref_slice %arg13[%add3A_996, %dma_start3A_997] : memref<104x64xf32, #tpu.memory_space<vmem>> -> memref<1x64xf32, #tpu.memory_space<vmem>>
        %dma_start3A_999 = arith.constant 0 : i32
        %dma_start3A_1000 = tpu.memref_slice %arg6[%squeeze3A_994, %dma_start3A_999] : memref<1000x64xf32, #tpu.memory_space<hbm>> -> memref<1x64xf32, #tpu.memory_space<hbm>>
        %dma_start3A_1001 = arith.constant 0 : i32
        %dma_start3A_1002 = tpu.memref_slice %arg13[%add3A_996, %dma_start3A_1001] : memref<104x64xf32, #tpu.memory_space<vmem>> -> memref<1x64xf32, #tpu.memory_space<vmem>>
        %dma_start3A_1003 = arith.constant 0 : i32
        %dma_start3A_1004 = tpu.memref_slice %arg6[%squeeze3A_994, %dma_start3A_1003] : memref<1000x64xf32, #tpu.memory_space<hbm>> -> memref<1x64xf32, #tpu.memory_space<hbm>>
        tpu.enqueue_dma source(%dma_start3A_1004 : memref<1x64xf32, #tpu.memory_space<hbm>>) target(%dma_start3A_1002 : memref<1x64xf32, #tpu.memory_space<vmem>>) target_semaphore(%arg17 : memref<!tpu.dma_semaphore, #tpu.memory_space<semaphore_mem>>)
      }
      %scan3A_18 = arith.constant 4 : i32
      %scan3A_19 = arith.constant 0 : i32
      %scan3A_20 = arith.constant 4 : i32
      %scan3A_21 = arith.addi %scan3A_19, %scan3A_20 : i32
      %scan3A_22 = arith.constant 1 : i32
      %scan3A_23 = scf.for %scan3A_25 = %scan3A_19 to %scan3A_21 step %scan3A_22 iter_args(%scan3A_26 = %scan3A_12) -> (f32)  : i32 {
        %dma_wait3A = arith.constant 0 : i32
        %dma_wait3A_27 = arith.constant 0 : i32
        %dma_wait3A_28 = tpu.memref_slice %arg11[%dma_wait3A, %dma_wait3A_27] : memref<104x64xf32, #tpu.memory_space<vmem>> -> memref<1x64xf32, #tpu.memory_space<vmem>>
        %dma_wait3A_29 = arith.constant 0 : i32
        %dma_wait3A_30 = arith.constant 0 : i32
        %dma_wait3A_31 = tpu.memref_slice %arg5[%dma_wait3A_29, %dma_wait3A_30] : memref<1000000x64xf32, #tpu.memory_space<hbm>> -> memref<1x64xf32, #tpu.memory_space<hbm>>
        %dma_wait3A_32 = arith.constant 0 : i32
        %dma_wait3A_33 = arith.constant 0 : i32
        %dma_wait3A_34 = tpu.memref_slice %arg11[%dma_wait3A_32, %dma_wait3A_33] : memref<104x64xf32, #tpu.memory_space<vmem>> -> memref<1x64xf32, #tpu.memory_space<vmem>>
        %dma_wait3A_35 = arith.constant 0 : i32
        %dma_wait3A_36 = arith.constant 0 : i32
        %dma_wait3A_37 = tpu.memref_slice %arg5[%dma_wait3A_35, %dma_wait3A_36] : memref<1000000x64xf32, #tpu.memory_space<hbm>> -> memref<1x64xf32, #tpu.memory_space<hbm>>
        tpu.wait_dma2 semaphore(%arg15 : memref<!tpu.dma_semaphore, #tpu.memory_space<semaphore_mem>>) src(%dma_wait3A_37 : memref<1x64xf32, #tpu.memory_space<hbm>>) dst(%dma_wait3A_34 : memref<1x64xf32, #tpu.memory_space<vmem>>)
        %dma_wait3A_38 = arith.constant 0 : i32
        %dma_wait3A_39 = arith.constant 0 : i32
        %dma_wait3A_40 = tpu.memref_slice %arg11[%dma_wait3A_38, %dma_wait3A_39] : memref<104x64xf32, #tpu.memory_space<vmem>> -> memref<1x64xf32, #tpu.memory_space<vmem>>
        %dma_wait3A_41 = arith.constant 0 : i32
        %dma_wait3A_42 = arith.constant 0 : i32
        %dma_wait3A_43 = tpu.memref_slice %arg5[%dma_wait3A_41, %dma_wait3A_42] : memref<1000000x64xf32, #tpu.memory_space<hbm>> -> memref<1x64xf32, #tpu.memory_space<hbm>>
        %dma_wait3A_44 = arith.constant 0 : i32
        %dma_wait3A_45 = arith.constant 0 : i32
        %dma_wait3A_46 = tpu.memref_slice %arg11[%dma_wait3A_44, %dma_wait3A_45] : memref<104x64xf32, #tpu.memory_space<vmem>> -> memref<1x64xf32, #tpu.memory_space<vmem>>
        %dma_wait3A_47 = arith.constant 0 : i32
        %dma_wait3A_48 = arith.constant 0 : i32
        %dma_wait3A_49 = tpu.memref_slice %arg5[%dma_wait3A_47, %dma_wait3A_48] : memref<1000000x64xf32, #tpu.memory_space<hbm>> -> memref<1x64xf32, #tpu.memory_space<hbm>>
        tpu.wait_dma2 semaphore(%arg15 : memref<!tpu.dma_semaphore, #tpu.memory_space<semaphore_mem>>) src(%dma_wait3A_49 : memref<1x64xf32, #tpu.memory_space<hbm>>) dst(%dma_wait3A_46 : memref<1x64xf32, #tpu.memory_space<vmem>>)
        %dma_wait3A_50 = arith.constant 0 : i32
        %dma_wait3A_51 = arith.constant 0 : i32
        %dma_wait3A_52 = tpu.memref_slice %arg11[%dma_wait3A_50, %dma_wait3A_51] : memref<104x64xf32, #tpu.memory_space<vmem>> -> memref<1x64xf32, #tpu.memory_space<vmem>>
        %dma_wait3A_53 = arith.constant 0 : i32
        %dma_wait3A_54 = arith.constant 0 : i32
        %dma_wait3A_55 = tpu.memref_slice %arg5[%dma_wait3A_53, %dma_wait3A_54] : memref<1000000x64xf32, #tpu.memory_space<hbm>> -> memref<1x64xf32, #tpu.memory_space<hbm>>
        %dma_wait3A_56 = arith.constant 0 : i32
        %dma_wait3A_57 = arith.constant 0 : i32
        %dma_wait3A_58 = tpu.memref_slice %arg11[%dma_wait3A_56, %dma_wait3A_57] : memref<104x64xf32, #tpu.memory_space<vmem>> -> memref<1x64xf32, #tpu.memory_space<vmem>>
        %dma_wait3A_59 = arith.constant 0 : i32
        %dma_wait3A_60 = arith.constant 0 : i32
        %dma_wait3A_61 = tpu.memref_slice %arg5[%dma_wait3A_59, %dma_wait3A_60] : memref<1000000x64xf32, #tpu.memory_space<hbm>> -> memref<1x64xf32, #tpu.memory_space<hbm>>
        tpu.wait_dma2 semaphore(%arg15 : memref<!tpu.dma_semaphore, #tpu.memory_space<semaphore_mem>>) src(%dma_wait3A_61 : memref<1x64xf32, #tpu.memory_space<hbm>>) dst(%dma_wait3A_58 : memref<1x64xf32, #tpu.memory_space<vmem>>)
        %dma_wait3A_62 = arith.constant 0 : i32
        %dma_wait3A_63 = arith.constant 0 : i32
        %dma_wait3A_64 = tpu.memref_slice %arg11[%dma_wait3A_62, %dma_wait3A_63] : memref<104x64xf32, #tpu.memory_space<vmem>> -> memref<1x64xf32, #tpu.memory_space<vmem>>
        %dma_wait3A_65 = arith.constant 0 : i32
        %dma_wait3A_66 = arith.constant 0 : i32
        %dma_wait3A_67 = tpu.memref_slice %arg5[%dma_wait3A_65, %dma_wait3A_66] : memref<1000000x64xf32, #tpu.memory_space<hbm>> -> memref<1x64xf32, #tpu.memory_space<hbm>>
        %dma_wait3A_68 = arith.constant 0 : i32
        %dma_wait3A_69 = arith.constant 0 : i32
        %dma_wait3A_70 = tpu.memref_slice %arg11[%dma_wait3A_68, %dma_wait3A_69] : memref<104x64xf32, #tpu.memory_space<vmem>> -> memref<1x64xf32, #tpu.memory_space<vmem>>
        %dma_wait3A_71 = arith.constant 0 : i32
        %dma_wait3A_72 = arith.constant 0 : i32
        %dma_wait3A_73 = tpu.memref_slice %arg5[%dma_wait3A_71, %dma_wait3A_72] : memref<1000000x64xf32, #tpu.memory_space<hbm>> -> memref<1x64xf32, #tpu.memory_space<hbm>>
        tpu.wait_dma2 semaphore(%arg15 : memref<!tpu.dma_semaphore, #tpu.memory_space<semaphore_mem>>) src(%dma_wait3A_73 : memref<1x64xf32, #tpu.memory_space<hbm>>) dst(%dma_wait3A_70 : memref<1x64xf32, #tpu.memory_space<vmem>>)
        %dma_wait3A_74 = arith.constant 0 : i32
        %dma_wait3A_75 = arith.constant 0 : i32
        %dma_wait3A_76 = tpu.memref_slice %arg11[%dma_wait3A_74, %dma_wait3A_75] : memref<104x64xf32, #tpu.memory_space<vmem>> -> memref<1x64xf32, #tpu.memory_space<vmem>>
        %dma_wait3A_77 = arith.constant 0 : i32
        %dma_wait3A_78 = arith.constant 0 : i32
        %dma_wait3A_79 = tpu.memref_slice %arg5[%dma_wait3A_77, %dma_wait3A_78] : memref<1000000x64xf32, #tpu.memory_space<hbm>> -> memref<1x64xf32, #tpu.memory_space<hbm>>
        %dma_wait3A_80 = arith.constant 0 : i32
        %dma_wait3A_81 = arith.constant 0 : i32
        %dma_wait3A_82 = tpu.memref_slice %arg11[%dma_wait3A_80, %dma_wait3A_81] : memref<104x64xf32, #tpu.memory_space<vmem>> -> memref<1x64xf32, #tpu.memory_space<vmem>>
        %dma_wait3A_83 = arith.constant 0 : i32
        %dma_wait3A_84 = arith.constant 0 : i32
        %dma_wait3A_85 = tpu.memref_slice %arg5[%dma_wait3A_83, %dma_wait3A_84] : memref<1000000x64xf32, #tpu.memory_space<hbm>> -> memref<1x64xf32, #tpu.memory_space<hbm>>
        tpu.wait_dma2 semaphore(%arg15 : memref<!tpu.dma_semaphore, #tpu.memory_space<semaphore_mem>>) src(%dma_wait3A_85 : memref<1x64xf32, #tpu.memory_space<hbm>>) dst(%dma_wait3A_82 : memref<1x64xf32, #tpu.memory_space<vmem>>)
        %dma_wait3A_86 = arith.constant 0 : i32
        %dma_wait3A_87 = arith.constant 0 : i32
        %dma_wait3A_88 = tpu.memref_slice %arg11[%dma_wait3A_86, %dma_wait3A_87] : memref<104x64xf32, #tpu.memory_space<vmem>> -> memref<1x64xf32, #tpu.memory_space<vmem>>
        %dma_wait3A_89 = arith.constant 0 : i32
        %dma_wait3A_90 = arith.constant 0 : i32
        %dma_wait3A_91 = tpu.memref_slice %arg5[%dma_wait3A_89, %dma_wait3A_90] : memref<1000000x64xf32, #tpu.memory_space<hbm>> -> memref<1x64xf32, #tpu.memory_space<hbm>>
        %dma_wait3A_92 = arith.constant 0 : i32
        %dma_wait3A_93 = arith.constant 0 : i32
        %dma_wait3A_94 = tpu.memref_slice %arg11[%dma_wait3A_92, %dma_wait3A_93] : memref<104x64xf32, #tpu.memory_space<vmem>> -> memref<1x64xf32, #tpu.memory_space<vmem>>
        %dma_wait3A_95 = arith.constant 0 : i32
        %dma_wait3A_96 = arith.constant 0 : i32
        %dma_wait3A_97 = tpu.memref_slice %arg5[%dma_wait3A_95, %dma_wait3A_96] : memref<1000000x64xf32, #tpu.memory_space<hbm>> -> memref<1x64xf32, #tpu.memory_space<hbm>>
        tpu.wait_dma2 semaphore(%arg15 : memref<!tpu.dma_semaphore, #tpu.memory_space<semaphore_mem>>) src(%dma_wait3A_97 : memref<1x64xf32, #tpu.memory_space<hbm>>) dst(%dma_wait3A_94 : memref<1x64xf32, #tpu.memory_space<vmem>>)
        %dma_wait3A_98 = arith.constant 0 : i32
        %dma_wait3A_99 = arith.constant 0 : i32
        %dma_wait3A_100 = tpu.memref_slice %arg11[%dma_wait3A_98, %dma_wait3A_99] : memref<104x64xf32, #tpu.memory_space<vmem>> -> memref<1x64xf32, #tpu.memory_space<vmem>>
        %dma_wait3A_101 = arith.constant 0 : i32
        %dma_wait3A_102 = arith.constant 0 : i32
        %dma_wait3A_103 = tpu.memref_slice %arg5[%dma_wait3A_101, %dma_wait3A_102] : memref<1000000x64xf32, #tpu.memory_space<hbm>> -> memref<1x64xf32, #tpu.memory_space<hbm>>
        %dma_wait3A_104 = arith.constant 0 : i32
        %dma_wait3A_105 = arith.constant 0 : i32
        %dma_wait3A_106 = tpu.memref_slice %arg11[%dma_wait3A_104, %dma_wait3A_105] : memref<104x64xf32, #tpu.memory_space<vmem>> -> memref<1x64xf32, #tpu.memory_space<vmem>>
        %dma_wait3A_107 = arith.constant 0 : i32
        %dma_wait3A_108 = arith.constant 0 : i32
        %dma_wait3A_109 = tpu.memref_slice %arg5[%dma_wait3A_107, %dma_wait3A_108] : memref<1000000x64xf32, #tpu.memory_space<hbm>> -> memref<1x64xf32, #tpu.memory_space<hbm>>
        tpu.wait_dma2 semaphore(%arg15 : memref<!tpu.dma_semaphore, #tpu.memory_space<semaphore_mem>>) src(%dma_wait3A_109 : memref<1x64xf32, #tpu.memory_space<hbm>>) dst(%dma_wait3A_106 : memref<1x64xf32, #tpu.memory_space<vmem>>)
        %dma_wait3A_110 = arith.constant 0 : i32
        %dma_wait3A_111 = arith.constant 0 : i32
        %dma_wait3A_112 = tpu.memref_slice %arg11[%dma_wait3A_110, %dma_wait3A_111] : memref<104x64xf32, #tpu.memory_space<vmem>> -> memref<1x64xf32, #tpu.memory_space<vmem>>
        %dma_wait3A_113 = arith.constant 0 : i32
        %dma_wait3A_114 = arith.constant 0 : i32
        %dma_wait3A_115 = tpu.memref_slice %arg5[%dma_wait3A_113, %dma_wait3A_114] : memref<1000000x64xf32, #tpu.memory_space<hbm>> -> memref<1x64xf32, #tpu.memory_space<hbm>>
        %dma_wait3A_116 = arith.constant 0 : i32
        %dma_wait3A_117 = arith.constant 0 : i32
        %dma_wait3A_118 = tpu.memref_slice %arg11[%dma_wait3A_116, %dma_wait3A_117] : memref<104x64xf32, #tpu.memory_space<vmem>> -> memref<1x64xf32, #tpu.memory_space<vmem>>
        %dma_wait3A_119 = arith.constant 0 : i32
        %dma_wait3A_120 = arith.constant 0 : i32
        %dma_wait3A_121 = tpu.memref_slice %arg5[%dma_wait3A_119, %dma_wait3A_120] : memref<1000000x64xf32, #tpu.memory_space<hbm>> -> memref<1x64xf32, #tpu.memory_space<hbm>>
        tpu.wait_dma2 semaphore(%arg15 : memref<!tpu.dma_semaphore, #tpu.memory_space<semaphore_mem>>) src(%dma_wait3A_121 : memref<1x64xf32, #tpu.memory_space<hbm>>) dst(%dma_wait3A_118 : memref<1x64xf32, #tpu.memory_space<vmem>>)
        %dma_wait3A_122 = arith.constant 0 : i32
        %dma_wait3A_123 = arith.constant 0 : i32
        %dma_wait3A_124 = tpu.memref_slice %arg11[%dma_wait3A_122, %dma_wait3A_123] : memref<104x64xf32, #tpu.memory_space<vmem>> -> memref<1x64xf32, #tpu.memory_space<vmem>>
        %dma_wait3A_125 = arith.constant 0 : i32
        %dma_wait3A_126 = arith.constant 0 : i32
        %dma_wait3A_127 = tpu.memref_slice %arg5[%dma_wait3A_125, %dma_wait3A_126] : memref<1000000x64xf32, #tpu.memory_space<hbm>> -> memref<1x64xf32, #tpu.memory_space<hbm>>
        %dma_wait3A_128 = arith.constant 0 : i32
        %dma_wait3A_129 = arith.constant 0 : i32
        %dma_wait3A_130 = tpu.memref_slice %arg11[%dma_wait3A_128, %dma_wait3A_129] : memref<104x64xf32, #tpu.memory_space<vmem>> -> memref<1x64xf32, #tpu.memory_space<vmem>>
        %dma_wait3A_131 = arith.constant 0 : i32
        %dma_wait3A_132 = arith.constant 0 : i32
        %dma_wait3A_133 = tpu.memref_slice %arg5[%dma_wait3A_131, %dma_wait3A_132] : memref<1000000x64xf32, #tpu.memory_space<hbm>> -> memref<1x64xf32, #tpu.memory_space<hbm>>
        tpu.wait_dma2 semaphore(%arg15 : memref<!tpu.dma_semaphore, #tpu.memory_space<semaphore_mem>>) src(%dma_wait3A_133 : memref<1x64xf32, #tpu.memory_space<hbm>>) dst(%dma_wait3A_130 : memref<1x64xf32, #tpu.memory_space<vmem>>)
        %dma_wait3A_134 = arith.constant 0 : i32
        %dma_wait3A_135 = arith.constant 0 : i32
        %dma_wait3A_136 = tpu.memref_slice %arg11[%dma_wait3A_134, %dma_wait3A_135] : memref<104x64xf32, #tpu.memory_space<vmem>> -> memref<1x64xf32, #tpu.memory_space<vmem>>
        %dma_wait3A_137 = arith.constant 0 : i32
        %dma_wait3A_138 = arith.constant 0 : i32
        %dma_wait3A_139 = tpu.memref_slice %arg5[%dma_wait3A_137, %dma_wait3A_138] : memref<1000000x64xf32, #tpu.memory_space<hbm>> -> memref<1x64xf32, #tpu.memory_space<hbm>>
        %dma_wait3A_140 = arith.constant 0 : i32
        %dma_wait3A_141 = arith.constant 0 : i32
        %dma_wait3A_142 = tpu.memref_slice %arg11[%dma_wait3A_140, %dma_wait3A_141] : memref<104x64xf32, #tpu.memory_space<vmem>> -> memref<1x64xf32, #tpu.memory_space<vmem>>
        %dma_wait3A_143 = arith.constant 0 : i32
        %dma_wait3A_144 = arith.constant 0 : i32
        %dma_wait3A_145 = tpu.memref_slice %arg5[%dma_wait3A_143, %dma_wait3A_144] : memref<1000000x64xf32, #tpu.memory_space<hbm>> -> memref<1x64xf32, #tpu.memory_space<hbm>>
        tpu.wait_dma2 semaphore(%arg15 : memref<!tpu.dma_semaphore, #tpu.memory_space<semaphore_mem>>) src(%dma_wait3A_145 : memref<1x64xf32, #tpu.memory_space<hbm>>) dst(%dma_wait3A_142 : memref<1x64xf32, #tpu.memory_space<vmem>>)
        %dma_wait3A_146 = arith.constant 0 : i32
        %dma_wait3A_147 = arith.constant 0 : i32
        %dma_wait3A_148 = tpu.memref_slice %arg11[%dma_wait3A_146, %dma_wait3A_147] : memref<104x64xf32, #tpu.memory_space<vmem>> -> memref<1x64xf32, #tpu.memory_space<vmem>>
        %dma_wait3A_149 = arith.constant 0 : i32
        %dma_wait3A_150 = arith.constant 0 : i32
        %dma_wait3A_151 = tpu.memref_slice %arg5[%dma_wait3A_149, %dma_wait3A_150] : memref<1000000x64xf32, #tpu.memory_space<hbm>> -> memref<1x64xf32, #tpu.memory_space<hbm>>
        %dma_wait3A_152 = arith.constant 0 : i32
        %dma_wait3A_153 = arith.constant 0 : i32
        %dma_wait3A_154 = tpu.memref_slice %arg11[%dma_wait3A_152, %dma_wait3A_153] : memref<104x64xf32, #tpu.memory_space<vmem>> -> memref<1x64xf32, #tpu.memory_space<vmem>>
        %dma_wait3A_155 = arith.constant 0 : i32
        %dma_wait3A_156 = arith.constant 0 : i32
        %dma_wait3A_157 = tpu.memref_slice %arg5[%dma_wait3A_155, %dma_wait3A_156] : memref<1000000x64xf32, #tpu.memory_space<hbm>> -> memref<1x64xf32, #tpu.memory_space<hbm>>
        tpu.wait_dma2 semaphore(%arg15 : memref<!tpu.dma_semaphore, #tpu.memory_space<semaphore_mem>>) src(%dma_wait3A_157 : memref<1x64xf32, #tpu.memory_space<hbm>>) dst(%dma_wait3A_154 : memref<1x64xf32, #tpu.memory_space<vmem>>)
        %dma_wait3A_158 = arith.constant 0 : i32
        %dma_wait3A_159 = arith.constant 0 : i32
        %dma_wait3A_160 = tpu.memref_slice %arg11[%dma_wait3A_158, %dma_wait3A_159] : memref<104x64xf32, #tpu.memory_space<vmem>> -> memref<1x64xf32, #tpu.memory_space<vmem>>
        %dma_wait3A_161 = arith.constant 0 : i32
        %dma_wait3A_162 = arith.constant 0 : i32
        %dma_wait3A_163 = tpu.memref_slice %arg5[%dma_wait3A_161, %dma_wait3A_162] : memref<1000000x64xf32, #tpu.memory_space<hbm>> -> memref<1x64xf32, #tpu.memory_space<hbm>>
        %dma_wait3A_164 = arith.constant 0 : i32
        %dma_wait3A_165 = arith.constant 0 : i32
        %dma_wait3A_166 = tpu.memref_slice %arg11[%dma_wait3A_164, %dma_wait3A_165] : memref<104x64xf32, #tpu.memory_space<vmem>> -> memref<1x64xf32, #tpu.memory_space<vmem>>
        %dma_wait3A_167 = arith.constant 0 : i32
        %dma_wait3A_168 = arith.constant 0 : i32
        %dma_wait3A_169 = tpu.memref_slice %arg5[%dma_wait3A_167, %dma_wait3A_168] : memref<1000000x64xf32, #tpu.memory_space<hbm>> -> memref<1x64xf32, #tpu.memory_space<hbm>>
        tpu.wait_dma2 semaphore(%arg15 : memref<!tpu.dma_semaphore, #tpu.memory_space<semaphore_mem>>) src(%dma_wait3A_169 : memref<1x64xf32, #tpu.memory_space<hbm>>) dst(%dma_wait3A_166 : memref<1x64xf32, #tpu.memory_space<vmem>>)
        %dma_wait3A_170 = arith.constant 0 : i32
        %dma_wait3A_171 = arith.constant 0 : i32
        %dma_wait3A_172 = tpu.memref_slice %arg11[%dma_wait3A_170, %dma_wait3A_171] : memref<104x64xf32, #tpu.memory_space<vmem>> -> memref<1x64xf32, #tpu.memory_space<vmem>>
        %dma_wait3A_173 = arith.constant 0 : i32
        %dma_wait3A_174 = arith.constant 0 : i32
        %dma_wait3A_175 = tpu.memref_slice %arg5[%dma_wait3A_173, %dma_wait3A_174] : memref<1000000x64xf32, #tpu.memory_space<hbm>> -> memref<1x64xf32, #tpu.memory_space<hbm>>
        %dma_wait3A_176 = arith.constant 0 : i32
        %dma_wait3A_177 = arith.constant 0 : i32
        %dma_wait3A_178 = tpu.memref_slice %arg11[%dma_wait3A_176, %dma_wait3A_177] : memref<104x64xf32, #tpu.memory_space<vmem>> -> memref<1x64xf32, #tpu.memory_space<vmem>>
        %dma_wait3A_179 = arith.constant 0 : i32
        %dma_wait3A_180 = arith.constant 0 : i32
        %dma_wait3A_181 = tpu.memref_slice %arg5[%dma_wait3A_179, %dma_wait3A_180] : memref<1000000x64xf32, #tpu.memory_space<hbm>> -> memref<1x64xf32, #tpu.memory_space<hbm>>
        tpu.wait_dma2 semaphore(%arg15 : memref<!tpu.dma_semaphore, #tpu.memory_space<semaphore_mem>>) src(%dma_wait3A_181 : memref<1x64xf32, #tpu.memory_space<hbm>>) dst(%dma_wait3A_178 : memref<1x64xf32, #tpu.memory_space<vmem>>)
        %dma_wait3A_182 = arith.constant 0 : i32
        %dma_wait3A_183 = arith.constant 0 : i32
        %dma_wait3A_184 = tpu.memref_slice %arg11[%dma_wait3A_182, %dma_wait3A_183] : memref<104x64xf32, #tpu.memory_space<vmem>> -> memref<1x64xf32, #tpu.memory_space<vmem>>
        %dma_wait3A_185 = arith.constant 0 : i32
        %dma_wait3A_186 = arith.constant 0 : i32
        %dma_wait3A_187 = tpu.memref_slice %arg5[%dma_wait3A_185, %dma_wait3A_186] : memref<1000000x64xf32, #tpu.memory_space<hbm>> -> memref<1x64xf32, #tpu.memory_space<hbm>>
        %dma_wait3A_188 = arith.constant 0 : i32
        %dma_wait3A_189 = arith.constant 0 : i32
        %dma_wait3A_190 = tpu.memref_slice %arg11[%dma_wait3A_188, %dma_wait3A_189] : memref<104x64xf32, #tpu.memory_space<vmem>> -> memref<1x64xf32, #tpu.memory_space<vmem>>
        %dma_wait3A_191 = arith.constant 0 : i32
        %dma_wait3A_192 = arith.constant 0 : i32
        %dma_wait3A_193 = tpu.memref_slice %arg5[%dma_wait3A_191, %dma_wait3A_192] : memref<1000000x64xf32, #tpu.memory_space<hbm>> -> memref<1x64xf32, #tpu.memory_space<hbm>>
        tpu.wait_dma2 semaphore(%arg15 : memref<!tpu.dma_semaphore, #tpu.memory_space<semaphore_mem>>) src(%dma_wait3A_193 : memref<1x64xf32, #tpu.memory_space<hbm>>) dst(%dma_wait3A_190 : memref<1x64xf32, #tpu.memory_space<vmem>>)
        %dma_wait3A_194 = arith.constant 0 : i32
        %dma_wait3A_195 = arith.constant 0 : i32
        %dma_wait3A_196 = tpu.memref_slice %arg11[%dma_wait3A_194, %dma_wait3A_195] : memref<104x64xf32, #tpu.memory_space<vmem>> -> memref<1x64xf32, #tpu.memory_space<vmem>>
        %dma_wait3A_197 = arith.constant 0 : i32
        %dma_wait3A_198 = arith.constant 0 : i32
        %dma_wait3A_199 = tpu.memref_slice %arg5[%dma_wait3A_197, %dma_wait3A_198] : memref<1000000x64xf32, #tpu.memory_space<hbm>> -> memref<1x64xf32, #tpu.memory_space<hbm>>
        %dma_wait3A_200 = arith.constant 0 : i32
        %dma_wait3A_201 = arith.constant 0 : i32
        %dma_wait3A_202 = tpu.memref_slice %arg11[%dma_wait3A_200, %dma_wait3A_201] : memref<104x64xf32, #tpu.memory_space<vmem>> -> memref<1x64xf32, #tpu.memory_space<vmem>>
        %dma_wait3A_203 = arith.constant 0 : i32
        %dma_wait3A_204 = arith.constant 0 : i32
        %dma_wait3A_205 = tpu.memref_slice %arg5[%dma_wait3A_203, %dma_wait3A_204] : memref<1000000x64xf32, #tpu.memory_space<hbm>> -> memref<1x64xf32, #tpu.memory_space<hbm>>
        tpu.wait_dma2 semaphore(%arg15 : memref<!tpu.dma_semaphore, #tpu.memory_space<semaphore_mem>>) src(%dma_wait3A_205 : memref<1x64xf32, #tpu.memory_space<hbm>>) dst(%dma_wait3A_202 : memref<1x64xf32, #tpu.memory_space<vmem>>)
        %dma_wait3A_206 = arith.constant 0 : i32
        %dma_wait3A_207 = arith.constant 0 : i32
        %dma_wait3A_208 = tpu.memref_slice %arg11[%dma_wait3A_206, %dma_wait3A_207] : memref<104x64xf32, #tpu.memory_space<vmem>> -> memref<1x64xf32, #tpu.memory_space<vmem>>
        %dma_wait3A_209 = arith.constant 0 : i32
        %dma_wait3A_210 = arith.constant 0 : i32
        %dma_wait3A_211 = tpu.memref_slice %arg5[%dma_wait3A_209, %dma_wait3A_210] : memref<1000000x64xf32, #tpu.memory_space<hbm>> -> memref<1x64xf32, #tpu.memory_space<hbm>>
        %dma_wait3A_212 = arith.constant 0 : i32
        %dma_wait3A_213 = arith.constant 0 : i32
        %dma_wait3A_214 = tpu.memref_slice %arg11[%dma_wait3A_212, %dma_wait3A_213] : memref<104x64xf32, #tpu.memory_space<vmem>> -> memref<1x64xf32, #tpu.memory_space<vmem>>
        %dma_wait3A_215 = arith.constant 0 : i32
        %dma_wait3A_216 = arith.constant 0 : i32
        %dma_wait3A_217 = tpu.memref_slice %arg5[%dma_wait3A_215, %dma_wait3A_216] : memref<1000000x64xf32, #tpu.memory_space<hbm>> -> memref<1x64xf32, #tpu.memory_space<hbm>>
        tpu.wait_dma2 semaphore(%arg15 : memref<!tpu.dma_semaphore, #tpu.memory_space<semaphore_mem>>) src(%dma_wait3A_217 : memref<1x64xf32, #tpu.memory_space<hbm>>) dst(%dma_wait3A_214 : memref<1x64xf32, #tpu.memory_space<vmem>>)
        %dma_wait3A_218 = arith.constant 0 : i32
        %dma_wait3A_219 = arith.constant 0 : i32
        %dma_wait3A_220 = tpu.memref_slice %arg11[%dma_wait3A_218, %dma_wait3A_219] : memref<104x64xf32, #tpu.memory_space<vmem>> -> memref<1x64xf32, #tpu.memory_space<vmem>>
        %dma_wait3A_221 = arith.constant 0 : i32
        %dma_wait3A_222 = arith.constant 0 : i32
        %dma_wait3A_223 = tpu.memref_slice %arg5[%dma_wait3A_221, %dma_wait3A_222] : memref<1000000x64xf32, #tpu.memory_space<hbm>> -> memref<1x64xf32, #tpu.memory_space<hbm>>
        %dma_wait3A_224 = arith.constant 0 : i32
        %dma_wait3A_225 = arith.constant 0 : i32
        %dma_wait3A_226 = tpu.memref_slice %arg11[%dma_wait3A_224, %dma_wait3A_225] : memref<104x64xf32, #tpu.memory_space<vmem>> -> memref<1x64xf32, #tpu.memory_space<vmem>>
        %dma_wait3A_227 = arith.constant 0 : i32
        %dma_wait3A_228 = arith.constant 0 : i32
        %dma_wait3A_229 = tpu.memref_slice %arg5[%dma_wait3A_227, %dma_wait3A_228] : memref<1000000x64xf32, #tpu.memory_space<hbm>> -> memref<1x64xf32, #tpu.memory_space<hbm>>
        tpu.wait_dma2 semaphore(%arg15 : memref<!tpu.dma_semaphore, #tpu.memory_space<semaphore_mem>>) src(%dma_wait3A_229 : memref<1x64xf32, #tpu.memory_space<hbm>>) dst(%dma_wait3A_226 : memref<1x64xf32, #tpu.memory_space<vmem>>)
        %dma_wait3A_230 = arith.constant 0 : i32
        %dma_wait3A_231 = arith.constant 0 : i32
        %dma_wait3A_232 = tpu.memref_slice %arg11[%dma_wait3A_230, %dma_wait3A_231] : memref<104x64xf32, #tpu.memory_space<vmem>> -> memref<1x64xf32, #tpu.memory_space<vmem>>
        %dma_wait3A_233 = arith.constant 0 : i32
        %dma_wait3A_234 = arith.constant 0 : i32
        %dma_wait3A_235 = tpu.memref_slice %arg5[%dma_wait3A_233, %dma_wait3A_234] : memref<1000000x64xf32, #tpu.memory_space<hbm>> -> memref<1x64xf32, #tpu.memory_space<hbm>>
        %dma_wait3A_236 = arith.constant 0 : i32
        %dma_wait3A_237 = arith.constant 0 : i32
        %dma_wait3A_238 = tpu.memref_slice %arg11[%dma_wait3A_236, %dma_wait3A_237] : memref<104x64xf32, #tpu.memory_space<vmem>> -> memref<1x64xf32, #tpu.memory_space<vmem>>
        %dma_wait3A_239 = arith.constant 0 : i32
        %dma_wait3A_240 = arith.constant 0 : i32
        %dma_wait3A_241 = tpu.memref_slice %arg5[%dma_wait3A_239, %dma_wait3A_240] : memref<1000000x64xf32, #tpu.memory_space<hbm>> -> memref<1x64xf32, #tpu.memory_space<hbm>>
        tpu.wait_dma2 semaphore(%arg15 : memref<!tpu.dma_semaphore, #tpu.memory_space<semaphore_mem>>) src(%dma_wait3A_241 : memref<1x64xf32, #tpu.memory_space<hbm>>) dst(%dma_wait3A_238 : memref<1x64xf32, #tpu.memory_space<vmem>>)
        %dma_wait3A_242 = arith.constant 0 : i32
        %dma_wait3A_243 = arith.constant 0 : i32
        %dma_wait3A_244 = tpu.memref_slice %arg11[%dma_wait3A_242, %dma_wait3A_243] : memref<104x64xf32, #tpu.memory_space<vmem>> -> memref<1x64xf32, #tpu.memory_space<vmem>>
        %dma_wait3A_245 = arith.constant 0 : i32
        %dma_wait3A_246 = arith.constant 0 : i32
        %dma_wait3A_247 = tpu.memref_slice %arg5[%dma_wait3A_245, %dma_wait3A_246] : memref<1000000x64xf32, #tpu.memory_space<hbm>> -> memref<1x64xf32, #tpu.memory_space<hbm>>
        %dma_wait3A_248 = arith.constant 0 : i32
        %dma_wait3A_249 = arith.constant 0 : i32
        %dma_wait3A_250 = tpu.memref_slice %arg11[%dma_wait3A_248, %dma_wait3A_249] : memref<104x64xf32, #tpu.memory_space<vmem>> -> memref<1x64xf32, #tpu.memory_space<vmem>>
        %dma_wait3A_251 = arith.constant 0 : i32
        %dma_wait3A_252 = arith.constant 0 : i32
        %dma_wait3A_253 = tpu.memref_slice %arg5[%dma_wait3A_251, %dma_wait3A_252] : memref<1000000x64xf32, #tpu.memory_space<hbm>> -> memref<1x64xf32, #tpu.memory_space<hbm>>
        tpu.wait_dma2 semaphore(%arg15 : memref<!tpu.dma_semaphore, #tpu.memory_space<semaphore_mem>>) src(%dma_wait3A_253 : memref<1x64xf32, #tpu.memory_space<hbm>>) dst(%dma_wait3A_250 : memref<1x64xf32, #tpu.memory_space<vmem>>)
        %dma_wait3A_254 = arith.constant 0 : i32
        %dma_wait3A_255 = arith.constant 0 : i32
        %dma_wait3A_256 = tpu.memref_slice %arg11[%dma_wait3A_254, %dma_wait3A_255] : memref<104x64xf32, #tpu.memory_space<vmem>> -> memref<1x64xf32, #tpu.memory_space<vmem>>
        %dma_wait3A_257 = arith.constant 0 : i32
        %dma_wait3A_258 = arith.constant 0 : i32
        %dma_wait3A_259 = tpu.memref_slice %arg5[%dma_wait3A_257, %dma_wait3A_258] : memref<1000000x64xf32, #tpu.memory_space<hbm>> -> memref<1x64xf32, #tpu.memory_space<hbm>>
        %dma_wait3A_260 = arith.constant 0 : i32
        %dma_wait3A_261 = arith.constant 0 : i32
        %dma_wait3A_262 = tpu.memref_slice %arg11[%dma_wait3A_260, %dma_wait3A_261] : memref<104x64xf32, #tpu.memory_space<vmem>> -> memref<1x64xf32, #tpu.memory_space<vmem>>
        %dma_wait3A_263 = arith.constant 0 : i32
        %dma_wait3A_264 = arith.constant 0 : i32
        %dma_wait3A_265 = tpu.memref_slice %arg5[%dma_wait3A_263, %dma_wait3A_264] : memref<1000000x64xf32, #tpu.memory_space<hbm>> -> memref<1x64xf32, #tpu.memory_space<hbm>>
        tpu.wait_dma2 semaphore(%arg15 : memref<!tpu.dma_semaphore, #tpu.memory_space<semaphore_mem>>) src(%dma_wait3A_265 : memref<1x64xf32, #tpu.memory_space<hbm>>) dst(%dma_wait3A_262 : memref<1x64xf32, #tpu.memory_space<vmem>>)
        %dma_wait3A_266 = arith.constant 0 : i32
        %dma_wait3A_267 = arith.constant 0 : i32
        %dma_wait3A_268 = tpu.memref_slice %arg11[%dma_wait3A_266, %dma_wait3A_267] : memref<104x64xf32, #tpu.memory_space<vmem>> -> memref<1x64xf32, #tpu.memory_space<vmem>>
        %dma_wait3A_269 = arith.constant 0 : i32
        %dma_wait3A_270 = arith.constant 0 : i32
        %dma_wait3A_271 = tpu.memref_slice %arg5[%dma_wait3A_269, %dma_wait3A_270] : memref<1000000x64xf32, #tpu.memory_space<hbm>> -> memref<1x64xf32, #tpu.memory_space<hbm>>
        %dma_wait3A_272 = arith.constant 0 : i32
        %dma_wait3A_273 = arith.constant 0 : i32
        %dma_wait3A_274 = tpu.memref_slice %arg11[%dma_wait3A_272, %dma_wait3A_273] : memref<104x64xf32, #tpu.memory_space<vmem>> -> memref<1x64xf32, #tpu.memory_space<vmem>>
        %dma_wait3A_275 = arith.constant 0 : i32
        %dma_wait3A_276 = arith.constant 0 : i32
        %dma_wait3A_277 = tpu.memref_slice %arg5[%dma_wait3A_275, %dma_wait3A_276] : memref<1000000x64xf32, #tpu.memory_space<hbm>> -> memref<1x64xf32, #tpu.memory_space<hbm>>
        tpu.wait_dma2 semaphore(%arg15 : memref<!tpu.dma_semaphore, #tpu.memory_space<semaphore_mem>>) src(%dma_wait3A_277 : memref<1x64xf32, #tpu.memory_space<hbm>>) dst(%dma_wait3A_274 : memref<1x64xf32, #tpu.memory_space<vmem>>)
        %dma_wait3A_278 = arith.constant 0 : i32
        %dma_wait3A_279 = arith.constant 0 : i32
        %dma_wait3A_280 = tpu.memref_slice %arg11[%dma_wait3A_278, %dma_wait3A_279] : memref<104x64xf32, #tpu.memory_space<vmem>> -> memref<1x64xf32, #tpu.memory_space<vmem>>
        %dma_wait3A_281 = arith.constant 0 : i32
        %dma_wait3A_282 = arith.constant 0 : i32
        %dma_wait3A_283 = tpu.memref_slice %arg5[%dma_wait3A_281, %dma_wait3A_282] : memref<1000000x64xf32, #tpu.memory_space<hbm>> -> memref<1x64xf32, #tpu.memory_space<hbm>>
        %dma_wait3A_284 = arith.constant 0 : i32
        %dma_wait3A_285 = arith.constant 0 : i32
        %dma_wait3A_286 = tpu.memref_slice %arg11[%dma_wait3A_284, %dma_wait3A_285] : memref<104x64xf32, #tpu.memory_space<vmem>> -> memref<1x64xf32, #tpu.memory_space<vmem>>
        %dma_wait3A_287 = arith.constant 0 : i32
        %dma_wait3A_288 = arith.constant 0 : i32
        %dma_wait3A_289 = tpu.memref_slice %arg5[%dma_wait3A_287, %dma_wait3A_288] : memref<1000000x64xf32, #tpu.memory_space<hbm>> -> memref<1x64xf32, #tpu.memory_space<hbm>>
        tpu.wait_dma2 semaphore(%arg15 : memref<!tpu.dma_semaphore, #tpu.memory_space<semaphore_mem>>) src(%dma_wait3A_289 : memref<1x64xf32, #tpu.memory_space<hbm>>) dst(%dma_wait3A_286 : memref<1x64xf32, #tpu.memory_space<vmem>>)
        %dma_wait3A_290 = arith.constant 0 : i32
        %dma_wait3A_291 = arith.constant 0 : i32
        %dma_wait3A_292 = tpu.memref_slice %arg11[%dma_wait3A_290, %dma_wait3A_291] : memref<104x64xf32, #tpu.memory_space<vmem>> -> memref<1x64xf32, #tpu.memory_space<vmem>>
        %dma_wait3A_293 = arith.constant 0 : i32
        %dma_wait3A_294 = arith.constant 0 : i32
        %dma_wait3A_295 = tpu.memref_slice %arg5[%dma_wait3A_293, %dma_wait3A_294] : memref<1000000x64xf32, #tpu.memory_space<hbm>> -> memref<1x64xf32, #tpu.memory_space<hbm>>
        %dma_wait3A_296 = arith.constant 0 : i32
        %dma_wait3A_297 = arith.constant 0 : i32
        %dma_wait3A_298 = tpu.memref_slice %arg11[%dma_wait3A_296, %dma_wait3A_297] : memref<104x64xf32, #tpu.memory_space<vmem>> -> memref<1x64xf32, #tpu.memory_space<vmem>>
        %dma_wait3A_299 = arith.constant 0 : i32
        %dma_wait3A_300 = arith.constant 0 : i32
        %dma_wait3A_301 = tpu.memref_slice %arg5[%dma_wait3A_299, %dma_wait3A_300] : memref<1000000x64xf32, #tpu.memory_space<hbm>> -> memref<1x64xf32, #tpu.memory_space<hbm>>
        tpu.wait_dma2 semaphore(%arg15 : memref<!tpu.dma_semaphore, #tpu.memory_space<semaphore_mem>>) src(%dma_wait3A_301 : memref<1x64xf32, #tpu.memory_space<hbm>>) dst(%dma_wait3A_298 : memref<1x64xf32, #tpu.memory_space<vmem>>)
        %dma_wait3A_302 = arith.constant 0 : i32
        %dma_wait3A_303 = arith.constant 0 : i32
        %dma_wait3A_304 = tpu.memref_slice %arg11[%dma_wait3A_302, %dma_wait3A_303] : memref<104x64xf32, #tpu.memory_space<vmem>> -> memref<1x64xf32, #tpu.memory_space<vmem>>
        %dma_wait3A_305 = arith.constant 0 : i32
        %dma_wait3A_306 = arith.constant 0 : i32
        %dma_wait3A_307 = tpu.memref_slice %arg5[%dma_wait3A_305, %dma_wait3A_306] : memref<1000000x64xf32, #tpu.memory_space<hbm>> -> memref<1x64xf32, #tpu.memory_space<hbm>>
        %dma_wait3A_308 = arith.constant 0 : i32
        %dma_wait3A_309 = arith.constant 0 : i32
        %dma_wait3A_310 = tpu.memref_slice %arg11[%dma_wait3A_308, %dma_wait3A_309] : memref<104x64xf32, #tpu.memory_space<vmem>> -> memref<1x64xf32, #tpu.memory_space<vmem>>
        %dma_wait3A_311 = arith.constant 0 : i32
        %dma_wait3A_312 = arith.constant 0 : i32
        %dma_wait3A_313 = tpu.memref_slice %arg5[%dma_wait3A_311, %dma_wait3A_312] : memref<1000000x64xf32, #tpu.memory_space<hbm>> -> memref<1x64xf32, #tpu.memory_space<hbm>>
        tpu.wait_dma2 semaphore(%arg15 : memref<!tpu.dma_semaphore, #tpu.memory_space<semaphore_mem>>) src(%dma_wait3A_313 : memref<1x64xf32, #tpu.memory_space<hbm>>) dst(%dma_wait3A_310 : memref<1x64xf32, #tpu.memory_space<vmem>>)
        %dma_wait3A_314 = arith.constant 0 : i32
        %dma_wait3A_315 = arith.constant 0 : i32
        %dma_wait3A_316 = tpu.memref_slice %arg11[%dma_wait3A_314, %dma_wait3A_315] : memref<104x64xf32, #tpu.memory_space<vmem>> -> memref<1x64xf32, #tpu.memory_space<vmem>>
        %dma_wait3A_317 = arith.constant 0 : i32
        %dma_wait3A_318 = arith.constant 0 : i32
        %dma_wait3A_319 = tpu.memref_slice %arg5[%dma_wait3A_317, %dma_wait3A_318] : memref<1000000x64xf32, #tpu.memory_space<hbm>> -> memref<1x64xf32, #tpu.memory_space<hbm>>
        %dma_wait3A_320 = arith.constant 0 : i32
        %dma_wait3A_321 = arith.constant 0 : i32
        %dma_wait3A_322 = tpu.memref_slice %arg11[%dma_wait3A_320, %dma_wait3A_321] : memref<104x64xf32, #tpu.memory_space<vmem>> -> memref<1x64xf32, #tpu.memory_space<vmem>>
        %dma_wait3A_323 = arith.constant 0 : i32
        %dma_wait3A_324 = arith.constant 0 : i32
        %dma_wait3A_325 = tpu.memref_slice %arg5[%dma_wait3A_323, %dma_wait3A_324] : memref<1000000x64xf32, #tpu.memory_space<hbm>> -> memref<1x64xf32, #tpu.memory_space<hbm>>
        tpu.wait_dma2 semaphore(%arg15 : memref<!tpu.dma_semaphore, #tpu.memory_space<semaphore_mem>>) src(%dma_wait3A_325 : memref<1x64xf32, #tpu.memory_space<hbm>>) dst(%dma_wait3A_322 : memref<1x64xf32, #tpu.memory_space<vmem>>)
        %dma_wait3A_326 = arith.constant 0 : i32
        %dma_wait3A_327 = arith.constant 0 : i32
        %dma_wait3A_328 = tpu.memref_slice %arg11[%dma_wait3A_326, %dma_wait3A_327] : memref<104x64xf32, #tpu.memory_space<vmem>> -> memref<1x64xf32, #tpu.memory_space<vmem>>
        %dma_wait3A_329 = arith.constant 0 : i32
        %dma_wait3A_330 = arith.constant 0 : i32
        %dma_wait3A_331 = tpu.memref_slice %arg5[%dma_wait3A_329, %dma_wait3A_330] : memref<1000000x64xf32, #tpu.memory_space<hbm>> -> memref<1x64xf32, #tpu.memory_space<hbm>>
        %dma_wait3A_332 = arith.constant 0 : i32
        %dma_wait3A_333 = arith.constant 0 : i32
        %dma_wait3A_334 = tpu.memref_slice %arg11[%dma_wait3A_332, %dma_wait3A_333] : memref<104x64xf32, #tpu.memory_space<vmem>> -> memref<1x64xf32, #tpu.memory_space<vmem>>
        %dma_wait3A_335 = arith.constant 0 : i32
        %dma_wait3A_336 = arith.constant 0 : i32
        %dma_wait3A_337 = tpu.memref_slice %arg5[%dma_wait3A_335, %dma_wait3A_336] : memref<1000000x64xf32, #tpu.memory_space<hbm>> -> memref<1x64xf32, #tpu.memory_space<hbm>>
        tpu.wait_dma2 semaphore(%arg15 : memref<!tpu.dma_semaphore, #tpu.memory_space<semaphore_mem>>) src(%dma_wait3A_337 : memref<1x64xf32, #tpu.memory_space<hbm>>) dst(%dma_wait3A_334 : memref<1x64xf32, #tpu.memory_space<vmem>>)
        %dma_wait3A_338 = arith.constant 0 : i32
        %dma_wait3A_339 = arith.constant 0 : i32
        %dma_wait3A_340 = tpu.memref_slice %arg11[%dma_wait3A_338, %dma_wait3A_339] : memref<104x64xf32, #tpu.memory_space<vmem>> -> memref<1x64xf32, #tpu.memory_space<vmem>>
        %dma_wait3A_341 = arith.constant 0 : i32
        %dma_wait3A_342 = arith.constant 0 : i32
        %dma_wait3A_343 = tpu.memref_slice %arg5[%dma_wait3A_341, %dma_wait3A_342] : memref<1000000x64xf32, #tpu.memory_space<hbm>> -> memref<1x64xf32, #tpu.memory_space<hbm>>
        %dma_wait3A_344 = arith.constant 0 : i32
        %dma_wait3A_345 = arith.constant 0 : i32
        %dma_wait3A_346 = tpu.memref_slice %arg11[%dma_wait3A_344, %dma_wait3A_345] : memref<104x64xf32, #tpu.memory_space<vmem>> -> memref<1x64xf32, #tpu.memory_space<vmem>>
        %dma_wait3A_347 = arith.constant 0 : i32
        %dma_wait3A_348 = arith.constant 0 : i32
        %dma_wait3A_349 = tpu.memref_slice %arg5[%dma_wait3A_347, %dma_wait3A_348] : memref<1000000x64xf32, #tpu.memory_space<hbm>> -> memref<1x64xf32, #tpu.memory_space<hbm>>
        tpu.wait_dma2 semaphore(%arg16 : memref<!tpu.dma_semaphore, #tpu.memory_space<semaphore_mem>>) src(%dma_wait3A_349 : memref<1x64xf32, #tpu.memory_space<hbm>>) dst(%dma_wait3A_346 : memref<1x64xf32, #tpu.memory_space<vmem>>)
        %dma_wait3A_350 = arith.constant 0 : i32
        %dma_wait3A_351 = arith.constant 0 : i32
        %dma_wait3A_352 = tpu.memref_slice %arg11[%dma_wait3A_350, %dma_wait3A_351] : memref<104x64xf32, #tpu.memory_space<vmem>> -> memref<1x64xf32, #tpu.memory_space<vmem>>
        %dma_wait3A_353 = arith.constant 0 : i32
        %dma_wait3A_354 = arith.constant 0 : i32
        %dma_wait3A_355 = tpu.memref_slice %arg5[%dma_wait3A_353, %dma_wait3A_354] : memref<1000000x64xf32, #tpu.memory_space<hbm>> -> memref<1x64xf32, #tpu.memory_space<hbm>>
        %dma_wait3A_356 = arith.constant 0 : i32
        %dma_wait3A_357 = arith.constant 0 : i32
        %dma_wait3A_358 = tpu.memref_slice %arg11[%dma_wait3A_356, %dma_wait3A_357] : memref<104x64xf32, #tpu.memory_space<vmem>> -> memref<1x64xf32, #tpu.memory_space<vmem>>
        %dma_wait3A_359 = arith.constant 0 : i32
        %dma_wait3A_360 = arith.constant 0 : i32
        %dma_wait3A_361 = tpu.memref_slice %arg5[%dma_wait3A_359, %dma_wait3A_360] : memref<1000000x64xf32, #tpu.memory_space<hbm>> -> memref<1x64xf32, #tpu.memory_space<hbm>>
        tpu.wait_dma2 semaphore(%arg16 : memref<!tpu.dma_semaphore, #tpu.memory_space<semaphore_mem>>) src(%dma_wait3A_361 : memref<1x64xf32, #tpu.memory_space<hbm>>) dst(%dma_wait3A_358 : memref<1x64xf32, #tpu.memory_space<vmem>>)
        %dma_wait3A_362 = arith.constant 0 : i32
        %dma_wait3A_363 = arith.constant 0 : i32
        %dma_wait3A_364 = tpu.memref_slice %arg11[%dma_wait3A_362, %dma_wait3A_363] : memref<104x64xf32, #tpu.memory_space<vmem>> -> memref<1x64xf32, #tpu.memory_space<vmem>>
        %dma_wait3A_365 = arith.constant 0 : i32
        %dma_wait3A_366 = arith.constant 0 : i32
        %dma_wait3A_367 = tpu.memref_slice %arg5[%dma_wait3A_365, %dma_wait3A_366] : memref<1000000x64xf32, #tpu.memory_space<hbm>> -> memref<1x64xf32, #tpu.memory_space<hbm>>
        %dma_wait3A_368 = arith.constant 0 : i32
        %dma_wait3A_369 = arith.constant 0 : i32
        %dma_wait3A_370 = tpu.memref_slice %arg11[%dma_wait3A_368, %dma_wait3A_369] : memref<104x64xf32, #tpu.memory_space<vmem>> -> memref<1x64xf32, #tpu.memory_space<vmem>>
        %dma_wait3A_371 = arith.constant 0 : i32
        %dma_wait3A_372 = arith.constant 0 : i32
        %dma_wait3A_373 = tpu.memref_slice %arg5[%dma_wait3A_371, %dma_wait3A_372] : memref<1000000x64xf32, #tpu.memory_space<hbm>> -> memref<1x64xf32, #tpu.memory_space<hbm>>
        tpu.wait_dma2 semaphore(%arg16 : memref<!tpu.dma_semaphore, #tpu.memory_space<semaphore_mem>>) src(%dma_wait3A_373 : memref<1x64xf32, #tpu.memory_space<hbm>>) dst(%dma_wait3A_370 : memref<1x64xf32, #tpu.memory_space<vmem>>)
        %dma_wait3A_374 = arith.constant 0 : i32
        %dma_wait3A_375 = arith.constant 0 : i32
        %dma_wait3A_376 = tpu.memref_slice %arg11[%dma_wait3A_374, %dma_wait3A_375] : memref<104x64xf32, #tpu.memory_space<vmem>> -> memref<1x64xf32, #tpu.memory_space<vmem>>
        %dma_wait3A_377 = arith.constant 0 : i32
        %dma_wait3A_378 = arith.constant 0 : i32
        %dma_wait3A_379 = tpu.memref_slice %arg5[%dma_wait3A_377, %dma_wait3A_378] : memref<1000000x64xf32, #tpu.memory_space<hbm>> -> memref<1x64xf32, #tpu.memory_space<hbm>>
        %dma_wait3A_380 = arith.constant 0 : i32
        %dma_wait3A_381 = arith.constant 0 : i32
        %dma_wait3A_382 = tpu.memref_slice %arg11[%dma_wait3A_380, %dma_wait3A_381] : memref<104x64xf32, #tpu.memory_space<vmem>> -> memref<1x64xf32, #tpu.memory_space<vmem>>
        %dma_wait3A_383 = arith.constant 0 : i32
        %dma_wait3A_384 = arith.constant 0 : i32
        %dma_wait3A_385 = tpu.memref_slice %arg5[%dma_wait3A_383, %dma_wait3A_384] : memref<1000000x64xf32, #tpu.memory_space<hbm>> -> memref<1x64xf32, #tpu.memory_space<hbm>>
        tpu.wait_dma2 semaphore(%arg16 : memref<!tpu.dma_semaphore, #tpu.memory_space<semaphore_mem>>) src(%dma_wait3A_385 : memref<1x64xf32, #tpu.memory_space<hbm>>) dst(%dma_wait3A_382 : memref<1x64xf32, #tpu.memory_space<vmem>>)
        %dma_wait3A_386 = arith.constant 0 : i32
        %dma_wait3A_387 = arith.constant 0 : i32
        %dma_wait3A_388 = tpu.memref_slice %arg11[%dma_wait3A_386, %dma_wait3A_387] : memref<104x64xf32, #tpu.memory_space<vmem>> -> memref<1x64xf32, #tpu.memory_space<vmem>>
        %dma_wait3A_389 = arith.constant 0 : i32
        %dma_wait3A_390 = arith.constant 0 : i32
        %dma_wait3A_391 = tpu.memref_slice %arg5[%dma_wait3A_389, %dma_wait3A_390] : memref<1000000x64xf32, #tpu.memory_space<hbm>> -> memref<1x64xf32, #tpu.memory_space<hbm>>
        %dma_wait3A_392 = arith.constant 0 : i32
        %dma_wait3A_393 = arith.constant 0 : i32
        %dma_wait3A_394 = tpu.memref_slice %arg11[%dma_wait3A_392, %dma_wait3A_393] : memref<104x64xf32, #tpu.memory_space<vmem>> -> memref<1x64xf32, #tpu.memory_space<vmem>>
        %dma_wait3A_395 = arith.constant 0 : i32
        %dma_wait3A_396 = arith.constant 0 : i32
        %dma_wait3A_397 = tpu.memref_slice %arg5[%dma_wait3A_395, %dma_wait3A_396] : memref<1000000x64xf32, #tpu.memory_space<hbm>> -> memref<1x64xf32, #tpu.memory_space<hbm>>
        tpu.wait_dma2 semaphore(%arg16 : memref<!tpu.dma_semaphore, #tpu.memory_space<semaphore_mem>>) src(%dma_wait3A_397 : memref<1x64xf32, #tpu.memory_space<hbm>>) dst(%dma_wait3A_394 : memref<1x64xf32, #tpu.memory_space<vmem>>)
        %dma_wait3A_398 = arith.constant 0 : i32
        %dma_wait3A_399 = arith.constant 0 : i32
        %dma_wait3A_400 = tpu.memref_slice %arg11[%dma_wait3A_398, %dma_wait3A_399] : memref<104x64xf32, #tpu.memory_space<vmem>> -> memref<1x64xf32, #tpu.memory_space<vmem>>
        %dma_wait3A_401 = arith.constant 0 : i32
        %dma_wait3A_402 = arith.constant 0 : i32
        %dma_wait3A_403 = tpu.memref_slice %arg5[%dma_wait3A_401, %dma_wait3A_402] : memref<1000000x64xf32, #tpu.memory_space<hbm>> -> memref<1x64xf32, #tpu.memory_space<hbm>>
        %dma_wait3A_404 = arith.constant 0 : i32
        %dma_wait3A_405 = arith.constant 0 : i32
        %dma_wait3A_406 = tpu.memref_slice %arg11[%dma_wait3A_404, %dma_wait3A_405] : memref<104x64xf32, #tpu.memory_space<vmem>> -> memref<1x64xf32, #tpu.memory_space<vmem>>
        %dma_wait3A_407 = arith.constant 0 : i32
        %dma_wait3A_408 = arith.constant 0 : i32
        %dma_wait3A_409 = tpu.memref_slice %arg5[%dma_wait3A_407, %dma_wait3A_408] : memref<1000000x64xf32, #tpu.memory_space<hbm>> -> memref<1x64xf32, #tpu.memory_space<hbm>>
        tpu.wait_dma2 semaphore(%arg16 : memref<!tpu.dma_semaphore, #tpu.memory_space<semaphore_mem>>) src(%dma_wait3A_409 : memref<1x64xf32, #tpu.memory_space<hbm>>) dst(%dma_wait3A_406 : memref<1x64xf32, #tpu.memory_space<vmem>>)
        %dma_wait3A_410 = arith.constant 0 : i32
        %dma_wait3A_411 = arith.constant 0 : i32
        %dma_wait3A_412 = tpu.memref_slice %arg11[%dma_wait3A_410, %dma_wait3A_411] : memref<104x64xf32, #tpu.memory_space<vmem>> -> memref<1x64xf32, #tpu.memory_space<vmem>>
        %dma_wait3A_413 = arith.constant 0 : i32
        %dma_wait3A_414 = arith.constant 0 : i32
        %dma_wait3A_415 = tpu.memref_slice %arg5[%dma_wait3A_413, %dma_wait3A_414] : memref<1000000x64xf32, #tpu.memory_space<hbm>> -> memref<1x64xf32, #tpu.memory_space<hbm>>
        %dma_wait3A_416 = arith.constant 0 : i32
        %dma_wait3A_417 = arith.constant 0 : i32
        %dma_wait3A_418 = tpu.memref_slice %arg11[%dma_wait3A_416, %dma_wait3A_417] : memref<104x64xf32, #tpu.memory_space<vmem>> -> memref<1x64xf32, #tpu.memory_space<vmem>>
        %dma_wait3A_419 = arith.constant 0 : i32
        %dma_wait3A_420 = arith.constant 0 : i32
        %dma_wait3A_421 = tpu.memref_slice %arg5[%dma_wait3A_419, %dma_wait3A_420] : memref<1000000x64xf32, #tpu.memory_space<hbm>> -> memref<1x64xf32, #tpu.memory_space<hbm>>
        tpu.wait_dma2 semaphore(%arg16 : memref<!tpu.dma_semaphore, #tpu.memory_space<semaphore_mem>>) src(%dma_wait3A_421 : memref<1x64xf32, #tpu.memory_space<hbm>>) dst(%dma_wait3A_418 : memref<1x64xf32, #tpu.memory_space<vmem>>)
        %dma_wait3A_422 = arith.constant 0 : i32
        %dma_wait3A_423 = arith.constant 0 : i32
        %dma_wait3A_424 = tpu.memref_slice %arg11[%dma_wait3A_422, %dma_wait3A_423] : memref<104x64xf32, #tpu.memory_space<vmem>> -> memref<1x64xf32, #tpu.memory_space<vmem>>
        %dma_wait3A_425 = arith.constant 0 : i32
        %dma_wait3A_426 = arith.constant 0 : i32
        %dma_wait3A_427 = tpu.memref_slice %arg5[%dma_wait3A_425, %dma_wait3A_426] : memref<1000000x64xf32, #tpu.memory_space<hbm>> -> memref<1x64xf32, #tpu.memory_space<hbm>>
        %dma_wait3A_428 = arith.constant 0 : i32
        %dma_wait3A_429 = arith.constant 0 : i32
        %dma_wait3A_430 = tpu.memref_slice %arg11[%dma_wait3A_428, %dma_wait3A_429] : memref<104x64xf32, #tpu.memory_space<vmem>> -> memref<1x64xf32, #tpu.memory_space<vmem>>
        %dma_wait3A_431 = arith.constant 0 : i32
        %dma_wait3A_432 = arith.constant 0 : i32
        %dma_wait3A_433 = tpu.memref_slice %arg5[%dma_wait3A_431, %dma_wait3A_432] : memref<1000000x64xf32, #tpu.memory_space<hbm>> -> memref<1x64xf32, #tpu.memory_space<hbm>>
        tpu.wait_dma2 semaphore(%arg16 : memref<!tpu.dma_semaphore, #tpu.memory_space<semaphore_mem>>) src(%dma_wait3A_433 : memref<1x64xf32, #tpu.memory_space<hbm>>) dst(%dma_wait3A_430 : memref<1x64xf32, #tpu.memory_space<vmem>>)
        %dma_wait3A_434 = arith.constant 0 : i32
        %dma_wait3A_435 = arith.constant 0 : i32
        %dma_wait3A_436 = tpu.memref_slice %arg11[%dma_wait3A_434, %dma_wait3A_435] : memref<104x64xf32, #tpu.memory_space<vmem>> -> memref<1x64xf32, #tpu.memory_space<vmem>>
        %dma_wait3A_437 = arith.constant 0 : i32
        %dma_wait3A_438 = arith.constant 0 : i32
        %dma_wait3A_439 = tpu.memref_slice %arg5[%dma_wait3A_437, %dma_wait3A_438] : memref<1000000x64xf32, #tpu.memory_space<hbm>> -> memref<1x64xf32, #tpu.memory_space<hbm>>
        %dma_wait3A_440 = arith.constant 0 : i32
        %dma_wait3A_441 = arith.constant 0 : i32
        %dma_wait3A_442 = tpu.memref_slice %arg11[%dma_wait3A_440, %dma_wait3A_441] : memref<104x64xf32, #tpu.memory_space<vmem>> -> memref<1x64xf32, #tpu.memory_space<vmem>>
        %dma_wait3A_443 = arith.constant 0 : i32
        %dma_wait3A_444 = arith.constant 0 : i32
        %dma_wait3A_445 = tpu.memref_slice %arg5[%dma_wait3A_443, %dma_wait3A_444] : memref<1000000x64xf32, #tpu.memory_space<hbm>> -> memref<1x64xf32, #tpu.memory_space<hbm>>
        tpu.wait_dma2 semaphore(%arg16 : memref<!tpu.dma_semaphore, #tpu.memory_space<semaphore_mem>>) src(%dma_wait3A_445 : memref<1x64xf32, #tpu.memory_space<hbm>>) dst(%dma_wait3A_442 : memref<1x64xf32, #tpu.memory_space<vmem>>)
        %dma_wait3A_446 = arith.constant 0 : i32
        %dma_wait3A_447 = arith.constant 0 : i32
        %dma_wait3A_448 = tpu.memref_slice %arg11[%dma_wait3A_446, %dma_wait3A_447] : memref<104x64xf32, #tpu.memory_space<vmem>> -> memref<1x64xf32, #tpu.memory_space<vmem>>
        %dma_wait3A_449 = arith.constant 0 : i32
        %dma_wait3A_450 = arith.constant 0 : i32
        %dma_wait3A_451 = tpu.memref_slice %arg5[%dma_wait3A_449, %dma_wait3A_450] : memref<1000000x64xf32, #tpu.memory_space<hbm>> -> memref<1x64xf32, #tpu.memory_space<hbm>>
        %dma_wait3A_452 = arith.constant 0 : i32
        %dma_wait3A_453 = arith.constant 0 : i32
        %dma_wait3A_454 = tpu.memref_slice %arg11[%dma_wait3A_452, %dma_wait3A_453] : memref<104x64xf32, #tpu.memory_space<vmem>> -> memref<1x64xf32, #tpu.memory_space<vmem>>
        %dma_wait3A_455 = arith.constant 0 : i32
        %dma_wait3A_456 = arith.constant 0 : i32
        %dma_wait3A_457 = tpu.memref_slice %arg5[%dma_wait3A_455, %dma_wait3A_456] : memref<1000000x64xf32, #tpu.memory_space<hbm>> -> memref<1x64xf32, #tpu.memory_space<hbm>>
        tpu.wait_dma2 semaphore(%arg16 : memref<!tpu.dma_semaphore, #tpu.memory_space<semaphore_mem>>) src(%dma_wait3A_457 : memref<1x64xf32, #tpu.memory_space<hbm>>) dst(%dma_wait3A_454 : memref<1x64xf32, #tpu.memory_space<vmem>>)
        %dma_wait3A_458 = arith.constant 0 : i32
        %dma_wait3A_459 = arith.constant 0 : i32
        %dma_wait3A_460 = tpu.memref_slice %arg11[%dma_wait3A_458, %dma_wait3A_459] : memref<104x64xf32, #tpu.memory_space<vmem>> -> memref<1x64xf32, #tpu.memory_space<vmem>>
        %dma_wait3A_461 = arith.constant 0 : i32
        %dma_wait3A_462 = arith.constant 0 : i32
        %dma_wait3A_463 = tpu.memref_slice %arg5[%dma_wait3A_461, %dma_wait3A_462] : memref<1000000x64xf32, #tpu.memory_space<hbm>> -> memref<1x64xf32, #tpu.memory_space<hbm>>
        %dma_wait3A_464 = arith.constant 0 : i32
        %dma_wait3A_465 = arith.constant 0 : i32
        %dma_wait3A_466 = tpu.memref_slice %arg11[%dma_wait3A_464, %dma_wait3A_465] : memref<104x64xf32, #tpu.memory_space<vmem>> -> memref<1x64xf32, #tpu.memory_space<vmem>>
        %dma_wait3A_467 = arith.constant 0 : i32
        %dma_wait3A_468 = arith.constant 0 : i32
        %dma_wait3A_469 = tpu.memref_slice %arg5[%dma_wait3A_467, %dma_wait3A_468] : memref<1000000x64xf32, #tpu.memory_space<hbm>> -> memref<1x64xf32, #tpu.memory_space<hbm>>
        tpu.wait_dma2 semaphore(%arg16 : memref<!tpu.dma_semaphore, #tpu.memory_space<semaphore_mem>>) src(%dma_wait3A_469 : memref<1x64xf32, #tpu.memory_space<hbm>>) dst(%dma_wait3A_466 : memref<1x64xf32, #tpu.memory_space<vmem>>)
        %dma_wait3A_470 = arith.constant 0 : i32
        %dma_wait3A_471 = arith.constant 0 : i32
        %dma_wait3A_472 = tpu.memref_slice %arg11[%dma_wait3A_470, %dma_wait3A_471] : memref<104x64xf32, #tpu.memory_space<vmem>> -> memref<1x64xf32, #tpu.memory_space<vmem>>
        %dma_wait3A_473 = arith.constant 0 : i32
        %dma_wait3A_474 = arith.constant 0 : i32
        %dma_wait3A_475 = tpu.memref_slice %arg5[%dma_wait3A_473, %dma_wait3A_474] : memref<1000000x64xf32, #tpu.memory_space<hbm>> -> memref<1x64xf32, #tpu.memory_space<hbm>>
        %dma_wait3A_476 = arith.constant 0 : i32
        %dma_wait3A_477 = arith.constant 0 : i32
        %dma_wait3A_478 = tpu.memref_slice %arg11[%dma_wait3A_476, %dma_wait3A_477] : memref<104x64xf32, #tpu.memory_space<vmem>> -> memref<1x64xf32, #tpu.memory_space<vmem>>
        %dma_wait3A_479 = arith.constant 0 : i32
        %dma_wait3A_480 = arith.constant 0 : i32
        %dma_wait3A_481 = tpu.memref_slice %arg5[%dma_wait3A_479, %dma_wait3A_480] : memref<1000000x64xf32, #tpu.memory_space<hbm>> -> memref<1x64xf32, #tpu.memory_space<hbm>>
        tpu.wait_dma2 semaphore(%arg16 : memref<!tpu.dma_semaphore, #tpu.memory_space<semaphore_mem>>) src(%dma_wait3A_481 : memref<1x64xf32, #tpu.memory_space<hbm>>) dst(%dma_wait3A_478 : memref<1x64xf32, #tpu.memory_space<vmem>>)
        %dma_wait3A_482 = arith.constant 0 : i32
        %dma_wait3A_483 = arith.constant 0 : i32
        %dma_wait3A_484 = tpu.memref_slice %arg11[%dma_wait3A_482, %dma_wait3A_483] : memref<104x64xf32, #tpu.memory_space<vmem>> -> memref<1x64xf32, #tpu.memory_space<vmem>>
        %dma_wait3A_485 = arith.constant 0 : i32
        %dma_wait3A_486 = arith.constant 0 : i32
        %dma_wait3A_487 = tpu.memref_slice %arg5[%dma_wait3A_485, %dma_wait3A_486] : memref<1000000x64xf32, #tpu.memory_space<hbm>> -> memref<1x64xf32, #tpu.memory_space<hbm>>
        %dma_wait3A_488 = arith.constant 0 : i32
        %dma_wait3A_489 = arith.constant 0 : i32
        %dma_wait3A_490 = tpu.memref_slice %arg11[%dma_wait3A_488, %dma_wait3A_489] : memref<104x64xf32, #tpu.memory_space<vmem>> -> memref<1x64xf32, #tpu.memory_space<vmem>>
        %dma_wait3A_491 = arith.constant 0 : i32
        %dma_wait3A_492 = arith.constant 0 : i32
        %dma_wait3A_493 = tpu.memref_slice %arg5[%dma_wait3A_491, %dma_wait3A_492] : memref<1000000x64xf32, #tpu.memory_space<hbm>> -> memref<1x64xf32, #tpu.memory_space<hbm>>
        tpu.wait_dma2 semaphore(%arg16 : memref<!tpu.dma_semaphore, #tpu.memory_space<semaphore_mem>>) src(%dma_wait3A_493 : memref<1x64xf32, #tpu.memory_space<hbm>>) dst(%dma_wait3A_490 : memref<1x64xf32, #tpu.memory_space<vmem>>)
        %dma_wait3A_494 = arith.constant 0 : i32
        %dma_wait3A_495 = arith.constant 0 : i32
        %dma_wait3A_496 = tpu.memref_slice %arg11[%dma_wait3A_494, %dma_wait3A_495] : memref<104x64xf32, #tpu.memory_space<vmem>> -> memref<1x64xf32, #tpu.memory_space<vmem>>
        %dma_wait3A_497 = arith.constant 0 : i32
        %dma_wait3A_498 = arith.constant 0 : i32
        %dma_wait3A_499 = tpu.memref_slice %arg5[%dma_wait3A_497, %dma_wait3A_498] : memref<1000000x64xf32, #tpu.memory_space<hbm>> -> memref<1x64xf32, #tpu.memory_space<hbm>>
        %dma_wait3A_500 = arith.constant 0 : i32
        %dma_wait3A_501 = arith.constant 0 : i32
        %dma_wait3A_502 = tpu.memref_slice %arg11[%dma_wait3A_500, %dma_wait3A_501] : memref<104x64xf32, #tpu.memory_space<vmem>> -> memref<1x64xf32, #tpu.memory_space<vmem>>
        %dma_wait3A_503 = arith.constant 0 : i32
        %dma_wait3A_504 = arith.constant 0 : i32
        %dma_wait3A_505 = tpu.memref_slice %arg5[%dma_wait3A_503, %dma_wait3A_504] : memref<1000000x64xf32, #tpu.memory_space<hbm>> -> memref<1x64xf32, #tpu.memory_space<hbm>>
        tpu.wait_dma2 semaphore(%arg16 : memref<!tpu.dma_semaphore, #tpu.memory_space<semaphore_mem>>) src(%dma_wait3A_505 : memref<1x64xf32, #tpu.memory_space<hbm>>) dst(%dma_wait3A_502 : memref<1x64xf32, #tpu.memory_space<vmem>>)
        %dma_wait3A_506 = arith.constant 0 : i32
        %dma_wait3A_507 = arith.constant 0 : i32
        %dma_wait3A_508 = tpu.memref_slice %arg11[%dma_wait3A_506, %dma_wait3A_507] : memref<104x64xf32, #tpu.memory_space<vmem>> -> memref<1x64xf32, #tpu.memory_space<vmem>>
        %dma_wait3A_509 = arith.constant 0 : i32
        %dma_wait3A_510 = arith.constant 0 : i32
        %dma_wait3A_511 = tpu.memref_slice %arg5[%dma_wait3A_509, %dma_wait3A_510] : memref<1000000x64xf32, #tpu.memory_space<hbm>> -> memref<1x64xf32, #tpu.memory_space<hbm>>
        %dma_wait3A_512 = arith.constant 0 : i32
        %dma_wait3A_513 = arith.constant 0 : i32
        %dma_wait3A_514 = tpu.memref_slice %arg11[%dma_wait3A_512, %dma_wait3A_513] : memref<104x64xf32, #tpu.memory_space<vmem>> -> memref<1x64xf32, #tpu.memory_space<vmem>>
        %dma_wait3A_515 = arith.constant 0 : i32
        %dma_wait3A_516 = arith.constant 0 : i32
        %dma_wait3A_517 = tpu.memref_slice %arg5[%dma_wait3A_515, %dma_wait3A_516] : memref<1000000x64xf32, #tpu.memory_space<hbm>> -> memref<1x64xf32, #tpu.memory_space<hbm>>
        tpu.wait_dma2 semaphore(%arg16 : memref<!tpu.dma_semaphore, #tpu.memory_space<semaphore_mem>>) src(%dma_wait3A_517 : memref<1x64xf32, #tpu.memory_space<hbm>>) dst(%dma_wait3A_514 : memref<1x64xf32, #tpu.memory_space<vmem>>)
        %dma_wait3A_518 = arith.constant 0 : i32
        %dma_wait3A_519 = arith.constant 0 : i32
        %dma_wait3A_520 = tpu.memref_slice %arg11[%dma_wait3A_518, %dma_wait3A_519] : memref<104x64xf32, #tpu.memory_space<vmem>> -> memref<1x64xf32, #tpu.memory_space<vmem>>
        %dma_wait3A_521 = arith.constant 0 : i32
        %dma_wait3A_522 = arith.constant 0 : i32
        %dma_wait3A_523 = tpu.memref_slice %arg5[%dma_wait3A_521, %dma_wait3A_522] : memref<1000000x64xf32, #tpu.memory_space<hbm>> -> memref<1x64xf32, #tpu.memory_space<hbm>>
        %dma_wait3A_524 = arith.constant 0 : i32
        %dma_wait3A_525 = arith.constant 0 : i32
        %dma_wait3A_526 = tpu.memref_slice %arg11[%dma_wait3A_524, %dma_wait3A_525] : memref<104x64xf32, #tpu.memory_space<vmem>> -> memref<1x64xf32, #tpu.memory_space<vmem>>
        %dma_wait3A_527 = arith.constant 0 : i32
        %dma_wait3A_528 = arith.constant 0 : i32
        %dma_wait3A_529 = tpu.memref_slice %arg5[%dma_wait3A_527, %dma_wait3A_528] : memref<1000000x64xf32, #tpu.memory_space<hbm>> -> memref<1x64xf32, #tpu.memory_space<hbm>>
        tpu.wait_dma2 semaphore(%arg16 : memref<!tpu.dma_semaphore, #tpu.memory_space<semaphore_mem>>) src(%dma_wait3A_529 : memref<1x64xf32, #tpu.memory_space<hbm>>) dst(%dma_wait3A_526 : memref<1x64xf32, #tpu.memory_space<vmem>>)
        %dma_wait3A_530 = arith.constant 0 : i32
        %dma_wait3A_531 = arith.constant 0 : i32
        %dma_wait3A_532 = tpu.memref_slice %arg11[%dma_wait3A_530, %dma_wait3A_531] : memref<104x64xf32, #tpu.memory_space<vmem>> -> memref<1x64xf32, #tpu.memory_space<vmem>>
        %dma_wait3A_533 = arith.constant 0 : i32
        %dma_wait3A_534 = arith.constant 0 : i32
        %dma_wait3A_535 = tpu.memref_slice %arg5[%dma_wait3A_533, %dma_wait3A_534] : memref<1000000x64xf32, #tpu.memory_space<hbm>> -> memref<1x64xf32, #tpu.memory_space<hbm>>
        %dma_wait3A_536 = arith.constant 0 : i32
        %dma_wait3A_537 = arith.constant 0 : i32
        %dma_wait3A_538 = tpu.memref_slice %arg11[%dma_wait3A_536, %dma_wait3A_537] : memref<104x64xf32, #tpu.memory_space<vmem>> -> memref<1x64xf32, #tpu.memory_space<vmem>>
        %dma_wait3A_539 = arith.constant 0 : i32
        %dma_wait3A_540 = arith.constant 0 : i32
        %dma_wait3A_541 = tpu.memref_slice %arg5[%dma_wait3A_539, %dma_wait3A_540] : memref<1000000x64xf32, #tpu.memory_space<hbm>> -> memref<1x64xf32, #tpu.memory_space<hbm>>
        tpu.wait_dma2 semaphore(%arg16 : memref<!tpu.dma_semaphore, #tpu.memory_space<semaphore_mem>>) src(%dma_wait3A_541 : memref<1x64xf32, #tpu.memory_space<hbm>>) dst(%dma_wait3A_538 : memref<1x64xf32, #tpu.memory_space<vmem>>)
        %dma_wait3A_542 = arith.constant 0 : i32
        %dma_wait3A_543 = arith.constant 0 : i32
        %dma_wait3A_544 = tpu.memref_slice %arg11[%dma_wait3A_542, %dma_wait3A_543] : memref<104x64xf32, #tpu.memory_space<vmem>> -> memref<1x64xf32, #tpu.memory_space<vmem>>
        %dma_wait3A_545 = arith.constant 0 : i32
        %dma_wait3A_546 = arith.constant 0 : i32
        %dma_wait3A_547 = tpu.memref_slice %arg5[%dma_wait3A_545, %dma_wait3A_546] : memref<1000000x64xf32, #tpu.memory_space<hbm>> -> memref<1x64xf32, #tpu.memory_space<hbm>>
        %dma_wait3A_548 = arith.constant 0 : i32
        %dma_wait3A_549 = arith.constant 0 : i32
        %dma_wait3A_550 = tpu.memref_slice %arg11[%dma_wait3A_548, %dma_wait3A_549] : memref<104x64xf32, #tpu.memory_space<vmem>> -> memref<1x64xf32, #tpu.memory_space<vmem>>
        %dma_wait3A_551 = arith.constant 0 : i32
        %dma_wait3A_552 = arith.constant 0 : i32
        %dma_wait3A_553 = tpu.memref_slice %arg5[%dma_wait3A_551, %dma_wait3A_552] : memref<1000000x64xf32, #tpu.memory_space<hbm>> -> memref<1x64xf32, #tpu.memory_space<hbm>>
        tpu.wait_dma2 semaphore(%arg16 : memref<!tpu.dma_semaphore, #tpu.memory_space<semaphore_mem>>) src(%dma_wait3A_553 : memref<1x64xf32, #tpu.memory_space<hbm>>) dst(%dma_wait3A_550 : memref<1x64xf32, #tpu.memory_space<vmem>>)
        %dma_wait3A_554 = arith.constant 0 : i32
        %dma_wait3A_555 = arith.constant 0 : i32
        %dma_wait3A_556 = tpu.memref_slice %arg11[%dma_wait3A_554, %dma_wait3A_555] : memref<104x64xf32, #tpu.memory_space<vmem>> -> memref<1x64xf32, #tpu.memory_space<vmem>>
        %dma_wait3A_557 = arith.constant 0 : i32
        %dma_wait3A_558 = arith.constant 0 : i32
        %dma_wait3A_559 = tpu.memref_slice %arg5[%dma_wait3A_557, %dma_wait3A_558] : memref<1000000x64xf32, #tpu.memory_space<hbm>> -> memref<1x64xf32, #tpu.memory_space<hbm>>
        %dma_wait3A_560 = arith.constant 0 : i32
        %dma_wait3A_561 = arith.constant 0 : i32
        %dma_wait3A_562 = tpu.memref_slice %arg11[%dma_wait3A_560, %dma_wait3A_561] : memref<104x64xf32, #tpu.memory_space<vmem>> -> memref<1x64xf32, #tpu.memory_space<vmem>>
        %dma_wait3A_563 = arith.constant 0 : i32
        %dma_wait3A_564 = arith.constant 0 : i32
        %dma_wait3A_565 = tpu.memref_slice %arg5[%dma_wait3A_563, %dma_wait3A_564] : memref<1000000x64xf32, #tpu.memory_space<hbm>> -> memref<1x64xf32, #tpu.memory_space<hbm>>
        tpu.wait_dma2 semaphore(%arg16 : memref<!tpu.dma_semaphore, #tpu.memory_space<semaphore_mem>>) src(%dma_wait3A_565 : memref<1x64xf32, #tpu.memory_space<hbm>>) dst(%dma_wait3A_562 : memref<1x64xf32, #tpu.memory_space<vmem>>)
        %dma_wait3A_566 = arith.constant 0 : i32
        %dma_wait3A_567 = arith.constant 0 : i32
        %dma_wait3A_568 = tpu.memref_slice %arg11[%dma_wait3A_566, %dma_wait3A_567] : memref<104x64xf32, #tpu.memory_space<vmem>> -> memref<1x64xf32, #tpu.memory_space<vmem>>
        %dma_wait3A_569 = arith.constant 0 : i32
        %dma_wait3A_570 = arith.constant 0 : i32
        %dma_wait3A_571 = tpu.memref_slice %arg5[%dma_wait3A_569, %dma_wait3A_570] : memref<1000000x64xf32, #tpu.memory_space<hbm>> -> memref<1x64xf32, #tpu.memory_space<hbm>>
        %dma_wait3A_572 = arith.constant 0 : i32
        %dma_wait3A_573 = arith.constant 0 : i32
        %dma_wait3A_574 = tpu.memref_slice %arg11[%dma_wait3A_572, %dma_wait3A_573] : memref<104x64xf32, #tpu.memory_space<vmem>> -> memref<1x64xf32, #tpu.memory_space<vmem>>
        %dma_wait3A_575 = arith.constant 0 : i32
        %dma_wait3A_576 = arith.constant 0 : i32
        %dma_wait3A_577 = tpu.memref_slice %arg5[%dma_wait3A_575, %dma_wait3A_576] : memref<1000000x64xf32, #tpu.memory_space<hbm>> -> memref<1x64xf32, #tpu.memory_space<hbm>>
        tpu.wait_dma2 semaphore(%arg16 : memref<!tpu.dma_semaphore, #tpu.memory_space<semaphore_mem>>) src(%dma_wait3A_577 : memref<1x64xf32, #tpu.memory_space<hbm>>) dst(%dma_wait3A_574 : memref<1x64xf32, #tpu.memory_space<vmem>>)
        %dma_wait3A_578 = arith.constant 0 : i32
        %dma_wait3A_579 = arith.constant 0 : i32
        %dma_wait3A_580 = tpu.memref_slice %arg11[%dma_wait3A_578, %dma_wait3A_579] : memref<104x64xf32, #tpu.memory_space<vmem>> -> memref<1x64xf32, #tpu.memory_space<vmem>>
        %dma_wait3A_581 = arith.constant 0 : i32
        %dma_wait3A_582 = arith.constant 0 : i32
        %dma_wait3A_583 = tpu.memref_slice %arg5[%dma_wait3A_581, %dma_wait3A_582] : memref<1000000x64xf32, #tpu.memory_space<hbm>> -> memref<1x64xf32, #tpu.memory_space<hbm>>
        %dma_wait3A_584 = arith.constant 0 : i32
        %dma_wait3A_585 = arith.constant 0 : i32
        %dma_wait3A_586 = tpu.memref_slice %arg11[%dma_wait3A_584, %dma_wait3A_585] : memref<104x64xf32, #tpu.memory_space<vmem>> -> memref<1x64xf32, #tpu.memory_space<vmem>>
        %dma_wait3A_587 = arith.constant 0 : i32
        %dma_wait3A_588 = arith.constant 0 : i32
        %dma_wait3A_589 = tpu.memref_slice %arg5[%dma_wait3A_587, %dma_wait3A_588] : memref<1000000x64xf32, #tpu.memory_space<hbm>> -> memref<1x64xf32, #tpu.memory_space<hbm>>
        tpu.wait_dma2 semaphore(%arg16 : memref<!tpu.dma_semaphore, #tpu.memory_space<semaphore_mem>>) src(%dma_wait3A_589 : memref<1x64xf32, #tpu.memory_space<hbm>>) dst(%dma_wait3A_586 : memref<1x64xf32, #tpu.memory_space<vmem>>)
        %dma_wait3A_590 = arith.constant 0 : i32
        %dma_wait3A_591 = arith.constant 0 : i32
        %dma_wait3A_592 = tpu.memref_slice %arg11[%dma_wait3A_590, %dma_wait3A_591] : memref<104x64xf32, #tpu.memory_space<vmem>> -> memref<1x64xf32, #tpu.memory_space<vmem>>
        %dma_wait3A_593 = arith.constant 0 : i32
        %dma_wait3A_594 = arith.constant 0 : i32
        %dma_wait3A_595 = tpu.memref_slice %arg5[%dma_wait3A_593, %dma_wait3A_594] : memref<1000000x64xf32, #tpu.memory_space<hbm>> -> memref<1x64xf32, #tpu.memory_space<hbm>>
        %dma_wait3A_596 = arith.constant 0 : i32
        %dma_wait3A_597 = arith.constant 0 : i32
        %dma_wait3A_598 = tpu.memref_slice %arg11[%dma_wait3A_596, %dma_wait3A_597] : memref<104x64xf32, #tpu.memory_space<vmem>> -> memref<1x64xf32, #tpu.memory_space<vmem>>
        %dma_wait3A_599 = arith.constant 0 : i32
        %dma_wait3A_600 = arith.constant 0 : i32
        %dma_wait3A_601 = tpu.memref_slice %arg5[%dma_wait3A_599, %dma_wait3A_600] : memref<1000000x64xf32, #tpu.memory_space<hbm>> -> memref<1x64xf32, #tpu.memory_space<hbm>>
        tpu.wait_dma2 semaphore(%arg16 : memref<!tpu.dma_semaphore, #tpu.memory_space<semaphore_mem>>) src(%dma_wait3A_601 : memref<1x64xf32, #tpu.memory_space<hbm>>) dst(%dma_wait3A_598 : memref<1x64xf32, #tpu.memory_space<vmem>>)
        %dma_wait3A_602 = arith.constant 0 : i32
        %dma_wait3A_603 = arith.constant 0 : i32
        %dma_wait3A_604 = tpu.memref_slice %arg11[%dma_wait3A_602, %dma_wait3A_603] : memref<104x64xf32, #tpu.memory_space<vmem>> -> memref<1x64xf32, #tpu.memory_space<vmem>>
        %dma_wait3A_605 = arith.constant 0 : i32
        %dma_wait3A_606 = arith.constant 0 : i32
        %dma_wait3A_607 = tpu.memref_slice %arg5[%dma_wait3A_605, %dma_wait3A_606] : memref<1000000x64xf32, #tpu.memory_space<hbm>> -> memref<1x64xf32, #tpu.memory_space<hbm>>
        %dma_wait3A_608 = arith.constant 0 : i32
        %dma_wait3A_609 = arith.constant 0 : i32
        %dma_wait3A_610 = tpu.memref_slice %arg11[%dma_wait3A_608, %dma_wait3A_609] : memref<104x64xf32, #tpu.memory_space<vmem>> -> memref<1x64xf32, #tpu.memory_space<vmem>>
        %dma_wait3A_611 = arith.constant 0 : i32
        %dma_wait3A_612 = arith.constant 0 : i32
        %dma_wait3A_613 = tpu.memref_slice %arg5[%dma_wait3A_611, %dma_wait3A_612] : memref<1000000x64xf32, #tpu.memory_space<hbm>> -> memref<1x64xf32, #tpu.memory_space<hbm>>
        tpu.wait_dma2 semaphore(%arg16 : memref<!tpu.dma_semaphore, #tpu.memory_space<semaphore_mem>>) src(%dma_wait3A_613 : memref<1x64xf32, #tpu.memory_space<hbm>>) dst(%dma_wait3A_610 : memref<1x64xf32, #tpu.memory_space<vmem>>)
        %dma_wait3A_614 = arith.constant 0 : i32
        %dma_wait3A_615 = arith.constant 0 : i32
        %dma_wait3A_616 = tpu.memref_slice %arg11[%dma_wait3A_614, %dma_wait3A_615] : memref<104x64xf32, #tpu.memory_space<vmem>> -> memref<1x64xf32, #tpu.memory_space<vmem>>
        %dma_wait3A_617 = arith.constant 0 : i32
        %dma_wait3A_618 = arith.constant 0 : i32
        %dma_wait3A_619 = tpu.memref_slice %arg5[%dma_wait3A_617, %dma_wait3A_618] : memref<1000000x64xf32, #tpu.memory_space<hbm>> -> memref<1x64xf32, #tpu.memory_space<hbm>>
        %dma_wait3A_620 = arith.constant 0 : i32
        %dma_wait3A_621 = arith.constant 0 : i32
        %dma_wait3A_622 = tpu.memref_slice %arg11[%dma_wait3A_620, %dma_wait3A_621] : memref<104x64xf32, #tpu.memory_space<vmem>> -> memref<1x64xf32, #tpu.memory_space<vmem>>
        %dma_wait3A_623 = arith.constant 0 : i32
        %dma_wait3A_624 = arith.constant 0 : i32
        %dma_wait3A_625 = tpu.memref_slice %arg5[%dma_wait3A_623, %dma_wait3A_624] : memref<1000000x64xf32, #tpu.memory_space<hbm>> -> memref<1x64xf32, #tpu.memory_space<hbm>>
        tpu.wait_dma2 semaphore(%arg16 : memref<!tpu.dma_semaphore, #tpu.memory_space<semaphore_mem>>) src(%dma_wait3A_625 : memref<1x64xf32, #tpu.memory_space<hbm>>) dst(%dma_wait3A_622 : memref<1x64xf32, #tpu.memory_space<vmem>>)
        %dma_wait3A_626 = arith.constant 0 : i32
        %dma_wait3A_627 = arith.constant 0 : i32
        %dma_wait3A_628 = tpu.memref_slice %arg11[%dma_wait3A_626, %dma_wait3A_627] : memref<104x64xf32, #tpu.memory_space<vmem>> -> memref<1x64xf32, #tpu.memory_space<vmem>>
        %dma_wait3A_629 = arith.constant 0 : i32
        %dma_wait3A_630 = arith.constant 0 : i32
        %dma_wait3A_631 = tpu.memref_slice %arg5[%dma_wait3A_629, %dma_wait3A_630] : memref<1000000x64xf32, #tpu.memory_space<hbm>> -> memref<1x64xf32, #tpu.memory_space<hbm>>
        %dma_wait3A_632 = arith.constant 0 : i32
        %dma_wait3A_633 = arith.constant 0 : i32
        %dma_wait3A_634 = tpu.memref_slice %arg11[%dma_wait3A_632, %dma_wait3A_633] : memref<104x64xf32, #tpu.memory_space<vmem>> -> memref<1x64xf32, #tpu.memory_space<vmem>>
        %dma_wait3A_635 = arith.constant 0 : i32
        %dma_wait3A_636 = arith.constant 0 : i32
        %dma_wait3A_637 = tpu.memref_slice %arg5[%dma_wait3A_635, %dma_wait3A_636] : memref<1000000x64xf32, #tpu.memory_space<hbm>> -> memref<1x64xf32, #tpu.memory_space<hbm>>
        tpu.wait_dma2 semaphore(%arg16 : memref<!tpu.dma_semaphore, #tpu.memory_space<semaphore_mem>>) src(%dma_wait3A_637 : memref<1x64xf32, #tpu.memory_space<hbm>>) dst(%dma_wait3A_634 : memref<1x64xf32, #tpu.memory_space<vmem>>)
        %dma_wait3A_638 = arith.constant 0 : i32
        %dma_wait3A_639 = arith.constant 0 : i32
        %dma_wait3A_640 = tpu.memref_slice %arg11[%dma_wait3A_638, %dma_wait3A_639] : memref<104x64xf32, #tpu.memory_space<vmem>> -> memref<1x64xf32, #tpu.memory_space<vmem>>
        %dma_wait3A_641 = arith.constant 0 : i32
        %dma_wait3A_642 = arith.constant 0 : i32
        %dma_wait3A_643 = tpu.memref_slice %arg5[%dma_wait3A_641, %dma_wait3A_642] : memref<1000000x64xf32, #tpu.memory_space<hbm>> -> memref<1x64xf32, #tpu.memory_space<hbm>>
        %dma_wait3A_644 = arith.constant 0 : i32
        %dma_wait3A_645 = arith.constant 0 : i32
        %dma_wait3A_646 = tpu.memref_slice %arg11[%dma_wait3A_644, %dma_wait3A_645] : memref<104x64xf32, #tpu.memory_space<vmem>> -> memref<1x64xf32, #tpu.memory_space<vmem>>
        %dma_wait3A_647 = arith.constant 0 : i32
        %dma_wait3A_648 = arith.constant 0 : i32
        %dma_wait3A_649 = tpu.memref_slice %arg5[%dma_wait3A_647, %dma_wait3A_648] : memref<1000000x64xf32, #tpu.memory_space<hbm>> -> memref<1x64xf32, #tpu.memory_space<hbm>>
        tpu.wait_dma2 semaphore(%arg16 : memref<!tpu.dma_semaphore, #tpu.memory_space<semaphore_mem>>) src(%dma_wait3A_649 : memref<1x64xf32, #tpu.memory_space<hbm>>) dst(%dma_wait3A_646 : memref<1x64xf32, #tpu.memory_space<vmem>>)
        %dma_wait3A_650 = arith.constant 0 : i32
        %dma_wait3A_651 = arith.constant 0 : i32
        %dma_wait3A_652 = tpu.memref_slice %arg11[%dma_wait3A_650, %dma_wait3A_651] : memref<104x64xf32, #tpu.memory_space<vmem>> -> memref<1x64xf32, #tpu.memory_space<vmem>>
        %dma_wait3A_653 = arith.constant 0 : i32
        %dma_wait3A_654 = arith.constant 0 : i32
        %dma_wait3A_655 = tpu.memref_slice %arg5[%dma_wait3A_653, %dma_wait3A_654] : memref<1000000x64xf32, #tpu.memory_space<hbm>> -> memref<1x64xf32, #tpu.memory_space<hbm>>
        %dma_wait3A_656 = arith.constant 0 : i32
        %dma_wait3A_657 = arith.constant 0 : i32
        %dma_wait3A_658 = tpu.memref_slice %arg11[%dma_wait3A_656, %dma_wait3A_657] : memref<104x64xf32, #tpu.memory_space<vmem>> -> memref<1x64xf32, #tpu.memory_space<vmem>>
        %dma_wait3A_659 = arith.constant 0 : i32
        %dma_wait3A_660 = arith.constant 0 : i32
        %dma_wait3A_661 = tpu.memref_slice %arg5[%dma_wait3A_659, %dma_wait3A_660] : memref<1000000x64xf32, #tpu.memory_space<hbm>> -> memref<1x64xf32, #tpu.memory_space<hbm>>
        tpu.wait_dma2 semaphore(%arg17 : memref<!tpu.dma_semaphore, #tpu.memory_space<semaphore_mem>>) src(%dma_wait3A_661 : memref<1x64xf32, #tpu.memory_space<hbm>>) dst(%dma_wait3A_658 : memref<1x64xf32, #tpu.memory_space<vmem>>)
        %dma_wait3A_662 = arith.constant 0 : i32
        %dma_wait3A_663 = arith.constant 0 : i32
        %dma_wait3A_664 = tpu.memref_slice %arg11[%dma_wait3A_662, %dma_wait3A_663] : memref<104x64xf32, #tpu.memory_space<vmem>> -> memref<1x64xf32, #tpu.memory_space<vmem>>
        %dma_wait3A_665 = arith.constant 0 : i32
        %dma_wait3A_666 = arith.constant 0 : i32
        %dma_wait3A_667 = tpu.memref_slice %arg5[%dma_wait3A_665, %dma_wait3A_666] : memref<1000000x64xf32, #tpu.memory_space<hbm>> -> memref<1x64xf32, #tpu.memory_space<hbm>>
        %dma_wait3A_668 = arith.constant 0 : i32
        %dma_wait3A_669 = arith.constant 0 : i32
        %dma_wait3A_670 = tpu.memref_slice %arg11[%dma_wait3A_668, %dma_wait3A_669] : memref<104x64xf32, #tpu.memory_space<vmem>> -> memref<1x64xf32, #tpu.memory_space<vmem>>
        %dma_wait3A_671 = arith.constant 0 : i32
        %dma_wait3A_672 = arith.constant 0 : i32
        %dma_wait3A_673 = tpu.memref_slice %arg5[%dma_wait3A_671, %dma_wait3A_672] : memref<1000000x64xf32, #tpu.memory_space<hbm>> -> memref<1x64xf32, #tpu.memory_space<hbm>>
        tpu.wait_dma2 semaphore(%arg17 : memref<!tpu.dma_semaphore, #tpu.memory_space<semaphore_mem>>) src(%dma_wait3A_673 : memref<1x64xf32, #tpu.memory_space<hbm>>) dst(%dma_wait3A_670 : memref<1x64xf32, #tpu.memory_space<vmem>>)
        %dma_wait3A_674 = arith.constant 0 : i32
        %dma_wait3A_675 = arith.constant 0 : i32
        %dma_wait3A_676 = tpu.memref_slice %arg11[%dma_wait3A_674, %dma_wait3A_675] : memref<104x64xf32, #tpu.memory_space<vmem>> -> memref<1x64xf32, #tpu.memory_space<vmem>>
        %dma_wait3A_677 = arith.constant 0 : i32
        %dma_wait3A_678 = arith.constant 0 : i32
        %dma_wait3A_679 = tpu.memref_slice %arg5[%dma_wait3A_677, %dma_wait3A_678] : memref<1000000x64xf32, #tpu.memory_space<hbm>> -> memref<1x64xf32, #tpu.memory_space<hbm>>
        %dma_wait3A_680 = arith.constant 0 : i32
        %dma_wait3A_681 = arith.constant 0 : i32
        %dma_wait3A_682 = tpu.memref_slice %arg11[%dma_wait3A_680, %dma_wait3A_681] : memref<104x64xf32, #tpu.memory_space<vmem>> -> memref<1x64xf32, #tpu.memory_space<vmem>>
        %dma_wait3A_683 = arith.constant 0 : i32
        %dma_wait3A_684 = arith.constant 0 : i32
        %dma_wait3A_685 = tpu.memref_slice %arg5[%dma_wait3A_683, %dma_wait3A_684] : memref<1000000x64xf32, #tpu.memory_space<hbm>> -> memref<1x64xf32, #tpu.memory_space<hbm>>
        tpu.wait_dma2 semaphore(%arg17 : memref<!tpu.dma_semaphore, #tpu.memory_space<semaphore_mem>>) src(%dma_wait3A_685 : memref<1x64xf32, #tpu.memory_space<hbm>>) dst(%dma_wait3A_682 : memref<1x64xf32, #tpu.memory_space<vmem>>)
        %dma_wait3A_686 = arith.constant 0 : i32
        %dma_wait3A_687 = arith.constant 0 : i32
        %dma_wait3A_688 = tpu.memref_slice %arg11[%dma_wait3A_686, %dma_wait3A_687] : memref<104x64xf32, #tpu.memory_space<vmem>> -> memref<1x64xf32, #tpu.memory_space<vmem>>
        %dma_wait3A_689 = arith.constant 0 : i32
        %dma_wait3A_690 = arith.constant 0 : i32
        %dma_wait3A_691 = tpu.memref_slice %arg5[%dma_wait3A_689, %dma_wait3A_690] : memref<1000000x64xf32, #tpu.memory_space<hbm>> -> memref<1x64xf32, #tpu.memory_space<hbm>>
        %dma_wait3A_692 = arith.constant 0 : i32
        %dma_wait3A_693 = arith.constant 0 : i32
        %dma_wait3A_694 = tpu.memref_slice %arg11[%dma_wait3A_692, %dma_wait3A_693] : memref<104x64xf32, #tpu.memory_space<vmem>> -> memref<1x64xf32, #tpu.memory_space<vmem>>
        %dma_wait3A_695 = arith.constant 0 : i32
        %dma_wait3A_696 = arith.constant 0 : i32
        %dma_wait3A_697 = tpu.memref_slice %arg5[%dma_wait3A_695, %dma_wait3A_696] : memref<1000000x64xf32, #tpu.memory_space<hbm>> -> memref<1x64xf32, #tpu.memory_space<hbm>>
        tpu.wait_dma2 semaphore(%arg17 : memref<!tpu.dma_semaphore, #tpu.memory_space<semaphore_mem>>) src(%dma_wait3A_697 : memref<1x64xf32, #tpu.memory_space<hbm>>) dst(%dma_wait3A_694 : memref<1x64xf32, #tpu.memory_space<vmem>>)
        %dma_wait3A_698 = arith.constant 0 : i32
        %dma_wait3A_699 = arith.constant 0 : i32
        %dma_wait3A_700 = tpu.memref_slice %arg11[%dma_wait3A_698, %dma_wait3A_699] : memref<104x64xf32, #tpu.memory_space<vmem>> -> memref<1x64xf32, #tpu.memory_space<vmem>>
        %dma_wait3A_701 = arith.constant 0 : i32
        %dma_wait3A_702 = arith.constant 0 : i32
        %dma_wait3A_703 = tpu.memref_slice %arg5[%dma_wait3A_701, %dma_wait3A_702] : memref<1000000x64xf32, #tpu.memory_space<hbm>> -> memref<1x64xf32, #tpu.memory_space<hbm>>
        %dma_wait3A_704 = arith.constant 0 : i32
        %dma_wait3A_705 = arith.constant 0 : i32
        %dma_wait3A_706 = tpu.memref_slice %arg11[%dma_wait3A_704, %dma_wait3A_705] : memref<104x64xf32, #tpu.memory_space<vmem>> -> memref<1x64xf32, #tpu.memory_space<vmem>>
        %dma_wait3A_707 = arith.constant 0 : i32
        %dma_wait3A_708 = arith.constant 0 : i32
        %dma_wait3A_709 = tpu.memref_slice %arg5[%dma_wait3A_707, %dma_wait3A_708] : memref<1000000x64xf32, #tpu.memory_space<hbm>> -> memref<1x64xf32, #tpu.memory_space<hbm>>
        tpu.wait_dma2 semaphore(%arg17 : memref<!tpu.dma_semaphore, #tpu.memory_space<semaphore_mem>>) src(%dma_wait3A_709 : memref<1x64xf32, #tpu.memory_space<hbm>>) dst(%dma_wait3A_706 : memref<1x64xf32, #tpu.memory_space<vmem>>)
        %dma_wait3A_710 = arith.constant 0 : i32
        %dma_wait3A_711 = arith.constant 0 : i32
        %dma_wait3A_712 = tpu.memref_slice %arg11[%dma_wait3A_710, %dma_wait3A_711] : memref<104x64xf32, #tpu.memory_space<vmem>> -> memref<1x64xf32, #tpu.memory_space<vmem>>
        %dma_wait3A_713 = arith.constant 0 : i32
        %dma_wait3A_714 = arith.constant 0 : i32
        %dma_wait3A_715 = tpu.memref_slice %arg5[%dma_wait3A_713, %dma_wait3A_714] : memref<1000000x64xf32, #tpu.memory_space<hbm>> -> memref<1x64xf32, #tpu.memory_space<hbm>>
        %dma_wait3A_716 = arith.constant 0 : i32
        %dma_wait3A_717 = arith.constant 0 : i32
        %dma_wait3A_718 = tpu.memref_slice %arg11[%dma_wait3A_716, %dma_wait3A_717] : memref<104x64xf32, #tpu.memory_space<vmem>> -> memref<1x64xf32, #tpu.memory_space<vmem>>
        %dma_wait3A_719 = arith.constant 0 : i32
        %dma_wait3A_720 = arith.constant 0 : i32
        %dma_wait3A_721 = tpu.memref_slice %arg5[%dma_wait3A_719, %dma_wait3A_720] : memref<1000000x64xf32, #tpu.memory_space<hbm>> -> memref<1x64xf32, #tpu.memory_space<hbm>>
        tpu.wait_dma2 semaphore(%arg17 : memref<!tpu.dma_semaphore, #tpu.memory_space<semaphore_mem>>) src(%dma_wait3A_721 : memref<1x64xf32, #tpu.memory_space<hbm>>) dst(%dma_wait3A_718 : memref<1x64xf32, #tpu.memory_space<vmem>>)
        %dma_wait3A_722 = arith.constant 0 : i32
        %dma_wait3A_723 = arith.constant 0 : i32
        %dma_wait3A_724 = tpu.memref_slice %arg11[%dma_wait3A_722, %dma_wait3A_723] : memref<104x64xf32, #tpu.memory_space<vmem>> -> memref<1x64xf32, #tpu.memory_space<vmem>>
        %dma_wait3A_725 = arith.constant 0 : i32
        %dma_wait3A_726 = arith.constant 0 : i32
        %dma_wait3A_727 = tpu.memref_slice %arg5[%dma_wait3A_725, %dma_wait3A_726] : memref<1000000x64xf32, #tpu.memory_space<hbm>> -> memref<1x64xf32, #tpu.memory_space<hbm>>
        %dma_wait3A_728 = arith.constant 0 : i32
        %dma_wait3A_729 = arith.constant 0 : i32
        %dma_wait3A_730 = tpu.memref_slice %arg11[%dma_wait3A_728, %dma_wait3A_729] : memref<104x64xf32, #tpu.memory_space<vmem>> -> memref<1x64xf32, #tpu.memory_space<vmem>>
        %dma_wait3A_731 = arith.constant 0 : i32
        %dma_wait3A_732 = arith.constant 0 : i32
        %dma_wait3A_733 = tpu.memref_slice %arg5[%dma_wait3A_731, %dma_wait3A_732] : memref<1000000x64xf32, #tpu.memory_space<hbm>> -> memref<1x64xf32, #tpu.memory_space<hbm>>
        tpu.wait_dma2 semaphore(%arg17 : memref<!tpu.dma_semaphore, #tpu.memory_space<semaphore_mem>>) src(%dma_wait3A_733 : memref<1x64xf32, #tpu.memory_space<hbm>>) dst(%dma_wait3A_730 : memref<1x64xf32, #tpu.memory_space<vmem>>)
        %dma_wait3A_734 = arith.constant 0 : i32
        %dma_wait3A_735 = arith.constant 0 : i32
        %dma_wait3A_736 = tpu.memref_slice %arg11[%dma_wait3A_734, %dma_wait3A_735] : memref<104x64xf32, #tpu.memory_space<vmem>> -> memref<1x64xf32, #tpu.memory_space<vmem>>
        %dma_wait3A_737 = arith.constant 0 : i32
        %dma_wait3A_738 = arith.constant 0 : i32
        %dma_wait3A_739 = tpu.memref_slice %arg5[%dma_wait3A_737, %dma_wait3A_738] : memref<1000000x64xf32, #tpu.memory_space<hbm>> -> memref<1x64xf32, #tpu.memory_space<hbm>>
        %dma_wait3A_740 = arith.constant 0 : i32
        %dma_wait3A_741 = arith.constant 0 : i32
        %dma_wait3A_742 = tpu.memref_slice %arg11[%dma_wait3A_740, %dma_wait3A_741] : memref<104x64xf32, #tpu.memory_space<vmem>> -> memref<1x64xf32, #tpu.memory_space<vmem>>
        %dma_wait3A_743 = arith.constant 0 : i32
        %dma_wait3A_744 = arith.constant 0 : i32
        %dma_wait3A_745 = tpu.memref_slice %arg5[%dma_wait3A_743, %dma_wait3A_744] : memref<1000000x64xf32, #tpu.memory_space<hbm>> -> memref<1x64xf32, #tpu.memory_space<hbm>>
        tpu.wait_dma2 semaphore(%arg17 : memref<!tpu.dma_semaphore, #tpu.memory_space<semaphore_mem>>) src(%dma_wait3A_745 : memref<1x64xf32, #tpu.memory_space<hbm>>) dst(%dma_wait3A_742 : memref<1x64xf32, #tpu.memory_space<vmem>>)
        %dma_wait3A_746 = arith.constant 0 : i32
        %dma_wait3A_747 = arith.constant 0 : i32
        %dma_wait3A_748 = tpu.memref_slice %arg11[%dma_wait3A_746, %dma_wait3A_747] : memref<104x64xf32, #tpu.memory_space<vmem>> -> memref<1x64xf32, #tpu.memory_space<vmem>>
        %dma_wait3A_749 = arith.constant 0 : i32
        %dma_wait3A_750 = arith.constant 0 : i32
        %dma_wait3A_751 = tpu.memref_slice %arg5[%dma_wait3A_749, %dma_wait3A_750] : memref<1000000x64xf32, #tpu.memory_space<hbm>> -> memref<1x64xf32, #tpu.memory_space<hbm>>
        %dma_wait3A_752 = arith.constant 0 : i32
        %dma_wait3A_753 = arith.constant 0 : i32
        %dma_wait3A_754 = tpu.memref_slice %arg11[%dma_wait3A_752, %dma_wait3A_753] : memref<104x64xf32, #tpu.memory_space<vmem>> -> memref<1x64xf32, #tpu.memory_space<vmem>>
        %dma_wait3A_755 = arith.constant 0 : i32
        %dma_wait3A_756 = arith.constant 0 : i32
        %dma_wait3A_757 = tpu.memref_slice %arg5[%dma_wait3A_755, %dma_wait3A_756] : memref<1000000x64xf32, #tpu.memory_space<hbm>> -> memref<1x64xf32, #tpu.memory_space<hbm>>
        tpu.wait_dma2 semaphore(%arg17 : memref<!tpu.dma_semaphore, #tpu.memory_space<semaphore_mem>>) src(%dma_wait3A_757 : memref<1x64xf32, #tpu.memory_space<hbm>>) dst(%dma_wait3A_754 : memref<1x64xf32, #tpu.memory_space<vmem>>)
        %dma_wait3A_758 = arith.constant 0 : i32
        %dma_wait3A_759 = arith.constant 0 : i32
        %dma_wait3A_760 = tpu.memref_slice %arg11[%dma_wait3A_758, %dma_wait3A_759] : memref<104x64xf32, #tpu.memory_space<vmem>> -> memref<1x64xf32, #tpu.memory_space<vmem>>
        %dma_wait3A_761 = arith.constant 0 : i32
        %dma_wait3A_762 = arith.constant 0 : i32
        %dma_wait3A_763 = tpu.memref_slice %arg5[%dma_wait3A_761, %dma_wait3A_762] : memref<1000000x64xf32, #tpu.memory_space<hbm>> -> memref<1x64xf32, #tpu.memory_space<hbm>>
        %dma_wait3A_764 = arith.constant 0 : i32
        %dma_wait3A_765 = arith.constant 0 : i32
        %dma_wait3A_766 = tpu.memref_slice %arg11[%dma_wait3A_764, %dma_wait3A_765] : memref<104x64xf32, #tpu.memory_space<vmem>> -> memref<1x64xf32, #tpu.memory_space<vmem>>
        %dma_wait3A_767 = arith.constant 0 : i32
        %dma_wait3A_768 = arith.constant 0 : i32
        %dma_wait3A_769 = tpu.memref_slice %arg5[%dma_wait3A_767, %dma_wait3A_768] : memref<1000000x64xf32, #tpu.memory_space<hbm>> -> memref<1x64xf32, #tpu.memory_space<hbm>>
        tpu.wait_dma2 semaphore(%arg17 : memref<!tpu.dma_semaphore, #tpu.memory_space<semaphore_mem>>) src(%dma_wait3A_769 : memref<1x64xf32, #tpu.memory_space<hbm>>) dst(%dma_wait3A_766 : memref<1x64xf32, #tpu.memory_space<vmem>>)
        %dma_wait3A_770 = arith.constant 0 : i32
        %dma_wait3A_771 = arith.constant 0 : i32
        %dma_wait3A_772 = tpu.memref_slice %arg11[%dma_wait3A_770, %dma_wait3A_771] : memref<104x64xf32, #tpu.memory_space<vmem>> -> memref<1x64xf32, #tpu.memory_space<vmem>>
        %dma_wait3A_773 = arith.constant 0 : i32
        %dma_wait3A_774 = arith.constant 0 : i32
        %dma_wait3A_775 = tpu.memref_slice %arg5[%dma_wait3A_773, %dma_wait3A_774] : memref<1000000x64xf32, #tpu.memory_space<hbm>> -> memref<1x64xf32, #tpu.memory_space<hbm>>
        %dma_wait3A_776 = arith.constant 0 : i32
        %dma_wait3A_777 = arith.constant 0 : i32
        %dma_wait3A_778 = tpu.memref_slice %arg11[%dma_wait3A_776, %dma_wait3A_777] : memref<104x64xf32, #tpu.memory_space<vmem>> -> memref<1x64xf32, #tpu.memory_space<vmem>>
        %dma_wait3A_779 = arith.constant 0 : i32
        %dma_wait3A_780 = arith.constant 0 : i32
        %dma_wait3A_781 = tpu.memref_slice %arg5[%dma_wait3A_779, %dma_wait3A_780] : memref<1000000x64xf32, #tpu.memory_space<hbm>> -> memref<1x64xf32, #tpu.memory_space<hbm>>
        tpu.wait_dma2 semaphore(%arg17 : memref<!tpu.dma_semaphore, #tpu.memory_space<semaphore_mem>>) src(%dma_wait3A_781 : memref<1x64xf32, #tpu.memory_space<hbm>>) dst(%dma_wait3A_778 : memref<1x64xf32, #tpu.memory_space<vmem>>)
        %dma_wait3A_782 = arith.constant 0 : i32
        %dma_wait3A_783 = arith.constant 0 : i32
        %dma_wait3A_784 = tpu.memref_slice %arg11[%dma_wait3A_782, %dma_wait3A_783] : memref<104x64xf32, #tpu.memory_space<vmem>> -> memref<1x64xf32, #tpu.memory_space<vmem>>
        %dma_wait3A_785 = arith.constant 0 : i32
        %dma_wait3A_786 = arith.constant 0 : i32
        %dma_wait3A_787 = tpu.memref_slice %arg5[%dma_wait3A_785, %dma_wait3A_786] : memref<1000000x64xf32, #tpu.memory_space<hbm>> -> memref<1x64xf32, #tpu.memory_space<hbm>>
        %dma_wait3A_788 = arith.constant 0 : i32
        %dma_wait3A_789 = arith.constant 0 : i32
        %dma_wait3A_790 = tpu.memref_slice %arg11[%dma_wait3A_788, %dma_wait3A_789] : memref<104x64xf32, #tpu.memory_space<vmem>> -> memref<1x64xf32, #tpu.memory_space<vmem>>
        %dma_wait3A_791 = arith.constant 0 : i32
        %dma_wait3A_792 = arith.constant 0 : i32
        %dma_wait3A_793 = tpu.memref_slice %arg5[%dma_wait3A_791, %dma_wait3A_792] : memref<1000000x64xf32, #tpu.memory_space<hbm>> -> memref<1x64xf32, #tpu.memory_space<hbm>>
        tpu.wait_dma2 semaphore(%arg17 : memref<!tpu.dma_semaphore, #tpu.memory_space<semaphore_mem>>) src(%dma_wait3A_793 : memref<1x64xf32, #tpu.memory_space<hbm>>) dst(%dma_wait3A_790 : memref<1x64xf32, #tpu.memory_space<vmem>>)
        %dma_wait3A_794 = arith.constant 0 : i32
        %dma_wait3A_795 = arith.constant 0 : i32
        %dma_wait3A_796 = tpu.memref_slice %arg11[%dma_wait3A_794, %dma_wait3A_795] : memref<104x64xf32, #tpu.memory_space<vmem>> -> memref<1x64xf32, #tpu.memory_space<vmem>>
        %dma_wait3A_797 = arith.constant 0 : i32
        %dma_wait3A_798 = arith.constant 0 : i32
        %dma_wait3A_799 = tpu.memref_slice %arg5[%dma_wait3A_797, %dma_wait3A_798] : memref<1000000x64xf32, #tpu.memory_space<hbm>> -> memref<1x64xf32, #tpu.memory_space<hbm>>
        %dma_wait3A_800 = arith.constant 0 : i32
        %dma_wait3A_801 = arith.constant 0 : i32
        %dma_wait3A_802 = tpu.memref_slice %arg11[%dma_wait3A_800, %dma_wait3A_801] : memref<104x64xf32, #tpu.memory_space<vmem>> -> memref<1x64xf32, #tpu.memory_space<vmem>>
        %dma_wait3A_803 = arith.constant 0 : i32
        %dma_wait3A_804 = arith.constant 0 : i32
        %dma_wait3A_805 = tpu.memref_slice %arg5[%dma_wait3A_803, %dma_wait3A_804] : memref<1000000x64xf32, #tpu.memory_space<hbm>> -> memref<1x64xf32, #tpu.memory_space<hbm>>
        tpu.wait_dma2 semaphore(%arg17 : memref<!tpu.dma_semaphore, #tpu.memory_space<semaphore_mem>>) src(%dma_wait3A_805 : memref<1x64xf32, #tpu.memory_space<hbm>>) dst(%dma_wait3A_802 : memref<1x64xf32, #tpu.memory_space<vmem>>)
        %dma_wait3A_806 = arith.constant 0 : i32
        %dma_wait3A_807 = arith.constant 0 : i32
        %dma_wait3A_808 = tpu.memref_slice %arg11[%dma_wait3A_806, %dma_wait3A_807] : memref<104x64xf32, #tpu.memory_space<vmem>> -> memref<1x64xf32, #tpu.memory_space<vmem>>
        %dma_wait3A_809 = arith.constant 0 : i32
        %dma_wait3A_810 = arith.constant 0 : i32
        %dma_wait3A_811 = tpu.memref_slice %arg5[%dma_wait3A_809, %dma_wait3A_810] : memref<1000000x64xf32, #tpu.memory_space<hbm>> -> memref<1x64xf32, #tpu.memory_space<hbm>>
        %dma_wait3A_812 = arith.constant 0 : i32
        %dma_wait3A_813 = arith.constant 0 : i32
        %dma_wait3A_814 = tpu.memref_slice %arg11[%dma_wait3A_812, %dma_wait3A_813] : memref<104x64xf32, #tpu.memory_space<vmem>> -> memref<1x64xf32, #tpu.memory_space<vmem>>
        %dma_wait3A_815 = arith.constant 0 : i32
        %dma_wait3A_816 = arith.constant 0 : i32
        %dma_wait3A_817 = tpu.memref_slice %arg5[%dma_wait3A_815, %dma_wait3A_816] : memref<1000000x64xf32, #tpu.memory_space<hbm>> -> memref<1x64xf32, #tpu.memory_space<hbm>>
        tpu.wait_dma2 semaphore(%arg17 : memref<!tpu.dma_semaphore, #tpu.memory_space<semaphore_mem>>) src(%dma_wait3A_817 : memref<1x64xf32, #tpu.memory_space<hbm>>) dst(%dma_wait3A_814 : memref<1x64xf32, #tpu.memory_space<vmem>>)
        %dma_wait3A_818 = arith.constant 0 : i32
        %dma_wait3A_819 = arith.constant 0 : i32
        %dma_wait3A_820 = tpu.memref_slice %arg11[%dma_wait3A_818, %dma_wait3A_819] : memref<104x64xf32, #tpu.memory_space<vmem>> -> memref<1x64xf32, #tpu.memory_space<vmem>>
        %dma_wait3A_821 = arith.constant 0 : i32
        %dma_wait3A_822 = arith.constant 0 : i32
        %dma_wait3A_823 = tpu.memref_slice %arg5[%dma_wait3A_821, %dma_wait3A_822] : memref<1000000x64xf32, #tpu.memory_space<hbm>> -> memref<1x64xf32, #tpu.memory_space<hbm>>
        %dma_wait3A_824 = arith.constant 0 : i32
        %dma_wait3A_825 = arith.constant 0 : i32
        %dma_wait3A_826 = tpu.memref_slice %arg11[%dma_wait3A_824, %dma_wait3A_825] : memref<104x64xf32, #tpu.memory_space<vmem>> -> memref<1x64xf32, #tpu.memory_space<vmem>>
        %dma_wait3A_827 = arith.constant 0 : i32
        %dma_wait3A_828 = arith.constant 0 : i32
        %dma_wait3A_829 = tpu.memref_slice %arg5[%dma_wait3A_827, %dma_wait3A_828] : memref<1000000x64xf32, #tpu.memory_space<hbm>> -> memref<1x64xf32, #tpu.memory_space<hbm>>
        tpu.wait_dma2 semaphore(%arg17 : memref<!tpu.dma_semaphore, #tpu.memory_space<semaphore_mem>>) src(%dma_wait3A_829 : memref<1x64xf32, #tpu.memory_space<hbm>>) dst(%dma_wait3A_826 : memref<1x64xf32, #tpu.memory_space<vmem>>)
        %dma_wait3A_830 = arith.constant 0 : i32
        %dma_wait3A_831 = arith.constant 0 : i32
        %dma_wait3A_832 = tpu.memref_slice %arg11[%dma_wait3A_830, %dma_wait3A_831] : memref<104x64xf32, #tpu.memory_space<vmem>> -> memref<1x64xf32, #tpu.memory_space<vmem>>
        %dma_wait3A_833 = arith.constant 0 : i32
        %dma_wait3A_834 = arith.constant 0 : i32
        %dma_wait3A_835 = tpu.memref_slice %arg5[%dma_wait3A_833, %dma_wait3A_834] : memref<1000000x64xf32, #tpu.memory_space<hbm>> -> memref<1x64xf32, #tpu.memory_space<hbm>>
        %dma_wait3A_836 = arith.constant 0 : i32
        %dma_wait3A_837 = arith.constant 0 : i32
        %dma_wait3A_838 = tpu.memref_slice %arg11[%dma_wait3A_836, %dma_wait3A_837] : memref<104x64xf32, #tpu.memory_space<vmem>> -> memref<1x64xf32, #tpu.memory_space<vmem>>
        %dma_wait3A_839 = arith.constant 0 : i32
        %dma_wait3A_840 = arith.constant 0 : i32
        %dma_wait3A_841 = tpu.memref_slice %arg5[%dma_wait3A_839, %dma_wait3A_840] : memref<1000000x64xf32, #tpu.memory_space<hbm>> -> memref<1x64xf32, #tpu.memory_space<hbm>>
        tpu.wait_dma2 semaphore(%arg17 : memref<!tpu.dma_semaphore, #tpu.memory_space<semaphore_mem>>) src(%dma_wait3A_841 : memref<1x64xf32, #tpu.memory_space<hbm>>) dst(%dma_wait3A_838 : memref<1x64xf32, #tpu.memory_space<vmem>>)
        %dma_wait3A_842 = arith.constant 0 : i32
        %dma_wait3A_843 = arith.constant 0 : i32
        %dma_wait3A_844 = tpu.memref_slice %arg11[%dma_wait3A_842, %dma_wait3A_843] : memref<104x64xf32, #tpu.memory_space<vmem>> -> memref<1x64xf32, #tpu.memory_space<vmem>>
        %dma_wait3A_845 = arith.constant 0 : i32
        %dma_wait3A_846 = arith.constant 0 : i32
        %dma_wait3A_847 = tpu.memref_slice %arg5[%dma_wait3A_845, %dma_wait3A_846] : memref<1000000x64xf32, #tpu.memory_space<hbm>> -> memref<1x64xf32, #tpu.memory_space<hbm>>
        %dma_wait3A_848 = arith.constant 0 : i32
        %dma_wait3A_849 = arith.constant 0 : i32
        %dma_wait3A_850 = tpu.memref_slice %arg11[%dma_wait3A_848, %dma_wait3A_849] : memref<104x64xf32, #tpu.memory_space<vmem>> -> memref<1x64xf32, #tpu.memory_space<vmem>>
        %dma_wait3A_851 = arith.constant 0 : i32
        %dma_wait3A_852 = arith.constant 0 : i32
        %dma_wait3A_853 = tpu.memref_slice %arg5[%dma_wait3A_851, %dma_wait3A_852] : memref<1000000x64xf32, #tpu.memory_space<hbm>> -> memref<1x64xf32, #tpu.memory_space<hbm>>
        tpu.wait_dma2 semaphore(%arg17 : memref<!tpu.dma_semaphore, #tpu.memory_space<semaphore_mem>>) src(%dma_wait3A_853 : memref<1x64xf32, #tpu.memory_space<hbm>>) dst(%dma_wait3A_850 : memref<1x64xf32, #tpu.memory_space<vmem>>)
        %dma_wait3A_854 = arith.constant 0 : i32
        %dma_wait3A_855 = arith.constant 0 : i32
        %dma_wait3A_856 = tpu.memref_slice %arg11[%dma_wait3A_854, %dma_wait3A_855] : memref<104x64xf32, #tpu.memory_space<vmem>> -> memref<1x64xf32, #tpu.memory_space<vmem>>
        %dma_wait3A_857 = arith.constant 0 : i32
        %dma_wait3A_858 = arith.constant 0 : i32
        %dma_wait3A_859 = tpu.memref_slice %arg5[%dma_wait3A_857, %dma_wait3A_858] : memref<1000000x64xf32, #tpu.memory_space<hbm>> -> memref<1x64xf32, #tpu.memory_space<hbm>>
        %dma_wait3A_860 = arith.constant 0 : i32
        %dma_wait3A_861 = arith.constant 0 : i32
        %dma_wait3A_862 = tpu.memref_slice %arg11[%dma_wait3A_860, %dma_wait3A_861] : memref<104x64xf32, #tpu.memory_space<vmem>> -> memref<1x64xf32, #tpu.memory_space<vmem>>
        %dma_wait3A_863 = arith.constant 0 : i32
        %dma_wait3A_864 = arith.constant 0 : i32
        %dma_wait3A_865 = tpu.memref_slice %arg5[%dma_wait3A_863, %dma_wait3A_864] : memref<1000000x64xf32, #tpu.memory_space<hbm>> -> memref<1x64xf32, #tpu.memory_space<hbm>>
        tpu.wait_dma2 semaphore(%arg17 : memref<!tpu.dma_semaphore, #tpu.memory_space<semaphore_mem>>) src(%dma_wait3A_865 : memref<1x64xf32, #tpu.memory_space<hbm>>) dst(%dma_wait3A_862 : memref<1x64xf32, #tpu.memory_space<vmem>>)
        %dma_wait3A_866 = arith.constant 0 : i32
        %dma_wait3A_867 = arith.constant 0 : i32
        %dma_wait3A_868 = tpu.memref_slice %arg11[%dma_wait3A_866, %dma_wait3A_867] : memref<104x64xf32, #tpu.memory_space<vmem>> -> memref<1x64xf32, #tpu.memory_space<vmem>>
        %dma_wait3A_869 = arith.constant 0 : i32
        %dma_wait3A_870 = arith.constant 0 : i32
        %dma_wait3A_871 = tpu.memref_slice %arg5[%dma_wait3A_869, %dma_wait3A_870] : memref<1000000x64xf32, #tpu.memory_space<hbm>> -> memref<1x64xf32, #tpu.memory_space<hbm>>
        %dma_wait3A_872 = arith.constant 0 : i32
        %dma_wait3A_873 = arith.constant 0 : i32
        %dma_wait3A_874 = tpu.memref_slice %arg11[%dma_wait3A_872, %dma_wait3A_873] : memref<104x64xf32, #tpu.memory_space<vmem>> -> memref<1x64xf32, #tpu.memory_space<vmem>>
        %dma_wait3A_875 = arith.constant 0 : i32
        %dma_wait3A_876 = arith.constant 0 : i32
        %dma_wait3A_877 = tpu.memref_slice %arg5[%dma_wait3A_875, %dma_wait3A_876] : memref<1000000x64xf32, #tpu.memory_space<hbm>> -> memref<1x64xf32, #tpu.memory_space<hbm>>
        tpu.wait_dma2 semaphore(%arg17 : memref<!tpu.dma_semaphore, #tpu.memory_space<semaphore_mem>>) src(%dma_wait3A_877 : memref<1x64xf32, #tpu.memory_space<hbm>>) dst(%dma_wait3A_874 : memref<1x64xf32, #tpu.memory_space<vmem>>)
        %dma_wait3A_878 = arith.constant 0 : i32
        %dma_wait3A_879 = arith.constant 0 : i32
        %dma_wait3A_880 = tpu.memref_slice %arg11[%dma_wait3A_878, %dma_wait3A_879] : memref<104x64xf32, #tpu.memory_space<vmem>> -> memref<1x64xf32, #tpu.memory_space<vmem>>
        %dma_wait3A_881 = arith.constant 0 : i32
        %dma_wait3A_882 = arith.constant 0 : i32
        %dma_wait3A_883 = tpu.memref_slice %arg5[%dma_wait3A_881, %dma_wait3A_882] : memref<1000000x64xf32, #tpu.memory_space<hbm>> -> memref<1x64xf32, #tpu.memory_space<hbm>>
        %dma_wait3A_884 = arith.constant 0 : i32
        %dma_wait3A_885 = arith.constant 0 : i32
        %dma_wait3A_886 = tpu.memref_slice %arg11[%dma_wait3A_884, %dma_wait3A_885] : memref<104x64xf32, #tpu.memory_space<vmem>> -> memref<1x64xf32, #tpu.memory_space<vmem>>
        %dma_wait3A_887 = arith.constant 0 : i32
        %dma_wait3A_888 = arith.constant 0 : i32
        %dma_wait3A_889 = tpu.memref_slice %arg5[%dma_wait3A_887, %dma_wait3A_888] : memref<1000000x64xf32, #tpu.memory_space<hbm>> -> memref<1x64xf32, #tpu.memory_space<hbm>>
        tpu.wait_dma2 semaphore(%arg17 : memref<!tpu.dma_semaphore, #tpu.memory_space<semaphore_mem>>) src(%dma_wait3A_889 : memref<1x64xf32, #tpu.memory_space<hbm>>) dst(%dma_wait3A_886 : memref<1x64xf32, #tpu.memory_space<vmem>>)
        %dma_wait3A_890 = arith.constant 0 : i32
        %dma_wait3A_891 = arith.constant 0 : i32
        %dma_wait3A_892 = tpu.memref_slice %arg11[%dma_wait3A_890, %dma_wait3A_891] : memref<104x64xf32, #tpu.memory_space<vmem>> -> memref<1x64xf32, #tpu.memory_space<vmem>>
        %dma_wait3A_893 = arith.constant 0 : i32
        %dma_wait3A_894 = arith.constant 0 : i32
        %dma_wait3A_895 = tpu.memref_slice %arg5[%dma_wait3A_893, %dma_wait3A_894] : memref<1000000x64xf32, #tpu.memory_space<hbm>> -> memref<1x64xf32, #tpu.memory_space<hbm>>
        %dma_wait3A_896 = arith.constant 0 : i32
        %dma_wait3A_897 = arith.constant 0 : i32
        %dma_wait3A_898 = tpu.memref_slice %arg11[%dma_wait3A_896, %dma_wait3A_897] : memref<104x64xf32, #tpu.memory_space<vmem>> -> memref<1x64xf32, #tpu.memory_space<vmem>>
        %dma_wait3A_899 = arith.constant 0 : i32
        %dma_wait3A_900 = arith.constant 0 : i32
        %dma_wait3A_901 = tpu.memref_slice %arg5[%dma_wait3A_899, %dma_wait3A_900] : memref<1000000x64xf32, #tpu.memory_space<hbm>> -> memref<1x64xf32, #tpu.memory_space<hbm>>
        tpu.wait_dma2 semaphore(%arg17 : memref<!tpu.dma_semaphore, #tpu.memory_space<semaphore_mem>>) src(%dma_wait3A_901 : memref<1x64xf32, #tpu.memory_space<hbm>>) dst(%dma_wait3A_898 : memref<1x64xf32, #tpu.memory_space<vmem>>)
        %dma_wait3A_902 = arith.constant 0 : i32
        %dma_wait3A_903 = arith.constant 0 : i32
        %dma_wait3A_904 = tpu.memref_slice %arg11[%dma_wait3A_902, %dma_wait3A_903] : memref<104x64xf32, #tpu.memory_space<vmem>> -> memref<1x64xf32, #tpu.memory_space<vmem>>
        %dma_wait3A_905 = arith.constant 0 : i32
        %dma_wait3A_906 = arith.constant 0 : i32
        %dma_wait3A_907 = tpu.memref_slice %arg5[%dma_wait3A_905, %dma_wait3A_906] : memref<1000000x64xf32, #tpu.memory_space<hbm>> -> memref<1x64xf32, #tpu.memory_space<hbm>>
        %dma_wait3A_908 = arith.constant 0 : i32
        %dma_wait3A_909 = arith.constant 0 : i32
        %dma_wait3A_910 = tpu.memref_slice %arg11[%dma_wait3A_908, %dma_wait3A_909] : memref<104x64xf32, #tpu.memory_space<vmem>> -> memref<1x64xf32, #tpu.memory_space<vmem>>
        %dma_wait3A_911 = arith.constant 0 : i32
        %dma_wait3A_912 = arith.constant 0 : i32
        %dma_wait3A_913 = tpu.memref_slice %arg5[%dma_wait3A_911, %dma_wait3A_912] : memref<1000000x64xf32, #tpu.memory_space<hbm>> -> memref<1x64xf32, #tpu.memory_space<hbm>>
        tpu.wait_dma2 semaphore(%arg17 : memref<!tpu.dma_semaphore, #tpu.memory_space<semaphore_mem>>) src(%dma_wait3A_913 : memref<1x64xf32, #tpu.memory_space<hbm>>) dst(%dma_wait3A_910 : memref<1x64xf32, #tpu.memory_space<vmem>>)
        %dma_wait3A_914 = arith.constant 0 : i32
        %dma_wait3A_915 = arith.constant 0 : i32
        %dma_wait3A_916 = tpu.memref_slice %arg11[%dma_wait3A_914, %dma_wait3A_915] : memref<104x64xf32, #tpu.memory_space<vmem>> -> memref<1x64xf32, #tpu.memory_space<vmem>>
        %dma_wait3A_917 = arith.constant 0 : i32
        %dma_wait3A_918 = arith.constant 0 : i32
        %dma_wait3A_919 = tpu.memref_slice %arg5[%dma_wait3A_917, %dma_wait3A_918] : memref<1000000x64xf32, #tpu.memory_space<hbm>> -> memref<1x64xf32, #tpu.memory_space<hbm>>
        %dma_wait3A_920 = arith.constant 0 : i32
        %dma_wait3A_921 = arith.constant 0 : i32
        %dma_wait3A_922 = tpu.memref_slice %arg11[%dma_wait3A_920, %dma_wait3A_921] : memref<104x64xf32, #tpu.memory_space<vmem>> -> memref<1x64xf32, #tpu.memory_space<vmem>>
        %dma_wait3A_923 = arith.constant 0 : i32
        %dma_wait3A_924 = arith.constant 0 : i32
        %dma_wait3A_925 = tpu.memref_slice %arg5[%dma_wait3A_923, %dma_wait3A_924] : memref<1000000x64xf32, #tpu.memory_space<hbm>> -> memref<1x64xf32, #tpu.memory_space<hbm>>
        tpu.wait_dma2 semaphore(%arg17 : memref<!tpu.dma_semaphore, #tpu.memory_space<semaphore_mem>>) src(%dma_wait3A_925 : memref<1x64xf32, #tpu.memory_space<hbm>>) dst(%dma_wait3A_922 : memref<1x64xf32, #tpu.memory_space<vmem>>)
        %dma_wait3A_926 = arith.constant 0 : i32
        %dma_wait3A_927 = arith.constant 0 : i32
        %dma_wait3A_928 = tpu.memref_slice %arg11[%dma_wait3A_926, %dma_wait3A_927] : memref<104x64xf32, #tpu.memory_space<vmem>> -> memref<1x64xf32, #tpu.memory_space<vmem>>
        %dma_wait3A_929 = arith.constant 0 : i32
        %dma_wait3A_930 = arith.constant 0 : i32
        %dma_wait3A_931 = tpu.memref_slice %arg5[%dma_wait3A_929, %dma_wait3A_930] : memref<1000000x64xf32, #tpu.memory_space<hbm>> -> memref<1x64xf32, #tpu.memory_space<hbm>>
        %dma_wait3A_932 = arith.constant 0 : i32
        %dma_wait3A_933 = arith.constant 0 : i32
        %dma_wait3A_934 = tpu.memref_slice %arg11[%dma_wait3A_932, %dma_wait3A_933] : memref<104x64xf32, #tpu.memory_space<vmem>> -> memref<1x64xf32, #tpu.memory_space<vmem>>
        %dma_wait3A_935 = arith.constant 0 : i32
        %dma_wait3A_936 = arith.constant 0 : i32
        %dma_wait3A_937 = tpu.memref_slice %arg5[%dma_wait3A_935, %dma_wait3A_936] : memref<1000000x64xf32, #tpu.memory_space<hbm>> -> memref<1x64xf32, #tpu.memory_space<hbm>>
        tpu.wait_dma2 semaphore(%arg17 : memref<!tpu.dma_semaphore, #tpu.memory_space<semaphore_mem>>) src(%dma_wait3A_937 : memref<1x64xf32, #tpu.memory_space<hbm>>) dst(%dma_wait3A_934 : memref<1x64xf32, #tpu.memory_space<vmem>>)
        %dma_wait3A_938 = arith.constant 0 : i32
        %dma_wait3A_939 = arith.constant 0 : i32
        %dma_wait3A_940 = tpu.memref_slice %arg11[%dma_wait3A_938, %dma_wait3A_939] : memref<104x64xf32, #tpu.memory_space<vmem>> -> memref<1x64xf32, #tpu.memory_space<vmem>>
        %dma_wait3A_941 = arith.constant 0 : i32
        %dma_wait3A_942 = arith.constant 0 : i32
        %dma_wait3A_943 = tpu.memref_slice %arg5[%dma_wait3A_941, %dma_wait3A_942] : memref<1000000x64xf32, #tpu.memory_space<hbm>> -> memref<1x64xf32, #tpu.memory_space<hbm>>
        %dma_wait3A_944 = arith.constant 0 : i32
        %dma_wait3A_945 = arith.constant 0 : i32
        %dma_wait3A_946 = tpu.memref_slice %arg11[%dma_wait3A_944, %dma_wait3A_945] : memref<104x64xf32, #tpu.memory_space<vmem>> -> memref<1x64xf32, #tpu.memory_space<vmem>>
        %dma_wait3A_947 = arith.constant 0 : i32
        %dma_wait3A_948 = arith.constant 0 : i32
        %dma_wait3A_949 = tpu.memref_slice %arg5[%dma_wait3A_947, %dma_wait3A_948] : memref<1000000x64xf32, #tpu.memory_space<hbm>> -> memref<1x64xf32, #tpu.memory_space<hbm>>
        tpu.wait_dma2 semaphore(%arg17 : memref<!tpu.dma_semaphore, #tpu.memory_space<semaphore_mem>>) src(%dma_wait3A_949 : memref<1x64xf32, #tpu.memory_space<hbm>>) dst(%dma_wait3A_946 : memref<1x64xf32, #tpu.memory_space<vmem>>)
        %dma_wait3A_950 = arith.constant 0 : i32
        %dma_wait3A_951 = arith.constant 0 : i32
        %dma_wait3A_952 = tpu.memref_slice %arg11[%dma_wait3A_950, %dma_wait3A_951] : memref<104x64xf32, #tpu.memory_space<vmem>> -> memref<1x64xf32, #tpu.memory_space<vmem>>
        %dma_wait3A_953 = arith.constant 0 : i32
        %dma_wait3A_954 = arith.constant 0 : i32
        %dma_wait3A_955 = tpu.memref_slice %arg5[%dma_wait3A_953, %dma_wait3A_954] : memref<1000000x64xf32, #tpu.memory_space<hbm>> -> memref<1x64xf32, #tpu.memory_space<hbm>>
        %dma_wait3A_956 = arith.constant 0 : i32
        %dma_wait3A_957 = arith.constant 0 : i32
        %dma_wait3A_958 = tpu.memref_slice %arg11[%dma_wait3A_956, %dma_wait3A_957] : memref<104x64xf32, #tpu.memory_space<vmem>> -> memref<1x64xf32, #tpu.memory_space<vmem>>
        %dma_wait3A_959 = arith.constant 0 : i32
        %dma_wait3A_960 = arith.constant 0 : i32
        %dma_wait3A_961 = tpu.memref_slice %arg5[%dma_wait3A_959, %dma_wait3A_960] : memref<1000000x64xf32, #tpu.memory_space<hbm>> -> memref<1x64xf32, #tpu.memory_space<hbm>>
        tpu.wait_dma2 semaphore(%arg17 : memref<!tpu.dma_semaphore, #tpu.memory_space<semaphore_mem>>) src(%dma_wait3A_961 : memref<1x64xf32, #tpu.memory_space<hbm>>) dst(%dma_wait3A_958 : memref<1x64xf32, #tpu.memory_space<vmem>>)
        %mul3A_962 = arith.constant 26 : i32
        %mul3A_963 = arith.muli %scan3A_25, %mul3A_962 : i32
        %broadcast_in_dim3A_964 = arith.constant 0.000000e+00 : f32
        %broadcast_in_dim3A_965 = vector.broadcast %broadcast_in_dim3A_964 : f32 to vector<16xf32>
        %add3A_966 = arith.constant 0 : i32
        %add3A_967 = arith.addi %mul3A_963, %add3A_966 : i32
        %get3A = arith.index_cast %add3A_967 : i32 to index
        %get3A_968 = arith.constant 0 : index
        %get3A_969 = tpu.vector_load %arg11[%get3A, %get3A_968] {strides = array<i32>} : memref<104x64xf32, #tpu.memory_space<vmem>>, vector<16xf32>,
        %get3A_970 = arith.index_cast %add3A_967 : i32 to index
        %get3A_971 = arith.constant 0 : index
        %get3A_972 = tpu.vector_load %arg12[%get3A_970, %get3A_971] {strides = array<i32>} : memref<104x64xf32, #tpu.memory_space<vmem>>, vector<16xf32>,
        %sub3A = arith.subf %get3A_969, %get3A_972 : vector<16xf32>
        %get3A_973 = arith.index_cast %add3A_967 : i32 to index
        %get3A_974 = arith.constant 0 : index
        %get3A_975 = tpu.vector_load %arg13[%get3A_973, %get3A_974] {strides = array<i32>} : memref<104x64xf32, #tpu.memory_space<vmem>>, vector<16xf32>,
        %add3A_976 = arith.addf %sub3A, %get3A_975 : vector<16xf32>
        %abs3A = math.absf %add3A_976 : vector<16xf32>
        %add3A_977 = arith.addf %broadcast_in_dim3A_965, %abs3A : vector<16xf32>
        %get3A_978 = arith.index_cast %add3A_967 : i32 to index
        %get3A_979 = arith.constant 16 : index
        %get3A_980 = tpu.vector_load %arg11[%get3A_978, %get3A_979] {strides = array<i32>} : memref<104x64xf32, #tpu.memory_space<vmem>>, vector<16xf32>,
        %get3A_981 = arith.index_cast %add3A_967 : i32 to index
        %get3A_982 = arith.constant 16 : index
        %get3A_983 = tpu.vector_load %arg12[%get3A_981, %get3A_982] {strides = array<i32>} : memref<104x64xf32, #tpu.memory_space<vmem>>, vector<16xf32>,
        %sub3A_984 = arith.subf %get3A_980, %get3A_983 : vector<16xf32>
        %get3A_985 = arith.index_cast %add3A_967 : i32 to index
        %get3A_986 = arith.constant 16 : index
        %get3A_987 = tpu.vector_load %arg13[%get3A_985, %get3A_986] {strides = array<i32>} : memref<104x64xf32, #tpu.memory_space<vmem>>, vector<16xf32>,
        %add3A_988 = arith.addf %sub3A_984, %get3A_987 : vector<16xf32>
        %abs3A_989 = math.absf %add3A_988 : vector<16xf32>
        %add3A_990 = arith.addf %add3A_977, %abs3A_989 : vector<16xf32>
        %get3A_991 = arith.index_cast %add3A_967 : i32 to index
        %get3A_992 = arith.constant 32 : index
        %get3A_993 = tpu.vector_load %arg11[%get3A_991, %get3A_992] {strides = array<i32>} : memref<104x64xf32, #tpu.memory_space<vmem>>, vector<16xf32>,
        %get3A_994 = arith.index_cast %add3A_967 : i32 to index
        %get3A_995 = arith.constant 32 : index
        %get3A_996 = tpu.vector_load %arg12[%get3A_994, %get3A_995] {strides = array<i32>} : memref<104x64xf32, #tpu.memory_space<vmem>>, vector<16xf32>,
        %sub3A_997 = arith.subf %get3A_993, %get3A_996 : vector<16xf32>
        %get3A_998 = arith.index_cast %add3A_967 : i32 to index
        %get3A_999 = arith.constant 32 : index
        %get3A_1000 = tpu.vector_load %arg13[%get3A_998, %get3A_999] {strides = array<i32>} : memref<104x64xf32, #tpu.memory_space<vmem>>, vector<16xf32>,
        %add3A_1001 = arith.addf %sub3A_997, %get3A_1000 : vector<16xf32>
        %abs3A_1002 = math.absf %add3A_1001 : vector<16xf32>
        %add3A_1003 = arith.addf %add3A_990, %abs3A_1002 : vector<16xf32>
        %get3A_1004 = arith.index_cast %add3A_967 : i32 to index
        %get3A_1005 = arith.constant 48 : index
        %get3A_1006 = tpu.vector_load %arg11[%get3A_1004, %get3A_1005] {strides = array<i32>} : memref<104x64xf32, #tpu.memory_space<vmem>>, vector<16xf32>,
        %get3A_1007 = arith.index_cast %add3A_967 : i32 to index
        %get3A_1008 = arith.constant 48 : index
        %get3A_1009 = tpu.vector_load %arg12[%get3A_1007, %get3A_1008] {strides = array<i32>} : memref<104x64xf32, #tpu.memory_space<vmem>>, vector<16xf32>,
        %sub3A_1010 = arith.subf %get3A_1006, %get3A_1009 : vector<16xf32>
        %get3A_1011 = arith.index_cast %add3A_967 : i32 to index
        %get3A_1012 = arith.constant 48 : index
        %get3A_1013 = tpu.vector_load %arg13[%get3A_1011, %get3A_1012] {strides = array<i32>} : memref<104x64xf32, #tpu.memory_space<vmem>>, vector<16xf32>,
        %add3A_1014 = arith.addf %sub3A_1010, %get3A_1013 : vector<16xf32>
        %abs3A_1015 = math.absf %add3A_1014 : vector<16xf32>
        %add3A_1016 = arith.addf %add3A_1003, %abs3A_1015 : vector<16xf32>
        %add3A_1017 = arith.constant 1 : i32
        %add3A_1018 = arith.addi %mul3A_963, %add3A_1017 : i32
        %get3A_1019 = arith.index_cast %add3A_1018 : i32 to index
        %get3A_1020 = arith.constant 0 : index
        %get3A_1021 = tpu.vector_load %arg11[%get3A_1019, %get3A_1020] {strides = array<i32>} : memref<104x64xf32, #tpu.memory_space<vmem>>, vector<16xf32>,
        %get3A_1022 = arith.index_cast %add3A_1018 : i32 to index
        %get3A_1023 = arith.constant 0 : index
        %get3A_1024 = tpu.vector_load %arg12[%get3A_1022, %get3A_1023] {strides = array<i32>} : memref<104x64xf32, #tpu.memory_space<vmem>>, vector<16xf32>,
        %sub3A_1025 = arith.subf %get3A_1021, %get3A_1024 : vector<16xf32>
        %get3A_1026 = arith.index_cast %add3A_1018 : i32 to index
        %get3A_1027 = arith.constant 0 : index
        %get3A_1028 = tpu.vector_load %arg13[%get3A_1026, %get3A_1027] {strides = array<i32>} : memref<104x64xf32, #tpu.memory_space<vmem>>, vector<16xf32>,
        %add3A_1029 = arith.addf %sub3A_1025, %get3A_1028 : vector<16xf32>
        %abs3A_1030 = math.absf %add3A_1029 : vector<16xf32>
        %add3A_1031 = arith.addf %add3A_1016, %abs3A_1030 : vector<16xf32>
        %get3A_1032 = arith.index_cast %add3A_1018 : i32 to index
        %get3A_1033 = arith.constant 16 : index
        %get3A_1034 = tpu.vector_load %arg11[%get3A_1032, %get3A_1033] {strides = array<i32>} : memref<104x64xf32, #tpu.memory_space<vmem>>, vector<16xf32>,
        %get3A_1035 = arith.index_cast %add3A_1018 : i32 to index
        %get3A_1036 = arith.constant 16 : index
        %get3A_1037 = tpu.vector_load %arg12[%get3A_1035, %get3A_1036] {strides = array<i32>} : memref<104x64xf32, #tpu.memory_space<vmem>>, vector<16xf32>,
        %sub3A_1038 = arith.subf %get3A_1034, %get3A_1037 : vector<16xf32>
        %get3A_1039 = arith.index_cast %add3A_1018 : i32 to index
        %get3A_1040 = arith.constant 16 : index
        %get3A_1041 = tpu.vector_load %arg13[%get3A_1039, %get3A_1040] {strides = array<i32>} : memref<104x64xf32, #tpu.memory_space<vmem>>, vector<16xf32>,
        %add3A_1042 = arith.addf %sub3A_1038, %get3A_1041 : vector<16xf32>
        %abs3A_1043 = math.absf %add3A_1042 : vector<16xf32>
        %add3A_1044 = arith.addf %add3A_1031, %abs3A_1043 : vector<16xf32>
        %get3A_1045 = arith.index_cast %add3A_1018 : i32 to index
        %get3A_1046 = arith.constant 32 : index
        %get3A_1047 = tpu.vector_load %arg11[%get3A_1045, %get3A_1046] {strides = array<i32>} : memref<104x64xf32, #tpu.memory_space<vmem>>, vector<16xf32>,
        %get3A_1048 = arith.index_cast %add3A_1018 : i32 to index
        %get3A_1049 = arith.constant 32 : index
        %get3A_1050 = tpu.vector_load %arg12[%get3A_1048, %get3A_1049] {strides = array<i32>} : memref<104x64xf32, #tpu.memory_space<vmem>>, vector<16xf32>,
        %sub3A_1051 = arith.subf %get3A_1047, %get3A_1050 : vector<16xf32>
        %get3A_1052 = arith.index_cast %add3A_1018 : i32 to index
        %get3A_1053 = arith.constant 32 : index
        %get3A_1054 = tpu.vector_load %arg13[%get3A_1052, %get3A_1053] {strides = array<i32>} : memref<104x64xf32, #tpu.memory_space<vmem>>, vector<16xf32>,
        %add3A_1055 = arith.addf %sub3A_1051, %get3A_1054 : vector<16xf32>
        %abs3A_1056 = math.absf %add3A_1055 : vector<16xf32>
        %add3A_1057 = arith.addf %add3A_1044, %abs3A_1056 : vector<16xf32>
        %get3A_1058 = arith.index_cast %add3A_1018 : i32 to index
        %get3A_1059 = arith.constant 48 : index
        %get3A_1060 = tpu.vector_load %arg11[%get3A_1058, %get3A_1059] {strides = array<i32>} : memref<104x64xf32, #tpu.memory_space<vmem>>, vector<16xf32>,
        %get3A_1061 = arith.index_cast %add3A_1018 : i32 to index
        %get3A_1062 = arith.constant 48 : index
        %get3A_1063 = tpu.vector_load %arg12[%get3A_1061, %get3A_1062] {strides = array<i32>} : memref<104x64xf32, #tpu.memory_space<vmem>>, vector<16xf32>,
        %sub3A_1064 = arith.subf %get3A_1060, %get3A_1063 : vector<16xf32>
        %get3A_1065 = arith.index_cast %add3A_1018 : i32 to index
        %get3A_1066 = arith.constant 48 : index
        %get3A_1067 = tpu.vector_load %arg13[%get3A_1065, %get3A_1066] {strides = array<i32>} : memref<104x64xf32, #tpu.memory_space<vmem>>, vector<16xf32>,
        %add3A_1068 = arith.addf %sub3A_1064, %get3A_1067 : vector<16xf32>
        %abs3A_1069 = math.absf %add3A_1068 : vector<16xf32>
        %add3A_1070 = arith.addf %add3A_1057, %abs3A_1069 : vector<16xf32>
        %add3A_1071 = arith.constant 2 : i32
        %add3A_1072 = arith.addi %mul3A_963, %add3A_1071 : i32
        %get3A_1073 = arith.index_cast %add3A_1072 : i32 to index
        %get3A_1074 = arith.constant 0 : index
        %get3A_1075 = tpu.vector_load %arg11[%get3A_1073, %get3A_1074] {strides = array<i32>} : memref<104x64xf32, #tpu.memory_space<vmem>>, vector<16xf32>,
        %get3A_1076 = arith.index_cast %add3A_1072 : i32 to index
        %get3A_1077 = arith.constant 0 : index
        %get3A_1078 = tpu.vector_load %arg12[%get3A_1076, %get3A_1077] {strides = array<i32>} : memref<104x64xf32, #tpu.memory_space<vmem>>, vector<16xf32>,
        %sub3A_1079 = arith.subf %get3A_1075, %get3A_1078 : vector<16xf32>
        %get3A_1080 = arith.index_cast %add3A_1072 : i32 to index
        %get3A_1081 = arith.constant 0 : index
        %get3A_1082 = tpu.vector_load %arg13[%get3A_1080, %get3A_1081] {strides = array<i32>} : memref<104x64xf32, #tpu.memory_space<vmem>>, vector<16xf32>,
        %add3A_1083 = arith.addf %sub3A_1079, %get3A_1082 : vector<16xf32>
        %abs3A_1084 = math.absf %add3A_1083 : vector<16xf32>
        %add3A_1085 = arith.addf %add3A_1070, %abs3A_1084 : vector<16xf32>
        %get3A_1086 = arith.index_cast %add3A_1072 : i32 to index
        %get3A_1087 = arith.constant 16 : index
        %get3A_1088 = tpu.vector_load %arg11[%get3A_1086, %get3A_1087] {strides = array<i32>} : memref<104x64xf32, #tpu.memory_space<vmem>>, vector<16xf32>,
        %get3A_1089 = arith.index_cast %add3A_1072 : i32 to index
        %get3A_1090 = arith.constant 16 : index
        %get3A_1091 = tpu.vector_load %arg12[%get3A_1089, %get3A_1090] {strides = array<i32>} : memref<104x64xf32, #tpu.memory_space<vmem>>, vector<16xf32>,
        %sub3A_1092 = arith.subf %get3A_1088, %get3A_1091 : vector<16xf32>
        %get3A_1093 = arith.index_cast %add3A_1072 : i32 to index
        %get3A_1094 = arith.constant 16 : index
        %get3A_1095 = tpu.vector_load %arg13[%get3A_1093, %get3A_1094] {strides = array<i32>} : memref<104x64xf32, #tpu.memory_space<vmem>>, vector<16xf32>,
        %add3A_1096 = arith.addf %sub3A_1092, %get3A_1095 : vector<16xf32>
        %abs3A_1097 = math.absf %add3A_1096 : vector<16xf32>
        %add3A_1098 = arith.addf %add3A_1085, %abs3A_1097 : vector<16xf32>
        %get3A_1099 = arith.index_cast %add3A_1072 : i32 to index
        %get3A_1100 = arith.constant 32 : index
        %get3A_1101 = tpu.vector_load %arg11[%get3A_1099, %get3A_1100] {strides = array<i32>} : memref<104x64xf32, #tpu.memory_space<vmem>>, vector<16xf32>,
        %get3A_1102 = arith.index_cast %add3A_1072 : i32 to index
        %get3A_1103 = arith.constant 32 : index
        %get3A_1104 = tpu.vector_load %arg12[%get3A_1102, %get3A_1103] {strides = array<i32>} : memref<104x64xf32, #tpu.memory_space<vmem>>, vector<16xf32>,
        %sub3A_1105 = arith.subf %get3A_1101, %get3A_1104 : vector<16xf32>
        %get3A_1106 = arith.index_cast %add3A_1072 : i32 to index
        %get3A_1107 = arith.constant 32 : index
        %get3A_1108 = tpu.vector_load %arg13[%get3A_1106, %get3A_1107] {strides = array<i32>} : memref<104x64xf32, #tpu.memory_space<vmem>>, vector<16xf32>,
        %add3A_1109 = arith.addf %sub3A_1105, %get3A_1108 : vector<16xf32>
        %abs3A_1110 = math.absf %add3A_1109 : vector<16xf32>
        %add3A_1111 = arith.addf %add3A_1098, %abs3A_1110 : vector<16xf32>
        %get3A_1112 = arith.index_cast %add3A_1072 : i32 to index
        %get3A_1113 = arith.constant 48 : index
        %get3A_1114 = tpu.vector_load %arg11[%get3A_1112, %get3A_1113] {strides = array<i32>} : memref<104x64xf32, #tpu.memory_space<vmem>>, vector<16xf32>,
        %get3A_1115 = arith.index_cast %add3A_1072 : i32 to index
        %get3A_1116 = arith.constant 48 : index
        %get3A_1117 = tpu.vector_load %arg12[%get3A_1115, %get3A_1116] {strides = array<i32>} : memref<104x64xf32, #tpu.memory_space<vmem>>, vector<16xf32>,
        %sub3A_1118 = arith.subf %get3A_1114, %get3A_1117 : vector<16xf32>
        %get3A_1119 = arith.index_cast %add3A_1072 : i32 to index
        %get3A_1120 = arith.constant 48 : index
        %get3A_1121 = tpu.vector_load %arg13[%get3A_1119, %get3A_1120] {strides = array<i32>} : memref<104x64xf32, #tpu.memory_space<vmem>>, vector<16xf32>,
        %add3A_1122 = arith.addf %sub3A_1118, %get3A_1121 : vector<16xf32>
        %abs3A_1123 = math.absf %add3A_1122 : vector<16xf32>
        %add3A_1124 = arith.addf %add3A_1111, %abs3A_1123 : vector<16xf32>
        %add3A_1125 = arith.constant 3 : i32
        %add3A_1126 = arith.addi %mul3A_963, %add3A_1125 : i32
        %get3A_1127 = arith.index_cast %add3A_1126 : i32 to index
        %get3A_1128 = arith.constant 0 : index
        %get3A_1129 = tpu.vector_load %arg11[%get3A_1127, %get3A_1128] {strides = array<i32>} : memref<104x64xf32, #tpu.memory_space<vmem>>, vector<16xf32>,
        %get3A_1130 = arith.index_cast %add3A_1126 : i32 to index
        %get3A_1131 = arith.constant 0 : index
        %get3A_1132 = tpu.vector_load %arg12[%get3A_1130, %get3A_1131] {strides = array<i32>} : memref<104x64xf32, #tpu.memory_space<vmem>>, vector<16xf32>,
        %sub3A_1133 = arith.subf %get3A_1129, %get3A_1132 : vector<16xf32>
        %get3A_1134 = arith.index_cast %add3A_1126 : i32 to index
        %get3A_1135 = arith.constant 0 : index
        %get3A_1136 = tpu.vector_load %arg13[%get3A_1134, %get3A_1135] {strides = array<i32>} : memref<104x64xf32, #tpu.memory_space<vmem>>, vector<16xf32>,
        %add3A_1137 = arith.addf %sub3A_1133, %get3A_1136 : vector<16xf32>
        %abs3A_1138 = math.absf %add3A_1137 : vector<16xf32>
        %add3A_1139 = arith.addf %add3A_1124, %abs3A_1138 : vector<16xf32>
        %get3A_1140 = arith.index_cast %add3A_1126 : i32 to index
        %get3A_1141 = arith.constant 16 : index
        %get3A_1142 = tpu.vector_load %arg11[%get3A_1140, %get3A_1141] {strides = array<i32>} : memref<104x64xf32, #tpu.memory_space<vmem>>, vector<16xf32>,
        %get3A_1143 = arith.index_cast %add3A_1126 : i32 to index
        %get3A_1144 = arith.constant 16 : index
        %get3A_1145 = tpu.vector_load %arg12[%get3A_1143, %get3A_1144] {strides = array<i32>} : memref<104x64xf32, #tpu.memory_space<vmem>>, vector<16xf32>,
        %sub3A_1146 = arith.subf %get3A_1142, %get3A_1145 : vector<16xf32>
        %get3A_1147 = arith.index_cast %add3A_1126 : i32 to index
        %get3A_1148 = arith.constant 16 : index
        %get3A_1149 = tpu.vector_load %arg13[%get3A_1147, %get3A_1148] {strides = array<i32>} : memref<104x64xf32, #tpu.memory_space<vmem>>, vector<16xf32>,
        %add3A_1150 = arith.addf %sub3A_1146, %get3A_1149 : vector<16xf32>
        %abs3A_1151 = math.absf %add3A_1150 : vector<16xf32>
        %add3A_1152 = arith.addf %add3A_1139, %abs3A_1151 : vector<16xf32>
        %get3A_1153 = arith.index_cast %add3A_1126 : i32 to index
        %get3A_1154 = arith.constant 32 : index
        %get3A_1155 = tpu.vector_load %arg11[%get3A_1153, %get3A_1154] {strides = array<i32>} : memref<104x64xf32, #tpu.memory_space<vmem>>, vector<16xf32>,
        %get3A_1156 = arith.index_cast %add3A_1126 : i32 to index
        %get3A_1157 = arith.constant 32 : index
        %get3A_1158 = tpu.vector_load %arg12[%get3A_1156, %get3A_1157] {strides = array<i32>} : memref<104x64xf32, #tpu.memory_space<vmem>>, vector<16xf32>,
        %sub3A_1159 = arith.subf %get3A_1155, %get3A_1158 : vector<16xf32>
        %get3A_1160 = arith.index_cast %add3A_1126 : i32 to index
        %get3A_1161 = arith.constant 32 : index
        %get3A_1162 = tpu.vector_load %arg13[%get3A_1160, %get3A_1161] {strides = array<i32>} : memref<104x64xf32, #tpu.memory_space<vmem>>, vector<16xf32>,
        %add3A_1163 = arith.addf %sub3A_1159, %get3A_1162 : vector<16xf32>
        %abs3A_1164 = math.absf %add3A_1163 : vector<16xf32>
        %add3A_1165 = arith.addf %add3A_1152, %abs3A_1164 : vector<16xf32>
        %get3A_1166 = arith.index_cast %add3A_1126 : i32 to index
        %get3A_1167 = arith.constant 48 : index
        %get3A_1168 = tpu.vector_load %arg11[%get3A_1166, %get3A_1167] {strides = array<i32>} : memref<104x64xf32, #tpu.memory_space<vmem>>, vector<16xf32>,
        %get3A_1169 = arith.index_cast %add3A_1126 : i32 to index
        %get3A_1170 = arith.constant 48 : index
        %get3A_1171 = tpu.vector_load %arg12[%get3A_1169, %get3A_1170] {strides = array<i32>} : memref<104x64xf32, #tpu.memory_space<vmem>>, vector<16xf32>,
        %sub3A_1172 = arith.subf %get3A_1168, %get3A_1171 : vector<16xf32>
        %get3A_1173 = arith.index_cast %add3A_1126 : i32 to index
        %get3A_1174 = arith.constant 48 : index
        %get3A_1175 = tpu.vector_load %arg13[%get3A_1173, %get3A_1174] {strides = array<i32>} : memref<104x64xf32, #tpu.memory_space<vmem>>, vector<16xf32>,
        %add3A_1176 = arith.addf %sub3A_1172, %get3A_1175 : vector<16xf32>
        %abs3A_1177 = math.absf %add3A_1176 : vector<16xf32>
        %add3A_1178 = arith.addf %add3A_1165, %abs3A_1177 : vector<16xf32>
        %add3A_1179 = arith.constant 4 : i32
        %add3A_1180 = arith.addi %mul3A_963, %add3A_1179 : i32
        %get3A_1181 = arith.index_cast %add3A_1180 : i32 to index
        %get3A_1182 = arith.constant 0 : index
        %get3A_1183 = tpu.vector_load %arg11[%get3A_1181, %get3A_1182] {strides = array<i32>} : memref<104x64xf32, #tpu.memory_space<vmem>>, vector<16xf32>,
        %get3A_1184 = arith.index_cast %add3A_1180 : i32 to index
        %get3A_1185 = arith.constant 0 : index
        %get3A_1186 = tpu.vector_load %arg12[%get3A_1184, %get3A_1185] {strides = array<i32>} : memref<104x64xf32, #tpu.memory_space<vmem>>, vector<16xf32>,
        %sub3A_1187 = arith.subf %get3A_1183, %get3A_1186 : vector<16xf32>
        %get3A_1188 = arith.index_cast %add3A_1180 : i32 to index
        %get3A_1189 = arith.constant 0 : index
        %get3A_1190 = tpu.vector_load %arg13[%get3A_1188, %get3A_1189] {strides = array<i32>} : memref<104x64xf32, #tpu.memory_space<vmem>>, vector<16xf32>,
        %add3A_1191 = arith.addf %sub3A_1187, %get3A_1190 : vector<16xf32>
        %abs3A_1192 = math.absf %add3A_1191 : vector<16xf32>
        %add3A_1193 = arith.addf %add3A_1178, %abs3A_1192 : vector<16xf32>
        %get3A_1194 = arith.index_cast %add3A_1180 : i32 to index
        %get3A_1195 = arith.constant 16 : index
        %get3A_1196 = tpu.vector_load %arg11[%get3A_1194, %get3A_1195] {strides = array<i32>} : memref<104x64xf32, #tpu.memory_space<vmem>>, vector<16xf32>,
        %get3A_1197 = arith.index_cast %add3A_1180 : i32 to index
        %get3A_1198 = arith.constant 16 : index
        %get3A_1199 = tpu.vector_load %arg12[%get3A_1197, %get3A_1198] {strides = array<i32>} : memref<104x64xf32, #tpu.memory_space<vmem>>, vector<16xf32>,
        %sub3A_1200 = arith.subf %get3A_1196, %get3A_1199 : vector<16xf32>
        %get3A_1201 = arith.index_cast %add3A_1180 : i32 to index
        %get3A_1202 = arith.constant 16 : index
        %get3A_1203 = tpu.vector_load %arg13[%get3A_1201, %get3A_1202] {strides = array<i32>} : memref<104x64xf32, #tpu.memory_space<vmem>>, vector<16xf32>,
        %add3A_1204 = arith.addf %sub3A_1200, %get3A_1203 : vector<16xf32>
        %abs3A_1205 = math.absf %add3A_1204 : vector<16xf32>
        %add3A_1206 = arith.addf %add3A_1193, %abs3A_1205 : vector<16xf32>
        %get3A_1207 = arith.index_cast %add3A_1180 : i32 to index
        %get3A_1208 = arith.constant 32 : index
        %get3A_1209 = tpu.vector_load %arg11[%get3A_1207, %get3A_1208] {strides = array<i32>} : memref<104x64xf32, #tpu.memory_space<vmem>>, vector<16xf32>,
        %get3A_1210 = arith.index_cast %add3A_1180 : i32 to index
        %get3A_1211 = arith.constant 32 : index
        %get3A_1212 = tpu.vector_load %arg12[%get3A_1210, %get3A_1211] {strides = array<i32>} : memref<104x64xf32, #tpu.memory_space<vmem>>, vector<16xf32>,
        %sub3A_1213 = arith.subf %get3A_1209, %get3A_1212 : vector<16xf32>
        %get3A_1214 = arith.index_cast %add3A_1180 : i32 to index
        %get3A_1215 = arith.constant 32 : index
        %get3A_1216 = tpu.vector_load %arg13[%get3A_1214, %get3A_1215] {strides = array<i32>} : memref<104x64xf32, #tpu.memory_space<vmem>>, vector<16xf32>,
        %add3A_1217 = arith.addf %sub3A_1213, %get3A_1216 : vector<16xf32>
        %abs3A_1218 = math.absf %add3A_1217 : vector<16xf32>
        %add3A_1219 = arith.addf %add3A_1206, %abs3A_1218 : vector<16xf32>
        %get3A_1220 = arith.index_cast %add3A_1180 : i32 to index
        %get3A_1221 = arith.constant 48 : index
        %get3A_1222 = tpu.vector_load %arg11[%get3A_1220, %get3A_1221] {strides = array<i32>} : memref<104x64xf32, #tpu.memory_space<vmem>>, vector<16xf32>,
        %get3A_1223 = arith.index_cast %add3A_1180 : i32 to index
        %get3A_1224 = arith.constant 48 : index
        %get3A_1225 = tpu.vector_load %arg12[%get3A_1223, %get3A_1224] {strides = array<i32>} : memref<104x64xf32, #tpu.memory_space<vmem>>, vector<16xf32>,
        %sub3A_1226 = arith.subf %get3A_1222, %get3A_1225 : vector<16xf32>
        %get3A_1227 = arith.index_cast %add3A_1180 : i32 to index
        %get3A_1228 = arith.constant 48 : index
        %get3A_1229 = tpu.vector_load %arg13[%get3A_1227, %get3A_1228] {strides = array<i32>} : memref<104x64xf32, #tpu.memory_space<vmem>>, vector<16xf32>,
        %add3A_1230 = arith.addf %sub3A_1226, %get3A_1229 : vector<16xf32>
        %abs3A_1231 = math.absf %add3A_1230 : vector<16xf32>
        %add3A_1232 = arith.addf %add3A_1219, %abs3A_1231 : vector<16xf32>
        %add3A_1233 = arith.constant 5 : i32
        %add3A_1234 = arith.addi %mul3A_963, %add3A_1233 : i32
        %get3A_1235 = arith.index_cast %add3A_1234 : i32 to index
        %get3A_1236 = arith.constant 0 : index
        %get3A_1237 = tpu.vector_load %arg11[%get3A_1235, %get3A_1236] {strides = array<i32>} : memref<104x64xf32, #tpu.memory_space<vmem>>, vector<16xf32>,
        %get3A_1238 = arith.index_cast %add3A_1234 : i32 to index
        %get3A_1239 = arith.constant 0 : index
        %get3A_1240 = tpu.vector_load %arg12[%get3A_1238, %get3A_1239] {strides = array<i32>} : memref<104x64xf32, #tpu.memory_space<vmem>>, vector<16xf32>,
        %sub3A_1241 = arith.subf %get3A_1237, %get3A_1240 : vector<16xf32>
        %get3A_1242 = arith.index_cast %add3A_1234 : i32 to index
        %get3A_1243 = arith.constant 0 : index
        %get3A_1244 = tpu.vector_load %arg13[%get3A_1242, %get3A_1243] {strides = array<i32>} : memref<104x64xf32, #tpu.memory_space<vmem>>, vector<16xf32>,
        %add3A_1245 = arith.addf %sub3A_1241, %get3A_1244 : vector<16xf32>
        %abs3A_1246 = math.absf %add3A_1245 : vector<16xf32>
        %add3A_1247 = arith.addf %add3A_1232, %abs3A_1246 : vector<16xf32>
        %get3A_1248 = arith.index_cast %add3A_1234 : i32 to index
        %get3A_1249 = arith.constant 16 : index
        %get3A_1250 = tpu.vector_load %arg11[%get3A_1248, %get3A_1249] {strides = array<i32>} : memref<104x64xf32, #tpu.memory_space<vmem>>, vector<16xf32>,
        %get3A_1251 = arith.index_cast %add3A_1234 : i32 to index
        %get3A_1252 = arith.constant 16 : index
        %get3A_1253 = tpu.vector_load %arg12[%get3A_1251, %get3A_1252] {strides = array<i32>} : memref<104x64xf32, #tpu.memory_space<vmem>>, vector<16xf32>,
        %sub3A_1254 = arith.subf %get3A_1250, %get3A_1253 : vector<16xf32>
        %get3A_1255 = arith.index_cast %add3A_1234 : i32 to index
        %get3A_1256 = arith.constant 16 : index
        %get3A_1257 = tpu.vector_load %arg13[%get3A_1255, %get3A_1256] {strides = array<i32>} : memref<104x64xf32, #tpu.memory_space<vmem>>, vector<16xf32>,
        %add3A_1258 = arith.addf %sub3A_1254, %get3A_1257 : vector<16xf32>
        %abs3A_1259 = math.absf %add3A_1258 : vector<16xf32>
        %add3A_1260 = arith.addf %add3A_1247, %abs3A_1259 : vector<16xf32>
        %get3A_1261 = arith.index_cast %add3A_1234 : i32 to index
        %get3A_1262 = arith.constant 32 : index
        %get3A_1263 = tpu.vector_load %arg11[%get3A_1261, %get3A_1262] {strides = array<i32>} : memref<104x64xf32, #tpu.memory_space<vmem>>, vector<16xf32>,
        %get3A_1264 = arith.index_cast %add3A_1234 : i32 to index
        %get3A_1265 = arith.constant 32 : index
        %get3A_1266 = tpu.vector_load %arg12[%get3A_1264, %get3A_1265] {strides = array<i32>} : memref<104x64xf32, #tpu.memory_space<vmem>>, vector<16xf32>,
        %sub3A_1267 = arith.subf %get3A_1263, %get3A_1266 : vector<16xf32>
        %get3A_1268 = arith.index_cast %add3A_1234 : i32 to index
        %get3A_1269 = arith.constant 32 : index
        %get3A_1270 = tpu.vector_load %arg13[%get3A_1268, %get3A_1269] {strides = array<i32>} : memref<104x64xf32, #tpu.memory_space<vmem>>, vector<16xf32>,
        %add3A_1271 = arith.addf %sub3A_1267, %get3A_1270 : vector<16xf32>
        %abs3A_1272 = math.absf %add3A_1271 : vector<16xf32>
        %add3A_1273 = arith.addf %add3A_1260, %abs3A_1272 : vector<16xf32>
        %get3A_1274 = arith.index_cast %add3A_1234 : i32 to index
        %get3A_1275 = arith.constant 48 : index
        %get3A_1276 = tpu.vector_load %arg11[%get3A_1274, %get3A_1275] {strides = array<i32>} : memref<104x64xf32, #tpu.memory_space<vmem>>, vector<16xf32>,
        %get3A_1277 = arith.index_cast %add3A_1234 : i32 to index
        %get3A_1278 = arith.constant 48 : index
        %get3A_1279 = tpu.vector_load %arg12[%get3A_1277, %get3A_1278] {strides = array<i32>} : memref<104x64xf32, #tpu.memory_space<vmem>>, vector<16xf32>,
        %sub3A_1280 = arith.subf %get3A_1276, %get3A_1279 : vector<16xf32>
        %get3A_1281 = arith.index_cast %add3A_1234 : i32 to index
        %get3A_1282 = arith.constant 48 : index
        %get3A_1283 = tpu.vector_load %arg13[%get3A_1281, %get3A_1282] {strides = array<i32>} : memref<104x64xf32, #tpu.memory_space<vmem>>, vector<16xf32>,
        %add3A_1284 = arith.addf %sub3A_1280, %get3A_1283 : vector<16xf32>
        %abs3A_1285 = math.absf %add3A_1284 : vector<16xf32>
        %add3A_1286 = arith.addf %add3A_1273, %abs3A_1285 : vector<16xf32>
        %add3A_1287 = arith.constant 6 : i32
        %add3A_1288 = arith.addi %mul3A_963, %add3A_1287 : i32
        %get3A_1289 = arith.index_cast %add3A_1288 : i32 to index
        %get3A_1290 = arith.constant 0 : index
        %get3A_1291 = tpu.vector_load %arg11[%get3A_1289, %get3A_1290] {strides = array<i32>} : memref<104x64xf32, #tpu.memory_space<vmem>>, vector<16xf32>,
        %get3A_1292 = arith.index_cast %add3A_1288 : i32 to index
        %get3A_1293 = arith.constant 0 : index
        %get3A_1294 = tpu.vector_load %arg12[%get3A_1292, %get3A_1293] {strides = array<i32>} : memref<104x64xf32, #tpu.memory_space<vmem>>, vector<16xf32>,
        %sub3A_1295 = arith.subf %get3A_1291, %get3A_1294 : vector<16xf32>
        %get3A_1296 = arith.index_cast %add3A_1288 : i32 to index
        %get3A_1297 = arith.constant 0 : index
        %get3A_1298 = tpu.vector_load %arg13[%get3A_1296, %get3A_1297] {strides = array<i32>} : memref<104x64xf32, #tpu.memory_space<vmem>>, vector<16xf32>,
        %add3A_1299 = arith.addf %sub3A_1295, %get3A_1298 : vector<16xf32>
        %abs3A_1300 = math.absf %add3A_1299 : vector<16xf32>
        %add3A_1301 = arith.addf %add3A_1286, %abs3A_1300 : vector<16xf32>
        %get3A_1302 = arith.index_cast %add3A_1288 : i32 to index
        %get3A_1303 = arith.constant 16 : index
        %get3A_1304 = tpu.vector_load %arg11[%get3A_1302, %get3A_1303] {strides = array<i32>} : memref<104x64xf32, #tpu.memory_space<vmem>>, vector<16xf32>,
        %get3A_1305 = arith.index_cast %add3A_1288 : i32 to index
        %get3A_1306 = arith.constant 16 : index
        %get3A_1307 = tpu.vector_load %arg12[%get3A_1305, %get3A_1306] {strides = array<i32>} : memref<104x64xf32, #tpu.memory_space<vmem>>, vector<16xf32>,
        %sub3A_1308 = arith.subf %get3A_1304, %get3A_1307 : vector<16xf32>
        %get3A_1309 = arith.index_cast %add3A_1288 : i32 to index
        %get3A_1310 = arith.constant 16 : index
        %get3A_1311 = tpu.vector_load %arg13[%get3A_1309, %get3A_1310] {strides = array<i32>} : memref<104x64xf32, #tpu.memory_space<vmem>>, vector<16xf32>,
        %add3A_1312 = arith.addf %sub3A_1308, %get3A_1311 : vector<16xf32>
        %abs3A_1313 = math.absf %add3A_1312 : vector<16xf32>
        %add3A_1314 = arith.addf %add3A_1301, %abs3A_1313 : vector<16xf32>
        %get3A_1315 = arith.index_cast %add3A_1288 : i32 to index
        %get3A_1316 = arith.constant 32 : index
        %get3A_1317 = tpu.vector_load %arg11[%get3A_1315, %get3A_1316] {strides = array<i32>} : memref<104x64xf32, #tpu.memory_space<vmem>>, vector<16xf32>,
        %get3A_1318 = arith.index_cast %add3A_1288 : i32 to index
        %get3A_1319 = arith.constant 32 : index
        %get3A_1320 = tpu.vector_load %arg12[%get3A_1318, %get3A_1319] {strides = array<i32>} : memref<104x64xf32, #tpu.memory_space<vmem>>, vector<16xf32>,
        %sub3A_1321 = arith.subf %get3A_1317, %get3A_1320 : vector<16xf32>
        %get3A_1322 = arith.index_cast %add3A_1288 : i32 to index
        %get3A_1323 = arith.constant 32 : index
        %get3A_1324 = tpu.vector_load %arg13[%get3A_1322, %get3A_1323] {strides = array<i32>} : memref<104x64xf32, #tpu.memory_space<vmem>>, vector<16xf32>,
        %add3A_1325 = arith.addf %sub3A_1321, %get3A_1324 : vector<16xf32>
        %abs3A_1326 = math.absf %add3A_1325 : vector<16xf32>
        %add3A_1327 = arith.addf %add3A_1314, %abs3A_1326 : vector<16xf32>
        %get3A_1328 = arith.index_cast %add3A_1288 : i32 to index
        %get3A_1329 = arith.constant 48 : index
        %get3A_1330 = tpu.vector_load %arg11[%get3A_1328, %get3A_1329] {strides = array<i32>} : memref<104x64xf32, #tpu.memory_space<vmem>>, vector<16xf32>,
        %get3A_1331 = arith.index_cast %add3A_1288 : i32 to index
        %get3A_1332 = arith.constant 48 : index
        %get3A_1333 = tpu.vector_load %arg12[%get3A_1331, %get3A_1332] {strides = array<i32>} : memref<104x64xf32, #tpu.memory_space<vmem>>, vector<16xf32>,
        %sub3A_1334 = arith.subf %get3A_1330, %get3A_1333 : vector<16xf32>
        %get3A_1335 = arith.index_cast %add3A_1288 : i32 to index
        %get3A_1336 = arith.constant 48 : index
        %get3A_1337 = tpu.vector_load %arg13[%get3A_1335, %get3A_1336] {strides = array<i32>} : memref<104x64xf32, #tpu.memory_space<vmem>>, vector<16xf32>,
        %add3A_1338 = arith.addf %sub3A_1334, %get3A_1337 : vector<16xf32>
        %abs3A_1339 = math.absf %add3A_1338 : vector<16xf32>
        %add3A_1340 = arith.addf %add3A_1327, %abs3A_1339 : vector<16xf32>
        %add3A_1341 = arith.constant 7 : i32
        %add3A_1342 = arith.addi %mul3A_963, %add3A_1341 : i32
        %get3A_1343 = arith.index_cast %add3A_1342 : i32 to index
        %get3A_1344 = arith.constant 0 : index
        %get3A_1345 = tpu.vector_load %arg11[%get3A_1343, %get3A_1344] {strides = array<i32>} : memref<104x64xf32, #tpu.memory_space<vmem>>, vector<16xf32>,
        %get3A_1346 = arith.index_cast %add3A_1342 : i32 to index
        %get3A_1347 = arith.constant 0 : index
        %get3A_1348 = tpu.vector_load %arg12[%get3A_1346, %get3A_1347] {strides = array<i32>} : memref<104x64xf32, #tpu.memory_space<vmem>>, vector<16xf32>,
        %sub3A_1349 = arith.subf %get3A_1345, %get3A_1348 : vector<16xf32>
        %get3A_1350 = arith.index_cast %add3A_1342 : i32 to index
        %get3A_1351 = arith.constant 0 : index
        %get3A_1352 = tpu.vector_load %arg13[%get3A_1350, %get3A_1351] {strides = array<i32>} : memref<104x64xf32, #tpu.memory_space<vmem>>, vector<16xf32>,
        %add3A_1353 = arith.addf %sub3A_1349, %get3A_1352 : vector<16xf32>
        %abs3A_1354 = math.absf %add3A_1353 : vector<16xf32>
        %add3A_1355 = arith.addf %add3A_1340, %abs3A_1354 : vector<16xf32>
        %get3A_1356 = arith.index_cast %add3A_1342 : i32 to index
        %get3A_1357 = arith.constant 16 : index
        %get3A_1358 = tpu.vector_load %arg11[%get3A_1356, %get3A_1357] {strides = array<i32>} : memref<104x64xf32, #tpu.memory_space<vmem>>, vector<16xf32>,
        %get3A_1359 = arith.index_cast %add3A_1342 : i32 to index
        %get3A_1360 = arith.constant 16 : index
        %get3A_1361 = tpu.vector_load %arg12[%get3A_1359, %get3A_1360] {strides = array<i32>} : memref<104x64xf32, #tpu.memory_space<vmem>>, vector<16xf32>,
        %sub3A_1362 = arith.subf %get3A_1358, %get3A_1361 : vector<16xf32>
        %get3A_1363 = arith.index_cast %add3A_1342 : i32 to index
        %get3A_1364 = arith.constant 16 : index
        %get3A_1365 = tpu.vector_load %arg13[%get3A_1363, %get3A_1364] {strides = array<i32>} : memref<104x64xf32, #tpu.memory_space<vmem>>, vector<16xf32>,
        %add3A_1366 = arith.addf %sub3A_1362, %get3A_1365 : vector<16xf32>
        %abs3A_1367 = math.absf %add3A_1366 : vector<16xf32>
        %add3A_1368 = arith.addf %add3A_1355, %abs3A_1367 : vector<16xf32>
        %get3A_1369 = arith.index_cast %add3A_1342 : i32 to index
        %get3A_1370 = arith.constant 32 : index
        %get3A_1371 = tpu.vector_load %arg11[%get3A_1369, %get3A_1370] {strides = array<i32>} : memref<104x64xf32, #tpu.memory_space<vmem>>, vector<16xf32>,
        %get3A_1372 = arith.index_cast %add3A_1342 : i32 to index
        %get3A_1373 = arith.constant 32 : index
        %get3A_1374 = tpu.vector_load %arg12[%get3A_1372, %get3A_1373] {strides = array<i32>} : memref<104x64xf32, #tpu.memory_space<vmem>>, vector<16xf32>,
        %sub3A_1375 = arith.subf %get3A_1371, %get3A_1374 : vector<16xf32>
        %get3A_1376 = arith.index_cast %add3A_1342 : i32 to index
        %get3A_1377 = arith.constant 32 : index
        %get3A_1378 = tpu.vector_load %arg13[%get3A_1376, %get3A_1377] {strides = array<i32>} : memref<104x64xf32, #tpu.memory_space<vmem>>, vector<16xf32>,
        %add3A_1379 = arith.addf %sub3A_1375, %get3A_1378 : vector<16xf32>
        %abs3A_1380 = math.absf %add3A_1379 : vector<16xf32>
        %add3A_1381 = arith.addf %add3A_1368, %abs3A_1380 : vector<16xf32>
        %get3A_1382 = arith.index_cast %add3A_1342 : i32 to index
        %get3A_1383 = arith.constant 48 : index
        %get3A_1384 = tpu.vector_load %arg11[%get3A_1382, %get3A_1383] {strides = array<i32>} : memref<104x64xf32, #tpu.memory_space<vmem>>, vector<16xf32>,
        %get3A_1385 = arith.index_cast %add3A_1342 : i32 to index
        %get3A_1386 = arith.constant 48 : index
        %get3A_1387 = tpu.vector_load %arg12[%get3A_1385, %get3A_1386] {strides = array<i32>} : memref<104x64xf32, #tpu.memory_space<vmem>>, vector<16xf32>,
        %sub3A_1388 = arith.subf %get3A_1384, %get3A_1387 : vector<16xf32>
        %get3A_1389 = arith.index_cast %add3A_1342 : i32 to index
        %get3A_1390 = arith.constant 48 : index
        %get3A_1391 = tpu.vector_load %arg13[%get3A_1389, %get3A_1390] {strides = array<i32>} : memref<104x64xf32, #tpu.memory_space<vmem>>, vector<16xf32>,
        %add3A_1392 = arith.addf %sub3A_1388, %get3A_1391 : vector<16xf32>
        %abs3A_1393 = math.absf %add3A_1392 : vector<16xf32>
        %add3A_1394 = arith.addf %add3A_1381, %abs3A_1393 : vector<16xf32>
        %add3A_1395 = arith.constant 8 : i32
        %add3A_1396 = arith.addi %mul3A_963, %add3A_1395 : i32
        %get3A_1397 = arith.index_cast %add3A_1396 : i32 to index
        %get3A_1398 = arith.constant 0 : index
        %get3A_1399 = tpu.vector_load %arg11[%get3A_1397, %get3A_1398] {strides = array<i32>} : memref<104x64xf32, #tpu.memory_space<vmem>>, vector<16xf32>,
        %get3A_1400 = arith.index_cast %add3A_1396 : i32 to index
        %get3A_1401 = arith.constant 0 : index
        %get3A_1402 = tpu.vector_load %arg12[%get3A_1400, %get3A_1401] {strides = array<i32>} : memref<104x64xf32, #tpu.memory_space<vmem>>, vector<16xf32>,
        %sub3A_1403 = arith.subf %get3A_1399, %get3A_1402 : vector<16xf32>
        %get3A_1404 = arith.index_cast %add3A_1396 : i32 to index
        %get3A_1405 = arith.constant 0 : index
        %get3A_1406 = tpu.vector_load %arg13[%get3A_1404, %get3A_1405] {strides = array<i32>} : memref<104x64xf32, #tpu.memory_space<vmem>>, vector<16xf32>,
        %add3A_1407 = arith.addf %sub3A_1403, %get3A_1406 : vector<16xf32>
        %abs3A_1408 = math.absf %add3A_1407 : vector<16xf32>
        %add3A_1409 = arith.addf %add3A_1394, %abs3A_1408 : vector<16xf32>
        %get3A_1410 = arith.index_cast %add3A_1396 : i32 to index
        %get3A_1411 = arith.constant 16 : index
        %get3A_1412 = tpu.vector_load %arg11[%get3A_1410, %get3A_1411] {strides = array<i32>} : memref<104x64xf32, #tpu.memory_space<vmem>>, vector<16xf32>,
        %get3A_1413 = arith.index_cast %add3A_1396 : i32 to index
        %get3A_1414 = arith.constant 16 : index
        %get3A_1415 = tpu.vector_load %arg12[%get3A_1413, %get3A_1414] {strides = array<i32>} : memref<104x64xf32, #tpu.memory_space<vmem>>, vector<16xf32>,
        %sub3A_1416 = arith.subf %get3A_1412, %get3A_1415 : vector<16xf32>
        %get3A_1417 = arith.index_cast %add3A_1396 : i32 to index
        %get3A_1418 = arith.constant 16 : index
        %get3A_1419 = tpu.vector_load %arg13[%get3A_1417, %get3A_1418] {strides = array<i32>} : memref<104x64xf32, #tpu.memory_space<vmem>>, vector<16xf32>,
        %add3A_1420 = arith.addf %sub3A_1416, %get3A_1419 : vector<16xf32>
        %abs3A_1421 = math.absf %add3A_1420 : vector<16xf32>
        %add3A_1422 = arith.addf %add3A_1409, %abs3A_1421 : vector<16xf32>
        %get3A_1423 = arith.index_cast %add3A_1396 : i32 to index
        %get3A_1424 = arith.constant 32 : index
        %get3A_1425 = tpu.vector_load %arg11[%get3A_1423, %get3A_1424] {strides = array<i32>} : memref<104x64xf32, #tpu.memory_space<vmem>>, vector<16xf32>,
        %get3A_1426 = arith.index_cast %add3A_1396 : i32 to index
        %get3A_1427 = arith.constant 32 : index
        %get3A_1428 = tpu.vector_load %arg12[%get3A_1426, %get3A_1427] {strides = array<i32>} : memref<104x64xf32, #tpu.memory_space<vmem>>, vector<16xf32>,
        %sub3A_1429 = arith.subf %get3A_1425, %get3A_1428 : vector<16xf32>
        %get3A_1430 = arith.index_cast %add3A_1396 : i32 to index
        %get3A_1431 = arith.constant 32 : index
        %get3A_1432 = tpu.vector_load %arg13[%get3A_1430, %get3A_1431] {strides = array<i32>} : memref<104x64xf32, #tpu.memory_space<vmem>>, vector<16xf32>,
        %add3A_1433 = arith.addf %sub3A_1429, %get3A_1432 : vector<16xf32>
        %abs3A_1434 = math.absf %add3A_1433 : vector<16xf32>
        %add3A_1435 = arith.addf %add3A_1422, %abs3A_1434 : vector<16xf32>
        %get3A_1436 = arith.index_cast %add3A_1396 : i32 to index
        %get3A_1437 = arith.constant 48 : index
        %get3A_1438 = tpu.vector_load %arg11[%get3A_1436, %get3A_1437] {strides = array<i32>} : memref<104x64xf32, #tpu.memory_space<vmem>>, vector<16xf32>,
        %get3A_1439 = arith.index_cast %add3A_1396 : i32 to index
        %get3A_1440 = arith.constant 48 : index
        %get3A_1441 = tpu.vector_load %arg12[%get3A_1439, %get3A_1440] {strides = array<i32>} : memref<104x64xf32, #tpu.memory_space<vmem>>, vector<16xf32>,
        %sub3A_1442 = arith.subf %get3A_1438, %get3A_1441 : vector<16xf32>
        %get3A_1443 = arith.index_cast %add3A_1396 : i32 to index
        %get3A_1444 = arith.constant 48 : index
        %get3A_1445 = tpu.vector_load %arg13[%get3A_1443, %get3A_1444] {strides = array<i32>} : memref<104x64xf32, #tpu.memory_space<vmem>>, vector<16xf32>,
        %add3A_1446 = arith.addf %sub3A_1442, %get3A_1445 : vector<16xf32>
        %abs3A_1447 = math.absf %add3A_1446 : vector<16xf32>
        %add3A_1448 = arith.addf %add3A_1435, %abs3A_1447 : vector<16xf32>
        %add3A_1449 = arith.constant 9 : i32
        %add3A_1450 = arith.addi %mul3A_963, %add3A_1449 : i32
        %get3A_1451 = arith.index_cast %add3A_1450 : i32 to index
        %get3A_1452 = arith.constant 0 : index
        %get3A_1453 = tpu.vector_load %arg11[%get3A_1451, %get3A_1452] {strides = array<i32>} : memref<104x64xf32, #tpu.memory_space<vmem>>, vector<16xf32>,
        %get3A_1454 = arith.index_cast %add3A_1450 : i32 to index
        %get3A_1455 = arith.constant 0 : index
        %get3A_1456 = tpu.vector_load %arg12[%get3A_1454, %get3A_1455] {strides = array<i32>} : memref<104x64xf32, #tpu.memory_space<vmem>>, vector<16xf32>,
        %sub3A_1457 = arith.subf %get3A_1453, %get3A_1456 : vector<16xf32>
        %get3A_1458 = arith.index_cast %add3A_1450 : i32 to index
        %get3A_1459 = arith.constant 0 : index
        %get3A_1460 = tpu.vector_load %arg13[%get3A_1458, %get3A_1459] {strides = array<i32>} : memref<104x64xf32, #tpu.memory_space<vmem>>, vector<16xf32>,
        %add3A_1461 = arith.addf %sub3A_1457, %get3A_1460 : vector<16xf32>
        %abs3A_1462 = math.absf %add3A_1461 : vector<16xf32>
        %add3A_1463 = arith.addf %add3A_1448, %abs3A_1462 : vector<16xf32>
        %get3A_1464 = arith.index_cast %add3A_1450 : i32 to index
        %get3A_1465 = arith.constant 16 : index
        %get3A_1466 = tpu.vector_load %arg11[%get3A_1464, %get3A_1465] {strides = array<i32>} : memref<104x64xf32, #tpu.memory_space<vmem>>, vector<16xf32>,
        %get3A_1467 = arith.index_cast %add3A_1450 : i32 to index
        %get3A_1468 = arith.constant 16 : index
        %get3A_1469 = tpu.vector_load %arg12[%get3A_1467, %get3A_1468] {strides = array<i32>} : memref<104x64xf32, #tpu.memory_space<vmem>>, vector<16xf32>,
        %sub3A_1470 = arith.subf %get3A_1466, %get3A_1469 : vector<16xf32>
        %get3A_1471 = arith.index_cast %add3A_1450 : i32 to index
        %get3A_1472 = arith.constant 16 : index
        %get3A_1473 = tpu.vector_load %arg13[%get3A_1471, %get3A_1472] {strides = array<i32>} : memref<104x64xf32, #tpu.memory_space<vmem>>, vector<16xf32>,
        %add3A_1474 = arith.addf %sub3A_1470, %get3A_1473 : vector<16xf32>
        %abs3A_1475 = math.absf %add3A_1474 : vector<16xf32>
        %add3A_1476 = arith.addf %add3A_1463, %abs3A_1475 : vector<16xf32>
        %get3A_1477 = arith.index_cast %add3A_1450 : i32 to index
        %get3A_1478 = arith.constant 32 : index
        %get3A_1479 = tpu.vector_load %arg11[%get3A_1477, %get3A_1478] {strides = array<i32>} : memref<104x64xf32, #tpu.memory_space<vmem>>, vector<16xf32>,
        %get3A_1480 = arith.index_cast %add3A_1450 : i32 to index
        %get3A_1481 = arith.constant 32 : index
        %get3A_1482 = tpu.vector_load %arg12[%get3A_1480, %get3A_1481] {strides = array<i32>} : memref<104x64xf32, #tpu.memory_space<vmem>>, vector<16xf32>,
        %sub3A_1483 = arith.subf %get3A_1479, %get3A_1482 : vector<16xf32>
        %get3A_1484 = arith.index_cast %add3A_1450 : i32 to index
        %get3A_1485 = arith.constant 32 : index
        %get3A_1486 = tpu.vector_load %arg13[%get3A_1484, %get3A_1485] {strides = array<i32>} : memref<104x64xf32, #tpu.memory_space<vmem>>, vector<16xf32>,
        %add3A_1487 = arith.addf %sub3A_1483, %get3A_1486 : vector<16xf32>
        %abs3A_1488 = math.absf %add3A_1487 : vector<16xf32>
        %add3A_1489 = arith.addf %add3A_1476, %abs3A_1488 : vector<16xf32>
        %get3A_1490 = arith.index_cast %add3A_1450 : i32 to index
        %get3A_1491 = arith.constant 48 : index
        %get3A_1492 = tpu.vector_load %arg11[%get3A_1490, %get3A_1491] {strides = array<i32>} : memref<104x64xf32, #tpu.memory_space<vmem>>, vector<16xf32>,
        %get3A_1493 = arith.index_cast %add3A_1450 : i32 to index
        %get3A_1494 = arith.constant 48 : index
        %get3A_1495 = tpu.vector_load %arg12[%get3A_1493, %get3A_1494] {strides = array<i32>} : memref<104x64xf32, #tpu.memory_space<vmem>>, vector<16xf32>,
        %sub3A_1496 = arith.subf %get3A_1492, %get3A_1495 : vector<16xf32>
        %get3A_1497 = arith.index_cast %add3A_1450 : i32 to index
        %get3A_1498 = arith.constant 48 : index
        %get3A_1499 = tpu.vector_load %arg13[%get3A_1497, %get3A_1498] {strides = array<i32>} : memref<104x64xf32, #tpu.memory_space<vmem>>, vector<16xf32>,
        %add3A_1500 = arith.addf %sub3A_1496, %get3A_1499 : vector<16xf32>
        %abs3A_1501 = math.absf %add3A_1500 : vector<16xf32>
        %add3A_1502 = arith.addf %add3A_1489, %abs3A_1501 : vector<16xf32>
        %add3A_1503 = arith.constant 10 : i32
        %add3A_1504 = arith.addi %mul3A_963, %add3A_1503 : i32
        %get3A_1505 = arith.index_cast %add3A_1504 : i32 to index
        %get3A_1506 = arith.constant 0 : index
        %get3A_1507 = tpu.vector_load %arg11[%get3A_1505, %get3A_1506] {strides = array<i32>} : memref<104x64xf32, #tpu.memory_space<vmem>>, vector<16xf32>,
        %get3A_1508 = arith.index_cast %add3A_1504 : i32 to index
        %get3A_1509 = arith.constant 0 : index
        %get3A_1510 = tpu.vector_load %arg12[%get3A_1508, %get3A_1509] {strides = array<i32>} : memref<104x64xf32, #tpu.memory_space<vmem>>, vector<16xf32>,
        %sub3A_1511 = arith.subf %get3A_1507, %get3A_1510 : vector<16xf32>
        %get3A_1512 = arith.index_cast %add3A_1504 : i32 to index
        %get3A_1513 = arith.constant 0 : index
        %get3A_1514 = tpu.vector_load %arg13[%get3A_1512, %get3A_1513] {strides = array<i32>} : memref<104x64xf32, #tpu.memory_space<vmem>>, vector<16xf32>,
        %add3A_1515 = arith.addf %sub3A_1511, %get3A_1514 : vector<16xf32>
        %abs3A_1516 = math.absf %add3A_1515 : vector<16xf32>
        %add3A_1517 = arith.addf %add3A_1502, %abs3A_1516 : vector<16xf32>
        %get3A_1518 = arith.index_cast %add3A_1504 : i32 to index
        %get3A_1519 = arith.constant 16 : index
        %get3A_1520 = tpu.vector_load %arg11[%get3A_1518, %get3A_1519] {strides = array<i32>} : memref<104x64xf32, #tpu.memory_space<vmem>>, vector<16xf32>,
        %get3A_1521 = arith.index_cast %add3A_1504 : i32 to index
        %get3A_1522 = arith.constant 16 : index
        %get3A_1523 = tpu.vector_load %arg12[%get3A_1521, %get3A_1522] {strides = array<i32>} : memref<104x64xf32, #tpu.memory_space<vmem>>, vector<16xf32>,
        %sub3A_1524 = arith.subf %get3A_1520, %get3A_1523 : vector<16xf32>
        %get3A_1525 = arith.index_cast %add3A_1504 : i32 to index
        %get3A_1526 = arith.constant 16 : index
        %get3A_1527 = tpu.vector_load %arg13[%get3A_1525, %get3A_1526] {strides = array<i32>} : memref<104x64xf32, #tpu.memory_space<vmem>>, vector<16xf32>,
        %add3A_1528 = arith.addf %sub3A_1524, %get3A_1527 : vector<16xf32>
        %abs3A_1529 = math.absf %add3A_1528 : vector<16xf32>
        %add3A_1530 = arith.addf %add3A_1517, %abs3A_1529 : vector<16xf32>
        %get3A_1531 = arith.index_cast %add3A_1504 : i32 to index
        %get3A_1532 = arith.constant 32 : index
        %get3A_1533 = tpu.vector_load %arg11[%get3A_1531, %get3A_1532] {strides = array<i32>} : memref<104x64xf32, #tpu.memory_space<vmem>>, vector<16xf32>,
        %get3A_1534 = arith.index_cast %add3A_1504 : i32 to index
        %get3A_1535 = arith.constant 32 : index
        %get3A_1536 = tpu.vector_load %arg12[%get3A_1534, %get3A_1535] {strides = array<i32>} : memref<104x64xf32, #tpu.memory_space<vmem>>, vector<16xf32>,
        %sub3A_1537 = arith.subf %get3A_1533, %get3A_1536 : vector<16xf32>
        %get3A_1538 = arith.index_cast %add3A_1504 : i32 to index
        %get3A_1539 = arith.constant 32 : index
        %get3A_1540 = tpu.vector_load %arg13[%get3A_1538, %get3A_1539] {strides = array<i32>} : memref<104x64xf32, #tpu.memory_space<vmem>>, vector<16xf32>,
        %add3A_1541 = arith.addf %sub3A_1537, %get3A_1540 : vector<16xf32>
        %abs3A_1542 = math.absf %add3A_1541 : vector<16xf32>
        %add3A_1543 = arith.addf %add3A_1530, %abs3A_1542 : vector<16xf32>
        %get3A_1544 = arith.index_cast %add3A_1504 : i32 to index
        %get3A_1545 = arith.constant 48 : index
        %get3A_1546 = tpu.vector_load %arg11[%get3A_1544, %get3A_1545] {strides = array<i32>} : memref<104x64xf32, #tpu.memory_space<vmem>>, vector<16xf32>,
        %get3A_1547 = arith.index_cast %add3A_1504 : i32 to index
        %get3A_1548 = arith.constant 48 : index
        %get3A_1549 = tpu.vector_load %arg12[%get3A_1547, %get3A_1548] {strides = array<i32>} : memref<104x64xf32, #tpu.memory_space<vmem>>, vector<16xf32>,
        %sub3A_1550 = arith.subf %get3A_1546, %get3A_1549 : vector<16xf32>
        %get3A_1551 = arith.index_cast %add3A_1504 : i32 to index
        %get3A_1552 = arith.constant 48 : index
        %get3A_1553 = tpu.vector_load %arg13[%get3A_1551, %get3A_1552] {strides = array<i32>} : memref<104x64xf32, #tpu.memory_space<vmem>>, vector<16xf32>,
        %add3A_1554 = arith.addf %sub3A_1550, %get3A_1553 : vector<16xf32>
        %abs3A_1555 = math.absf %add3A_1554 : vector<16xf32>
        %add3A_1556 = arith.addf %add3A_1543, %abs3A_1555 : vector<16xf32>
        %add3A_1557 = arith.constant 11 : i32
        %add3A_1558 = arith.addi %mul3A_963, %add3A_1557 : i32
        %get3A_1559 = arith.index_cast %add3A_1558 : i32 to index
        %get3A_1560 = arith.constant 0 : index
        %get3A_1561 = tpu.vector_load %arg11[%get3A_1559, %get3A_1560] {strides = array<i32>} : memref<104x64xf32, #tpu.memory_space<vmem>>, vector<16xf32>,
        %get3A_1562 = arith.index_cast %add3A_1558 : i32 to index
        %get3A_1563 = arith.constant 0 : index
        %get3A_1564 = tpu.vector_load %arg12[%get3A_1562, %get3A_1563] {strides = array<i32>} : memref<104x64xf32, #tpu.memory_space<vmem>>, vector<16xf32>,
        %sub3A_1565 = arith.subf %get3A_1561, %get3A_1564 : vector<16xf32>
        %get3A_1566 = arith.index_cast %add3A_1558 : i32 to index
        %get3A_1567 = arith.constant 0 : index
        %get3A_1568 = tpu.vector_load %arg13[%get3A_1566, %get3A_1567] {strides = array<i32>} : memref<104x64xf32, #tpu.memory_space<vmem>>, vector<16xf32>,
        %add3A_1569 = arith.addf %sub3A_1565, %get3A_1568 : vector<16xf32>
        %abs3A_1570 = math.absf %add3A_1569 : vector<16xf32>
        %add3A_1571 = arith.addf %add3A_1556, %abs3A_1570 : vector<16xf32>
        %get3A_1572 = arith.index_cast %add3A_1558 : i32 to index
        %get3A_1573 = arith.constant 16 : index
        %get3A_1574 = tpu.vector_load %arg11[%get3A_1572, %get3A_1573] {strides = array<i32>} : memref<104x64xf32, #tpu.memory_space<vmem>>, vector<16xf32>,
        %get3A_1575 = arith.index_cast %add3A_1558 : i32 to index
        %get3A_1576 = arith.constant 16 : index
        %get3A_1577 = tpu.vector_load %arg12[%get3A_1575, %get3A_1576] {strides = array<i32>} : memref<104x64xf32, #tpu.memory_space<vmem>>, vector<16xf32>,
        %sub3A_1578 = arith.subf %get3A_1574, %get3A_1577 : vector<16xf32>
        %get3A_1579 = arith.index_cast %add3A_1558 : i32 to index
        %get3A_1580 = arith.constant 16 : index
        %get3A_1581 = tpu.vector_load %arg13[%get3A_1579, %get3A_1580] {strides = array<i32>} : memref<104x64xf32, #tpu.memory_space<vmem>>, vector<16xf32>,
        %add3A_1582 = arith.addf %sub3A_1578, %get3A_1581 : vector<16xf32>
        %abs3A_1583 = math.absf %add3A_1582 : vector<16xf32>
        %add3A_1584 = arith.addf %add3A_1571, %abs3A_1583 : vector<16xf32>
        %get3A_1585 = arith.index_cast %add3A_1558 : i32 to index
        %get3A_1586 = arith.constant 32 : index
        %get3A_1587 = tpu.vector_load %arg11[%get3A_1585, %get3A_1586] {strides = array<i32>} : memref<104x64xf32, #tpu.memory_space<vmem>>, vector<16xf32>,
        %get3A_1588 = arith.index_cast %add3A_1558 : i32 to index
        %get3A_1589 = arith.constant 32 : index
        %get3A_1590 = tpu.vector_load %arg12[%get3A_1588, %get3A_1589] {strides = array<i32>} : memref<104x64xf32, #tpu.memory_space<vmem>>, vector<16xf32>,
        %sub3A_1591 = arith.subf %get3A_1587, %get3A_1590 : vector<16xf32>
        %get3A_1592 = arith.index_cast %add3A_1558 : i32 to index
        %get3A_1593 = arith.constant 32 : index
        %get3A_1594 = tpu.vector_load %arg13[%get3A_1592, %get3A_1593] {strides = array<i32>} : memref<104x64xf32, #tpu.memory_space<vmem>>, vector<16xf32>,
        %add3A_1595 = arith.addf %sub3A_1591, %get3A_1594 : vector<16xf32>
        %abs3A_1596 = math.absf %add3A_1595 : vector<16xf32>
        %add3A_1597 = arith.addf %add3A_1584, %abs3A_1596 : vector<16xf32>
        %get3A_1598 = arith.index_cast %add3A_1558 : i32 to index
        %get3A_1599 = arith.constant 48 : index
        %get3A_1600 = tpu.vector_load %arg11[%get3A_1598, %get3A_1599] {strides = array<i32>} : memref<104x64xf32, #tpu.memory_space<vmem>>, vector<16xf32>,
        %get3A_1601 = arith.index_cast %add3A_1558 : i32 to index
        %get3A_1602 = arith.constant 48 : index
        %get3A_1603 = tpu.vector_load %arg12[%get3A_1601, %get3A_1602] {strides = array<i32>} : memref<104x64xf32, #tpu.memory_space<vmem>>, vector<16xf32>,
        %sub3A_1604 = arith.subf %get3A_1600, %get3A_1603 : vector<16xf32>
        %get3A_1605 = arith.index_cast %add3A_1558 : i32 to index
        %get3A_1606 = arith.constant 48 : index
        %get3A_1607 = tpu.vector_load %arg13[%get3A_1605, %get3A_1606] {strides = array<i32>} : memref<104x64xf32, #tpu.memory_space<vmem>>, vector<16xf32>,
        %add3A_1608 = arith.addf %sub3A_1604, %get3A_1607 : vector<16xf32>
        %abs3A_1609 = math.absf %add3A_1608 : vector<16xf32>
        %add3A_1610 = arith.addf %add3A_1597, %abs3A_1609 : vector<16xf32>
        %add3A_1611 = arith.constant 12 : i32
        %add3A_1612 = arith.addi %mul3A_963, %add3A_1611 : i32
        %get3A_1613 = arith.index_cast %add3A_1612 : i32 to index
        %get3A_1614 = arith.constant 0 : index
        %get3A_1615 = tpu.vector_load %arg11[%get3A_1613, %get3A_1614] {strides = array<i32>} : memref<104x64xf32, #tpu.memory_space<vmem>>, vector<16xf32>,
        %get3A_1616 = arith.index_cast %add3A_1612 : i32 to index
        %get3A_1617 = arith.constant 0 : index
        %get3A_1618 = tpu.vector_load %arg12[%get3A_1616, %get3A_1617] {strides = array<i32>} : memref<104x64xf32, #tpu.memory_space<vmem>>, vector<16xf32>,
        %sub3A_1619 = arith.subf %get3A_1615, %get3A_1618 : vector<16xf32>
        %get3A_1620 = arith.index_cast %add3A_1612 : i32 to index
        %get3A_1621 = arith.constant 0 : index
        %get3A_1622 = tpu.vector_load %arg13[%get3A_1620, %get3A_1621] {strides = array<i32>} : memref<104x64xf32, #tpu.memory_space<vmem>>, vector<16xf32>,
        %add3A_1623 = arith.addf %sub3A_1619, %get3A_1622 : vector<16xf32>
        %abs3A_1624 = math.absf %add3A_1623 : vector<16xf32>
        %add3A_1625 = arith.addf %add3A_1610, %abs3A_1624 : vector<16xf32>
        %get3A_1626 = arith.index_cast %add3A_1612 : i32 to index
        %get3A_1627 = arith.constant 16 : index
        %get3A_1628 = tpu.vector_load %arg11[%get3A_1626, %get3A_1627] {strides = array<i32>} : memref<104x64xf32, #tpu.memory_space<vmem>>, vector<16xf32>,
        %get3A_1629 = arith.index_cast %add3A_1612 : i32 to index
        %get3A_1630 = arith.constant 16 : index
        %get3A_1631 = tpu.vector_load %arg12[%get3A_1629, %get3A_1630] {strides = array<i32>} : memref<104x64xf32, #tpu.memory_space<vmem>>, vector<16xf32>,
        %sub3A_1632 = arith.subf %get3A_1628, %get3A_1631 : vector<16xf32>
        %get3A_1633 = arith.index_cast %add3A_1612 : i32 to index
        %get3A_1634 = arith.constant 16 : index
        %get3A_1635 = tpu.vector_load %arg13[%get3A_1633, %get3A_1634] {strides = array<i32>} : memref<104x64xf32, #tpu.memory_space<vmem>>, vector<16xf32>,
        %add3A_1636 = arith.addf %sub3A_1632, %get3A_1635 : vector<16xf32>
        %abs3A_1637 = math.absf %add3A_1636 : vector<16xf32>
        %add3A_1638 = arith.addf %add3A_1625, %abs3A_1637 : vector<16xf32>
        %get3A_1639 = arith.index_cast %add3A_1612 : i32 to index
        %get3A_1640 = arith.constant 32 : index
        %get3A_1641 = tpu.vector_load %arg11[%get3A_1639, %get3A_1640] {strides = array<i32>} : memref<104x64xf32, #tpu.memory_space<vmem>>, vector<16xf32>,
        %get3A_1642 = arith.index_cast %add3A_1612 : i32 to index
        %get3A_1643 = arith.constant 32 : index
        %get3A_1644 = tpu.vector_load %arg12[%get3A_1642, %get3A_1643] {strides = array<i32>} : memref<104x64xf32, #tpu.memory_space<vmem>>, vector<16xf32>,
        %sub3A_1645 = arith.subf %get3A_1641, %get3A_1644 : vector<16xf32>
        %get3A_1646 = arith.index_cast %add3A_1612 : i32 to index
        %get3A_1647 = arith.constant 32 : index
        %get3A_1648 = tpu.vector_load %arg13[%get3A_1646, %get3A_1647] {strides = array<i32>} : memref<104x64xf32, #tpu.memory_space<vmem>>, vector<16xf32>,
        %add3A_1649 = arith.addf %sub3A_1645, %get3A_1648 : vector<16xf32>
        %abs3A_1650 = math.absf %add3A_1649 : vector<16xf32>
        %add3A_1651 = arith.addf %add3A_1638, %abs3A_1650 : vector<16xf32>
        %get3A_1652 = arith.index_cast %add3A_1612 : i32 to index
        %get3A_1653 = arith.constant 48 : index
        %get3A_1654 = tpu.vector_load %arg11[%get3A_1652, %get3A_1653] {strides = array<i32>} : memref<104x64xf32, #tpu.memory_space<vmem>>, vector<16xf32>,
        %get3A_1655 = arith.index_cast %add3A_1612 : i32 to index
        %get3A_1656 = arith.constant 48 : index
        %get3A_1657 = tpu.vector_load %arg12[%get3A_1655, %get3A_1656] {strides = array<i32>} : memref<104x64xf32, #tpu.memory_space<vmem>>, vector<16xf32>,
        %sub3A_1658 = arith.subf %get3A_1654, %get3A_1657 : vector<16xf32>
        %get3A_1659 = arith.index_cast %add3A_1612 : i32 to index
        %get3A_1660 = arith.constant 48 : index
        %get3A_1661 = tpu.vector_load %arg13[%get3A_1659, %get3A_1660] {strides = array<i32>} : memref<104x64xf32, #tpu.memory_space<vmem>>, vector<16xf32>,
        %add3A_1662 = arith.addf %sub3A_1658, %get3A_1661 : vector<16xf32>
        %abs3A_1663 = math.absf %add3A_1662 : vector<16xf32>
        %add3A_1664 = arith.addf %add3A_1651, %abs3A_1663 : vector<16xf32>
        %add3A_1665 = arith.constant 13 : i32
        %add3A_1666 = arith.addi %mul3A_963, %add3A_1665 : i32
        %get3A_1667 = arith.index_cast %add3A_1666 : i32 to index
        %get3A_1668 = arith.constant 0 : index
        %get3A_1669 = tpu.vector_load %arg11[%get3A_1667, %get3A_1668] {strides = array<i32>} : memref<104x64xf32, #tpu.memory_space<vmem>>, vector<16xf32>,
        %get3A_1670 = arith.index_cast %add3A_1666 : i32 to index
        %get3A_1671 = arith.constant 0 : index
        %get3A_1672 = tpu.vector_load %arg12[%get3A_1670, %get3A_1671] {strides = array<i32>} : memref<104x64xf32, #tpu.memory_space<vmem>>, vector<16xf32>,
        %sub3A_1673 = arith.subf %get3A_1669, %get3A_1672 : vector<16xf32>
        %get3A_1674 = arith.index_cast %add3A_1666 : i32 to index
        %get3A_1675 = arith.constant 0 : index
        %get3A_1676 = tpu.vector_load %arg13[%get3A_1674, %get3A_1675] {strides = array<i32>} : memref<104x64xf32, #tpu.memory_space<vmem>>, vector<16xf32>,
        %add3A_1677 = arith.addf %sub3A_1673, %get3A_1676 : vector<16xf32>
        %abs3A_1678 = math.absf %add3A_1677 : vector<16xf32>
        %add3A_1679 = arith.addf %add3A_1664, %abs3A_1678 : vector<16xf32>
        %get3A_1680 = arith.index_cast %add3A_1666 : i32 to index
        %get3A_1681 = arith.constant 16 : index
        %get3A_1682 = tpu.vector_load %arg11[%get3A_1680, %get3A_1681] {strides = array<i32>} : memref<104x64xf32, #tpu.memory_space<vmem>>, vector<16xf32>,
        %get3A_1683 = arith.index_cast %add3A_1666 : i32 to index
        %get3A_1684 = arith.constant 16 : index
        %get3A_1685 = tpu.vector_load %arg12[%get3A_1683, %get3A_1684] {strides = array<i32>} : memref<104x64xf32, #tpu.memory_space<vmem>>, vector<16xf32>,
        %sub3A_1686 = arith.subf %get3A_1682, %get3A_1685 : vector<16xf32>
        %get3A_1687 = arith.index_cast %add3A_1666 : i32 to index
        %get3A_1688 = arith.constant 16 : index
        %get3A_1689 = tpu.vector_load %arg13[%get3A_1687, %get3A_1688] {strides = array<i32>} : memref<104x64xf32, #tpu.memory_space<vmem>>, vector<16xf32>,
        %add3A_1690 = arith.addf %sub3A_1686, %get3A_1689 : vector<16xf32>
        %abs3A_1691 = math.absf %add3A_1690 : vector<16xf32>
        %add3A_1692 = arith.addf %add3A_1679, %abs3A_1691 : vector<16xf32>
        %get3A_1693 = arith.index_cast %add3A_1666 : i32 to index
        %get3A_1694 = arith.constant 32 : index
        %get3A_1695 = tpu.vector_load %arg11[%get3A_1693, %get3A_1694] {strides = array<i32>} : memref<104x64xf32, #tpu.memory_space<vmem>>, vector<16xf32>,
        %get3A_1696 = arith.index_cast %add3A_1666 : i32 to index
        %get3A_1697 = arith.constant 32 : index
        %get3A_1698 = tpu.vector_load %arg12[%get3A_1696, %get3A_1697] {strides = array<i32>} : memref<104x64xf32, #tpu.memory_space<vmem>>, vector<16xf32>,
        %sub3A_1699 = arith.subf %get3A_1695, %get3A_1698 : vector<16xf32>
        %get3A_1700 = arith.index_cast %add3A_1666 : i32 to index
        %get3A_1701 = arith.constant 32 : index
        %get3A_1702 = tpu.vector_load %arg13[%get3A_1700, %get3A_1701] {strides = array<i32>} : memref<104x64xf32, #tpu.memory_space<vmem>>, vector<16xf32>,
        %add3A_1703 = arith.addf %sub3A_1699, %get3A_1702 : vector<16xf32>
        %abs3A_1704 = math.absf %add3A_1703 : vector<16xf32>
        %add3A_1705 = arith.addf %add3A_1692, %abs3A_1704 : vector<16xf32>
        %get3A_1706 = arith.index_cast %add3A_1666 : i32 to index
        %get3A_1707 = arith.constant 48 : index
        %get3A_1708 = tpu.vector_load %arg11[%get3A_1706, %get3A_1707] {strides = array<i32>} : memref<104x64xf32, #tpu.memory_space<vmem>>, vector<16xf32>,
        %get3A_1709 = arith.index_cast %add3A_1666 : i32 to index
        %get3A_1710 = arith.constant 48 : index
        %get3A_1711 = tpu.vector_load %arg12[%get3A_1709, %get3A_1710] {strides = array<i32>} : memref<104x64xf32, #tpu.memory_space<vmem>>, vector<16xf32>,
        %sub3A_1712 = arith.subf %get3A_1708, %get3A_1711 : vector<16xf32>
        %get3A_1713 = arith.index_cast %add3A_1666 : i32 to index
        %get3A_1714 = arith.constant 48 : index
        %get3A_1715 = tpu.vector_load %arg13[%get3A_1713, %get3A_1714] {strides = array<i32>} : memref<104x64xf32, #tpu.memory_space<vmem>>, vector<16xf32>,
        %add3A_1716 = arith.addf %sub3A_1712, %get3A_1715 : vector<16xf32>
        %abs3A_1717 = math.absf %add3A_1716 : vector<16xf32>
        %add3A_1718 = arith.addf %add3A_1705, %abs3A_1717 : vector<16xf32>
        %add3A_1719 = arith.constant 14 : i32
        %add3A_1720 = arith.addi %mul3A_963, %add3A_1719 : i32
        %get3A_1721 = arith.index_cast %add3A_1720 : i32 to index
        %get3A_1722 = arith.constant 0 : index
        %get3A_1723 = tpu.vector_load %arg11[%get3A_1721, %get3A_1722] {strides = array<i32>} : memref<104x64xf32, #tpu.memory_space<vmem>>, vector<16xf32>,
        %get3A_1724 = arith.index_cast %add3A_1720 : i32 to index
        %get3A_1725 = arith.constant 0 : index
        %get3A_1726 = tpu.vector_load %arg12[%get3A_1724, %get3A_1725] {strides = array<i32>} : memref<104x64xf32, #tpu.memory_space<vmem>>, vector<16xf32>,
        %sub3A_1727 = arith.subf %get3A_1723, %get3A_1726 : vector<16xf32>
        %get3A_1728 = arith.index_cast %add3A_1720 : i32 to index
        %get3A_1729 = arith.constant 0 : index
        %get3A_1730 = tpu.vector_load %arg13[%get3A_1728, %get3A_1729] {strides = array<i32>} : memref<104x64xf32, #tpu.memory_space<vmem>>, vector<16xf32>,
        %add3A_1731 = arith.addf %sub3A_1727, %get3A_1730 : vector<16xf32>
        %abs3A_1732 = math.absf %add3A_1731 : vector<16xf32>
        %add3A_1733 = arith.addf %add3A_1718, %abs3A_1732 : vector<16xf32>
        %get3A_1734 = arith.index_cast %add3A_1720 : i32 to index
        %get3A_1735 = arith.constant 16 : index
        %get3A_1736 = tpu.vector_load %arg11[%get3A_1734, %get3A_1735] {strides = array<i32>} : memref<104x64xf32, #tpu.memory_space<vmem>>, vector<16xf32>,
        %get3A_1737 = arith.index_cast %add3A_1720 : i32 to index
        %get3A_1738 = arith.constant 16 : index
        %get3A_1739 = tpu.vector_load %arg12[%get3A_1737, %get3A_1738] {strides = array<i32>} : memref<104x64xf32, #tpu.memory_space<vmem>>, vector<16xf32>,
        %sub3A_1740 = arith.subf %get3A_1736, %get3A_1739 : vector<16xf32>
        %get3A_1741 = arith.index_cast %add3A_1720 : i32 to index
        %get3A_1742 = arith.constant 16 : index
        %get3A_1743 = tpu.vector_load %arg13[%get3A_1741, %get3A_1742] {strides = array<i32>} : memref<104x64xf32, #tpu.memory_space<vmem>>, vector<16xf32>,
        %add3A_1744 = arith.addf %sub3A_1740, %get3A_1743 : vector<16xf32>
        %abs3A_1745 = math.absf %add3A_1744 : vector<16xf32>
        %add3A_1746 = arith.addf %add3A_1733, %abs3A_1745 : vector<16xf32>
        %get3A_1747 = arith.index_cast %add3A_1720 : i32 to index
        %get3A_1748 = arith.constant 32 : index
        %get3A_1749 = tpu.vector_load %arg11[%get3A_1747, %get3A_1748] {strides = array<i32>} : memref<104x64xf32, #tpu.memory_space<vmem>>, vector<16xf32>,
        %get3A_1750 = arith.index_cast %add3A_1720 : i32 to index
        %get3A_1751 = arith.constant 32 : index
        %get3A_1752 = tpu.vector_load %arg12[%get3A_1750, %get3A_1751] {strides = array<i32>} : memref<104x64xf32, #tpu.memory_space<vmem>>, vector<16xf32>,
        %sub3A_1753 = arith.subf %get3A_1749, %get3A_1752 : vector<16xf32>
        %get3A_1754 = arith.index_cast %add3A_1720 : i32 to index
        %get3A_1755 = arith.constant 32 : index
        %get3A_1756 = tpu.vector_load %arg13[%get3A_1754, %get3A_1755] {strides = array<i32>} : memref<104x64xf32, #tpu.memory_space<vmem>>, vector<16xf32>,
        %add3A_1757 = arith.addf %sub3A_1753, %get3A_1756 : vector<16xf32>
        %abs3A_1758 = math.absf %add3A_1757 : vector<16xf32>
        %add3A_1759 = arith.addf %add3A_1746, %abs3A_1758 : vector<16xf32>
        %get3A_1760 = arith.index_cast %add3A_1720 : i32 to index
        %get3A_1761 = arith.constant 48 : index
        %get3A_1762 = tpu.vector_load %arg11[%get3A_1760, %get3A_1761] {strides = array<i32>} : memref<104x64xf32, #tpu.memory_space<vmem>>, vector<16xf32>,
        %get3A_1763 = arith.index_cast %add3A_1720 : i32 to index
        %get3A_1764 = arith.constant 48 : index
        %get3A_1765 = tpu.vector_load %arg12[%get3A_1763, %get3A_1764] {strides = array<i32>} : memref<104x64xf32, #tpu.memory_space<vmem>>, vector<16xf32>,
        %sub3A_1766 = arith.subf %get3A_1762, %get3A_1765 : vector<16xf32>
        %get3A_1767 = arith.index_cast %add3A_1720 : i32 to index
        %get3A_1768 = arith.constant 48 : index
        %get3A_1769 = tpu.vector_load %arg13[%get3A_1767, %get3A_1768] {strides = array<i32>} : memref<104x64xf32, #tpu.memory_space<vmem>>, vector<16xf32>,
        %add3A_1770 = arith.addf %sub3A_1766, %get3A_1769 : vector<16xf32>
        %abs3A_1771 = math.absf %add3A_1770 : vector<16xf32>
        %add3A_1772 = arith.addf %add3A_1759, %abs3A_1771 : vector<16xf32>
        %add3A_1773 = arith.constant 15 : i32
        %add3A_1774 = arith.addi %mul3A_963, %add3A_1773 : i32
        %get3A_1775 = arith.index_cast %add3A_1774 : i32 to index
        %get3A_1776 = arith.constant 0 : index
        %get3A_1777 = tpu.vector_load %arg11[%get3A_1775, %get3A_1776] {strides = array<i32>} : memref<104x64xf32, #tpu.memory_space<vmem>>, vector<16xf32>,
        %get3A_1778 = arith.index_cast %add3A_1774 : i32 to index
        %get3A_1779 = arith.constant 0 : index
        %get3A_1780 = tpu.vector_load %arg12[%get3A_1778, %get3A_1779] {strides = array<i32>} : memref<104x64xf32, #tpu.memory_space<vmem>>, vector<16xf32>,
        %sub3A_1781 = arith.subf %get3A_1777, %get3A_1780 : vector<16xf32>
        %get3A_1782 = arith.index_cast %add3A_1774 : i32 to index
        %get3A_1783 = arith.constant 0 : index
        %get3A_1784 = tpu.vector_load %arg13[%get3A_1782, %get3A_1783] {strides = array<i32>} : memref<104x64xf32, #tpu.memory_space<vmem>>, vector<16xf32>,
        %add3A_1785 = arith.addf %sub3A_1781, %get3A_1784 : vector<16xf32>
        %abs3A_1786 = math.absf %add3A_1785 : vector<16xf32>
        %add3A_1787 = arith.addf %add3A_1772, %abs3A_1786 : vector<16xf32>
        %get3A_1788 = arith.index_cast %add3A_1774 : i32 to index
        %get3A_1789 = arith.constant 16 : index
        %get3A_1790 = tpu.vector_load %arg11[%get3A_1788, %get3A_1789] {strides = array<i32>} : memref<104x64xf32, #tpu.memory_space<vmem>>, vector<16xf32>,
        %get3A_1791 = arith.index_cast %add3A_1774 : i32 to index
        %get3A_1792 = arith.constant 16 : index
        %get3A_1793 = tpu.vector_load %arg12[%get3A_1791, %get3A_1792] {strides = array<i32>} : memref<104x64xf32, #tpu.memory_space<vmem>>, vector<16xf32>,
        %sub3A_1794 = arith.subf %get3A_1790, %get3A_1793 : vector<16xf32>
        %get3A_1795 = arith.index_cast %add3A_1774 : i32 to index
        %get3A_1796 = arith.constant 16 : index
        %get3A_1797 = tpu.vector_load %arg13[%get3A_1795, %get3A_1796] {strides = array<i32>} : memref<104x64xf32, #tpu.memory_space<vmem>>, vector<16xf32>,
        %add3A_1798 = arith.addf %sub3A_1794, %get3A_1797 : vector<16xf32>
        %abs3A_1799 = math.absf %add3A_1798 : vector<16xf32>
        %add3A_1800 = arith.addf %add3A_1787, %abs3A_1799 : vector<16xf32>
        %get3A_1801 = arith.index_cast %add3A_1774 : i32 to index
        %get3A_1802 = arith.constant 32 : index
        %get3A_1803 = tpu.vector_load %arg11[%get3A_1801, %get3A_1802] {strides = array<i32>} : memref<104x64xf32, #tpu.memory_space<vmem>>, vector<16xf32>,
        %get3A_1804 = arith.index_cast %add3A_1774 : i32 to index
        %get3A_1805 = arith.constant 32 : index
        %get3A_1806 = tpu.vector_load %arg12[%get3A_1804, %get3A_1805] {strides = array<i32>} : memref<104x64xf32, #tpu.memory_space<vmem>>, vector<16xf32>,
        %sub3A_1807 = arith.subf %get3A_1803, %get3A_1806 : vector<16xf32>
        %get3A_1808 = arith.index_cast %add3A_1774 : i32 to index
        %get3A_1809 = arith.constant 32 : index
        %get3A_1810 = tpu.vector_load %arg13[%get3A_1808, %get3A_1809] {strides = array<i32>} : memref<104x64xf32, #tpu.memory_space<vmem>>, vector<16xf32>,
        %add3A_1811 = arith.addf %sub3A_1807, %get3A_1810 : vector<16xf32>
        %abs3A_1812 = math.absf %add3A_1811 : vector<16xf32>
        %add3A_1813 = arith.addf %add3A_1800, %abs3A_1812 : vector<16xf32>
        %get3A_1814 = arith.index_cast %add3A_1774 : i32 to index
        %get3A_1815 = arith.constant 48 : index
        %get3A_1816 = tpu.vector_load %arg11[%get3A_1814, %get3A_1815] {strides = array<i32>} : memref<104x64xf32, #tpu.memory_space<vmem>>, vector<16xf32>,
        %get3A_1817 = arith.index_cast %add3A_1774 : i32 to index
        %get3A_1818 = arith.constant 48 : index
        %get3A_1819 = tpu.vector_load %arg12[%get3A_1817, %get3A_1818] {strides = array<i32>} : memref<104x64xf32, #tpu.memory_space<vmem>>, vector<16xf32>,
        %sub3A_1820 = arith.subf %get3A_1816, %get3A_1819 : vector<16xf32>
        %get3A_1821 = arith.index_cast %add3A_1774 : i32 to index
        %get3A_1822 = arith.constant 48 : index
        %get3A_1823 = tpu.vector_load %arg13[%get3A_1821, %get3A_1822] {strides = array<i32>} : memref<104x64xf32, #tpu.memory_space<vmem>>, vector<16xf32>,
        %add3A_1824 = arith.addf %sub3A_1820, %get3A_1823 : vector<16xf32>
        %abs3A_1825 = math.absf %add3A_1824 : vector<16xf32>
        %add3A_1826 = arith.addf %add3A_1813, %abs3A_1825 : vector<16xf32>
        %add3A_1827 = arith.constant 16 : i32
        %add3A_1828 = arith.addi %mul3A_963, %add3A_1827 : i32
        %get3A_1829 = arith.index_cast %add3A_1828 : i32 to index
        %get3A_1830 = arith.constant 0 : index
        %get3A_1831 = tpu.vector_load %arg11[%get3A_1829, %get3A_1830] {strides = array<i32>} : memref<104x64xf32, #tpu.memory_space<vmem>>, vector<16xf32>,
        %get3A_1832 = arith.index_cast %add3A_1828 : i32 to index
        %get3A_1833 = arith.constant 0 : index
        %get3A_1834 = tpu.vector_load %arg12[%get3A_1832, %get3A_1833] {strides = array<i32>} : memref<104x64xf32, #tpu.memory_space<vmem>>, vector<16xf32>,
        %sub3A_1835 = arith.subf %get3A_1831, %get3A_1834 : vector<16xf32>
        %get3A_1836 = arith.index_cast %add3A_1828 : i32 to index
        %get3A_1837 = arith.constant 0 : index
        %get3A_1838 = tpu.vector_load %arg13[%get3A_1836, %get3A_1837] {strides = array<i32>} : memref<104x64xf32, #tpu.memory_space<vmem>>, vector<16xf32>,
        %add3A_1839 = arith.addf %sub3A_1835, %get3A_1838 : vector<16xf32>
        %abs3A_1840 = math.absf %add3A_1839 : vector<16xf32>
        %add3A_1841 = arith.addf %add3A_1826, %abs3A_1840 : vector<16xf32>
        %get3A_1842 = arith.index_cast %add3A_1828 : i32 to index
        %get3A_1843 = arith.constant 16 : index
        %get3A_1844 = tpu.vector_load %arg11[%get3A_1842, %get3A_1843] {strides = array<i32>} : memref<104x64xf32, #tpu.memory_space<vmem>>, vector<16xf32>,
        %get3A_1845 = arith.index_cast %add3A_1828 : i32 to index
        %get3A_1846 = arith.constant 16 : index
        %get3A_1847 = tpu.vector_load %arg12[%get3A_1845, %get3A_1846] {strides = array<i32>} : memref<104x64xf32, #tpu.memory_space<vmem>>, vector<16xf32>,
        %sub3A_1848 = arith.subf %get3A_1844, %get3A_1847 : vector<16xf32>
        %get3A_1849 = arith.index_cast %add3A_1828 : i32 to index
        %get3A_1850 = arith.constant 16 : index
        %get3A_1851 = tpu.vector_load %arg13[%get3A_1849, %get3A_1850] {strides = array<i32>} : memref<104x64xf32, #tpu.memory_space<vmem>>, vector<16xf32>,
        %add3A_1852 = arith.addf %sub3A_1848, %get3A_1851 : vector<16xf32>
        %abs3A_1853 = math.absf %add3A_1852 : vector<16xf32>
        %add3A_1854 = arith.addf %add3A_1841, %abs3A_1853 : vector<16xf32>
        %get3A_1855 = arith.index_cast %add3A_1828 : i32 to index
        %get3A_1856 = arith.constant 32 : index
        %get3A_1857 = tpu.vector_load %arg11[%get3A_1855, %get3A_1856] {strides = array<i32>} : memref<104x64xf32, #tpu.memory_space<vmem>>, vector<16xf32>,
        %get3A_1858 = arith.index_cast %add3A_1828 : i32 to index
        %get3A_1859 = arith.constant 32 : index
        %get3A_1860 = tpu.vector_load %arg12[%get3A_1858, %get3A_1859] {strides = array<i32>} : memref<104x64xf32, #tpu.memory_space<vmem>>, vector<16xf32>,
        %sub3A_1861 = arith.subf %get3A_1857, %get3A_1860 : vector<16xf32>
        %get3A_1862 = arith.index_cast %add3A_1828 : i32 to index
        %get3A_1863 = arith.constant 32 : index
        %get3A_1864 = tpu.vector_load %arg13[%get3A_1862, %get3A_1863] {strides = array<i32>} : memref<104x64xf32, #tpu.memory_space<vmem>>, vector<16xf32>,
        %add3A_1865 = arith.addf %sub3A_1861, %get3A_1864 : vector<16xf32>
        %abs3A_1866 = math.absf %add3A_1865 : vector<16xf32>
        %add3A_1867 = arith.addf %add3A_1854, %abs3A_1866 : vector<16xf32>
        %get3A_1868 = arith.index_cast %add3A_1828 : i32 to index
        %get3A_1869 = arith.constant 48 : index
        %get3A_1870 = tpu.vector_load %arg11[%get3A_1868, %get3A_1869] {strides = array<i32>} : memref<104x64xf32, #tpu.memory_space<vmem>>, vector<16xf32>,
        %get3A_1871 = arith.index_cast %add3A_1828 : i32 to index
        %get3A_1872 = arith.constant 48 : index
        %get3A_1873 = tpu.vector_load %arg12[%get3A_1871, %get3A_1872] {strides = array<i32>} : memref<104x64xf32, #tpu.memory_space<vmem>>, vector<16xf32>,
        %sub3A_1874 = arith.subf %get3A_1870, %get3A_1873 : vector<16xf32>
        %get3A_1875 = arith.index_cast %add3A_1828 : i32 to index
        %get3A_1876 = arith.constant 48 : index
        %get3A_1877 = tpu.vector_load %arg13[%get3A_1875, %get3A_1876] {strides = array<i32>} : memref<104x64xf32, #tpu.memory_space<vmem>>, vector<16xf32>,
        %add3A_1878 = arith.addf %sub3A_1874, %get3A_1877 : vector<16xf32>
        %abs3A_1879 = math.absf %add3A_1878 : vector<16xf32>
        %add3A_1880 = arith.addf %add3A_1867, %abs3A_1879 : vector<16xf32>
        %add3A_1881 = arith.constant 17 : i32
        %add3A_1882 = arith.addi %mul3A_963, %add3A_1881 : i32
        %get3A_1883 = arith.index_cast %add3A_1882 : i32 to index
        %get3A_1884 = arith.constant 0 : index
        %get3A_1885 = tpu.vector_load %arg11[%get3A_1883, %get3A_1884] {strides = array<i32>} : memref<104x64xf32, #tpu.memory_space<vmem>>, vector<16xf32>,
        %get3A_1886 = arith.index_cast %add3A_1882 : i32 to index
        %get3A_1887 = arith.constant 0 : index
        %get3A_1888 = tpu.vector_load %arg12[%get3A_1886, %get3A_1887] {strides = array<i32>} : memref<104x64xf32, #tpu.memory_space<vmem>>, vector<16xf32>,
        %sub3A_1889 = arith.subf %get3A_1885, %get3A_1888 : vector<16xf32>
        %get3A_1890 = arith.index_cast %add3A_1882 : i32 to index
        %get3A_1891 = arith.constant 0 : index
        %get3A_1892 = tpu.vector_load %arg13[%get3A_1890, %get3A_1891] {strides = array<i32>} : memref<104x64xf32, #tpu.memory_space<vmem>>, vector<16xf32>,
        %add3A_1893 = arith.addf %sub3A_1889, %get3A_1892 : vector<16xf32>
        %abs3A_1894 = math.absf %add3A_1893 : vector<16xf32>
        %add3A_1895 = arith.addf %add3A_1880, %abs3A_1894 : vector<16xf32>
        %get3A_1896 = arith.index_cast %add3A_1882 : i32 to index
        %get3A_1897 = arith.constant 16 : index
        %get3A_1898 = tpu.vector_load %arg11[%get3A_1896, %get3A_1897] {strides = array<i32>} : memref<104x64xf32, #tpu.memory_space<vmem>>, vector<16xf32>,
        %get3A_1899 = arith.index_cast %add3A_1882 : i32 to index
        %get3A_1900 = arith.constant 16 : index
        %get3A_1901 = tpu.vector_load %arg12[%get3A_1899, %get3A_1900] {strides = array<i32>} : memref<104x64xf32, #tpu.memory_space<vmem>>, vector<16xf32>,
        %sub3A_1902 = arith.subf %get3A_1898, %get3A_1901 : vector<16xf32>
        %get3A_1903 = arith.index_cast %add3A_1882 : i32 to index
        %get3A_1904 = arith.constant 16 : index
        %get3A_1905 = tpu.vector_load %arg13[%get3A_1903, %get3A_1904] {strides = array<i32>} : memref<104x64xf32, #tpu.memory_space<vmem>>, vector<16xf32>,
        %add3A_1906 = arith.addf %sub3A_1902, %get3A_1905 : vector<16xf32>
        %abs3A_1907 = math.absf %add3A_1906 : vector<16xf32>
        %add3A_1908 = arith.addf %add3A_1895, %abs3A_1907 : vector<16xf32>
        %get3A_1909 = arith.index_cast %add3A_1882 : i32 to index
        %get3A_1910 = arith.constant 32 : index
        %get3A_1911 = tpu.vector_load %arg11[%get3A_1909, %get3A_1910] {strides = array<i32>} : memref<104x64xf32, #tpu.memory_space<vmem>>, vector<16xf32>,
        %get3A_1912 = arith.index_cast %add3A_1882 : i32 to index
        %get3A_1913 = arith.constant 32 : index
        %get3A_1914 = tpu.vector_load %arg12[%get3A_1912, %get3A_1913] {strides = array<i32>} : memref<104x64xf32, #tpu.memory_space<vmem>>, vector<16xf32>,
        %sub3A_1915 = arith.subf %get3A_1911, %get3A_1914 : vector<16xf32>
        %get3A_1916 = arith.index_cast %add3A_1882 : i32 to index
        %get3A_1917 = arith.constant 32 : index
        %get3A_1918 = tpu.vector_load %arg13[%get3A_1916, %get3A_1917] {strides = array<i32>} : memref<104x64xf32, #tpu.memory_space<vmem>>, vector<16xf32>,
        %add3A_1919 = arith.addf %sub3A_1915, %get3A_1918 : vector<16xf32>
        %abs3A_1920 = math.absf %add3A_1919 : vector<16xf32>
        %add3A_1921 = arith.addf %add3A_1908, %abs3A_1920 : vector<16xf32>
        %get3A_1922 = arith.index_cast %add3A_1882 : i32 to index
        %get3A_1923 = arith.constant 48 : index
        %get3A_1924 = tpu.vector_load %arg11[%get3A_1922, %get3A_1923] {strides = array<i32>} : memref<104x64xf32, #tpu.memory_space<vmem>>, vector<16xf32>,
        %get3A_1925 = arith.index_cast %add3A_1882 : i32 to index
        %get3A_1926 = arith.constant 48 : index
        %get3A_1927 = tpu.vector_load %arg12[%get3A_1925, %get3A_1926] {strides = array<i32>} : memref<104x64xf32, #tpu.memory_space<vmem>>, vector<16xf32>,
        %sub3A_1928 = arith.subf %get3A_1924, %get3A_1927 : vector<16xf32>
        %get3A_1929 = arith.index_cast %add3A_1882 : i32 to index
        %get3A_1930 = arith.constant 48 : index
        %get3A_1931 = tpu.vector_load %arg13[%get3A_1929, %get3A_1930] {strides = array<i32>} : memref<104x64xf32, #tpu.memory_space<vmem>>, vector<16xf32>,
        %add3A_1932 = arith.addf %sub3A_1928, %get3A_1931 : vector<16xf32>
        %abs3A_1933 = math.absf %add3A_1932 : vector<16xf32>
        %add3A_1934 = arith.addf %add3A_1921, %abs3A_1933 : vector<16xf32>
        %add3A_1935 = arith.constant 18 : i32
        %add3A_1936 = arith.addi %mul3A_963, %add3A_1935 : i32
        %get3A_1937 = arith.index_cast %add3A_1936 : i32 to index
        %get3A_1938 = arith.constant 0 : index
        %get3A_1939 = tpu.vector_load %arg11[%get3A_1937, %get3A_1938] {strides = array<i32>} : memref<104x64xf32, #tpu.memory_space<vmem>>, vector<16xf32>,
        %get3A_1940 = arith.index_cast %add3A_1936 : i32 to index
        %get3A_1941 = arith.constant 0 : index
        %get3A_1942 = tpu.vector_load %arg12[%get3A_1940, %get3A_1941] {strides = array<i32>} : memref<104x64xf32, #tpu.memory_space<vmem>>, vector<16xf32>,
        %sub3A_1943 = arith.subf %get3A_1939, %get3A_1942 : vector<16xf32>
        %get3A_1944 = arith.index_cast %add3A_1936 : i32 to index
        %get3A_1945 = arith.constant 0 : index
        %get3A_1946 = tpu.vector_load %arg13[%get3A_1944, %get3A_1945] {strides = array<i32>} : memref<104x64xf32, #tpu.memory_space<vmem>>, vector<16xf32>,
        %add3A_1947 = arith.addf %sub3A_1943, %get3A_1946 : vector<16xf32>
        %abs3A_1948 = math.absf %add3A_1947 : vector<16xf32>
        %add3A_1949 = arith.addf %add3A_1934, %abs3A_1948 : vector<16xf32>
        %get3A_1950 = arith.index_cast %add3A_1936 : i32 to index
        %get3A_1951 = arith.constant 16 : index
        %get3A_1952 = tpu.vector_load %arg11[%get3A_1950, %get3A_1951] {strides = array<i32>} : memref<104x64xf32, #tpu.memory_space<vmem>>, vector<16xf32>,
        %get3A_1953 = arith.index_cast %add3A_1936 : i32 to index
        %get3A_1954 = arith.constant 16 : index
        %get3A_1955 = tpu.vector_load %arg12[%get3A_1953, %get3A_1954] {strides = array<i32>} : memref<104x64xf32, #tpu.memory_space<vmem>>, vector<16xf32>,
        %sub3A_1956 = arith.subf %get3A_1952, %get3A_1955 : vector<16xf32>
        %get3A_1957 = arith.index_cast %add3A_1936 : i32 to index
        %get3A_1958 = arith.constant 16 : index
        %get3A_1959 = tpu.vector_load %arg13[%get3A_1957, %get3A_1958] {strides = array<i32>} : memref<104x64xf32, #tpu.memory_space<vmem>>, vector<16xf32>,
        %add3A_1960 = arith.addf %sub3A_1956, %get3A_1959 : vector<16xf32>
        %abs3A_1961 = math.absf %add3A_1960 : vector<16xf32>
        %add3A_1962 = arith.addf %add3A_1949, %abs3A_1961 : vector<16xf32>
        %get3A_1963 = arith.index_cast %add3A_1936 : i32 to index
        %get3A_1964 = arith.constant 32 : index
        %get3A_1965 = tpu.vector_load %arg11[%get3A_1963, %get3A_1964] {strides = array<i32>} : memref<104x64xf32, #tpu.memory_space<vmem>>, vector<16xf32>,
        %get3A_1966 = arith.index_cast %add3A_1936 : i32 to index
        %get3A_1967 = arith.constant 32 : index
        %get3A_1968 = tpu.vector_load %arg12[%get3A_1966, %get3A_1967] {strides = array<i32>} : memref<104x64xf32, #tpu.memory_space<vmem>>, vector<16xf32>,
        %sub3A_1969 = arith.subf %get3A_1965, %get3A_1968 : vector<16xf32>
        %get3A_1970 = arith.index_cast %add3A_1936 : i32 to index
        %get3A_1971 = arith.constant 32 : index
        %get3A_1972 = tpu.vector_load %arg13[%get3A_1970, %get3A_1971] {strides = array<i32>} : memref<104x64xf32, #tpu.memory_space<vmem>>, vector<16xf32>,
        %add3A_1973 = arith.addf %sub3A_1969, %get3A_1972 : vector<16xf32>
        %abs3A_1974 = math.absf %add3A_1973 : vector<16xf32>
        %add3A_1975 = arith.addf %add3A_1962, %abs3A_1974 : vector<16xf32>
        %get3A_1976 = arith.index_cast %add3A_1936 : i32 to index
        %get3A_1977 = arith.constant 48 : index
        %get3A_1978 = tpu.vector_load %arg11[%get3A_1976, %get3A_1977] {strides = array<i32>} : memref<104x64xf32, #tpu.memory_space<vmem>>, vector<16xf32>,
        %get3A_1979 = arith.index_cast %add3A_1936 : i32 to index
        %get3A_1980 = arith.constant 48 : index
        %get3A_1981 = tpu.vector_load %arg12[%get3A_1979, %get3A_1980] {strides = array<i32>} : memref<104x64xf32, #tpu.memory_space<vmem>>, vector<16xf32>,
        %sub3A_1982 = arith.subf %get3A_1978, %get3A_1981 : vector<16xf32>
        %get3A_1983 = arith.index_cast %add3A_1936 : i32 to index
        %get3A_1984 = arith.constant 48 : index
        %get3A_1985 = tpu.vector_load %arg13[%get3A_1983, %get3A_1984] {strides = array<i32>} : memref<104x64xf32, #tpu.memory_space<vmem>>, vector<16xf32>,
        %add3A_1986 = arith.addf %sub3A_1982, %get3A_1985 : vector<16xf32>
        %abs3A_1987 = math.absf %add3A_1986 : vector<16xf32>
        %add3A_1988 = arith.addf %add3A_1975, %abs3A_1987 : vector<16xf32>
        %add3A_1989 = arith.constant 19 : i32
        %add3A_1990 = arith.addi %mul3A_963, %add3A_1989 : i32
        %get3A_1991 = arith.index_cast %add3A_1990 : i32 to index
        %get3A_1992 = arith.constant 0 : index
        %get3A_1993 = tpu.vector_load %arg11[%get3A_1991, %get3A_1992] {strides = array<i32>} : memref<104x64xf32, #tpu.memory_space<vmem>>, vector<16xf32>,
        %get3A_1994 = arith.index_cast %add3A_1990 : i32 to index
        %get3A_1995 = arith.constant 0 : index
        %get3A_1996 = tpu.vector_load %arg12[%get3A_1994, %get3A_1995] {strides = array<i32>} : memref<104x64xf32, #tpu.memory_space<vmem>>, vector<16xf32>,
        %sub3A_1997 = arith.subf %get3A_1993, %get3A_1996 : vector<16xf32>
        %get3A_1998 = arith.index_cast %add3A_1990 : i32 to index
        %get3A_1999 = arith.constant 0 : index
        %get3A_2000 = tpu.vector_load %arg13[%get3A_1998, %get3A_1999] {strides = array<i32>} : memref<104x64xf32, #tpu.memory_space<vmem>>, vector<16xf32>,
        %add3A_2001 = arith.addf %sub3A_1997, %get3A_2000 : vector<16xf32>
        %abs3A_2002 = math.absf %add3A_2001 : vector<16xf32>
        %add3A_2003 = arith.addf %add3A_1988, %abs3A_2002 : vector<16xf32>
        %get3A_2004 = arith.index_cast %add3A_1990 : i32 to index
        %get3A_2005 = arith.constant 16 : index
        %get3A_2006 = tpu.vector_load %arg11[%get3A_2004, %get3A_2005] {strides = array<i32>} : memref<104x64xf32, #tpu.memory_space<vmem>>, vector<16xf32>,
        %get3A_2007 = arith.index_cast %add3A_1990 : i32 to index
        %get3A_2008 = arith.constant 16 : index
        %get3A_2009 = tpu.vector_load %arg12[%get3A_2007, %get3A_2008] {strides = array<i32>} : memref<104x64xf32, #tpu.memory_space<vmem>>, vector<16xf32>,
        %sub3A_2010 = arith.subf %get3A_2006, %get3A_2009 : vector<16xf32>
        %get3A_2011 = arith.index_cast %add3A_1990 : i32 to index
        %get3A_2012 = arith.constant 16 : index
        %get3A_2013 = tpu.vector_load %arg13[%get3A_2011, %get3A_2012] {strides = array<i32>} : memref<104x64xf32, #tpu.memory_space<vmem>>, vector<16xf32>,
        %add3A_2014 = arith.addf %sub3A_2010, %get3A_2013 : vector<16xf32>
        %abs3A_2015 = math.absf %add3A_2014 : vector<16xf32>
        %add3A_2016 = arith.addf %add3A_2003, %abs3A_2015 : vector<16xf32>
        %get3A_2017 = arith.index_cast %add3A_1990 : i32 to index
        %get3A_2018 = arith.constant 32 : index
        %get3A_2019 = tpu.vector_load %arg11[%get3A_2017, %get3A_2018] {strides = array<i32>} : memref<104x64xf32, #tpu.memory_space<vmem>>, vector<16xf32>,
        %get3A_2020 = arith.index_cast %add3A_1990 : i32 to index
        %get3A_2021 = arith.constant 32 : index
        %get3A_2022 = tpu.vector_load %arg12[%get3A_2020, %get3A_2021] {strides = array<i32>} : memref<104x64xf32, #tpu.memory_space<vmem>>, vector<16xf32>,
        %sub3A_2023 = arith.subf %get3A_2019, %get3A_2022 : vector<16xf32>
        %get3A_2024 = arith.index_cast %add3A_1990 : i32 to index
        %get3A_2025 = arith.constant 32 : index
        %get3A_2026 = tpu.vector_load %arg13[%get3A_2024, %get3A_2025] {strides = array<i32>} : memref<104x64xf32, #tpu.memory_space<vmem>>, vector<16xf32>,
        %add3A_2027 = arith.addf %sub3A_2023, %get3A_2026 : vector<16xf32>
        %abs3A_2028 = math.absf %add3A_2027 : vector<16xf32>
        %add3A_2029 = arith.addf %add3A_2016, %abs3A_2028 : vector<16xf32>
        %get3A_2030 = arith.index_cast %add3A_1990 : i32 to index
        %get3A_2031 = arith.constant 48 : index
        %get3A_2032 = tpu.vector_load %arg11[%get3A_2030, %get3A_2031] {strides = array<i32>} : memref<104x64xf32, #tpu.memory_space<vmem>>, vector<16xf32>,
        %get3A_2033 = arith.index_cast %add3A_1990 : i32 to index
        %get3A_2034 = arith.constant 48 : index
        %get3A_2035 = tpu.vector_load %arg12[%get3A_2033, %get3A_2034] {strides = array<i32>} : memref<104x64xf32, #tpu.memory_space<vmem>>, vector<16xf32>,
        %sub3A_2036 = arith.subf %get3A_2032, %get3A_2035 : vector<16xf32>
        %get3A_2037 = arith.index_cast %add3A_1990 : i32 to index
        %get3A_2038 = arith.constant 48 : index
        %get3A_2039 = tpu.vector_load %arg13[%get3A_2037, %get3A_2038] {strides = array<i32>} : memref<104x64xf32, #tpu.memory_space<vmem>>, vector<16xf32>,
        %add3A_2040 = arith.addf %sub3A_2036, %get3A_2039 : vector<16xf32>
        %abs3A_2041 = math.absf %add3A_2040 : vector<16xf32>
        %add3A_2042 = arith.addf %add3A_2029, %abs3A_2041 : vector<16xf32>
        %add3A_2043 = arith.constant 20 : i32
        %add3A_2044 = arith.addi %mul3A_963, %add3A_2043 : i32
        %get3A_2045 = arith.index_cast %add3A_2044 : i32 to index
        %get3A_2046 = arith.constant 0 : index
        %get3A_2047 = tpu.vector_load %arg11[%get3A_2045, %get3A_2046] {strides = array<i32>} : memref<104x64xf32, #tpu.memory_space<vmem>>, vector<16xf32>,
        %get3A_2048 = arith.index_cast %add3A_2044 : i32 to index
        %get3A_2049 = arith.constant 0 : index
        %get3A_2050 = tpu.vector_load %arg12[%get3A_2048, %get3A_2049] {strides = array<i32>} : memref<104x64xf32, #tpu.memory_space<vmem>>, vector<16xf32>,
        %sub3A_2051 = arith.subf %get3A_2047, %get3A_2050 : vector<16xf32>
        %get3A_2052 = arith.index_cast %add3A_2044 : i32 to index
        %get3A_2053 = arith.constant 0 : index
        %get3A_2054 = tpu.vector_load %arg13[%get3A_2052, %get3A_2053] {strides = array<i32>} : memref<104x64xf32, #tpu.memory_space<vmem>>, vector<16xf32>,
        %add3A_2055 = arith.addf %sub3A_2051, %get3A_2054 : vector<16xf32>
        %abs3A_2056 = math.absf %add3A_2055 : vector<16xf32>
        %add3A_2057 = arith.addf %add3A_2042, %abs3A_2056 : vector<16xf32>
        %get3A_2058 = arith.index_cast %add3A_2044 : i32 to index
        %get3A_2059 = arith.constant 16 : index
        %get3A_2060 = tpu.vector_load %arg11[%get3A_2058, %get3A_2059] {strides = array<i32>} : memref<104x64xf32, #tpu.memory_space<vmem>>, vector<16xf32>,
        %get3A_2061 = arith.index_cast %add3A_2044 : i32 to index
        %get3A_2062 = arith.constant 16 : index
        %get3A_2063 = tpu.vector_load %arg12[%get3A_2061, %get3A_2062] {strides = array<i32>} : memref<104x64xf32, #tpu.memory_space<vmem>>, vector<16xf32>,
        %sub3A_2064 = arith.subf %get3A_2060, %get3A_2063 : vector<16xf32>
        %get3A_2065 = arith.index_cast %add3A_2044 : i32 to index
        %get3A_2066 = arith.constant 16 : index
        %get3A_2067 = tpu.vector_load %arg13[%get3A_2065, %get3A_2066] {strides = array<i32>} : memref<104x64xf32, #tpu.memory_space<vmem>>, vector<16xf32>,
        %add3A_2068 = arith.addf %sub3A_2064, %get3A_2067 : vector<16xf32>
        %abs3A_2069 = math.absf %add3A_2068 : vector<16xf32>
        %add3A_2070 = arith.addf %add3A_2057, %abs3A_2069 : vector<16xf32>
        %get3A_2071 = arith.index_cast %add3A_2044 : i32 to index
        %get3A_2072 = arith.constant 32 : index
        %get3A_2073 = tpu.vector_load %arg11[%get3A_2071, %get3A_2072] {strides = array<i32>} : memref<104x64xf32, #tpu.memory_space<vmem>>, vector<16xf32>,
        %get3A_2074 = arith.index_cast %add3A_2044 : i32 to index
        %get3A_2075 = arith.constant 32 : index
        %get3A_2076 = tpu.vector_load %arg12[%get3A_2074, %get3A_2075] {strides = array<i32>} : memref<104x64xf32, #tpu.memory_space<vmem>>, vector<16xf32>,
        %sub3A_2077 = arith.subf %get3A_2073, %get3A_2076 : vector<16xf32>
        %get3A_2078 = arith.index_cast %add3A_2044 : i32 to index
        %get3A_2079 = arith.constant 32 : index
        %get3A_2080 = tpu.vector_load %arg13[%get3A_2078, %get3A_2079] {strides = array<i32>} : memref<104x64xf32, #tpu.memory_space<vmem>>, vector<16xf32>,
        %add3A_2081 = arith.addf %sub3A_2077, %get3A_2080 : vector<16xf32>
        %abs3A_2082 = math.absf %add3A_2081 : vector<16xf32>
        %add3A_2083 = arith.addf %add3A_2070, %abs3A_2082 : vector<16xf32>
        %get3A_2084 = arith.index_cast %add3A_2044 : i32 to index
        %get3A_2085 = arith.constant 48 : index
        %get3A_2086 = tpu.vector_load %arg11[%get3A_2084, %get3A_2085] {strides = array<i32>} : memref<104x64xf32, #tpu.memory_space<vmem>>, vector<16xf32>,
        %get3A_2087 = arith.index_cast %add3A_2044 : i32 to index
        %get3A_2088 = arith.constant 48 : index
        %get3A_2089 = tpu.vector_load %arg12[%get3A_2087, %get3A_2088] {strides = array<i32>} : memref<104x64xf32, #tpu.memory_space<vmem>>, vector<16xf32>,
        %sub3A_2090 = arith.subf %get3A_2086, %get3A_2089 : vector<16xf32>
        %get3A_2091 = arith.index_cast %add3A_2044 : i32 to index
        %get3A_2092 = arith.constant 48 : index
        %get3A_2093 = tpu.vector_load %arg13[%get3A_2091, %get3A_2092] {strides = array<i32>} : memref<104x64xf32, #tpu.memory_space<vmem>>, vector<16xf32>,
        %add3A_2094 = arith.addf %sub3A_2090, %get3A_2093 : vector<16xf32>
        %abs3A_2095 = math.absf %add3A_2094 : vector<16xf32>
        %add3A_2096 = arith.addf %add3A_2083, %abs3A_2095 : vector<16xf32>
        %add3A_2097 = arith.constant 21 : i32
        %add3A_2098 = arith.addi %mul3A_963, %add3A_2097 : i32
        %get3A_2099 = arith.index_cast %add3A_2098 : i32 to index
        %get3A_2100 = arith.constant 0 : index
        %get3A_2101 = tpu.vector_load %arg11[%get3A_2099, %get3A_2100] {strides = array<i32>} : memref<104x64xf32, #tpu.memory_space<vmem>>, vector<16xf32>,
        %get3A_2102 = arith.index_cast %add3A_2098 : i32 to index
        %get3A_2103 = arith.constant 0 : index
        %get3A_2104 = tpu.vector_load %arg12[%get3A_2102, %get3A_2103] {strides = array<i32>} : memref<104x64xf32, #tpu.memory_space<vmem>>, vector<16xf32>,
        %sub3A_2105 = arith.subf %get3A_2101, %get3A_2104 : vector<16xf32>
        %get3A_2106 = arith.index_cast %add3A_2098 : i32 to index
        %get3A_2107 = arith.constant 0 : index
        %get3A_2108 = tpu.vector_load %arg13[%get3A_2106, %get3A_2107] {strides = array<i32>} : memref<104x64xf32, #tpu.memory_space<vmem>>, vector<16xf32>,
        %add3A_2109 = arith.addf %sub3A_2105, %get3A_2108 : vector<16xf32>
        %abs3A_2110 = math.absf %add3A_2109 : vector<16xf32>
        %add3A_2111 = arith.addf %add3A_2096, %abs3A_2110 : vector<16xf32>
        %get3A_2112 = arith.index_cast %add3A_2098 : i32 to index
        %get3A_2113 = arith.constant 16 : index
        %get3A_2114 = tpu.vector_load %arg11[%get3A_2112, %get3A_2113] {strides = array<i32>} : memref<104x64xf32, #tpu.memory_space<vmem>>, vector<16xf32>,
        %get3A_2115 = arith.index_cast %add3A_2098 : i32 to index
        %get3A_2116 = arith.constant 16 : index
        %get3A_2117 = tpu.vector_load %arg12[%get3A_2115, %get3A_2116] {strides = array<i32>} : memref<104x64xf32, #tpu.memory_space<vmem>>, vector<16xf32>,
        %sub3A_2118 = arith.subf %get3A_2114, %get3A_2117 : vector<16xf32>
        %get3A_2119 = arith.index_cast %add3A_2098 : i32 to index
        %get3A_2120 = arith.constant 16 : index
        %get3A_2121 = tpu.vector_load %arg13[%get3A_2119, %get3A_2120] {strides = array<i32>} : memref<104x64xf32, #tpu.memory_space<vmem>>, vector<16xf32>,
        %add3A_2122 = arith.addf %sub3A_2118, %get3A_2121 : vector<16xf32>
        %abs3A_2123 = math.absf %add3A_2122 : vector<16xf32>
        %add3A_2124 = arith.addf %add3A_2111, %abs3A_2123 : vector<16xf32>
        %get3A_2125 = arith.index_cast %add3A_2098 : i32 to index
        %get3A_2126 = arith.constant 32 : index
        %get3A_2127 = tpu.vector_load %arg11[%get3A_2125, %get3A_2126] {strides = array<i32>} : memref<104x64xf32, #tpu.memory_space<vmem>>, vector<16xf32>,
        %get3A_2128 = arith.index_cast %add3A_2098 : i32 to index
        %get3A_2129 = arith.constant 32 : index
        %get3A_2130 = tpu.vector_load %arg12[%get3A_2128, %get3A_2129] {strides = array<i32>} : memref<104x64xf32, #tpu.memory_space<vmem>>, vector<16xf32>,
        %sub3A_2131 = arith.subf %get3A_2127, %get3A_2130 : vector<16xf32>
        %get3A_2132 = arith.index_cast %add3A_2098 : i32 to index
        %get3A_2133 = arith.constant 32 : index
        %get3A_2134 = tpu.vector_load %arg13[%get3A_2132, %get3A_2133] {strides = array<i32>} : memref<104x64xf32, #tpu.memory_space<vmem>>, vector<16xf32>,
        %add3A_2135 = arith.addf %sub3A_2131, %get3A_2134 : vector<16xf32>
        %abs3A_2136 = math.absf %add3A_2135 : vector<16xf32>
        %add3A_2137 = arith.addf %add3A_2124, %abs3A_2136 : vector<16xf32>
        %get3A_2138 = arith.index_cast %add3A_2098 : i32 to index
        %get3A_2139 = arith.constant 48 : index
        %get3A_2140 = tpu.vector_load %arg11[%get3A_2138, %get3A_2139] {strides = array<i32>} : memref<104x64xf32, #tpu.memory_space<vmem>>, vector<16xf32>,
        %get3A_2141 = arith.index_cast %add3A_2098 : i32 to index
        %get3A_2142 = arith.constant 48 : index
        %get3A_2143 = tpu.vector_load %arg12[%get3A_2141, %get3A_2142] {strides = array<i32>} : memref<104x64xf32, #tpu.memory_space<vmem>>, vector<16xf32>,
        %sub3A_2144 = arith.subf %get3A_2140, %get3A_2143 : vector<16xf32>
        %get3A_2145 = arith.index_cast %add3A_2098 : i32 to index
        %get3A_2146 = arith.constant 48 : index
        %get3A_2147 = tpu.vector_load %arg13[%get3A_2145, %get3A_2146] {strides = array<i32>} : memref<104x64xf32, #tpu.memory_space<vmem>>, vector<16xf32>,
        %add3A_2148 = arith.addf %sub3A_2144, %get3A_2147 : vector<16xf32>
        %abs3A_2149 = math.absf %add3A_2148 : vector<16xf32>
        %add3A_2150 = arith.addf %add3A_2137, %abs3A_2149 : vector<16xf32>
        %add3A_2151 = arith.constant 22 : i32
        %add3A_2152 = arith.addi %mul3A_963, %add3A_2151 : i32
        %get3A_2153 = arith.index_cast %add3A_2152 : i32 to index
        %get3A_2154 = arith.constant 0 : index
        %get3A_2155 = tpu.vector_load %arg11[%get3A_2153, %get3A_2154] {strides = array<i32>} : memref<104x64xf32, #tpu.memory_space<vmem>>, vector<16xf32>,
        %get3A_2156 = arith.index_cast %add3A_2152 : i32 to index
        %get3A_2157 = arith.constant 0 : index
        %get3A_2158 = tpu.vector_load %arg12[%get3A_2156, %get3A_2157] {strides = array<i32>} : memref<104x64xf32, #tpu.memory_space<vmem>>, vector<16xf32>,
        %sub3A_2159 = arith.subf %get3A_2155, %get3A_2158 : vector<16xf32>
        %get3A_2160 = arith.index_cast %add3A_2152 : i32 to index
        %get3A_2161 = arith.constant 0 : index
        %get3A_2162 = tpu.vector_load %arg13[%get3A_2160, %get3A_2161] {strides = array<i32>} : memref<104x64xf32, #tpu.memory_space<vmem>>, vector<16xf32>,
        %add3A_2163 = arith.addf %sub3A_2159, %get3A_2162 : vector<16xf32>
        %abs3A_2164 = math.absf %add3A_2163 : vector<16xf32>
        %add3A_2165 = arith.addf %add3A_2150, %abs3A_2164 : vector<16xf32>
        %get3A_2166 = arith.index_cast %add3A_2152 : i32 to index
        %get3A_2167 = arith.constant 16 : index
        %get3A_2168 = tpu.vector_load %arg11[%get3A_2166, %get3A_2167] {strides = array<i32>} : memref<104x64xf32, #tpu.memory_space<vmem>>, vector<16xf32>,
        %get3A_2169 = arith.index_cast %add3A_2152 : i32 to index
        %get3A_2170 = arith.constant 16 : index
        %get3A_2171 = tpu.vector_load %arg12[%get3A_2169, %get3A_2170] {strides = array<i32>} : memref<104x64xf32, #tpu.memory_space<vmem>>, vector<16xf32>,
        %sub3A_2172 = arith.subf %get3A_2168, %get3A_2171 : vector<16xf32>
        %get3A_2173 = arith.index_cast %add3A_2152 : i32 to index
        %get3A_2174 = arith.constant 16 : index
        %get3A_2175 = tpu.vector_load %arg13[%get3A_2173, %get3A_2174] {strides = array<i32>} : memref<104x64xf32, #tpu.memory_space<vmem>>, vector<16xf32>,
        %add3A_2176 = arith.addf %sub3A_2172, %get3A_2175 : vector<16xf32>
        %abs3A_2177 = math.absf %add3A_2176 : vector<16xf32>
        %add3A_2178 = arith.addf %add3A_2165, %abs3A_2177 : vector<16xf32>
        %get3A_2179 = arith.index_cast %add3A_2152 : i32 to index
        %get3A_2180 = arith.constant 32 : index
        %get3A_2181 = tpu.vector_load %arg11[%get3A_2179, %get3A_2180] {strides = array<i32>} : memref<104x64xf32, #tpu.memory_space<vmem>>, vector<16xf32>,
        %get3A_2182 = arith.index_cast %add3A_2152 : i32 to index
        %get3A_2183 = arith.constant 32 : index
        %get3A_2184 = tpu.vector_load %arg12[%get3A_2182, %get3A_2183] {strides = array<i32>} : memref<104x64xf32, #tpu.memory_space<vmem>>, vector<16xf32>,
        %sub3A_2185 = arith.subf %get3A_2181, %get3A_2184 : vector<16xf32>
        %get3A_2186 = arith.index_cast %add3A_2152 : i32 to index
        %get3A_2187 = arith.constant 32 : index
        %get3A_2188 = tpu.vector_load %arg13[%get3A_2186, %get3A_2187] {strides = array<i32>} : memref<104x64xf32, #tpu.memory_space<vmem>>, vector<16xf32>,
        %add3A_2189 = arith.addf %sub3A_2185, %get3A_2188 : vector<16xf32>
        %abs3A_2190 = math.absf %add3A_2189 : vector<16xf32>
        %add3A_2191 = arith.addf %add3A_2178, %abs3A_2190 : vector<16xf32>
        %get3A_2192 = arith.index_cast %add3A_2152 : i32 to index
        %get3A_2193 = arith.constant 48 : index
        %get3A_2194 = tpu.vector_load %arg11[%get3A_2192, %get3A_2193] {strides = array<i32>} : memref<104x64xf32, #tpu.memory_space<vmem>>, vector<16xf32>,
        %get3A_2195 = arith.index_cast %add3A_2152 : i32 to index
        %get3A_2196 = arith.constant 48 : index
        %get3A_2197 = tpu.vector_load %arg12[%get3A_2195, %get3A_2196] {strides = array<i32>} : memref<104x64xf32, #tpu.memory_space<vmem>>, vector<16xf32>,
        %sub3A_2198 = arith.subf %get3A_2194, %get3A_2197 : vector<16xf32>
        %get3A_2199 = arith.index_cast %add3A_2152 : i32 to index
        %get3A_2200 = arith.constant 48 : index
        %get3A_2201 = tpu.vector_load %arg13[%get3A_2199, %get3A_2200] {strides = array<i32>} : memref<104x64xf32, #tpu.memory_space<vmem>>, vector<16xf32>,
        %add3A_2202 = arith.addf %sub3A_2198, %get3A_2201 : vector<16xf32>
        %abs3A_2203 = math.absf %add3A_2202 : vector<16xf32>
        %add3A_2204 = arith.addf %add3A_2191, %abs3A_2203 : vector<16xf32>
        %add3A_2205 = arith.constant 23 : i32
        %add3A_2206 = arith.addi %mul3A_963, %add3A_2205 : i32
        %get3A_2207 = arith.index_cast %add3A_2206 : i32 to index
        %get3A_2208 = arith.constant 0 : index
        %get3A_2209 = tpu.vector_load %arg11[%get3A_2207, %get3A_2208] {strides = array<i32>} : memref<104x64xf32, #tpu.memory_space<vmem>>, vector<16xf32>,
        %get3A_2210 = arith.index_cast %add3A_2206 : i32 to index
        %get3A_2211 = arith.constant 0 : index
        %get3A_2212 = tpu.vector_load %arg12[%get3A_2210, %get3A_2211] {strides = array<i32>} : memref<104x64xf32, #tpu.memory_space<vmem>>, vector<16xf32>,
        %sub3A_2213 = arith.subf %get3A_2209, %get3A_2212 : vector<16xf32>
        %get3A_2214 = arith.index_cast %add3A_2206 : i32 to index
        %get3A_2215 = arith.constant 0 : index
        %get3A_2216 = tpu.vector_load %arg13[%get3A_2214, %get3A_2215] {strides = array<i32>} : memref<104x64xf32, #tpu.memory_space<vmem>>, vector<16xf32>,
        %add3A_2217 = arith.addf %sub3A_2213, %get3A_2216 : vector<16xf32>
        %abs3A_2218 = math.absf %add3A_2217 : vector<16xf32>
        %add3A_2219 = arith.addf %add3A_2204, %abs3A_2218 : vector<16xf32>
        %get3A_2220 = arith.index_cast %add3A_2206 : i32 to index
        %get3A_2221 = arith.constant 16 : index
        %get3A_2222 = tpu.vector_load %arg11[%get3A_2220, %get3A_2221] {strides = array<i32>} : memref<104x64xf32, #tpu.memory_space<vmem>>, vector<16xf32>,
        %get3A_2223 = arith.index_cast %add3A_2206 : i32 to index
        %get3A_2224 = arith.constant 16 : index
        %get3A_2225 = tpu.vector_load %arg12[%get3A_2223, %get3A_2224] {strides = array<i32>} : memref<104x64xf32, #tpu.memory_space<vmem>>, vector<16xf32>,
        %sub3A_2226 = arith.subf %get3A_2222, %get3A_2225 : vector<16xf32>
        %get3A_2227 = arith.index_cast %add3A_2206 : i32 to index
        %get3A_2228 = arith.constant 16 : index
        %get3A_2229 = tpu.vector_load %arg13[%get3A_2227, %get3A_2228] {strides = array<i32>} : memref<104x64xf32, #tpu.memory_space<vmem>>, vector<16xf32>,
        %add3A_2230 = arith.addf %sub3A_2226, %get3A_2229 : vector<16xf32>
        %abs3A_2231 = math.absf %add3A_2230 : vector<16xf32>
        %add3A_2232 = arith.addf %add3A_2219, %abs3A_2231 : vector<16xf32>
        %get3A_2233 = arith.index_cast %add3A_2206 : i32 to index
        %get3A_2234 = arith.constant 32 : index
        %get3A_2235 = tpu.vector_load %arg11[%get3A_2233, %get3A_2234] {strides = array<i32>} : memref<104x64xf32, #tpu.memory_space<vmem>>, vector<16xf32>,
        %get3A_2236 = arith.index_cast %add3A_2206 : i32 to index
        %get3A_2237 = arith.constant 32 : index
        %get3A_2238 = tpu.vector_load %arg12[%get3A_2236, %get3A_2237] {strides = array<i32>} : memref<104x64xf32, #tpu.memory_space<vmem>>, vector<16xf32>,
        %sub3A_2239 = arith.subf %get3A_2235, %get3A_2238 : vector<16xf32>
        %get3A_2240 = arith.index_cast %add3A_2206 : i32 to index
        %get3A_2241 = arith.constant 32 : index
        %get3A_2242 = tpu.vector_load %arg13[%get3A_2240, %get3A_2241] {strides = array<i32>} : memref<104x64xf32, #tpu.memory_space<vmem>>, vector<16xf32>,
        %add3A_2243 = arith.addf %sub3A_2239, %get3A_2242 : vector<16xf32>
        %abs3A_2244 = math.absf %add3A_2243 : vector<16xf32>
        %add3A_2245 = arith.addf %add3A_2232, %abs3A_2244 : vector<16xf32>
        %get3A_2246 = arith.index_cast %add3A_2206 : i32 to index
        %get3A_2247 = arith.constant 48 : index
        %get3A_2248 = tpu.vector_load %arg11[%get3A_2246, %get3A_2247] {strides = array<i32>} : memref<104x64xf32, #tpu.memory_space<vmem>>, vector<16xf32>,
        %get3A_2249 = arith.index_cast %add3A_2206 : i32 to index
        %get3A_2250 = arith.constant 48 : index
        %get3A_2251 = tpu.vector_load %arg12[%get3A_2249, %get3A_2250] {strides = array<i32>} : memref<104x64xf32, #tpu.memory_space<vmem>>, vector<16xf32>,
        %sub3A_2252 = arith.subf %get3A_2248, %get3A_2251 : vector<16xf32>
        %get3A_2253 = arith.index_cast %add3A_2206 : i32 to index
        %get3A_2254 = arith.constant 48 : index
        %get3A_2255 = tpu.vector_load %arg13[%get3A_2253, %get3A_2254] {strides = array<i32>} : memref<104x64xf32, #tpu.memory_space<vmem>>, vector<16xf32>,
        %add3A_2256 = arith.addf %sub3A_2252, %get3A_2255 : vector<16xf32>
        %abs3A_2257 = math.absf %add3A_2256 : vector<16xf32>
        %add3A_2258 = arith.addf %add3A_2245, %abs3A_2257 : vector<16xf32>
        %add3A_2259 = arith.constant 24 : i32
        %add3A_2260 = arith.addi %mul3A_963, %add3A_2259 : i32
        %get3A_2261 = arith.index_cast %add3A_2260 : i32 to index
        %get3A_2262 = arith.constant 0 : index
        %get3A_2263 = tpu.vector_load %arg11[%get3A_2261, %get3A_2262] {strides = array<i32>} : memref<104x64xf32, #tpu.memory_space<vmem>>, vector<16xf32>,
        %get3A_2264 = arith.index_cast %add3A_2260 : i32 to index
        %get3A_2265 = arith.constant 0 : index
        %get3A_2266 = tpu.vector_load %arg12[%get3A_2264, %get3A_2265] {strides = array<i32>} : memref<104x64xf32, #tpu.memory_space<vmem>>, vector<16xf32>,
        %sub3A_2267 = arith.subf %get3A_2263, %get3A_2266 : vector<16xf32>
        %get3A_2268 = arith.index_cast %add3A_2260 : i32 to index
        %get3A_2269 = arith.constant 0 : index
        %get3A_2270 = tpu.vector_load %arg13[%get3A_2268, %get3A_2269] {strides = array<i32>} : memref<104x64xf32, #tpu.memory_space<vmem>>, vector<16xf32>,
        %add3A_2271 = arith.addf %sub3A_2267, %get3A_2270 : vector<16xf32>
        %abs3A_2272 = math.absf %add3A_2271 : vector<16xf32>
        %add3A_2273 = arith.addf %add3A_2258, %abs3A_2272 : vector<16xf32>
        %get3A_2274 = arith.index_cast %add3A_2260 : i32 to index
        %get3A_2275 = arith.constant 16 : index
        %get3A_2276 = tpu.vector_load %arg11[%get3A_2274, %get3A_2275] {strides = array<i32>} : memref<104x64xf32, #tpu.memory_space<vmem>>, vector<16xf32>,
        %get3A_2277 = arith.index_cast %add3A_2260 : i32 to index
        %get3A_2278 = arith.constant 16 : index
        %get3A_2279 = tpu.vector_load %arg12[%get3A_2277, %get3A_2278] {strides = array<i32>} : memref<104x64xf32, #tpu.memory_space<vmem>>, vector<16xf32>,
        %sub3A_2280 = arith.subf %get3A_2276, %get3A_2279 : vector<16xf32>
        %get3A_2281 = arith.index_cast %add3A_2260 : i32 to index
        %get3A_2282 = arith.constant 16 : index
        %get3A_2283 = tpu.vector_load %arg13[%get3A_2281, %get3A_2282] {strides = array<i32>} : memref<104x64xf32, #tpu.memory_space<vmem>>, vector<16xf32>,
        %add3A_2284 = arith.addf %sub3A_2280, %get3A_2283 : vector<16xf32>
        %abs3A_2285 = math.absf %add3A_2284 : vector<16xf32>
        %add3A_2286 = arith.addf %add3A_2273, %abs3A_2285 : vector<16xf32>
        %get3A_2287 = arith.index_cast %add3A_2260 : i32 to index
        %get3A_2288 = arith.constant 32 : index
        %get3A_2289 = tpu.vector_load %arg11[%get3A_2287, %get3A_2288] {strides = array<i32>} : memref<104x64xf32, #tpu.memory_space<vmem>>, vector<16xf32>,
        %get3A_2290 = arith.index_cast %add3A_2260 : i32 to index
        %get3A_2291 = arith.constant 32 : index
        %get3A_2292 = tpu.vector_load %arg12[%get3A_2290, %get3A_2291] {strides = array<i32>} : memref<104x64xf32, #tpu.memory_space<vmem>>, vector<16xf32>,
        %sub3A_2293 = arith.subf %get3A_2289, %get3A_2292 : vector<16xf32>
        %get3A_2294 = arith.index_cast %add3A_2260 : i32 to index
        %get3A_2295 = arith.constant 32 : index
        %get3A_2296 = tpu.vector_load %arg13[%get3A_2294, %get3A_2295] {strides = array<i32>} : memref<104x64xf32, #tpu.memory_space<vmem>>, vector<16xf32>,
        %add3A_2297 = arith.addf %sub3A_2293, %get3A_2296 : vector<16xf32>
        %abs3A_2298 = math.absf %add3A_2297 : vector<16xf32>
        %add3A_2299 = arith.addf %add3A_2286, %abs3A_2298 : vector<16xf32>
        %get3A_2300 = arith.index_cast %add3A_2260 : i32 to index
        %get3A_2301 = arith.constant 48 : index
        %get3A_2302 = tpu.vector_load %arg11[%get3A_2300, %get3A_2301] {strides = array<i32>} : memref<104x64xf32, #tpu.memory_space<vmem>>, vector<16xf32>,
        %get3A_2303 = arith.index_cast %add3A_2260 : i32 to index
        %get3A_2304 = arith.constant 48 : index
        %get3A_2305 = tpu.vector_load %arg12[%get3A_2303, %get3A_2304] {strides = array<i32>} : memref<104x64xf32, #tpu.memory_space<vmem>>, vector<16xf32>,
        %sub3A_2306 = arith.subf %get3A_2302, %get3A_2305 : vector<16xf32>
        %get3A_2307 = arith.index_cast %add3A_2260 : i32 to index
        %get3A_2308 = arith.constant 48 : index
        %get3A_2309 = tpu.vector_load %arg13[%get3A_2307, %get3A_2308] {strides = array<i32>} : memref<104x64xf32, #tpu.memory_space<vmem>>, vector<16xf32>,
        %add3A_2310 = arith.addf %sub3A_2306, %get3A_2309 : vector<16xf32>
        %abs3A_2311 = math.absf %add3A_2310 : vector<16xf32>
        %add3A_2312 = arith.addf %add3A_2299, %abs3A_2311 : vector<16xf32>
        %broadcast_in_dim3A_2313 = arith.constant 0.000000e+00 : f32
        %broadcast_in_dim3A_2314 = vector.broadcast %broadcast_in_dim3A_2313 : f32 to vector<16xf32>
        %add3A_2315 = arith.constant 25 : i32
        %add3A_2316 = arith.addi %mul3A_963, %add3A_2315 : i32
        %get3A_2317 = arith.index_cast %add3A_2316 : i32 to index
        %get3A_2318 = arith.constant 0 : index
        %get3A_2319 = tpu.vector_load %arg11[%get3A_2317, %get3A_2318] {strides = array<i32>} : memref<104x64xf32, #tpu.memory_space<vmem>>, vector<16xf32>,
        %get3A_2320 = arith.index_cast %add3A_2316 : i32 to index
        %get3A_2321 = arith.constant 0 : index
        %get3A_2322 = tpu.vector_load %arg12[%get3A_2320, %get3A_2321] {strides = array<i32>} : memref<104x64xf32, #tpu.memory_space<vmem>>, vector<16xf32>,
        %sub3A_2323 = arith.subf %get3A_2319, %get3A_2322 : vector<16xf32>
        %get3A_2324 = arith.index_cast %add3A_2316 : i32 to index
        %get3A_2325 = arith.constant 0 : index
        %get3A_2326 = tpu.vector_load %arg13[%get3A_2324, %get3A_2325] {strides = array<i32>} : memref<104x64xf32, #tpu.memory_space<vmem>>, vector<16xf32>,
        %add3A_2327 = arith.addf %sub3A_2323, %get3A_2326 : vector<16xf32>
        %abs3A_2328 = math.absf %add3A_2327 : vector<16xf32>
        %add3A_2329 = arith.addf %broadcast_in_dim3A_2314, %abs3A_2328 : vector<16xf32>
        %get3A_2330 = arith.index_cast %add3A_2316 : i32 to index
        %get3A_2331 = arith.constant 16 : index
        %get3A_2332 = tpu.vector_load %arg11[%get3A_2330, %get3A_2331] {strides = array<i32>} : memref<104x64xf32, #tpu.memory_space<vmem>>, vector<16xf32>,
        %get3A_2333 = arith.index_cast %add3A_2316 : i32 to index
        %get3A_2334 = arith.constant 16 : index
        %get3A_2335 = tpu.vector_load %arg12[%get3A_2333, %get3A_2334] {strides = array<i32>} : memref<104x64xf32, #tpu.memory_space<vmem>>, vector<16xf32>,
        %sub3A_2336 = arith.subf %get3A_2332, %get3A_2335 : vector<16xf32>
        %get3A_2337 = arith.index_cast %add3A_2316 : i32 to index
        %get3A_2338 = arith.constant 16 : index
        %get3A_2339 = tpu.vector_load %arg13[%get3A_2337, %get3A_2338] {strides = array<i32>} : memref<104x64xf32, #tpu.memory_space<vmem>>, vector<16xf32>,
        %add3A_2340 = arith.addf %sub3A_2336, %get3A_2339 : vector<16xf32>
        %abs3A_2341 = math.absf %add3A_2340 : vector<16xf32>
        %add3A_2342 = arith.addf %add3A_2329, %abs3A_2341 : vector<16xf32>
        %get3A_2343 = arith.index_cast %add3A_2316 : i32 to index
        %get3A_2344 = arith.constant 32 : index
        %get3A_2345 = tpu.vector_load %arg11[%get3A_2343, %get3A_2344] {strides = array<i32>} : memref<104x64xf32, #tpu.memory_space<vmem>>, vector<16xf32>,
        %get3A_2346 = arith.index_cast %add3A_2316 : i32 to index
        %get3A_2347 = arith.constant 32 : index
        %get3A_2348 = tpu.vector_load %arg12[%get3A_2346, %get3A_2347] {strides = array<i32>} : memref<104x64xf32, #tpu.memory_space<vmem>>, vector<16xf32>,
        %sub3A_2349 = arith.subf %get3A_2345, %get3A_2348 : vector<16xf32>
        %get3A_2350 = arith.index_cast %add3A_2316 : i32 to index
        %get3A_2351 = arith.constant 32 : index
        %get3A_2352 = tpu.vector_load %arg13[%get3A_2350, %get3A_2351] {strides = array<i32>} : memref<104x64xf32, #tpu.memory_space<vmem>>, vector<16xf32>,
        %add3A_2353 = arith.addf %sub3A_2349, %get3A_2352 : vector<16xf32>
        %abs3A_2354 = math.absf %add3A_2353 : vector<16xf32>
        %add3A_2355 = arith.addf %add3A_2342, %abs3A_2354 : vector<16xf32>
        %get3A_2356 = arith.index_cast %add3A_2316 : i32 to index
        %get3A_2357 = arith.constant 48 : index
        %get3A_2358 = tpu.vector_load %arg11[%get3A_2356, %get3A_2357] {strides = array<i32>} : memref<104x64xf32, #tpu.memory_space<vmem>>, vector<16xf32>,
        %get3A_2359 = arith.index_cast %add3A_2316 : i32 to index
        %get3A_2360 = arith.constant 48 : index
        %get3A_2361 = tpu.vector_load %arg12[%get3A_2359, %get3A_2360] {strides = array<i32>} : memref<104x64xf32, #tpu.memory_space<vmem>>, vector<16xf32>,
        %sub3A_2362 = arith.subf %get3A_2358, %get3A_2361 : vector<16xf32>
        %get3A_2363 = arith.index_cast %add3A_2316 : i32 to index
        %get3A_2364 = arith.constant 48 : index
        %get3A_2365 = tpu.vector_load %arg13[%get3A_2363, %get3A_2364] {strides = array<i32>} : memref<104x64xf32, #tpu.memory_space<vmem>>, vector<16xf32>,
        %add3A_2366 = arith.addf %sub3A_2362, %get3A_2365 : vector<16xf32>
        %abs3A_2367 = math.absf %add3A_2366 : vector<16xf32>
        %add3A_2368 = arith.addf %add3A_2355, %abs3A_2367 : vector<16xf32>
        %reduce_sum3A = arith.constant true
        %reduce_sum3A_2369 = vector.broadcast %reduce_sum3A : i1 to vector<16xi1>
        %reduce_sum3A_2370 = tpu.scan <sum>, %add3A_2312 masked %reduce_sum3A_2369 : vector<16xf32>, vector<16xi1> -> vector<16xf32>
        %reduce_sum3A_2371 = vector.extract %reduce_sum3A_2370[15] : f32 from vector<16xf32>
        %reduce_sum3A_2372 = arith.constant true
        %reduce_sum3A_2373 = vector.broadcast %reduce_sum3A_2372 : i1 to vector<16xi1>
        %reduce_sum3A_2374 = tpu.scan <sum>, %add3A_2368 masked %reduce_sum3A_2373 : vector<16xf32>, vector<16xi1> -> vector<16xf32>
        %reduce_sum3A_2375 = vector.extract %reduce_sum3A_2374[15] : f32 from vector<16xf32>
        %mul3A_2376 = arith.constant 4.000000e-02 : f32
        %mul3A_2377 = arith.mulf %reduce_sum3A_2371, %mul3A_2376 : f32
        %sub3A_2378 = arith.subf %reduce_sum3A_2375, %mul3A_2377 : f32
        %add3A_2379 = arith.constant 1.000000e+00 : f32
        %add3A_2380 = arith.addf %sub3A_2378, %add3A_2379 : f32
        %max3A = arith.constant 0.000000e+00 : f32
        %max3A_2381 = arith.maximumf %add3A_2380, %max3A : f32
        %add3A_2382 = arith.addf %scan3A_26, %max3A_2381 : f32
        scf.yield %add3A_2382 : f32
      }
      %scan3A_24 = arith.constant 4 : i32
      scf.yield %scan3A_23 : f32
    }
    %scan3A_6 = arith.constant 32 : i32
    %eq3A = arith.constant 0 : i32
    %eq3A_7 = vector.broadcast %eq3A : i32 to vector<16xi32>
    %eq3A_8 = arith.cmpi eq, %iota3A, %eq3A_7 : vector<16xi32>
    %jit3A = arith.constant 0.000000e+00 : f32
    %broadcast_in_dim3A = vector.broadcast %scan3A_5 : f32 to vector<16xf32>
    %broadcast_in_dim3A_9 = vector.broadcast %jit3A : f32 to vector<16xf32>
    %select_n3A = arith.select %eq3A_8, %broadcast_in_dim3A, %broadcast_in_dim3A_9 : vector<16xi1>, vector<16xf32>
    %swap3A = arith.constant 0 : index
    %swap3A_10 = tpu.vector_load %arg14[%swap3A] {strides = array<i32>} : memref<16xf32, #tpu.memory_space<vmem>>, vector<16xf32>,
    tpu.vector_store %arg14[%swap3A], %select_n3A {strides = array<i32>} : memref<16xf32, #tpu.memory_space<vmem>>, vector<16xf32>,
    "tpu.region"() ({
      %run_scoped3A = tpu.sem_alloc : memref<!tpu.dma_semaphore, #tpu.memory_space<semaphore_mem>>
      %dma_start3A = arith.constant 0 : i32
      %dma_start3A_11 = tpu.memref_slice %arg7[%add3A, %dma_start3A] : memref<32x16xf32, #tpu.memory_space<hbm>> -> memref<1x16xf32, #tpu.memory_space<hbm>>
      %dma_start3A_12 = tpu.memref_squeeze %dma_start3A_11 : memref<1x16xf32, #tpu.memory_space<hbm>> -> memref<16xf32, #tpu.memory_space<hbm>>
      %dma_start3A_13 = arith.constant 0 : i32
      %dma_start3A_14 = tpu.memref_slice %arg7[%add3A, %dma_start3A_13] : memref<32x16xf32, #tpu.memory_space<hbm>> -> memref<1x16xf32, #tpu.memory_space<hbm>>
      %dma_start3A_15 = tpu.memref_squeeze %dma_start3A_14 : memref<1x16xf32, #tpu.memory_space<hbm>> -> memref<16xf32, #tpu.memory_space<hbm>>
      tpu.enqueue_dma source(%arg14 : memref<16xf32, #tpu.memory_space<vmem>>) target(%dma_start3A_15 : memref<16xf32, #tpu.memory_space<hbm>>) target_semaphore(%run_scoped3A : memref<!tpu.dma_semaphore, #tpu.memory_space<semaphore_mem>>)
      %dma_wait3A = arith.constant 0 : i32
      %dma_wait3A_16 = tpu.memref_slice %arg7[%add3A, %dma_wait3A] : memref<32x16xf32, #tpu.memory_space<hbm>> -> memref<1x16xf32, #tpu.memory_space<hbm>>
      %dma_wait3A_17 = tpu.memref_squeeze %dma_wait3A_16 : memref<1x16xf32, #tpu.memory_space<hbm>> -> memref<16xf32, #tpu.memory_space<hbm>>
      %dma_wait3A_18 = arith.constant 0 : i32
      %dma_wait3A_19 = tpu.memref_slice %arg7[%add3A, %dma_wait3A_18] : memref<32x16xf32, #tpu.memory_space<hbm>> -> memref<1x16xf32, #tpu.memory_space<hbm>>
      %dma_wait3A_20 = tpu.memref_squeeze %dma_wait3A_19 : memref<1x16xf32, #tpu.memory_space<hbm>> -> memref<16xf32, #tpu.memory_space<hbm>>
      tpu.wait_dma2 semaphore(%run_scoped3A : memref<!tpu.dma_semaphore, #tpu.memory_space<semaphore_mem>>) src(%arg14 : memref<16xf32, #tpu.memory_space<vmem>>) dst(%dma_wait3A_20 : memref<16xf32, #tpu.memory_space<hbm>>)
      tpu.yield
    }) : () -> ()
    return
  }
}

</mosaic_0001>

<sc_bundles>
// kernel: kernel.3.cloned.1.call-start
scs
__scs_entry_jumppad:
0x0: {  	(pc) =	sbr.rel $0x88, $3  }
0x1: {  	(tag) =	ssettag $0x0;
	lr =	simm.s32 $0x1  }
0x2: {  	[smem:$0x3F99] =	sst lr;
	_ =	strace $0xD0000000  }
0x3: {  	_ = 	snop  }
0x4: {  	_ = 	snop  }
0x5: {  	_ = 	snop  }
0x6: {  	_ = 	snop  }
0x7: {  	_ = 	snop  }
__scs_overlays_trampoline_lowered:
0x8: {  	[smem:$0x3FA8] =	sst s0  }
0x9: {  	[smem:$0x3FA9] =	sst s1  }
0xa: {  	[smem:$0x3FAA] =	sst s2  }
0xb: {  	[smem:$0x3FAB] =	sst s3  }
0xc: {  	[smem:$0x3FAC] =	sst s4  }
0xd: {  	[smem:$0x3FAD] =	sst s5  }
0xe: {  	[smem:$0x3FAE] =	sst s6  }
0xf: {  	[smem:$0x3FAF] =	sst s7  }
0x10: {  	[smem:$0x3FB0] =	sst s8  }
0x11: {  	[smem:$0x3FB1] =	sst s9;
	s0 =	simm.s32 @!p0 $0x0  }
0x12: {  	s1 =	sld [smem:$0x3F97];
	s0 =	simm.s32 @p0 $0x1  }
0x13: {  	[smem:$0x3FB2] =	sst s0;
	s0 =	simm.s32 @!p1 $0x0  }
0x14: {  	s2 =	sld [smem:$0x3F96];
	s0 =	simm.s32 @p1 $0x1  }
0x15: {  	[smem:$0x3FB3] =	sst s0;
	s0 =	simm.s32 @!p2 $0x0  }
0x16: {  	s3 =	sld [smem:$0x3FDB];
	s0 =	simm.s32 @p2 $0x1  }
0x17: {  	s4 =	simm.s32 $0x1BF5;
	[smem:$0x3FB5] =	sst s0  }
0x18: {  	s0 =	sld [smem:$0x3F98];
	_ =	swait.ge [sflag:s4], $0x0  }
0x19: {  	s7 =	sld [smem:$0x3F99]  }
0x1a: {  	s8 =	sadd.s32 $0xFFFFE003, lr  }
0x1b: {  	s9 =	sadd.s32 $0xFFFFFEF7, lr;
	s5 =	simm.s32 $0xFFFFFFFF;
	p2 =	slt.u32 s8, $0xFFFFF086  }
0x1c: {  	p1 =	slt.u32 s9, $0xF7A;
	s5 =	simm.s32 @!p2 $0x0  }
0x1d: {  	s5 =	simm.s32 @p1 $0x1;
	p0 =	seq.s32 s7, s2  }
0x1e: {  	s7 =	smul.u32 @!p0 $0xF7A, s2;
	p2 =	seq.s32 @!p0 s5, $0x0  }
0x1f: {  	s9 =	smul.u32 $0xF7A, s1;
	s8 =	simm.s32 @!p0 $0x1BF5;
	p2 =	por !p2, p0  }
0x20: {  	[sflag:s8] =	ssyncset.s32 @!p0 $0xFFFFF086;
	s6 =	sadd.s32 @!p0 s3, s7;
	s7 =	simm.s32 @!p0 $0x108  }
0x21: {  	s3 =	sadd.s32 s3, s9;
	s6 =	sadd.s32 @!p0 $0x88, s6;
	s7 =	simm.s32 @p2 $0x1082  }
0x22: {  	[simem:s7], [sflag:s8] =	dma.local @!p0 [hbm:s6], $0xF7A  }
0x23: {  	s9 =	sor.u32 $0xD0000000, s2;
	s6 =	simm.s32 $0x108;
	_ =	swait.ge @!p0 [sflag:s8], $0x0  }
0x24: {  	s3 =	sadd.s32 $0x88, s3;
	s6 =	simm.s32 @!p1 $0x1082;
	[sflag:s4] =	ssyncset.s32 $0xFFFFF086  }
0x25: {  	[simem:s6], [sflag:s4] =	dma.local [hbm:s3], $0xF7A  }
0x26: {  	[smem:$0x3F99] =	sst s1;
	(tag) =	ssettag s2;
	_ =	strace s9  }
0x27: {  	s1 =	sld [smem:$0x3FA9]  }
0x28: {  	s2 =	sld [smem:$0x3FAA]  }
0x29: {  	s4 =	sld [smem:$0x3FAC]  }
0x2a: {  	p0 =	seq.s32 s5, $0x0;
	s5 =	sld [smem:$0x3FAD]  }
0x2b: {  	s6 =	sld [smem:$0x3FAE]  }
0x2c: {  	s7 =	sld [smem:$0x3FAF]  }
0x2d: {  	s3 =	simm.s32 $0x108;
	s8 =	sld [smem:$0x3FB0]  }
0x2e: {  	s3 =	simm.s32 @!p0 $0x1082;
	s9 =	sld [smem:$0x3FB1]  }
0x2f: {  	lr =	sadd.s32 s0, s3;
	s0 =	sld [smem:$0x3FA8]  }
0x30: {  	s3 =	sld [smem:$0x3FAB]  }
0x31: {  	[smem:$0x3FB4] =	sst s10  }
0x32: {  	s10 =	sld [smem:$0x3FB2];
	_ =	sdelay $0x3  }
0x33: {  	p0 =	seq.s32 s10, $0x1;
	s10 =	sld [smem:$0x3FB4];
	_ =	sdelay $0x3  }
0x34: {  	[smem:$0x3FB4] =	sst s10  }
0x35: {  	s10 =	sld [smem:$0x3FB3];
	_ =	sdelay $0x3  }
0x36: {  	p1 =	seq.s32 s10, $0x1;
	s10 =	sld [smem:$0x3FB4];
	_ =	sdelay $0x3  }
0x37: {  	[smem:$0x3FB4] =	sst s10  }
0x38: {  	s10 =	sld [smem:$0x3FB5]  }
0x39: {  	_ = 	snop;
	(pc) =	sbr.ind lr, $3  }
0x3a: {  	_ = 	snop  }
0x3b: {  	_ = 	snop  }
0x3c: {  	p2 =	seq.s32 s10, $0x1;
	s10 =	sld [smem:$0x3FB4]  }
0x3d: {  	_ =	shalt  }
0x3e: {  	_ =	shalt  }
0x3f: {  	_ =	shalt  }
0x40: {  	_ =	shalt  }
0x41: {  	_ =	shalt  }
0x42: {  	_ =	shalt  }
0x43: {  	_ =	shalt  }
0x44: {  	_ =	shalt  }
0x45: {  	_ =	shalt  }
0x46: {  	_ =	shalt  }
0x47: {  	_ =	shalt  }
0x48: {  	_ =	shalt  }
0x49: {  	_ =	shalt  }
0x4a: {  	_ =	shalt  }
0x4b: {  	_ =	shalt  }
0x4c: {  	_ =	shalt  }
0x4d: {  	_ =	shalt  }
0x4e: {  	_ =	shalt  }
0x4f: {  	_ =	shalt  }
0x50: {  	_ =	shalt  }
0x51: {  	_ =	shalt  }
0x52: {  	_ =	shalt  }
0x53: {  	_ =	shalt  }
0x54: {  	_ =	shalt  }
0x55: {  	_ =	shalt  }
0x56: {  	_ =	shalt  }
0x57: {  	_ =	shalt  }
0x58: {  	_ =	shalt  }
0x59: {  	_ =	shalt  }
0x5a: {  	_ =	shalt  }
0x5b: {  	_ =	shalt  }
0x5c: {  	_ =	shalt  }
0x5d: {  	_ =	shalt  }
0x5e: {  	_ =	shalt  }
0x5f: {  	_ =	shalt  }
0x60: {  	_ =	shalt  }
0x61: {  	_ =	shalt  }
0x62: {  	_ =	shalt  }
0x63: {  	_ =	shalt  }
0x64: {  	_ =	shalt  }
0x65: {  	_ =	shalt  }
0x66: {  	_ =	shalt  }
0x67: {  	_ =	shalt  }
0x68: {  	_ =	shalt  }
0x69: {  	_ =	shalt  }
0x6a: {  	_ =	shalt  }
0x6b: {  	_ =	shalt  }
0x6c: {  	_ =	shalt  }
0x6d: {  	_ =	shalt  }
0x6e: {  	_ =	shalt  }
0x6f: {  	_ =	shalt  }
0x70: {  	_ =	shalt  }
0x71: {  	_ =	shalt  }
0x72: {  	_ =	shalt  }
0x73: {  	_ =	shalt  }
0x74: {  	_ =	shalt  }
0x75: {  	_ =	shalt  }
0x76: {  	_ =	shalt  }
0x77: {  	_ =	shalt  }
0x78: {  	_ =	shalt  }
0x79: {  	_ =	shalt  }
0x7a: {  	_ =	shalt  }
0x7b: {  	_ =	shalt  }
0x7c: {  	_ =	shalt  }
0x7d: {  	_ =	shalt  }
0x7e: {  	_ =	shalt  }
0x7f: {  	_ =	shalt  }
0x80: {  	_ =	shalt  }
0x81: {  	_ =	shalt  }
0x82: {  	_ =	shalt  }
0x83: {  	_ =	shalt  }
0x84: {  	_ =	shalt  }
0x85: {  	_ =	shalt  }
0x86: {  	_ =	shalt  }
0x87: {  	_ =	shalt  }
.Lfunc_end0:
.L_simem_size_0:
called_computation_lowered:
.L_overlay_start_0:
0x88: {  	s2 =	sld [smem:$0x3FD9]  }
0x89: {  	s3 =	sld [smem:$0x3FFE];
	_ =	sdelay $0x1  }
0x8a: {  	s1 =	srdreg.scid  }
0x8b: {  	s0 =	sand.u32 $0x1, s1  }
0x8c: {  	s16 =	sshll.u32 s0, $0xA;
	s2 =	sadd.s32 s3, s2  }
0x8d: {  	s2 =	sadd.s32 s2, s16  }
0x8e: {  	[smem:$0x3FC0] =	sst s2  }
0x8f: {  	_ = 	snop  }
0x90: {  	(tm) =	ssettm $0x1  }
0x91: {  	s17 =	sld [smem:$0x3FFB];
	_ =	sdelay $0x3  }
0x92: {  	_ =	strace s17  }
0x93: {  	s2 =	sld [smem:$0x3FFC];
	_ =	sdelay $0x3  }
0x94: {  	_ =	strace s2  }
0x95: {  	s2 =	sld [smem:$0x3FFD];
	_ =	sdelay $0x3  }
0x96: {  	_ =	strace s2  }
0x97: {  	_ =	strace $0x8FFFFFFF  }
0x98: {  	s18 =	sld [smem:$0x3FDB];
	_ =	sdelay $0x1  }
0x99: {  	s19 =	simm.s32 $_scs_section_size  }
0x9a: {  	s4 =	simm.s32 $_size__tile_overlayer_lowered;
	s5 =	simm.s32 $_tile_overlayer_lowered  }
0x9b: {  	s22 =	simm.s32 $0x1BFF;
	s21 =	sshll.u32 s5, $0x1;
	s2 =	sadd.s32 s19, s18  }
0x9c: {  	s6 =	simm.s32 $0x0;
	s20 =	sshll.u32 s4, $0x1;
	s4 =	sadd.s32 s21, s2  }
0x9d: {  	[timem:s6], [sflag:s22] =	dma.local [hbm:s4], s20  }
0x9e: {  	_ =	swait.ge [sflag:s22], s20  }
0x9f: {  	s3 =	ssub.s32 $0x0, s20;
	[sflag:s22] =	ssyncset.done $0x0  }
0xa0: {  	[sflag:s22] =	ssyncadd.s32 s3;
	_ =	sdelay $0x1  }
0xa1: {  	s23 =	simm.s32 $0x1B8B  }
0xa2: {  	_ =	swait.ge [sflag:s23], $0x1  }
0xa3: {  	[sflag:s23] =	ssyncset.done $0x0  }
0xa4: {  	s25 =	simm.s32 $0x1B8E;
	s24 =	sld [smem:$0x3FFE];
	[sflag:s23] =	ssyncadd.s32 $0xFFFFFFFF  }
0xa5: {  	s26 =	simm.s32 $execute0_lowered;
	[smem:$0x3FD2] =	sst s25  }
0xa6: {  	s4 =	sshll.u32 s26, $0x1;
	_ =	strace $0x80000046;
	[dreg:$0x1] =	wrdreg $0xFFFFFFFF  }
0xa7: {  	s28 =	simm.s32 $_size_execute0_lowered;
	s2 =	sadd.s32 s2, s4;
	[dreg:$0x0] =	wrdreg $0x0  }
0xa8: {  	s4 =	sshll.u32 s28, $0x1;
	[dreg:$0x2] =	wrdreg s2  }
0xa9: {  	[dreg:$0x3] =	wrdreg s4  }
0xaa: {  	[dreg:$0x4] =	wrdreg $0xC0  }
0xab: {  	_ =	task [dreg:s6], $0x5FFFF  }
0xac: {  	[dreg:$0x1] =	wrdreg $0xFFFFFFFF  }
0xad: {  	[dreg:$0x0] =	wrdreg $0x60  }
0xae: {  	[dreg:$0x2] =	wrdreg s24  }
0xaf: {  	[dreg:$0x3] =	wrdreg $0x9  }
0xb0: {  	_ =	task.clear_ibuf [dreg:s6], $0x4FFFF;
	_ =	strace $0x90000046  }
0xb1: {  	s29 =	simm.s32 $0x9;
	_ =	strace $0x80000048  }
0xb2: {  	_ =	swait.ge [sflag:s29], $0x1  }
0xb3: {  	[sflag:s29] =	ssyncadd.s32 $0xFFFFFFFF  }
0xb4: {  	_ =	strace $0x90000048  }
0xb5: {  	_ =	sfence  }
0xb6: {  	s30 =	sld [smem:$0x0];
	_ =	sdelay $0x2  }
0xb7: {  	s31 =	sshll.u32 s1, $0xD;
	s1 =	sshrl.u32 s1, $0x2  }
0xb8: {  	s3 =	sand.u32 $0x4000, s31;
	s1 =	sadd.s32 s1, s30  }
0xb9: {  	s0 =	sor.u32 s3, s0;
	s1 =	sshll.u32 s1, $0x11  }
0xba: {  	s0 =	sor.u32 s1, s0  }
0xbb: {  	s0 =	sadd.s32 $0x8F2B, s0  }
0xbc: {  	[sflag:s0] =	ssyncadd.remote.s32 $0x1  }
0xbd: {  	_ =	sfence.sel $0xFFFF  }
0xbe: {  	[dreg:$0x0] =	wrdreg $0xFFFFFFFF;
	(pc) =	sbr.abs _section_cstart, $3  }
0xbf: {  	[dreg:$0x1] =	wrdreg $0xFFFFFFFF  }
0xc0: {  	_ =	task.clear_ibuf [dreg:s6], $0x2FFFF;
	_ =	strace $0x9FFFFFFF  }
0xc1: {  	(tm) =	ssettm $0x7FFFFFFF  }
tec
execute0_lowered:
.L_overlay_start_1:
0x0: {  	(tag) =	ssettag $0x1  }
0x1: {  	s1 =	srdreg.scid  }
0x2: {  	s0 =	stileid.u32;
	s5 =	rddreg [dreg:$0x0]  }
0x3: {  	s2 =	simm.s32 $0x0;
	s11 =	simm.s32 $0x1;
	s12 =	simm.s32 $0x2  }
0x4: {  	s13 =	simm.s32 $0x3;
	s14 =	simm.s32 $0xCC00;
	s15 =	simm.s32 $0x0  }
0x5: {  	s4 =	sand.u32 $0x1, s1;
	s3 =	sshll.u32 s0, $0x1;
	[smem:$0x7FF] =	sst s2  }
0x6: {  	s1 =	rddreg [dreg:$0x1];
	s6 =	sor.u32 s4, s3;
	_ =	strace $0x80000047  }
0x7: {  	s8 =	ssub.s32 $0x2, s4;
	s4 =	sadd.s32 $0x800, s5;
	s3 =	sshll.u32 s6, $0x9  }
0x8: {  	s6 =	sshll.u32 s6, $0x4;
	s31 =	sshrl.u32 s8, $0x1;
	s7 =	sadd.s32 s3, s5  }
0x9: {  	s3 =	sadd.s32 $0x10800, s5;
	s9 =	sadd.s32 s6, s5;
	s10 =	ssub.s32 s8, s31  }
0xa: {  	s5 =	sadd.s32 $0xC800, s7;
	s6 =	sadd.s32 $0x8800, s7;
	s7 =	sadd.s32 $0x4800, s7  }
0xb: {  	vm0 =	vcmask $0x300;
	s8 =	sadd.s32 $0xF52C00, s9;
	s9 =	smax.u32 s10, $0x1;
	s10 =	simm.s32 $0x4  }
.LBB2_1:
0xc: {  	[tilespmem:s2], [sflag:$0x4] =	stream.linear.gather [hbm4b:s5+s2], $0x1000, $0x38;
	[tilespmem:$0xCC80] =	vst v63  }
0xd: {  	_ =	swait.ge [sflag:s10], $0x1000  }
0xe: {  	[sflag:s10] =	ssyncset.done $0x0  }
0xf: {  	s16 =	simm.s32 $0x1000;
	[sflag:s10] =	ssyncadd.s32 $0xFFFFF000  }
0x10: {  	[tilespmem:s16], [sflag:$0x4] =	stream.linear.gather [hbm4b:s6+s2], $0x1000, $0x38;
	[tilespmem:$0xCC80] =	vst v63  }
0x11: {  	_ =	swait.ge [sflag:s10], $0x1000  }
0x12: {  	[sflag:s10] =	ssyncset.done $0x0  }
0x13: {  	s17 =	simm.s32 $0x2000;
	[sflag:s10] =	ssyncadd.s32 $0xFFFFF000  }
0x14: {  	[tilespmem:s17], [sflag:$0x4] =	stream.linear.gather [hbm4b:s7+s2], $0x1000, $0x38;
	[tilespmem:$0xCC80] =	vst v63  }
0x15: {  	_ =	swait.ge [sflag:s10], $0x1000  }
0x16: {  	s18 =	simm.f32 $0.0e+00;
	[sflag:s10] =	ssyncset.done $0x0  }
0x17: {  	s19 =	simm.s32 $0xA;
	s20 =	simm.s32 $0x0;
	[sflag:s10] =	ssyncadd.s32 $0xFFFFF000  }
.LBB2_2:
0x18: {  	s21 =	simm.s32 $0x0;
	s22 =	smov.u32 s17  }
0x19: {  	s23 =	smov.u32 s16;
	s24 =	smov.u32 s19;
	s25 =	simm.s32 $0x0  }
.LBB2_3:
0x1a: {  	v0 =	vld [tilespmem:s24+$0xFFFFFFF6];
	_ =	sdelay $0x4  }
0x1b: {  	v0 =	vshll.u32 v0, $0x4  }
0x1c: {  	(v2sf) =	vpush v0, $0x0;
	_ =	sdelay $0x1  }
0x1d: {  	(v2sf) =	vpush v0, $0x1;
	_ =	sdelay $0x4  }
0x1e: {  	(v2sf) =	vpush v0, $0x2;
	_ =	sdelay $0x2  }
0x1f: {  	(v2sf) =	vpush v0, $0x3;
	_ =	sdelay $0x4  }
0x20: {  	s28 =	spop (v2sf);
	(v2sf) =	vpush v0, $0x4;
	_ =	sdelay $0x1  }
0x21: {  	s30 =	spop (v2sf);
	(v2sf) =	vpush v0, $0x5;
	_ =	sdelay $0x1  }
0x22: {  	s26 =	sshra.s32 s25, $0x2;
	s28 =	sand.u32 $0x1FFFFFF0, s28  }
0x23: {  	s29 =	sadd.s32 $0x3000, s26;
	s28 =	sadd.s32 s3, s28  }
0x24: {  	v1 =	vld [tilespmem:s24+$0x0];
	[tilespmem:s29], [sflag:$0x1] =	stream.linear.gather [hbm4b:s28+s21], $0x80, $0x38  }
0x25: {  	s28 =	sand.u32 $0x1FFFFFF0, s30;
	s30 =	spop (v2sf);
	(v2sf) =	vpush v0, $0x6  }
0x26: {  	s31 =	sadd.s32 $0x3080, s26;
	s28 =	sadd.s32 s3, s28  }
0x27: {  	[tilespmem:s31], [sflag:$0x1] =	stream.linear.gather [hbm4b:s28+s21], $0x80, $0x38;
	[tilespmem:$0xCC80] =	vst v63  }
0x28: {  	s28 =	sand.u32 $0x1FFFFFF0, s30;
	s30 =	spop (v2sf);
	(v2sf) =	vpush v0, $0x7;
	_ =	sdelay $0x1  }
0x29: {  	s31 =	sadd.s32 $0x3100, s26;
	s28 =	sadd.s32 s3, s28  }
0x2a: {  	[tilespmem:s31], [sflag:$0x1] =	stream.linear.gather [hbm4b:s28+s21], $0x80, $0x38;
	[tilespmem:$0xCC80] =	vst v63  }
0x2b: {  	s28 =	sand.u32 $0x1FFFFFF0, s30  }
0x2c: {  	s31 =	sadd.s32 $0x3180, s26;
	s28 =	sadd.s32 s3, s28;
	s30 =	spop (v2sf);
	(v2sf) =	vpush v0, $0x8  }
0x2d: {  	[tilespmem:s31], [sflag:$0x1] =	stream.linear.gather [hbm4b:s28+s21], $0x80, $0x38;
	[tilespmem:$0xCC80] =	vst v63  }
0x2e: {  	s28 =	sand.u32 $0x1FFFFFF0, s30;
	s30 =	spop (v2sf);
	(v2sf) =	vpush v0, $0x9;
	_ =	sdelay $0x2  }
0x2f: {  	s31 =	sadd.s32 $0x3200, s26;
	s28 =	sadd.s32 s3, s28  }
0x30: {  	[tilespmem:s31], [sflag:$0x1] =	stream.linear.gather [hbm4b:s28+s21], $0x80, $0x38;
	[tilespmem:$0xCC80] =	vst v63  }
0x31: {  	s28 =	sand.u32 $0x1FFFFFF0, s30;
	s30 =	spop (v2sf);
	(v2sf) =	vpush v0, $0xA  }
0x32: {  	s31 =	sadd.s32 $0x3280, s26;
	s28 =	sadd.s32 s3, s28  }
0x33: {  	[tilespmem:s31], [sflag:$0x1] =	stream.linear.gather [hbm4b:s28+s21], $0x80, $0x38;
	[tilespmem:$0xCC80] =	vst v63  }
0x34: {  	s28 =	sand.u32 $0x1FFFFFF0, s30;
	s30 =	spop (v2sf);
	(v2sf) =	vpush v0, $0xB;
	_ =	sdelay $0x1  }
0x35: {  	s31 =	sadd.s32 $0x3300, s26;
	s28 =	sadd.s32 s3, s28  }
0x36: {  	[tilespmem:s31], [sflag:$0x1] =	stream.linear.gather [hbm4b:s28+s21], $0x80, $0x38;
	[tilespmem:$0xCC80] =	vst v63  }
0x37: {  	s28 =	sand.u32 $0x1FFFFFF0, s30  }
0x38: {  	s31 =	sadd.s32 $0x3380, s26;
	s28 =	sadd.s32 s3, s28;
	s30 =	spop (v2sf);
	(v2sf) =	vpush v0, $0xC  }
0x39: {  	[tilespmem:s31], [sflag:$0x1] =	stream.linear.gather [hbm4b:s28+s21], $0x80, $0x38;
	[tilespmem:$0xCC80] =	vst v63  }
0x3a: {  	s28 =	sand.u32 $0x1FFFFFF0, s30;
	s30 =	spop (v2sf);
	(v2sf) =	vpush v0, $0xD;
	_ =	sdelay $0x2  }
0x3b: {  	s31 =	sadd.s32 $0x3400, s26;
	s28 =	sadd.s32 s3, s28  }
0x3c: {  	[tilespmem:s31], [sflag:$0x1] =	stream.linear.gather [hbm4b:s28+s21], $0x80, $0x38;
	[tilespmem:$0xCC80] =	vst v63  }
0x3d: {  	s28 =	sand.u32 $0x1FFFFFF0, s30;
	s30 =	spop (v2sf);
	(v2sf) =	vpush v0, $0xE  }
0x3e: {  	s31 =	sadd.s32 $0x3480, s26;
	s28 =	sadd.s32 s3, s28  }
0x3f: {  	[tilespmem:s31], [sflag:$0x1] =	stream.linear.gather [hbm4b:s28+s21], $0x80, $0x38;
	[tilespmem:$0xCC80] =	vst v63  }
0x40: {  	s28 =	sand.u32 $0x1FFFFFF0, s30;
	s30 =	spop (v2sf);
	(v2sf) =	vpush v0, $0xF;
	_ =	sdelay $0x1  }
0x41: {  	s31 =	sadd.s32 $0x3500, s26;
	s28 =	sadd.s32 s3, s28  }
0x42: {  	[tilespmem:s31], [sflag:$0x1] =	stream.linear.gather [hbm4b:s28+s21], $0x80, $0x38;
	[tilespmem:$0xCC80] =	vst v63  }
0x43: {  	v57 =	vshll.u32 v1, $0x4;
	s28 =	sand.u32 $0x1FFFFFF0, s30  }
0x44: {  	s31 =	sadd.s32 $0x3580, s26;
	s28 =	sadd.s32 s3, s28;
	s30 =	spop (v2sf);
	(v2sf) =	vpush v57, $0x6  }
0x45: {  	[tilespmem:s31], [sflag:$0x1] =	stream.linear.gather [hbm4b:s28+s21], $0x80, $0x38;
	[tilespmem:$0xCC80] =	vst v63  }
0x46: {  	s28 =	sand.u32 $0x1FFFFFF0, s30;
	s30 =	spop (v2sf);
	(v2sf) =	vpush v57, $0x7;
	_ =	sdelay $0x2  }
0x47: {  	s31 =	sadd.s32 $0x3600, s26;
	s28 =	sadd.s32 s3, s28  }
0x48: {  	[tilespmem:s31], [sflag:$0x1] =	stream.linear.gather [hbm4b:s28+s21], $0x80, $0x38;
	[tilespmem:$0xCC80] =	vst v63  }
0x49: {  	s28 =	sand.u32 $0x1FFFFFF0, s30;
	s30 =	spop (v2sf);
	(v2sf) =	vpush v57, $0x8  }
0x4a: {  	s31 =	sadd.s32 $0x3680, s26;
	s28 =	sadd.s32 s3, s28  }
0x4b: {  	[tilespmem:s31], [sflag:$0x1] =	stream.linear.gather [hbm4b:s28+s21], $0x80, $0x38;
	[tilespmem:$0xCC80] =	vst v63  }
0x4c: {  	s28 =	sand.u32 $0x1FFFFFF0, s30;
	s30 =	spop (v2sf);
	(v2sf) =	vpush v57, $0x9;
	_ =	sdelay $0x1  }
0x4d: {  	s31 =	sadd.s32 $0x3700, s26;
	s28 =	sadd.s32 s3, s28  }
0x4e: {  	[tilespmem:s31], [sflag:$0x1] =	stream.linear.gather [hbm4b:s28+s21], $0x80, $0x38;
	[tilespmem:$0xCC80] =	vst v63  }
0x4f: {  	s28 =	sand.u32 $0x1FFFFFF0, s30  }
0x50: {  	s31 =	sadd.s32 $0x3780, s26;
	s28 =	sadd.s32 s3, s28;
	s30 =	spop (v2sf);
	(v2sf) =	vpush v57, $0xA  }
0x51: {  	[tilespmem:s31], [sflag:$0x1] =	stream.linear.gather [hbm4b:s28+s21], $0x80, $0x38;
	[tilespmem:$0xCC80] =	vst v63  }
0x52: {  	s28 =	sand.u32 $0x1FFFFFF0, s30;
	s30 =	spop (v2sf);
	(v2sf) =	vpush v57, $0xB;
	_ =	sdelay $0x2  }
0x53: {  	s31 =	sadd.s32 $0x3800, s26;
	s28 =	sadd.s32 s3, s28  }
0x54: {  	[tilespmem:s31], [sflag:$0x1] =	stream.linear.gather [hbm4b:s28+s21], $0x80, $0x38;
	[tilespmem:$0xCC80] =	vst v63  }
0x55: {  	s28 =	sand.u32 $0x1FFFFFF0, s30;
	s30 =	spop (v2sf);
	(v2sf) =	vpush v57, $0xC  }
0x56: {  	s31 =	sadd.s32 $0x3880, s26;
	s28 =	sadd.s32 s3, s28  }
0x57: {  	[tilespmem:s31], [sflag:$0x1] =	stream.linear.gather [hbm4b:s28+s21], $0x80, $0x38;
	[tilespmem:$0xCC80] =	vst v63  }
0x58: {  	s28 =	sand.u32 $0x1FFFFFF0, s30;
	s30 =	spop (v2sf);
	(v2sf) =	vpush v57, $0xD;
	_ =	sdelay $0x1  }
0x59: {  	s31 =	sadd.s32 $0x3900, s26;
	s28 =	sadd.s32 s3, s28  }
0x5a: {  	[tilespmem:s31], [sflag:$0x1] =	stream.linear.gather [hbm4b:s28+s21], $0x80, $0x38;
	[tilespmem:$0xCC80] =	vst v63  }
0x5b: {  	s28 =	sand.u32 $0x1FFFFFF0, s30  }
0x5c: {  	s31 =	sadd.s32 $0x3980, s26;
	s28 =	sadd.s32 s3, s28;
	s30 =	spop (v2sf);
	(v2sf) =	vpush v57, $0xE  }
0x5d: {  	[tilespmem:s31], [sflag:$0x1] =	stream.linear.gather [hbm4b:s28+s21], $0x80, $0x38;
	[tilespmem:$0xCC80] =	vst v63  }
0x5e: {  	s28 =	sand.u32 $0x1FFFFFF0, s30;
	s30 =	spop (v2sf);
	(v2sf) =	vpush v57, $0xF;
	_ =	sdelay $0x1  }
0x5f: {  	s31 =	sadd.s32 $0x3A00, s26;
	s28 =	sadd.s32 s3, s28  }
0x60: {  	[tilespmem:s31], [sflag:$0x1] =	stream.linear.gather [hbm4b:s28+s21], $0x80, $0x38;
	[tilespmem:$0xCC80] =	vst v63  }
0x61: {  	s28 =	sand.u32 $0x1FFFFFF0, s30  }
0x62: {  	s31 =	sadd.s32 $0x3A80, s26;
	s30 =	spop (v2sf);
	s28 =	sadd.s32 s3, s28  }
0x63: {  	[tilespmem:s31], [sflag:$0x1] =	stream.linear.gather [hbm4b:s28+s21], $0x80, $0x38;
	[tilespmem:$0xCC80] =	vst v63  }
0x64: {  	s28 =	sand.u32 $0x1FFFFFF0, s30  }
0x65: {  	s31 =	sadd.s32 $0x3B00, s26;
	s30 =	spop (v2sf);
	s28 =	sadd.s32 s3, s28  }
0x66: {  	[tilespmem:s31], [sflag:$0x1] =	stream.linear.gather [hbm4b:s28+s21], $0x80, $0x38;
	[tilespmem:$0xCC80] =	vst v63  }
0x67: {  	s28 =	sand.u32 $0x1FFFFFF0, s30  }
0x68: {  	s31 =	sadd.s32 $0x3B80, s26;
	s28 =	sadd.s32 s3, s28  }
0x69: {  	[tilespmem:s31], [sflag:$0x1] =	stream.linear.gather [hbm4b:s28+s21], $0x80, $0x38;
	[tilespmem:$0xCC80] =	vst v63  }
0x6a: {  	s30 =	spop (v2sf)  }
0x6b: {  	s28 =	sand.u32 $0x1FFFFFF0, s30  }
0x6c: {  	s31 =	sadd.s32 $0x3C00, s26;
	s30 =	spop (v2sf);
	s28 =	sadd.s32 s3, s28  }
0x6d: {  	[tilespmem:s31], [sflag:$0x1] =	stream.linear.gather [hbm4b:s28+s21], $0x80, $0x38;
	[tilespmem:$0xCC80] =	vst v63  }
0x6e: {  	s28 =	sand.u32 $0x1FFFFFF0, s30  }
0x6f: {  	s31 =	sadd.s32 $0x3C80, s26;
	s28 =	sadd.s32 s3, s28  }
0x70: {  	[tilespmem:s31], [sflag:$0x1] =	stream.linear.gather [hbm4b:s28+s21], $0x80, $0x38;
	[tilespmem:$0xCC80] =	vst v63  }
0x71: {  	v58 =	vld [tilespmem:s23+$0x0];
	_ =	sdelay $0x4  }
0x72: {  	v0 =	vshll.u32 v58, $0x4  }
0x73: {  	(v2sf) =	vpush v0, $0x0;
	_ =	sdelay $0x1  }
0x74: {  	(v2sf) =	vpush v0, $0x1;
	_ =	sdelay $0x4  }
0x75: {  	(v2sf) =	vpush v0, $0x2;
	_ =	sdelay $0x2  }
0x76: {  	(v2sf) =	vpush v0, $0x3;
	_ =	sdelay $0x4  }
0x77: {  	s30 =	spop (v2sf);
	(v2sf) =	vpush v0, $0x4;
	_ =	sdelay $0x1  }
0x78: {  	s28 =	sand.u32 $0x1FFFFFF0, s30;
	s30 =	spop (v2sf);
	(v2sf) =	vpush v0, $0x5;
	_ =	sdelay $0x2  }
0x79: {  	s31 =	sadd.s32 $0x6400, s26;
	s28 =	sadd.s32 s3, s28  }
0x7a: {  	v59 =	vld [tilespmem:s23+$0xA];
	[tilespmem:s31], [sflag:$0x2] =	stream.linear.gather [hbm4b:s28+s21], $0x80, $0x38  }
0x7b: {  	s28 =	sand.u32 $0x1FFFFFF0, s30;
	s30 =	spop (v2sf);
	(v2sf) =	vpush v0, $0x6  }
0x7c: {  	s31 =	sadd.s32 $0x6480, s26;
	s28 =	sadd.s32 s3, s28  }
0x7d: {  	[tilespmem:s31], [sflag:$0x2] =	stream.linear.gather [hbm4b:s28+s21], $0x80, $0x38;
	[tilespmem:$0xCC80] =	vst v63  }
0x7e: {  	s28 =	sand.u32 $0x1FFFFFF0, s30;
	s30 =	spop (v2sf);
	(v2sf) =	vpush v0, $0x7;
	_ =	sdelay $0x1  }
0x7f: {  	s31 =	sadd.s32 $0x6500, s26;
	s28 =	sadd.s32 s3, s28  }
0x80: {  	[tilespmem:s31], [sflag:$0x2] =	stream.linear.gather [hbm4b:s28+s21], $0x80, $0x38;
	[tilespmem:$0xCC80] =	vst v63  }
0x81: {  	s28 =	sand.u32 $0x1FFFFFF0, s30  }
0x82: {  	s31 =	sadd.s32 $0x6580, s26;
	s28 =	sadd.s32 s3, s28;
	s30 =	spop (v2sf);
	(v2sf) =	vpush v0, $0x8  }
0x83: {  	[tilespmem:s31], [sflag:$0x2] =	stream.linear.gather [hbm4b:s28+s21], $0x80, $0x38;
	[tilespmem:$0xCC80] =	vst v63  }
0x84: {  	s28 =	sand.u32 $0x1FFFFFF0, s30;
	s30 =	spop (v2sf);
	(v2sf) =	vpush v0, $0x9;
	_ =	sdelay $0x2  }
0x85: {  	s31 =	sadd.s32 $0x6600, s26;
	s28 =	sadd.s32 s3, s28  }
0x86: {  	[tilespmem:s31], [sflag:$0x2] =	stream.linear.gather [hbm4b:s28+s21], $0x80, $0x38;
	[tilespmem:$0xCC80] =	vst v63  }
0x87: {  	s28 =	sand.u32 $0x1FFFFFF0, s30;
	s30 =	spop (v2sf);
	(v2sf) =	vpush v0, $0xA  }
0x88: {  	s31 =	sadd.s32 $0x6680, s26;
	s28 =	sadd.s32 s3, s28  }
0x89: {  	[tilespmem:s31], [sflag:$0x2] =	stream.linear.gather [hbm4b:s28+s21], $0x80, $0x38;
	[tilespmem:$0xCC80] =	vst v63  }
0x8a: {  	s28 =	sand.u32 $0x1FFFFFF0, s30;
	s30 =	spop (v2sf);
	(v2sf) =	vpush v0, $0xB;
	_ =	sdelay $0x1  }
0x8b: {  	s31 =	sadd.s32 $0x6700, s26;
	s28 =	sadd.s32 s3, s28  }
0x8c: {  	[tilespmem:s31], [sflag:$0x2] =	stream.linear.gather [hbm4b:s28+s21], $0x80, $0x38;
	[tilespmem:$0xCC80] =	vst v63  }
0x8d: {  	s28 =	sand.u32 $0x1FFFFFF0, s30  }
0x8e: {  	s31 =	sadd.s32 $0x6780, s26;
	s28 =	sadd.s32 s3, s28;
	s30 =	spop (v2sf);
	(v2sf) =	vpush v0, $0xC  }
0x8f: {  	[tilespmem:s31], [sflag:$0x2] =	stream.linear.gather [hbm4b:s28+s21], $0x80, $0x38;
	[tilespmem:$0xCC80] =	vst v63  }
0x90: {  	s28 =	sand.u32 $0x1FFFFFF0, s30;
	s30 =	spop (v2sf);
	(v2sf) =	vpush v0, $0xD;
	_ =	sdelay $0x2  }
0x91: {  	s31 =	sadd.s32 $0x6800, s26;
	s28 =	sadd.s32 s3, s28  }
0x92: {  	[tilespmem:s31], [sflag:$0x2] =	stream.linear.gather [hbm4b:s28+s21], $0x80, $0x38;
	[tilespmem:$0xCC80] =	vst v63  }
0x93: {  	s28 =	sand.u32 $0x1FFFFFF0, s30;
	s30 =	spop (v2sf);
	(v2sf) =	vpush v0, $0xE  }
0x94: {  	s31 =	sadd.s32 $0x6880, s26;
	s28 =	sadd.s32 s3, s28  }
0x95: {  	[tilespmem:s31], [sflag:$0x2] =	stream.linear.gather [hbm4b:s28+s21], $0x80, $0x38;
	[tilespmem:$0xCC80] =	vst v63  }
0x96: {  	s28 =	sand.u32 $0x1FFFFFF0, s30;
	s30 =	spop (v2sf);
	(v2sf) =	vpush v0, $0xF;
	_ =	sdelay $0x1  }
0x97: {  	s31 =	sadd.s32 $0x6900, s26;
	s28 =	sadd.s32 s3, s28  }
0x98: {  	[tilespmem:s31], [sflag:$0x2] =	stream.linear.gather [hbm4b:s28+s21], $0x80, $0x38;
	[tilespmem:$0xCC80] =	vst v63  }
0x99: {  	v60 =	vshll.u32 v59, $0x4;
	s28 =	sand.u32 $0x1FFFFFF0, s30  }
0x9a: {  	s31 =	sadd.s32 $0x6980, s26;
	s28 =	sadd.s32 s3, s28;
	s30 =	spop (v2sf);
	(v2sf) =	vpush v60, $0x6  }
0x9b: {  	[tilespmem:s31], [sflag:$0x2] =	stream.linear.gather [hbm4b:s28+s21], $0x80, $0x38;
	[tilespmem:$0xCC80] =	vst v63  }
0x9c: {  	s28 =	sand.u32 $0x1FFFFFF0, s30;
	s30 =	spop (v2sf);
	(v2sf) =	vpush v60, $0x7;
	_ =	sdelay $0x2  }
0x9d: {  	s31 =	sadd.s32 $0x6A00, s26;
	s28 =	sadd.s32 s3, s28  }
0x9e: {  	[tilespmem:s31], [sflag:$0x2] =	stream.linear.gather [hbm4b:s28+s21], $0x80, $0x38;
	[tilespmem:$0xCC80] =	vst v63  }
0x9f: {  	s28 =	sand.u32 $0x1FFFFFF0, s30;
	s30 =	spop (v2sf);
	(v2sf) =	vpush v60, $0x8  }
0xa0: {  	s31 =	sadd.s32 $0x6A80, s26;
	s28 =	sadd.s32 s3, s28  }
0xa1: {  	[tilespmem:s31], [sflag:$0x2] =	stream.linear.gather [hbm4b:s28+s21], $0x80, $0x38;
	[tilespmem:$0xCC80] =	vst v63  }
0xa2: {  	s28 =	sand.u32 $0x1FFFFFF0, s30;
	s30 =	spop (v2sf);
	(v2sf) =	vpush v60, $0x9;
	_ =	sdelay $0x1  }
0xa3: {  	s31 =	sadd.s32 $0x6B00, s26;
	s28 =	sadd.s32 s3, s28  }
0xa4: {  	[tilespmem:s31], [sflag:$0x2] =	stream.linear.gather [hbm4b:s28+s21], $0x80, $0x38;
	[tilespmem:$0xCC80] =	vst v63  }
0xa5: {  	s28 =	sand.u32 $0x1FFFFFF0, s30  }
0xa6: {  	s31 =	sadd.s32 $0x6B80, s26;
	s28 =	sadd.s32 s3, s28;
	s30 =	spop (v2sf);
	(v2sf) =	vpush v60, $0xA  }
0xa7: {  	[tilespmem:s31], [sflag:$0x2] =	stream.linear.gather [hbm4b:s28+s21], $0x80, $0x38;
	[tilespmem:$0xCC80] =	vst v63  }
0xa8: {  	s28 =	sand.u32 $0x1FFFFFF0, s30;
	s30 =	spop (v2sf);
	(v2sf) =	vpush v60, $0xB;
	_ =	sdelay $0x2  }
0xa9: {  	s31 =	sadd.s32 $0x6C00, s26;
	s28 =	sadd.s32 s3, s28  }
0xaa: {  	[tilespmem:s31], [sflag:$0x2] =	stream.linear.gather [hbm4b:s28+s21], $0x80, $0x38;
	[tilespmem:$0xCC80] =	vst v63  }
0xab: {  	s28 =	sand.u32 $0x1FFFFFF0, s30;
	s30 =	spop (v2sf);
	(v2sf) =	vpush v60, $0xC  }
0xac: {  	s31 =	sadd.s32 $0x6C80, s26;
	s28 =	sadd.s32 s3, s28  }
0xad: {  	[tilespmem:s31], [sflag:$0x2] =	stream.linear.gather [hbm4b:s28+s21], $0x80, $0x38;
	[tilespmem:$0xCC80] =	vst v63  }
0xae: {  	s28 =	sand.u32 $0x1FFFFFF0, s30;
	s30 =	spop (v2sf);
	(v2sf) =	vpush v60, $0xD;
	_ =	sdelay $0x1  }
0xaf: {  	s31 =	sadd.s32 $0x6D00, s26;
	s28 =	sadd.s32 s3, s28  }
0xb0: {  	[tilespmem:s31], [sflag:$0x2] =	stream.linear.gather [hbm4b:s28+s21], $0x80, $0x38;
	[tilespmem:$0xCC80] =	vst v63  }
0xb1: {  	s28 =	sand.u32 $0x1FFFFFF0, s30  }
0xb2: {  	s31 =	sadd.s32 $0x6D80, s26;
	s28 =	sadd.s32 s3, s28;
	s30 =	spop (v2sf);
	(v2sf) =	vpush v60, $0xE  }
0xb3: {  	[tilespmem:s31], [sflag:$0x2] =	stream.linear.gather [hbm4b:s28+s21], $0x80, $0x38;
	[tilespmem:$0xCC80] =	vst v63  }
0xb4: {  	s28 =	sand.u32 $0x1FFFFFF0, s30;
	s30 =	spop (v2sf);
	(v2sf) =	vpush v60, $0xF;
	_ =	sdelay $0x1  }
0xb5: {  	s31 =	sadd.s32 $0x6E00, s26;
	s28 =	sadd.s32 s3, s28  }
0xb6: {  	[tilespmem:s31], [sflag:$0x2] =	stream.linear.gather [hbm4b:s28+s21], $0x80, $0x38;
	[tilespmem:$0xCC80] =	vst v63  }
0xb7: {  	s28 =	sand.u32 $0x1FFFFFF0, s30  }
0xb8: {  	s31 =	sadd.s32 $0x6E80, s26;
	s30 =	spop (v2sf);
	s28 =	sadd.s32 s3, s28  }
0xb9: {  	[tilespmem:s31], [sflag:$0x2] =	stream.linear.gather [hbm4b:s28+s21], $0x80, $0x38;
	[tilespmem:$0xCC80] =	vst v63  }
0xba: {  	s28 =	sand.u32 $0x1FFFFFF0, s30  }
0xbb: {  	s31 =	sadd.s32 $0x6F00, s26;
	s30 =	spop (v2sf);
	s28 =	sadd.s32 s3, s28  }
0xbc: {  	[tilespmem:s31], [sflag:$0x2] =	stream.linear.gather [hbm4b:s28+s21], $0x80, $0x38;
	[tilespmem:$0xCC80] =	vst v63  }
0xbd: {  	s28 =	sand.u32 $0x1FFFFFF0, s30  }
0xbe: {  	s31 =	sadd.s32 $0x6F80, s26;
	s28 =	sadd.s32 s3, s28  }
0xbf: {  	[tilespmem:s31], [sflag:$0x2] =	stream.linear.gather [hbm4b:s28+s21], $0x80, $0x38;
	[tilespmem:$0xCC80] =	vst v63  }
0xc0: {  	s30 =	spop (v2sf)  }
0xc1: {  	s28 =	sand.u32 $0x1FFFFFF0, s30  }
0xc2: {  	s31 =	sadd.s32 $0x7000, s26;
	s30 =	spop (v2sf);
	s28 =	sadd.s32 s3, s28  }
0xc3: {  	[tilespmem:s31], [sflag:$0x2] =	stream.linear.gather [hbm4b:s28+s21], $0x80, $0x38;
	[tilespmem:$0xCC80] =	vst v63  }
0xc4: {  	s28 =	sand.u32 $0x1FFFFFF0, s30  }
0xc5: {  	s31 =	sadd.s32 $0x7080, s26;
	s28 =	sadd.s32 s3, s28  }
0xc6: {  	[tilespmem:s31], [sflag:$0x2] =	stream.linear.gather [hbm4b:s28+s21], $0x80, $0x38;
	[tilespmem:$0xCC80] =	vst v63  }
0xc7: {  	v61 =	vld [tilespmem:s22+$0x0];
	_ =	sdelay $0x4  }
0xc8: {  	v0 =	vshll.u32 v61, $0x4  }
0xc9: {  	(v2sf) =	vpush v0, $0x0;
	_ =	sdelay $0x1  }
0xca: {  	(v2sf) =	vpush v0, $0x1;
	_ =	sdelay $0x4  }
0xcb: {  	(v2sf) =	vpush v0, $0x2;
	_ =	sdelay $0x2  }
0xcc: {  	(v2sf) =	vpush v0, $0x3;
	_ =	sdelay $0x4  }
0xcd: {  	s30 =	spop (v2sf);
	(v2sf) =	vpush v0, $0x4;
	_ =	sdelay $0x1  }
0xce: {  	s28 =	sand.u32 $0x1FFFFFF0, s30;
	s30 =	spop (v2sf);
	(v2sf) =	vpush v0, $0x5;
	_ =	sdelay $0x2  }
0xcf: {  	s31 =	sadd.s32 $0x9800, s26;
	s28 =	sadd.s32 s4, s28  }
0xd0: {  	v62 =	vld [tilespmem:s22+$0xA];
	[tilespmem:s31], [sflag:$0x3] =	stream.linear.gather [hbm4b:s28+s21], $0x80, $0x38  }
0xd1: {  	s28 =	sand.u32 $0x1FFFFFF0, s30;
	s30 =	spop (v2sf);
	(v2sf) =	vpush v0, $0x6  }
0xd2: {  	s31 =	sadd.s32 $0x9880, s26;
	s28 =	sadd.s32 s4, s28  }
0xd3: {  	[tilespmem:s31], [sflag:$0x3] =	stream.linear.gather [hbm4b:s28+s21], $0x80, $0x38;
	[tilespmem:$0xCC80] =	vst v63  }
0xd4: {  	s28 =	sand.u32 $0x1FFFFFF0, s30;
	s30 =	spop (v2sf);
	(v2sf) =	vpush v0, $0x7;
	_ =	sdelay $0x1  }
0xd5: {  	s31 =	sadd.s32 $0x9900, s26;
	s28 =	sadd.s32 s4, s28  }
0xd6: {  	[tilespmem:s31], [sflag:$0x3] =	stream.linear.gather [hbm4b:s28+s21], $0x80, $0x38;
	[tilespmem:$0xCC80] =	vst v63  }
0xd7: {  	s28 =	sand.u32 $0x1FFFFFF0, s30  }
0xd8: {  	s31 =	sadd.s32 $0x9980, s26;
	s28 =	sadd.s32 s4, s28;
	s30 =	spop (v2sf);
	(v2sf) =	vpush v0, $0x8  }
0xd9: {  	[tilespmem:s31], [sflag:$0x3] =	stream.linear.gather [hbm4b:s28+s21], $0x80, $0x38;
	[tilespmem:$0xCC80] =	vst v63  }
0xda: {  	s28 =	sand.u32 $0x1FFFFFF0, s30;
	s30 =	spop (v2sf);
	(v2sf) =	vpush v0, $0x9;
	_ =	sdelay $0x2  }
0xdb: {  	s31 =	sadd.s32 $0x9A00, s26;
	s28 =	sadd.s32 s4, s28  }
0xdc: {  	[tilespmem:s31], [sflag:$0x3] =	stream.linear.gather [hbm4b:s28+s21], $0x80, $0x38;
	[tilespmem:$0xCC80] =	vst v63  }
0xdd: {  	s28 =	sand.u32 $0x1FFFFFF0, s30;
	s30 =	spop (v2sf);
	(v2sf) =	vpush v0, $0xA  }
0xde: {  	s31 =	sadd.s32 $0x9A80, s26;
	s28 =	sadd.s32 s4, s28  }
0xdf: {  	[tilespmem:s31], [sflag:$0x3] =	stream.linear.gather [hbm4b:s28+s21], $0x80, $0x38;
	[tilespmem:$0xCC80] =	vst v63  }
0xe0: {  	s28 =	sand.u32 $0x1FFFFFF0, s30;
	s30 =	spop (v2sf);
	(v2sf) =	vpush v0, $0xB;
	_ =	sdelay $0x1  }
0xe1: {  	s31 =	sadd.s32 $0x9B00, s26;
	s28 =	sadd.s32 s4, s28  }
0xe2: {  	[tilespmem:s31], [sflag:$0x3] =	stream.linear.gather [hbm4b:s28+s21], $0x80, $0x38;
	[tilespmem:$0xCC80] =	vst v63  }
0xe3: {  	s28 =	sand.u32 $0x1FFFFFF0, s30  }
0xe4: {  	s31 =	sadd.s32 $0x9B80, s26;
	s28 =	sadd.s32 s4, s28;
	s30 =	spop (v2sf);
	(v2sf) =	vpush v0, $0xC  }
0xe5: {  	[tilespmem:s31], [sflag:$0x3] =	stream.linear.gather [hbm4b:s28+s21], $0x80, $0x38;
	[tilespmem:$0xCC80] =	vst v63  }
0xe6: {  	s28 =	sand.u32 $0x1FFFFFF0, s30;
	s30 =	spop (v2sf);
	(v2sf) =	vpush v0, $0xD;
	_ =	sdelay $0x2  }
0xe7: {  	s31 =	sadd.s32 $0x9C00, s26;
	s28 =	sadd.s32 s4, s28  }
0xe8: {  	[tilespmem:s31], [sflag:$0x3] =	stream.linear.gather [hbm4b:s28+s21], $0x80, $0x38;
	[tilespmem:$0xCC80] =	vst v63  }
0xe9: {  	s28 =	sand.u32 $0x1FFFFFF0, s30;
	s30 =	spop (v2sf);
	(v2sf) =	vpush v0, $0xE  }
0xea: {  	s31 =	sadd.s32 $0x9C80, s26;
	s28 =	sadd.s32 s4, s28  }
0xeb: {  	[tilespmem:s31], [sflag:$0x3] =	stream.linear.gather [hbm4b:s28+s21], $0x80, $0x38;
	[tilespmem:$0xCC80] =	vst v63  }
0xec: {  	s28 =	sand.u32 $0x1FFFFFF0, s30;
	s30 =	spop (v2sf);
	(v2sf) =	vpush v0, $0xF;
	_ =	sdelay $0x1  }
0xed: {  	s31 =	sadd.s32 $0x9D00, s26;
	s28 =	sadd.s32 s4, s28  }
0xee: {  	[tilespmem:s31], [sflag:$0x3] =	stream.linear.gather [hbm4b:s28+s21], $0x80, $0x38;
	[tilespmem:$0xCC80] =	vst v63  }
0xef: {  	v63 =	vshll.u32 v62, $0x4;
	s28 =	sand.u32 $0x1FFFFFF0, s30  }
0xf0: {  	s31 =	sadd.s32 $0x9D80, s26;
	s28 =	sadd.s32 s4, s28;
	s30 =	spop (v2sf);
	(v2sf) =	vpush v63, $0x6  }
0xf1: {  	[tilespmem:s31], [sflag:$0x3] =	stream.linear.gather [hbm4b:s28+s21], $0x80, $0x38;
	[tilespmem:$0xCC80] =	vst v63  }
0xf2: {  	s28 =	sand.u32 $0x1FFFFFF0, s30;
	s30 =	spop (v2sf);
	(v2sf) =	vpush v63, $0x7;
	_ =	sdelay $0x2  }
0xf3: {  	s31 =	sadd.s32 $0x9E00, s26;
	s28 =	sadd.s32 s4, s28  }
0xf4: {  	[tilespmem:s31], [sflag:$0x3] =	stream.linear.gather [hbm4b:s28+s21], $0x80, $0x38;
	[tilespmem:$0xCC80] =	vst v63  }
0xf5: {  	s28 =	sand.u32 $0x1FFFFFF0, s30;
	s30 =	spop (v2sf);
	(v2sf) =	vpush v63, $0x8  }
0xf6: {  	s31 =	sadd.s32 $0x9E80, s26;
	s28 =	sadd.s32 s4, s28  }
0xf7: {  	[tilespmem:s31], [sflag:$0x3] =	stream.linear.gather [hbm4b:s28+s21], $0x80, $0x38;
	[tilespmem:$0xCC80] =	vst v63  }
0xf8: {  	s28 =	sand.u32 $0x1FFFFFF0, s30;
	s30 =	spop (v2sf);
	(v2sf) =	vpush v63, $0x9;
	_ =	sdelay $0x1  }
0xf9: {  	s31 =	sadd.s32 $0x9F00, s26;
	s28 =	sadd.s32 s4, s28  }
0xfa: {  	[tilespmem:s31], [sflag:$0x3] =	stream.linear.gather [hbm4b:s28+s21], $0x80, $0x38;
	[tilespmem:$0xCC80] =	vst v63  }
0xfb: {  	s28 =	sand.u32 $0x1FFFFFF0, s30  }
0xfc: {  	s31 =	sadd.s32 $0x9F80, s26;
	s28 =	sadd.s32 s4, s28;
	s30 =	spop (v2sf);
	(v2sf) =	vpush v63, $0xA  }
0xfd: {  	[tilespmem:s31], [sflag:$0x3] =	stream.linear.gather [hbm4b:s28+s21], $0x80, $0x38;
	[tilespmem:$0xCC80] =	vst v63  }
0xfe: {  	s28 =	sand.u32 $0x1FFFFFF0, s30;
	s30 =	spop (v2sf);
	(v2sf) =	vpush v63, $0xB;
	_ =	sdelay $0x2  }
0xff: {  	s31 =	sadd.s32 $0xA000, s26;
	s28 =	sadd.s32 s4, s28  }
0x100: {  	[tilespmem:s31], [sflag:$0x3] =	stream.linear.gather [hbm4b:s28+s21], $0x80, $0x38;
	[tilespmem:$0xCC80] =	vst v63  }
0x101: {  	s28 =	sand.u32 $0x1FFFFFF0, s30;
	s30 =	spop (v2sf);
	(v2sf) =	vpush v63, $0xC  }
0x102: {  	s31 =	sadd.s32 $0xA080, s26;
	s28 =	sadd.s32 s4, s28  }
0x103: {  	[tilespmem:s31], [sflag:$0x3] =	stream.linear.gather [hbm4b:s28+s21], $0x80, $0x38;
	[tilespmem:$0xCC80] =	vst v63  }
0x104: {  	s28 =	sand.u32 $0x1FFFFFF0, s30;
	s30 =	spop (v2sf);
	(v2sf) =	vpush v63, $0xD;
	_ =	sdelay $0x1  }
0x105: {  	s31 =	sadd.s32 $0xA100, s26;
	s28 =	sadd.s32 s4, s28  }
0x106: {  	[tilespmem:s31], [sflag:$0x3] =	stream.linear.gather [hbm4b:s28+s21], $0x80, $0x38;
	[tilespmem:$0xCC80] =	vst v63  }
0x107: {  	s28 =	sand.u32 $0x1FFFFFF0, s30  }
0x108: {  	s31 =	sadd.s32 $0xA180, s26;
	s28 =	sadd.s32 s4, s28;
	s30 =	spop (v2sf);
	(v2sf) =	vpush v63, $0xE  }
0x109: {  	[tilespmem:s31], [sflag:$0x3] =	stream.linear.gather [hbm4b:s28+s21], $0x80, $0x38;
	[tilespmem:$0xCC80] =	vst v63  }
0x10a: {  	s28 =	sand.u32 $0x1FFFFFF0, s30;
	s30 =	spop (v2sf);
	(v2sf) =	vpush v63, $0xF;
	_ =	sdelay $0x1  }
0x10b: {  	s31 =	sadd.s32 $0xA200, s26;
	s28 =	sadd.s32 s4, s28  }
0x10c: {  	[tilespmem:s31], [sflag:$0x3] =	stream.linear.gather [hbm4b:s28+s21], $0x80, $0x38;
	[tilespmem:$0xCC80] =	vst v63  }
0x10d: {  	s28 =	sand.u32 $0x1FFFFFF0, s30  }
0x10e: {  	s31 =	sadd.s32 $0xA280, s26;
	s30 =	spop (v2sf);
	s28 =	sadd.s32 s4, s28  }
0x10f: {  	[tilespmem:s31], [sflag:$0x3] =	stream.linear.gather [hbm4b:s28+s21], $0x80, $0x38;
	[tilespmem:$0xCC80] =	vst v63  }
0x110: {  	s28 =	sand.u32 $0x1FFFFFF0, s30  }
0x111: {  	s31 =	sadd.s32 $0xA300, s26;
	s30 =	spop (v2sf);
	s28 =	sadd.s32 s4, s28  }
0x112: {  	[tilespmem:s31], [sflag:$0x3] =	stream.linear.gather [hbm4b:s28+s21], $0x80, $0x38;
	[tilespmem:$0xCC80] =	vst v63  }
0x113: {  	s28 =	sand.u32 $0x1FFFFFF0, s30  }
0x114: {  	s31 =	sadd.s32 $0xA380, s26;
	s28 =	sadd.s32 s4, s28  }
0x115: {  	[tilespmem:s31], [sflag:$0x3] =	stream.linear.gather [hbm4b:s28+s21], $0x80, $0x38;
	[tilespmem:$0xCC80] =	vst v63  }
0x116: {  	s24 =	sadd.s32 $0x1A, s24;
	s29 =	spop (v2sf)  }
0x117: {  	p0 =	sne.s32 s25, $0x9C00;
	s30 =	sadd.s32 $0xA400, s26;
	s28 =	sand.u32 $0x1FFFFFF0, s29  }
.Ltmp0:
0x118: {  	s31 =	spop (v2sf);
	s28 =	sadd.s32 s4, s28;
	(pc) =	sbr.rel @p0 .LBB2_3-.Ltmp0, $4  }
0x119: {  	[tilespmem:s30], [sflag:$0x3] =	stream.linear.gather [hbm4b:s28+s21], $0x80, $0x38;
	[tilespmem:$0xCC80] =	vst v63  }
0x11a: {  	s25 =	sadd.s32 $0x3400, s25;
	s23 =	sadd.s32 $0x1A, s23;
	s28 =	sand.u32 $0x1FFFFFF0, s31  }
0x11b: {  	s22 =	sadd.s32 $0x1A, s22;
	s26 =	sadd.s32 $0xA480, s26;
	s28 =	sadd.s32 s4, s28  }
0x11c: {  	[tilespmem:s26], [sflag:$0x3] =	stream.linear.gather [hbm4b:s28+s21], $0x80, $0x38;
	[tilespmem:$0xCC80] =	vst v63  }
.LBB2_4:
0x11d: {  	_ =	swait.ge [sflag:s11], $0x80  }
0x11e: {  	[sflag:s11] =	ssyncset.done $0x0  }
0x11f: {  	[sflag:s11] =	ssyncadd.s32 $0xFFFFFF80  }
0x120: {  	_ =	swait.ge [sflag:s11], $0x80  }
0x121: {  	[sflag:s11] =	ssyncset.done $0x0  }
0x122: {  	[sflag:s11] =	ssyncadd.s32 $0xFFFFFF80  }
0x123: {  	_ =	swait.ge [sflag:s11], $0x80  }
0x124: {  	[sflag:s11] =	ssyncset.done $0x0  }
0x125: {  	[sflag:s11] =	ssyncadd.s32 $0xFFFFFF80  }
0x126: {  	_ =	swait.ge [sflag:s11], $0x80  }
0x127: {  	[sflag:s11] =	ssyncset.done $0x0  }
0x128: {  	[sflag:s11] =	ssyncadd.s32 $0xFFFFFF80  }
0x129: {  	_ =	swait.ge [sflag:s11], $0x80  }
0x12a: {  	[sflag:s11] =	ssyncset.done $0x0  }
0x12b: {  	[sflag:s11] =	ssyncadd.s32 $0xFFFFFF80  }
0x12c: {  	_ =	swait.ge [sflag:s11], $0x80  }
0x12d: {  	[sflag:s11] =	ssyncset.done $0x0  }
0x12e: {  	[sflag:s11] =	ssyncadd.s32 $0xFFFFFF80  }
0x12f: {  	_ =	swait.ge [sflag:s11], $0x80  }
0x130: {  	[sflag:s11] =	ssyncset.done $0x0  }
0x131: {  	[sflag:s11] =	ssyncadd.s32 $0xFFFFFF80  }
0x132: {  	_ =	swait.ge [sflag:s11], $0x80  }
0x133: {  	[sflag:s11] =	ssyncset.done $0x0  }
0x134: {  	[sflag:s11] =	ssyncadd.s32 $0xFFFFFF80  }
0x135: {  	_ =	swait.ge [sflag:s11], $0x80  }
0x136: {  	[sflag:s11] =	ssyncset.done $0x0  }
0x137: {  	[sflag:s11] =	ssyncadd.s32 $0xFFFFFF80  }
0x138: {  	_ =	swait.ge [sflag:s11], $0x80  }
0x139: {  	[sflag:s11] =	ssyncset.done $0x0  }
0x13a: {  	[sflag:s11] =	ssyncadd.s32 $0xFFFFFF80  }
0x13b: {  	_ =	swait.ge [sflag:s11], $0x80  }
0x13c: {  	[sflag:s11] =	ssyncset.done $0x0  }
0x13d: {  	[sflag:s11] =	ssyncadd.s32 $0xFFFFFF80  }
0x13e: {  	_ =	swait.ge [sflag:s11], $0x80  }
0x13f: {  	[sflag:s11] =	ssyncset.done $0x0  }
0x140: {  	[sflag:s11] =	ssyncadd.s32 $0xFFFFFF80  }
0x141: {  	_ =	swait.ge [sflag:s11], $0x80  }
0x142: {  	[sflag:s11] =	ssyncset.done $0x0  }
0x143: {  	[sflag:s11] =	ssyncadd.s32 $0xFFFFFF80  }
0x144: {  	_ =	swait.ge [sflag:s11], $0x80  }
0x145: {  	[sflag:s11] =	ssyncset.done $0x0  }
0x146: {  	[sflag:s11] =	ssyncadd.s32 $0xFFFFFF80  }
0x147: {  	_ =	swait.ge [sflag:s11], $0x80  }
0x148: {  	[sflag:s11] =	ssyncset.done $0x0  }
0x149: {  	[sflag:s11] =	ssyncadd.s32 $0xFFFFFF80  }
0x14a: {  	_ =	swait.ge [sflag:s11], $0x80  }
0x14b: {  	[sflag:s11] =	ssyncset.done $0x0  }
0x14c: {  	[sflag:s11] =	ssyncadd.s32 $0xFFFFFF80  }
0x14d: {  	_ =	swait.ge [sflag:s11], $0x80  }
0x14e: {  	[sflag:s11] =	ssyncset.done $0x0  }
0x14f: {  	[sflag:s11] =	ssyncadd.s32 $0xFFFFFF80  }
0x150: {  	_ =	swait.ge [sflag:s11], $0x80  }
0x151: {  	[sflag:s11] =	ssyncset.done $0x0  }
0x152: {  	[sflag:s11] =	ssyncadd.s32 $0xFFFFFF80  }
0x153: {  	_ =	swait.ge [sflag:s11], $0x80  }
0x154: {  	[sflag:s11] =	ssyncset.done $0x0  }
0x155: {  	[sflag:s11] =	ssyncadd.s32 $0xFFFFFF80  }
0x156: {  	_ =	swait.ge [sflag:s11], $0x80  }
0x157: {  	[sflag:s11] =	ssyncset.done $0x0  }
0x158: {  	[sflag:s11] =	ssyncadd.s32 $0xFFFFFF80  }
0x159: {  	_ =	swait.ge [sflag:s11], $0x80  }
0x15a: {  	[sflag:s11] =	ssyncset.done $0x0  }
0x15b: {  	[sflag:s11] =	ssyncadd.s32 $0xFFFFFF80  }
0x15c: {  	_ =	swait.ge [sflag:s11], $0x80  }
0x15d: {  	[sflag:s11] =	ssyncset.done $0x0  }
0x15e: {  	[sflag:s11] =	ssyncadd.s32 $0xFFFFFF80  }
0x15f: {  	_ =	swait.ge [sflag:s11], $0x80  }
0x160: {  	[sflag:s11] =	ssyncset.done $0x0  }
0x161: {  	[sflag:s11] =	ssyncadd.s32 $0xFFFFFF80  }
0x162: {  	_ =	swait.ge [sflag:s11], $0x80  }
0x163: {  	[sflag:s11] =	ssyncset.done $0x0  }
0x164: {  	[sflag:s11] =	ssyncadd.s32 $0xFFFFFF80  }
0x165: {  	_ =	swait.ge [sflag:s11], $0x80  }
0x166: {  	[sflag:s11] =	ssyncset.done $0x0  }
0x167: {  	[sflag:s11] =	ssyncadd.s32 $0xFFFFFF80  }
0x168: {  	_ =	swait.ge [sflag:s11], $0x80  }
0x169: {  	[sflag:s11] =	ssyncset.done $0x0  }
0x16a: {  	[sflag:s11] =	ssyncadd.s32 $0xFFFFFF80  }
0x16b: {  	_ =	swait.ge [sflag:s12], $0x80  }
0x16c: {  	[sflag:s12] =	ssyncset.done $0x0  }
0x16d: {  	[sflag:s12] =	ssyncadd.s32 $0xFFFFFF80  }
0x16e: {  	_ =	swait.ge [sflag:s12], $0x80  }
0x16f: {  	[sflag:s12] =	ssyncset.done $0x0  }
0x170: {  	[sflag:s12] =	ssyncadd.s32 $0xFFFFFF80  }
0x171: {  	_ =	swait.ge [sflag:s12], $0x80  }
0x172: {  	[sflag:s12] =	ssyncset.done $0x0  }
0x173: {  	[sflag:s12] =	ssyncadd.s32 $0xFFFFFF80  }
0x174: {  	_ =	swait.ge [sflag:s12], $0x80  }
0x175: {  	[sflag:s12] =	ssyncset.done $0x0  }
0x176: {  	[sflag:s12] =	ssyncadd.s32 $0xFFFFFF80  }
0x177: {  	_ =	swait.ge [sflag:s12], $0x80  }
0x178: {  	[sflag:s12] =	ssyncset.done $0x0  }
0x179: {  	[sflag:s12] =	ssyncadd.s32 $0xFFFFFF80  }
0x17a: {  	_ =	swait.ge [sflag:s12], $0x80  }
0x17b: {  	[sflag:s12] =	ssyncset.done $0x0  }
0x17c: {  	[sflag:s12] =	ssyncadd.s32 $0xFFFFFF80  }
0x17d: {  	_ =	swait.ge [sflag:s12], $0x80  }
0x17e: {  	[sflag:s12] =	ssyncset.done $0x0  }
0x17f: {  	[sflag:s12] =	ssyncadd.s32 $0xFFFFFF80  }
0x180: {  	_ =	swait.ge [sflag:s12], $0x80  }
0x181: {  	[sflag:s12] =	ssyncset.done $0x0  }
0x182: {  	[sflag:s12] =	ssyncadd.s32 $0xFFFFFF80  }
0x183: {  	_ =	swait.ge [sflag:s12], $0x80  }
0x184: {  	[sflag:s12] =	ssyncset.done $0x0  }
0x185: {  	[sflag:s12] =	ssyncadd.s32 $0xFFFFFF80  }
0x186: {  	_ =	swait.ge [sflag:s12], $0x80  }
0x187: {  	[sflag:s12] =	ssyncset.done $0x0  }
0x188: {  	[sflag:s12] =	ssyncadd.s32 $0xFFFFFF80  }
0x189: {  	_ =	swait.ge [sflag:s12], $0x80  }
0x18a: {  	[sflag:s12] =	ssyncset.done $0x0  }
0x18b: {  	[sflag:s12] =	ssyncadd.s32 $0xFFFFFF80  }
0x18c: {  	_ =	swait.ge [sflag:s12], $0x80  }
0x18d: {  	[sflag:s12] =	ssyncset.done $0x0  }
0x18e: {  	[sflag:s12] =	ssyncadd.s32 $0xFFFFFF80  }
0x18f: {  	_ =	swait.ge [sflag:s12], $0x80  }
0x190: {  	[sflag:s12] =	ssyncset.done $0x0  }
0x191: {  	[sflag:s12] =	ssyncadd.s32 $0xFFFFFF80  }
0x192: {  	_ =	swait.ge [sflag:s12], $0x80  }
0x193: {  	[sflag:s12] =	ssyncset.done $0x0  }
0x194: {  	[sflag:s12] =	ssyncadd.s32 $0xFFFFFF80  }
0x195: {  	_ =	swait.ge [sflag:s12], $0x80  }
0x196: {  	[sflag:s12] =	ssyncset.done $0x0  }
0x197: {  	[sflag:s12] =	ssyncadd.s32 $0xFFFFFF80  }
0x198: {  	_ =	swait.ge [sflag:s12], $0x80  }
0x199: {  	[sflag:s12] =	ssyncset.done $0x0  }
0x19a: {  	[sflag:s12] =	ssyncadd.s32 $0xFFFFFF80  }
0x19b: {  	_ =	swait.ge [sflag:s12], $0x80  }
0x19c: {  	[sflag:s12] =	ssyncset.done $0x0  }
0x19d: {  	[sflag:s12] =	ssyncadd.s32 $0xFFFFFF80  }
0x19e: {  	_ =	swait.ge [sflag:s12], $0x80  }
0x19f: {  	[sflag:s12] =	ssyncset.done $0x0  }
0x1a0: {  	[sflag:s12] =	ssyncadd.s32 $0xFFFFFF80  }
0x1a1: {  	_ =	swait.ge [sflag:s12], $0x80  }
0x1a2: {  	[sflag:s12] =	ssyncset.done $0x0  }
0x1a3: {  	[sflag:s12] =	ssyncadd.s32 $0xFFFFFF80  }
0x1a4: {  	_ =	swait.ge [sflag:s12], $0x80  }
0x1a5: {  	[sflag:s12] =	ssyncset.done $0x0  }
0x1a6: {  	[sflag:s12] =	ssyncadd.s32 $0xFFFFFF80  }
0x1a7: {  	_ =	swait.ge [sflag:s12], $0x80  }
0x1a8: {  	[sflag:s12] =	ssyncset.done $0x0  }
0x1a9: {  	[sflag:s12] =	ssyncadd.s32 $0xFFFFFF80  }
0x1aa: {  	_ =	swait.ge [sflag:s12], $0x80  }
0x1ab: {  	[sflag:s12] =	ssyncset.done $0x0  }
0x1ac: {  	[sflag:s12] =	ssyncadd.s32 $0xFFFFFF80  }
0x1ad: {  	_ =	swait.ge [sflag:s12], $0x80  }
0x1ae: {  	[sflag:s12] =	ssyncset.done $0x0  }
0x1af: {  	[sflag:s12] =	ssyncadd.s32 $0xFFFFFF80  }
0x1b0: {  	_ =	swait.ge [sflag:s12], $0x80  }
0x1b1: {  	[sflag:s12] =	ssyncset.done $0x0  }
0x1b2: {  	[sflag:s12] =	ssyncadd.s32 $0xFFFFFF80  }
0x1b3: {  	_ =	swait.ge [sflag:s12], $0x80  }
0x1b4: {  	[sflag:s12] =	ssyncset.done $0x0  }
0x1b5: {  	[sflag:s12] =	ssyncadd.s32 $0xFFFFFF80  }
0x1b6: {  	_ =	swait.ge [sflag:s12], $0x80  }
0x1b7: {  	[sflag:s12] =	ssyncset.done $0x0  }
0x1b8: {  	[sflag:s12] =	ssyncadd.s32 $0xFFFFFF80  }
0x1b9: {  	_ =	swait.ge [sflag:s13], $0x80  }
0x1ba: {  	[sflag:s13] =	ssyncset.done $0x0  }
0x1bb: {  	[sflag:s13] =	ssyncadd.s32 $0xFFFFFF80  }
0x1bc: {  	_ =	swait.ge [sflag:s13], $0x80  }
0x1bd: {  	[sflag:s13] =	ssyncset.done $0x0  }
0x1be: {  	[sflag:s13] =	ssyncadd.s32 $0xFFFFFF80  }
0x1bf: {  	_ =	swait.ge [sflag:s13], $0x80  }
0x1c0: {  	[sflag:s13] =	ssyncset.done $0x0  }
0x1c1: {  	[sflag:s13] =	ssyncadd.s32 $0xFFFFFF80  }
0x1c2: {  	_ =	swait.ge [sflag:s13], $0x80  }
0x1c3: {  	[sflag:s13] =	ssyncset.done $0x0  }
0x1c4: {  	[sflag:s13] =	ssyncadd.s32 $0xFFFFFF80  }
0x1c5: {  	_ =	swait.ge [sflag:s13], $0x80  }
0x1c6: {  	[sflag:s13] =	ssyncset.done $0x0  }
0x1c7: {  	[sflag:s13] =	ssyncadd.s32 $0xFFFFFF80  }
0x1c8: {  	_ =	swait.ge [sflag:s13], $0x80  }
0x1c9: {  	[sflag:s13] =	ssyncset.done $0x0  }
0x1ca: {  	[sflag:s13] =	ssyncadd.s32 $0xFFFFFF80  }
0x1cb: {  	_ =	swait.ge [sflag:s13], $0x80  }
0x1cc: {  	[sflag:s13] =	ssyncset.done $0x0  }
0x1cd: {  	[sflag:s13] =	ssyncadd.s32 $0xFFFFFF80  }
0x1ce: {  	_ =	swait.ge [sflag:s13], $0x80  }
0x1cf: {  	[sflag:s13] =	ssyncset.done $0x0  }
0x1d0: {  	[sflag:s13] =	ssyncadd.s32 $0xFFFFFF80  }
0x1d1: {  	_ =	swait.ge [sflag:s13], $0x80  }
0x1d2: {  	[sflag:s13] =	ssyncset.done $0x0  }
0x1d3: {  	[sflag:s13] =	ssyncadd.s32 $0xFFFFFF80  }
0x1d4: {  	_ =	swait.ge [sflag:s13], $0x80  }
0x1d5: {  	[sflag:s13] =	ssyncset.done $0x0  }
0x1d6: {  	[sflag:s13] =	ssyncadd.s32 $0xFFFFFF80  }
0x1d7: {  	_ =	swait.ge [sflag:s13], $0x80  }
0x1d8: {  	[sflag:s13] =	ssyncset.done $0x0  }
0x1d9: {  	[sflag:s13] =	ssyncadd.s32 $0xFFFFFF80  }
0x1da: {  	_ =	swait.ge [sflag:s13], $0x80  }
0x1db: {  	[sflag:s13] =	ssyncset.done $0x0  }
0x1dc: {  	[sflag:s13] =	ssyncadd.s32 $0xFFFFFF80  }
0x1dd: {  	_ =	swait.ge [sflag:s13], $0x80  }
0x1de: {  	[sflag:s13] =	ssyncset.done $0x0  }
0x1df: {  	[sflag:s13] =	ssyncadd.s32 $0xFFFFFF80  }
0x1e0: {  	_ =	swait.ge [sflag:s13], $0x80  }
0x1e1: {  	[sflag:s13] =	ssyncset.done $0x0  }
0x1e2: {  	[sflag:s13] =	ssyncadd.s32 $0xFFFFFF80  }
0x1e3: {  	_ =	swait.ge [sflag:s13], $0x80  }
0x1e4: {  	[sflag:s13] =	ssyncset.done $0x0  }
0x1e5: {  	[sflag:s13] =	ssyncadd.s32 $0xFFFFFF80  }
0x1e6: {  	_ =	swait.ge [sflag:s13], $0x80  }
0x1e7: {  	[sflag:s13] =	ssyncset.done $0x0  }
0x1e8: {  	[sflag:s13] =	ssyncadd.s32 $0xFFFFFF80  }
0x1e9: {  	_ =	swait.ge [sflag:s13], $0x80  }
0x1ea: {  	[sflag:s13] =	ssyncset.done $0x0  }
0x1eb: {  	[sflag:s13] =	ssyncadd.s32 $0xFFFFFF80  }
0x1ec: {  	_ =	swait.ge [sflag:s13], $0x80  }
0x1ed: {  	[sflag:s13] =	ssyncset.done $0x0  }
0x1ee: {  	[sflag:s13] =	ssyncadd.s32 $0xFFFFFF80  }
0x1ef: {  	_ =	swait.ge [sflag:s13], $0x80  }
0x1f0: {  	[sflag:s13] =	ssyncset.done $0x0  }
0x1f1: {  	[sflag:s13] =	ssyncadd.s32 $0xFFFFFF80  }
0x1f2: {  	_ =	swait.ge [sflag:s13], $0x80  }
0x1f3: {  	[sflag:s13] =	ssyncset.done $0x0  }
0x1f4: {  	[sflag:s13] =	ssyncadd.s32 $0xFFFFFF80  }
0x1f5: {  	_ =	swait.ge [sflag:s13], $0x80  }
0x1f6: {  	[sflag:s13] =	ssyncset.done $0x0  }
0x1f7: {  	[sflag:s13] =	ssyncadd.s32 $0xFFFFFF80  }
0x1f8: {  	_ =	swait.ge [sflag:s13], $0x80  }
0x1f9: {  	[sflag:s13] =	ssyncset.done $0x0  }
0x1fa: {  	[sflag:s13] =	ssyncadd.s32 $0xFFFFFF80  }
0x1fb: {  	_ =	swait.ge [sflag:s13], $0x80  }
0x1fc: {  	[sflag:s13] =	ssyncset.done $0x0  }
0x1fd: {  	[sflag:s13] =	ssyncadd.s32 $0xFFFFFF80  }
0x1fe: {  	_ =	swait.ge [sflag:s13], $0x80  }
0x1ff: {  	[sflag:s13] =	ssyncset.done $0x0  }
0x200: {  	[sflag:s13] =	ssyncadd.s32 $0xFFFFFF80  }
0x201: {  	_ =	swait.ge [sflag:s13], $0x80  }
0x202: {  	[sflag:s13] =	ssyncset.done $0x0  }
0x203: {  	[sflag:s13] =	ssyncadd.s32 $0xFFFFFF80  }
0x204: {  	_ =	swait.ge [sflag:s13], $0x80  }
0x205: {  	s22 =	smul.u32 $0xD00, s21;
	[sflag:s13] =	ssyncset.done $0x0  }
0x206: {  	[sflag:s13] =	ssyncadd.s32 $0xFFFFFF80  }
0x207: {  	v63 =	vld [tilespmem:s22+$0x9A90];
	_ =	sdelay $0x4  }
0x208: {  	[tilespmem:$0x1FB90] =	vst v63;
	v63 =	vld [tilespmem:s22+$0x32A0];
	_ =	sdelay $0x4  }
0x209: {  	[tilespmem:$0x1FBA0] =	vst v63;
	v63 =	vld [tilespmem:s22+$0x66A0];
	_ =	sdelay $0x4  }
0x20a: {  	[tilespmem:$0x1FBB0] =	vst v63;
	v63 =	vld [tilespmem:s22+$0x9AA0];
	_ =	sdelay $0x4  }
0x20b: {  	[tilespmem:$0x1FBC0] =	vst v63;
	v63 =	vld [tilespmem:s22+$0x32B0];
	_ =	sdelay $0x4  }
0x20c: {  	[tilespmem:$0x1FBD0] =	vst v63;
	v63 =	vld [tilespmem:s22+$0x66B0];
	_ =	sdelay $0x4  }
0x20d: {  	[tilespmem:$0x1FBE0] =	vst v63;
	v63 =	vld [tilespmem:s22+$0x9AB0];
	_ =	sdelay $0x4  }
0x20e: {  	[tilespmem:$0x1FBF0] =	vst v63;
	v63 =	vld [tilespmem:s22+$0x3300];
	_ =	sdelay $0x4  }
0x20f: {  	[tilespmem:$0x1FC00] =	vst v63;
	v63 =	vld [tilespmem:s22+$0x6700];
	_ =	sdelay $0x4  }
0x210: {  	[tilespmem:$0x1FC10] =	vst v63;
	v63 =	vld [tilespmem:s22+$0x9B00];
	_ =	sdelay $0x4  }
0x211: {  	[tilespmem:$0x1FC20] =	vst v63;
	v63 =	vld [tilespmem:s22+$0x3310];
	_ =	sdelay $0x4  }
0x212: {  	[tilespmem:$0x1FC30] =	vst v63;
	v63 =	vld [tilespmem:s22+$0x6710];
	_ =	sdelay $0x4  }
0x213: {  	[tilespmem:$0x1FC40] =	vst v63;
	v63 =	vld [tilespmem:s22+$0x9B10];
	_ =	sdelay $0x4  }
0x214: {  	[tilespmem:$0x1FC50] =	vst v63;
	v63 =	vld [tilespmem:s22+$0x3320];
	_ =	sdelay $0x4  }
0x215: {  	[tilespmem:$0x1FC60] =	vst v63;
	v63 =	vld [tilespmem:s22+$0x6720];
	_ =	sdelay $0x4  }
0x216: {  	[tilespmem:$0x1FC70] =	vst v63;
	v63 =	vld [tilespmem:s22+$0x9B20];
	_ =	sdelay $0x4  }
0x217: {  	[tilespmem:$0x1FC80] =	vst v63;
	v63 =	vld [tilespmem:s22+$0x3330];
	_ =	sdelay $0x4  }
0x218: {  	[tilespmem:$0x1FC90] =	vst v63;
	v63 =	vld [tilespmem:s22+$0x6730];
	_ =	sdelay $0x4  }
0x219: {  	[tilespmem:$0x1FCA0] =	vst v63;
	v63 =	vld [tilespmem:s22+$0x9B30];
	_ =	sdelay $0x4  }
0x21a: {  	[tilespmem:$0x1FCB0] =	vst v63;
	v63 =	vld [tilespmem:s22+$0x3380];
	_ =	sdelay $0x4  }
0x21b: {  	[tilespmem:$0x1FCC0] =	vst v63;
	v63 =	vld [tilespmem:s22+$0x6780];
	_ =	sdelay $0x4  }
0x21c: {  	[tilespmem:$0x1FCD0] =	vst v63;
	v63 =	vld [tilespmem:s22+$0x9B80];
	_ =	sdelay $0x4  }
0x21d: {  	[tilespmem:$0x1FCE0] =	vst v63;
	v63 =	vld [tilespmem:s22+$0x3390];
	_ =	sdelay $0x4  }
0x21e: {  	[tilespmem:$0x1FCF0] =	vst v63;
	v63 =	vld [tilespmem:s22+$0x6790];
	_ =	sdelay $0x4  }
0x21f: {  	[tilespmem:$0x1FD00] =	vst v63;
	v63 =	vld [tilespmem:s22+$0x9B90];
	_ =	sdelay $0x4  }
0x220: {  	[tilespmem:$0x1FD10] =	vst v63;
	v63 =	vld [tilespmem:s22+$0x33A0];
	_ =	sdelay $0x4  }
0x221: {  	[tilespmem:$0x1FD20] =	vst v63;
	v63 =	vld [tilespmem:s22+$0x67A0];
	_ =	sdelay $0x4  }
0x222: {  	[tilespmem:$0x1FD30] =	vst v63;
	v63 =	vld [tilespmem:s22+$0x9BA0];
	_ =	sdelay $0x4  }
0x223: {  	[tilespmem:$0x1FD40] =	vst v63;
	v63 =	vld [tilespmem:s22+$0x33B0];
	_ =	sdelay $0x4  }
0x224: {  	[tilespmem:$0x1FD50] =	vst v63;
	v63 =	vld [tilespmem:s22+$0x67B0];
	_ =	sdelay $0x4  }
0x225: {  	[tilespmem:$0x1FD60] =	vst v63;
	v63 =	vld [tilespmem:s22+$0x9BB0];
	_ =	sdelay $0x4  }
0x226: {  	[tilespmem:$0x1FD70] =	vst v63;
	v63 =	vld [tilespmem:s22+$0x3400];
	_ =	sdelay $0x2  }
0x227: {  	v5 =	vld [tilespmem:s22+$0x3000]  }
0x228: {  	v4 =	vld [tilespmem:s22+$0x6400]  }
0x229: {  	[tilespmem:$0x1FD80] =	vst v63;
	v63 =	vld [tilespmem:s22+$0x6800]  }
0x22a: {  	v10 =	vld [tilespmem:s22+$0x9800]  }
0x22b: {  	v3 =	vld [tilespmem:s22+$0x3010]  }
0x22c: {  	v2 =	vld [tilespmem:s22+$0x6410]  }
0x22d: {  	v9 =	vld [tilespmem:s22+$0x9810]  }
0x22e: {  	[tilespmem:$0x1FD90] =	vst v63;
	v63 =	vld [tilespmem:s22+$0x9C00]  }
0x22f: {  	v1 =	vld [tilespmem:s22+$0x3020]  }
0x230: {  	v0 =	vld [tilespmem:s22+$0x6420]  }
0x231: {  	v6 =	vld [tilespmem:s22+$0x9820]  }
0x232: {  	v8 =	vld [tilespmem:s22+$0x3030]  }
0x233: {  	[tilespmem:$0x1FDA0] =	vst v63;
	v63 =	vld [tilespmem:s22+$0x3410]  }
0x234: {  	v7 =	vld [tilespmem:s22+$0x6430]  }
0x235: {  	v13 =	vld [tilespmem:s22+$0x9830]  }
0x236: {  	v12 =	vld [tilespmem:s22+$0x3080]  }
0x237: {  	v11 =	vld [tilespmem:s22+$0x6480]  }
0x238: {  	[tilespmem:$0x1FDB0] =	vst v63;
	v63 =	vld [tilespmem:s22+$0x6810]  }
0x239: {  	v16 =	vld [tilespmem:s22+$0x9880]  }
0x23a: {  	v15 =	vld [tilespmem:s22+$0x3090]  }
0x23b: {  	v14 =	vld [tilespmem:s22+$0x6490]  }
0x23c: {  	v19 =	vld [tilespmem:s22+$0x9890]  }
0x23d: {  	[tilespmem:$0x1FDC0] =	vst v63;
	v63 =	vld [tilespmem:s22+$0x9C10]  }
0x23e: {  	v18 =	vld [tilespmem:s22+$0x30A0]  }
0x23f: {  	v17 =	vld [tilespmem:s22+$0x64A0]  }
0x240: {  	v22 =	vld [tilespmem:s22+$0x98A0]  }
0x241: {  	v21 =	vld [tilespmem:s22+$0x30B0]  }
0x242: {  	[tilespmem:$0x1FDD0] =	vst v63;
	v63 =	vld [tilespmem:s22+$0x3420]  }
0x243: {  	v20 =	vld [tilespmem:s22+$0x64B0]  }
0x244: {  	v24 =	vld [tilespmem:s22+$0x98B0]  }
0x245: {  	v25 =	vld [tilespmem:s22+$0x3100]  }
0x246: {  	v23 =	vld [tilespmem:s22+$0x6500]  }
0x247: {  	[tilespmem:$0x1FDE0] =	vst v63;
	v63 =	vld [tilespmem:s22+$0x6820]  }
0x248: {  	v28 =	vld [tilespmem:s22+$0x9900]  }
0x249: {  	v27 =	vld [tilespmem:s22+$0x3110]  }
0x24a: {  	v26 =	vld [tilespmem:s22+$0x6510]  }
0x24b: {  	v37 =	vld [tilespmem:s22+$0x9910]  }
0x24c: {  	[tilespmem:$0x1FDF0] =	vst v63;
	v63 =	vld [tilespmem:s22+$0x9C20]  }
0x24d: {  	v30 =	vld [tilespmem:s22+$0x3120]  }
0x24e: {  	v29 =	vld [tilespmem:s22+$0x6520]  }
0x24f: {  	v40 =	vld [tilespmem:s22+$0x9920]  }
0x250: {  	v44 =	vld [tilespmem:s22+$0x3130]  }
0x251: {  	[tilespmem:$0x1FE00] =	vst v63;
	v63 =	vld [tilespmem:s22+$0x3430]  }
0x252: {  	v31 =	vld [tilespmem:s22+$0x6530]  }
0x253: {  	v45 =	vld [tilespmem:s22+$0x9930]  }
0x254: {  	v48 =	vld [tilespmem:s22+$0x3180]  }
0x255: {  	v32 =	vld [tilespmem:s22+$0x6580]  }
0x256: {  	[tilespmem:$0x1FE10] =	vst v63;
	v63 =	vld [tilespmem:s22+$0x6830]  }
0x257: {  	v47 =	vld [tilespmem:s22+$0x9980]  }
0x258: {  	v49 =	vld [tilespmem:s22+$0x3190]  }
0x259: {  	v33 =	vld [tilespmem:s22+$0x6590]  }
0x25a: {  	v52 =	vld [tilespmem:s22+$0x9990]  }
0x25b: {  	[tilespmem:$0x1FE20] =	vst v63;
	v63 =	vld [tilespmem:s22+$0x9C30]  }
0x25c: {  	v56 =	vld [tilespmem:s22+$0x31A0]  }
0x25d: {  	v34 =	vld [tilespmem:s22+$0x65A0]  }
0x25e: {  	v57 =	vld [tilespmem:s22+$0x99A0]  }
0x25f: {  	v60 =	vld [tilespmem:s22+$0x31B0]  }
0x260: {  	[tilespmem:$0x1FE30] =	vst v63;
	v63 =	vld [tilespmem:s22+$0x3480]  }
0x261: {  	v35 =	vld [tilespmem:s22+$0x65B0]  }
0x262: {  	v59 =	vld [tilespmem:s22+$0x99B0]  }
0x263: {  	v61 =	vld [tilespmem:s22+$0x3200]  }
0x264: {  	v36 =	vld [tilespmem:s22+$0x6600]  }
0x265: {  	[tilespmem:$0x1FE40] =	vst v63;
	v63 =	vld [tilespmem:s22+$0x6880]  }
0x266: {  	v39 =	vld [tilespmem:s22+$0x9A00]  }
0x267: {  	v41 =	vld [tilespmem:s22+$0x3210]  }
0x268: {  	v38 =	vld [tilespmem:s22+$0x6610]  }
0x269: {  	v46 =	vld [tilespmem:s22+$0x9A10]  }
0x26a: {  	[tilespmem:$0x1FE50] =	vst v63;
	v63 =	vld [tilespmem:s22+$0x9C80]  }
0x26b: {  	v43 =	vld [tilespmem:s22+$0x3220]  }
0x26c: {  	v42 =	vld [tilespmem:s22+$0x6620]  }
0x26d: {  	v53 =	vld [tilespmem:s22+$0x9A20]  }
0x26e: {  	v51 =	vld [tilespmem:s22+$0x3230]  }
0x26f: {  	[tilespmem:$0x1FE60] =	vst v63;
	v63 =	vld [tilespmem:s22+$0x3490]  }
0x270: {  	v50 =	vld [tilespmem:s22+$0x6630]  }
0x271: {  	v62 =	vld [tilespmem:s22+$0x9A80]  }
0x272: {  	v55 =	vld [tilespmem:s22+$0x9A30]  }
0x273: {  	v58 =	vld [tilespmem:s22+$0x3280]  }
0x274: {  	[tilespmem:$0x1FE80] =	vst v63;
	v63 =	vld [tilespmem:s22+$0x6890]  }
0x275: {  	v54 =	vld [tilespmem:s22+$0x6680]  }
0x276: {  	[tilespmem:$0x1FB70] =	vst v62;
	v62 =	vld [tilespmem:s22+$0x3290];
	v2 =	vsub.f32 v3, v2  }
0x277: {  	v4 =	vsub.f32 v5, v4;
	v5 =	vld [tilespmem:s22+$0x9C90]  }
0x278: {  	v2 =	vadd.f32 v9, v2;
	v9 =	vld [tilespmem:s22+$0x68A0]  }
0x279: {  	[tilespmem:$0x1FE70] =	vst v63;
	v63 =	vld [tilespmem:s22+$0x34A0]  }
0x27a: {  	v0 =	vsub.f32 v1, v0;
	v1 =	vadd.f32 v10, v4;
	v4 =	vld [tilespmem:s22+$0x9CA0]  }
0x27b: {  	v10 =	vld [tilespmem:s22+$0x68B0]  }
0x27c: {  	[tilespmem:$0x1FB80] =	vst v62;
	v62 =	vld [tilespmem:s22+$0x6690]  }
0x27d: {  	v43 =	vsub.f32 v43, v42;
	v42 =	vld [tilespmem:$0x1FD30]  }
0x27e: {  	v1 =	vand.u32 $0x7FFFFFFF, v1;
	v2 =	vand.u32 $0x7FFFFFFF, v2;
	[tilespmem:$0x1FE90] =	vst v63;
	v63 =	vsub.f32 v8, v7;
	v7 =	vld [tilespmem:s22+$0x34B0]  }
0x27f: {  	v1 =	vadd.f32 v2, v1;
	v8 =	vld [tilespmem:s22+$0x9CB0]  }
0x280: {  	v2 =	vadd.f32 v13, v63;
	v13 =	vsub.f32 v12, v11;
	v11 =	vld [tilespmem:s22+$0x3500]  }
0x281: {  	v12 =	vld [tilespmem:s22+$0x9D00]  }
0x282: {  	v63 =	vsub.f32 v15, v14;
	v15 =	vld [tilespmem:s22+$0x6910]  }
0x283: {  	v14 =	vsub.f32 v18, v17;
	v18 =	vld [tilespmem:s22+$0x9D10]  }
0x284: {  	v17 =	vsub.f32 v21, v20;
	v21 =	vsub.f32 v25, v23;
	v23 =	vld [tilespmem:s22+$0x9D20]  }
0x285: {  	v25 =	vsub.f32 v27, v26;
	v26 =	vld [tilespmem:s22+$0x3530]  }
0x286: {  	v27 =	vld [tilespmem:s22+$0x6930]  }
0x287: {  	v16 =	vadd.f32 v16, v13;
	v13 =	vld [tilespmem:s22+$0x6900]  }
0x288: {  	v0 =	vadd.f32 v6, v0;
	v6 =	vadd.f32 v19, v63;
	v63 =	vld [tilespmem:s22+$0x3510]  }
0x289: {  	v19 =	vld [tilespmem:s22+$0x3520];
	v20 =	vadd.f32 v24, v17  }
0x28a: {  	v24 =	vadd.f32 v28, v21;
	v28 =	vadd.f32 v37, v25;
	v37 =	vld [tilespmem:s22+$0x9D30]  }
0x28b: {  	v17 =	vld [tilespmem:s22+$0x6980]  }
0x28c: {  	v21 =	vld [tilespmem:s22+$0x3590]  }
0x28d: {  	v0 =	vand.u32 $0x7FFFFFFF, v0;
	v25 =	vld [tilespmem:s22+$0x35A0]  }
0x28e: {  	v0 =	vadd.f32 v0, v1;
	v1 =	vand.u32 $0x7FFFFFFF, v16;
	v16 =	vadd.f32 v22, v14;
	v22 =	vld [tilespmem:s22+$0x6920]  }
0x28f: {  	v14 =	vld [tilespmem:s22+$0x3580]  }
0x290: {  	v30 =	vsub.f32 v30, v29;
	[tilespmem:$0x1FEB0] =	vst v18;
	v18 =	vld [tilespmem:s22+$0x9D80]  }
0x291: {  	[tilespmem:$0x1FF00] =	vst v27;
	v27 =	vsub.f32 v56, v34;
	v56 =	vld [tilespmem:s22+$0x69A0]  }
0x292: {  	[tilespmem:$0x1FEA0] =	vst v15;
	v15 =	vadd.f32 v40, v30;
	v30 =	vsub.f32 v60, v35;
	v35 =	vld [tilespmem:s22+$0x9DB0]  }
0x293: {  	v34 =	vsub.f32 v61, v36;
	v36 =	vld [tilespmem:s22+$0x3600]  }
0x294: {  	v2 =	vand.u32 $0x7FFFFFFF, v2;
	v60 =	vld [tilespmem:s22+$0x6A00]  }
0x295: {  	v0 =	vadd.f32 v2, v0;
	v40 =	vld [tilespmem:s22+$0x9E00]  }
0x296: {  	v7 =	vsub.f32 v7, v10;
	v61 =	vld [tilespmem:s22+$0x9E10]  }
0x297: {  	v0 =	vadd.f32 v1, v0;
	v1 =	vand.u32 $0x7FFFFFFF, v16;
	v16 =	vsub.f32 v44, v31;
	v31 =	vld [tilespmem:s22+$0x35B0]  }
0x298: {  	[tilespmem:$0x1FEE0] =	vst v23;
	v44 =	vld [tilespmem:s22+$0x3610]  }
0x299: {  	v2 =	vand.u32 $0x7FFFFFFF, v6;
	v8 =	vadd.f32 v8, v7;
	v7 =	vld [tilespmem:$0x1FEE0]  }
0x29a: {  	v0 =	vadd.f32 v2, v0;
	v2 =	vand.u32 $0x7FFFFFFF, v20;
	v20 =	vsub.f32 v48, v32;
	v48 =	vld [tilespmem:s22+$0x6990]  }
0x29b: {  	v23 =	vsub.f32 v49, v33;
	v32 =	vld [tilespmem:s22+$0x69B0]  }
0x29c: {  	v29 =	vadd.f32 v57, v27;
	v57 =	vld [tilespmem:s22+$0x6A10]  }
0x29d: {  	[tilespmem:$0x1FEF0] =	vst v26;
	v26 =	vadd.f32 v52, v23;
	v52 =	vld [tilespmem:s22+$0x6A20]  }
0x29e: {  	v33 =	vadd.f32 v59, v30;
	v59 =	vld [tilespmem:s22+$0x9E20]  }
0x29f: {  	[tilespmem:$0x1FF30] =	vst v17;
	v17 =	vld [tilespmem:$0x1FBF0]  }
0x2a0: {  	v23 =	vld [tilespmem:s22+$0x6A90]  }
0x2a1: {  	[tilespmem:$0x1FF50] =	vst v21;
	v21 =	vld [tilespmem:$0x1FC30]  }
0x2a2: {  	[tilespmem:$0x1FF70] =	vst v25;
	v25 =	vld [tilespmem:$0x1FC60]  }
0x2a3: {  	v27 =	vld [tilespmem:$0x1FC70]  }
0x2a4: {  	v30 =	vld [tilespmem:$0x1FC90]  }
0x2a5: {  	[tilespmem:$0x1FF10] =	vst v37;
	v37 =	vadd.f32 v39, v34;
	v34 =	vld [tilespmem:$0x1FCD0]  }
0x2a6: {  	v39 =	vsub.f32 v41, v38;
	v38 =	vld [tilespmem:$0x1FD00]  }
0x2a7: {  	[tilespmem:$0x1FEC0] =	vst v19;
	v19 =	vadd.f32 v45, v16;
	v45 =	vadd.f32 v53, v43;
	v53 =	vld [tilespmem:$0x1FB70]  }
0x2a8: {  	v16 =	vld [tilespmem:$0x1FBE0]  }
0x2a9: {  	v43 =	vld [tilespmem:$0x1FD40]  }
0x2aa: {  	v0 =	vadd.f32 v1, v0;
	v1 =	vand.u32 $0x7FFFFFFF, v24;
	v24 =	vld [tilespmem:s22+$0x9D90]  }
0x2ab: {  	[tilespmem:$0x1FED0] =	vst v22;
	v22 =	vadd.f32 v47, v20;
	v41 =	vadd.f32 v46, v39;
	v47 =	vld [tilespmem:s22+$0x3620]  }
0x2ac: {  	v46 =	vsub.f32 v51, v50;
	v50 =	vsub.f32 v58, v54;
	v54 =	vld [tilespmem:$0x1FB80]  }
0x2ad: {  	v58 =	vld [tilespmem:$0x1FBA0]  }
0x2ae: {  	[tilespmem:$0x1FF20] =	vst v14;
	v14 =	vld [tilespmem:$0x1FBC0]  }
0x2af: {  	v20 =	vld [tilespmem:$0x1FC20]  }
0x2b0: {  	v39 =	vld [tilespmem:$0x1FD10]  }
0x2b1: {  	v51 =	vld [tilespmem:$0x1FD70]  }
0x2b2: {  	[tilespmem:$0x1FFD0] =	vst v40;
	v40 =	vld [tilespmem:s22+$0x9E80]  }
0x2b3: {  	[tilespmem:$0x1FF40] =	vst v18;
	v18 =	vld [tilespmem:$0x1FC00]  }
0x2b4: {  	[tilespmem:$0x1FFB0] =	vst v35;
	v35 =	vld [tilespmem:$0x1FCE0]  }
0x2b5: {  	[tilespmem:$0x1FFC0] =	vst v36;
	v36 =	vld [tilespmem:$0x1FCF0];
	v0 =	vadd.f32 v2, v0  }
0x2b6: {  	v2 =	vand.u32 $0x7FFFFFFF, v28;
	v28 =	vld [tilespmem:s22+$0x9DA0]  }
0x2b7: {  	v49 =	vadd.f32 v55, v46;
	v55 =	vld [tilespmem:$0x1FB90];
	v0 =	vadd.f32 v1, v0  }
0x2b8: {  	[tilespmem:$0x1FFE0] =	vst v44;
	v44 =	vld [tilespmem:s22+$0x9E30]  }
0x2b9: {  	[tilespmem:$0x1FF90] =	vst v31;
	v31 =	vld [tilespmem:$0x1FCA0];
	v0 =	vadd.f32 v2, v0  }
0x2ba: {  	v46 =	vld [tilespmem:$0x1FD50];
	v1 =	vand.u32 $0x7FFFFFFF, v15  }
0x2bb: {  	[tilespmem:$0x1FFA0] =	vst v32;
	v32 =	vld [tilespmem:$0x1FCB0];
	v0 =	vadd.f32 v1, v0  }
0x2bc: {  	v15 =	vld [tilespmem:$0x1FBD0];
	v2 =	vand.u32 $0x7FFFFFFF, v19  }
0x2bd: {  	[tilespmem:$0x1FFF0] =	vst v47;
	v47 =	vld [tilespmem:s22+$0x6A30];
	v0 =	vadd.f32 v2, v0  }
0x2be: {  	v3 =	vsub.f32 v54, v62;
	v62 =	vld [tilespmem:$0x1FBB0];
	v1 =	vand.u32 $0x7FFFFFFF, v22  }
0x2bf: {  	[tilespmem:$0x1FF60] =	vst v24;
	v24 =	vld [tilespmem:$0x1FC50];
	v0 =	vadd.f32 v1, v0  }
0x2c0: {  	v54 =	vld [tilespmem:$0x1FD90];
	v2 =	vand.u32 $0x7FFFFFFF, v26  }
0x2c1: {  	v19 =	vld [tilespmem:$0x1FC10];
	v0 =	vadd.f32 v2, v0  }
0x2c2: {  	[tilespmem:$0x1FF80] =	vst v28;
	v28 =	vld [tilespmem:$0x1FC80];
	v1 =	vand.u32 $0x7FFFFFFF, v29  }
0x2c3: {  	v22 =	vld [tilespmem:$0x1FC40];
	v0 =	vadd.f32 v1, v0  }
0x2c4: {  	v26 =	vld [tilespmem:s22+$0x9E90];
	v2 =	vand.u32 $0x7FFFFFFF, v33  }
0x2c5: {  	v1 =	vand.u32 $0x7FFFFFFF, v37;
	v37 =	vld [tilespmem:s22+$0x3690];
	v0 =	vadd.f32 v2, v0  }
0x2c6: {  	v29 =	vld [tilespmem:s22+$0x6A80]  }
0x2c7: {  	v33 =	vld [tilespmem:$0x1FCC0];
	v0 =	vadd.f32 v1, v0  }
0x2c8: {  	v2 =	vand.u32 $0x7FFFFFFF, v41;
	v41 =	vld [tilespmem:$0x1FD20]  }
0x2c9: {  	v1 =	vand.u32 $0x7FFFFFFF, v45;
	v45 =	vld [tilespmem:s22+$0x3680];
	v0 =	vadd.f32 v2, v0  }
0x2ca: {  	v23 =	vsub.f32 v37, v23;
	v37 =	vld [tilespmem:s22+$0x6D00]  }
0x2cb: {  	v2 =	vand.u32 $0x7FFFFFFF, v49;
	v49 =	vld [tilespmem:s22+$0x3630];
	v0 =	vadd.f32 v1, v0  }
0x2cc: {  	v23 =	vadd.f32 v26, v23;
	v26 =	vld [tilespmem:s22+$0x6D10];
	v1 =	vadd.f32 v53, v50  }
0x2cd: {  	v50 =	vld [tilespmem:$0x1FD60];
	v0 =	vadd.f32 v2, v0  }
0x2ce: {  	v53 =	vld [tilespmem:$0x1FD80];
	v2 =	vadd.f32 v55, v3;
	v3 =	vsub.f32 v58, v62;
	v1 =	vand.u32 $0x7FFFFFFF, v1  }
0x2cf: {  	v29 =	vsub.f32 v45, v29;
	v45 =	vld [tilespmem:s22+$0xA0B0];
	v0 =	vadd.f32 v1, v0  }
0x2d0: {  	v55 =	vld [tilespmem:$0x1FDA0];
	v1 =	vadd.f32 v14, v3;
	v3 =	vsub.f32 v15, v16;
	v2 =	vand.u32 $0x7FFFFFFF, v2  }
0x2d1: {  	v58 =	vld [tilespmem:$0x1FDB0];
	v47 =	vsub.f32 v49, v47;
	v0 =	vadd.f32 v2, v0  }
0x2d2: {  	v62 =	vld [tilespmem:$0x1FDC0];
	v2 =	vadd.f32 v17, v3;
	v3 =	vsub.f32 v18, v19;
	v1 =	vand.u32 $0x7FFFFFFF, v1  }
0x2d3: {  	v49 =	vld [tilespmem:s22+$0x38B0];
	v29 =	vadd.f32 v40, v29;
	v0 =	vadd.f32 v1, v0  }
0x2d4: {  	v40 =	vld [tilespmem:s22+$0xA100];
	v1 =	vadd.f32 v20, v3;
	v3 =	vsub.f32 v21, v22;
	v2 =	vand.u32 $0x7FFFFFFF, v2  }
0x2d5: {  	v14 =	vld [tilespmem:s22+$0x6AA0];
	v0 =	vadd.f32 v2, v0  }
0x2d6: {  	v15 =	vld [tilespmem:s22+$0x6AB0];
	v2 =	vadd.f32 v24, v3;
	v3 =	vsub.f32 v25, v27;
	v1 =	vand.u32 $0x7FFFFFFF, v1  }
0x2d7: {  	v16 =	vld [tilespmem:s22+$0x9EB0];
	v44 =	vadd.f32 v44, v47;
	v0 =	vadd.f32 v1, v0  }
0x2d8: {  	v47 =	vld [tilespmem:s22+$0x3900];
	v1 =	vadd.f32 v28, v3;
	v3 =	vsub.f32 v30, v31;
	v2 =	vand.u32 $0x7FFFFFFF, v2  }
0x2d9: {  	v19 =	vld [tilespmem:s22+$0x36B0];
	v0 =	vadd.f32 v2, v0  }
0x2da: {  	v17 =	vld [tilespmem:s22+$0x3700];
	v2 =	vadd.f32 v32, v3;
	v3 =	vsub.f32 v33, v34;
	v1 =	vand.u32 $0x7FFFFFFF, v1  }
0x2db: {  	v18 =	vld [tilespmem:s22+$0x6B00];
	v0 =	vadd.f32 v1, v0  }
0x2dc: {  	v32 =	vld [tilespmem:$0x1FDD0];
	v1 =	vadd.f32 v35, v3;
	v3 =	vsub.f32 v36, v38;
	v2 =	vand.u32 $0x7FFFFFFF, v2  }
0x2dd: {  	v33 =	vld [tilespmem:$0x1FDE0];
	v0 =	vadd.f32 v2, v0  }
0x2de: {  	v35 =	vld [tilespmem:$0x1FDF0];
	v2 =	vadd.f32 v39, v3;
	v3 =	vsub.f32 v41, v42;
	v1 =	vand.u32 $0x7FFFFFFF, v1  }
0x2df: {  	v36 =	vld [tilespmem:$0x1FE00];
	v0 =	vadd.f32 v1, v0  }
0x2e0: {  	v42 =	vld [tilespmem:$0x1FE10];
	v1 =	vadd.f32 v43, v3;
	v3 =	vsub.f32 v46, v50;
	v2 =	vand.u32 $0x7FFFFFFF, v2  }
0x2e1: {  	v43 =	vld [tilespmem:$0x1FE20];
	v0 =	vadd.f32 v2, v0  }
0x2e2: {  	v46 =	vld [tilespmem:$0x1FE30];
	v2 =	vadd.f32 v51, v3;
	v3 =	vsub.f32 v53, v54;
	v1 =	vand.u32 $0x7FFFFFFF, v1  }
0x2e3: {  	v50 =	vld [tilespmem:$0x1FE40];
	v0 =	vadd.f32 v1, v0  }
0x2e4: {  	v51 =	vld [tilespmem:$0x1FE50];
	v1 =	vadd.f32 v55, v3;
	v3 =	vsub.f32 v58, v62;
	v2 =	vand.u32 $0x7FFFFFFF, v2  }
0x2e5: {  	v53 =	vld [tilespmem:$0x1FE60];
	v0 =	vadd.f32 v2, v0  }
0x2e6: {  	v54 =	vld [tilespmem:$0x1FE70];
	v2 =	vadd.f32 v32, v3;
	v3 =	vsub.f32 v33, v35;
	v1 =	vand.u32 $0x7FFFFFFF, v1  }
0x2e7: {  	v55 =	vld [tilespmem:$0x1FE80];
	v0 =	vadd.f32 v1, v0  }
0x2e8: {  	v22 =	vld [tilespmem:s22+$0x36A0];
	v1 =	vadd.f32 v36, v3;
	v3 =	vsub.f32 v42, v43;
	v2 =	vand.u32 $0x7FFFFFFF, v2  }
0x2e9: {  	v20 =	vld [tilespmem:s22+$0x9EA0];
	v0 =	vadd.f32 v2, v0  }
0x2ea: {  	v62 =	vld [tilespmem:$0x1FE90];
	v2 =	vadd.f32 v46, v3;
	v3 =	vsub.f32 v50, v51;
	v1 =	vand.u32 $0x7FFFFFFF, v1  }
0x2eb: {  	v21 =	vld [tilespmem:s22+$0x9F00];
	v0 =	vadd.f32 v1, v0  }
0x2ec: {  	v24 =	vld [tilespmem:s22+$0x3710];
	v1 =	vadd.f32 v53, v3;
	v3 =	vsub.f32 v55, v54  }
0x2ed: {  	v25 =	vld [tilespmem:s22+$0x6B10]  }
0x2ee: {  	v27 =	vld [tilespmem:s22+$0x9F10];
	v58 =	vadd.f32 v5, v3  }
0x2ef: {  	v2 =	vand.u32 $0x7FFFFFFF, v2;
	v3 =	vsub.f32 v62, v9;
	v9 =	vsub.f32 v11, v13;
	v11 =	vld [tilespmem:$0x1FEA0]  }
0x2f0: {  	v37 =	vsub.f32 v47, v37;
	v47 =	vld [tilespmem:s22+$0x3B80];
	v0 =	vadd.f32 v2, v0  }
0x2f1: {  	v15 =	vsub.f32 v19, v15;
	v19 =	vld [tilespmem:s22+$0xA110];
	v1 =	vand.u32 $0x7FFFFFFF, v1  }
0x2f2: {  	v13 =	vld [tilespmem:$0x1FEC0];
	v0 =	vadd.f32 v1, v0  }
0x2f3: {  	v6 =	vadd.f32 v4, v3;
	v2 =	vand.u32 $0x7FFFFFFF, v58;
	v10 =	vadd.f32 v12, v9;
	v12 =	vld [tilespmem:$0x1FEB0]  }
0x2f4: {  	v0 =	vadd.f32 v2, v0;
	v3 =	vsub.f32 v63, v11;
	v63 =	vld [tilespmem:$0x1FED0]  }
0x2f5: {  	v28 =	vld [tilespmem:s22+$0x3720];
	v1 =	vand.u32 $0x7FFFFFFF, v6  }
0x2f6: {  	v31 =	vld [tilespmem:s22+$0x6B20];
	v0 =	vadd.f32 v1, v0  }
0x2f7: {  	v9 =	vld [tilespmem:$0x1FF00];
	v2 =	vand.u32 $0x7FFFFFFF, v8  }
0x2f8: {  	v8 =	vld [tilespmem:$0x1FEF0];
	v0 =	vadd.f32 v2, v0  }
0x2f9: {  	v5 =	vld [tilespmem:$0x1FF20];
	v1 =	vand.u32 $0x7FFFFFFF, v10;
	v2 =	vadd.f32 v12, v3;
	v3 =	vsub.f32 v13, v63  }
0x2fa: {  	v10 =	vld [tilespmem:$0x1FF10];
	v0 =	vadd.f32 v1, v0  }
0x2fb: {  	v6 =	vld [tilespmem:$0x1FF30];
	v2 =	vand.u32 $0x7FFFFFFF, v2;
	v4 =	vadd.f32 v7, v3  }
0x2fc: {  	v30 =	vld [tilespmem:s22+$0x9F20];
	v0 =	vadd.f32 v2, v0  }
0x2fd: {  	v37 =	vadd.f32 v40, v37;
	v40 =	vld [tilespmem:s22+$0x6F20];
	v3 =	vsub.f32 v8, v9;
	v4 =	vand.u32 $0x7FFFFFFF, v4  }
0x2fe: {  	v7 =	vadd.f32 v4, v0;
	v4 =	vld [tilespmem:$0x1FF40]  }
0x2ff: {  	v14 =	vsub.f32 v22, v14;
	v22 =	vld [tilespmem:s22+$0x3910];
	v3 =	vadd.f32 v10, v3  }
0x300: {  	v1 =	vsub.f32 v5, v6;
	v5 =	vld [tilespmem:$0x1FF50]  }
0x301: {  	v34 =	vld [tilespmem:s22+$0x3730];
	v6 =	vand.u32 $0x7FFFFFFF, v3  }
0x302: {  	v2 =	vadd.f32 v6, v7;
	v7 =	vld [tilespmem:$0x1FF60]  }
0x303: {  	v1 =	vadd.f32 v4, v1;
	v4 =	vld [tilespmem:$0x1FF70]  }
0x304: {  	v14 =	vadd.f32 v20, v14;
	v20 =	vld [tilespmem:s22+$0x3920]  }
0x305: {  	v48 =	vsub.f32 v5, v48;
	v5 =	vld [tilespmem:$0x1FF80]  }
0x306: {  	v38 =	vld [tilespmem:s22+$0x6B30]  }
0x307: {  	v39 =	vld [tilespmem:s22+$0x9F30]  }
0x308: {  	v41 =	vld [tilespmem:s22+$0x3780];
	v3 =	vadd.f32 v7, v48;
	v48 =	vsub.f32 v4, v56  }
0x309: {  	v4 =	vld [tilespmem:$0x1FF90]  }
0x30a: {  	v48 =	vadd.f32 v5, v48;
	v5 =	vld [tilespmem:$0x1FFA0]  }
0x30b: {  	v22 =	vsub.f32 v22, v26;
	v26 =	vld [tilespmem:s22+$0xA290];
	v1 =	vand.u32 $0x7FFFFFFF, v1  }
0x30c: {  	v2 =	vadd.f32 v1, v2;
	v1 =	vld [tilespmem:$0x1FFB0]  }
0x30d: {  	v19 =	vadd.f32 v19, v22;
	v22 =	vld [tilespmem:s22+$0xA2A0]  }
0x30e: {  	v32 =	vld [tilespmem:s22+$0x6B80]  }
0x30f: {  	v33 =	vld [tilespmem:s22+$0x6B90];
	v0 =	vsub.f32 v4, v5  }
0x310: {  	v35 =	vld [tilespmem:s22+$0x6BB0]  }
0x311: {  	v0 =	vadd.f32 v1, v0;
	v1 =	vld [tilespmem:$0x1FFC0]  }
0x312: {  	v42 =	vld [tilespmem:s22+$0x9F80]  }
0x313: {  	v43 =	vld [tilespmem:s22+$0x3790]  }
0x314: {  	v36 =	vld [tilespmem:s22+$0x6C00]  }
0x315: {  	v46 =	vld [tilespmem:s22+$0x9F90]  }
0x316: {  	v60 =	vsub.f32 v1, v60;
	v1 =	vld [tilespmem:$0x1FFD0]  }
0x317: {  	v50 =	vld [tilespmem:s22+$0x37A0]  }
0x318: {  	v51 =	vld [tilespmem:s22+$0x9FA0]  }
0x319: {  	v53 =	vld [tilespmem:s22+$0x6BA0]  }
0x31a: {  	v34 =	vsub.f32 v34, v38;
	v54 =	vld [tilespmem:s22+$0x37B0]  }
0x31b: {  	v38 =	vsub.f32 v41, v32;
	v60 =	vadd.f32 v1, v60;
	v1 =	vld [tilespmem:$0x1FFE0]  }
0x31c: {  	v55 =	vld [tilespmem:s22+$0x9FB0]  }
0x31d: {  	v31 =	vsub.f32 v28, v31;
	v28 =	vadd.f32 v42, v38;
	v38 =	vld [tilespmem:s22+$0xA1B0]  }
0x31e: {  	v62 =	vld [tilespmem:s22+$0xA000]  }
0x31f: {  	v58 =	vld [tilespmem:s22+$0x3800]  }
0x320: {  	v42 =	vsub.f32 v54, v35;
	v35 =	vld [tilespmem:s22+$0x39B0];
	v57 =	vsub.f32 v1, v57  }
0x321: {  	v41 =	vsub.f32 v50, v53;
	v53 =	vld [tilespmem:s22+$0x6E80];
	v3 =	vand.u32 $0x7FFFFFFF, v3  }
0x322: {  	v2 =	vadd.f32 v3, v2;
	v57 =	vadd.f32 v61, v57;
	v61 =	vld [tilespmem:$0x1FFF0]  }
0x323: {  	v54 =	vld [tilespmem:s22+$0xA280];
	v48 =	vand.u32 $0x7FFFFFFF, v48  }
0x324: {  	v11 =	vld [tilespmem:s22+$0x3820];
	v2 =	vadd.f32 v48, v2  }
0x325: {  	v32 =	vadd.f32 v51, v41;
	v51 =	vld [tilespmem:s22+$0xA230];
	v0 =	vand.u32 $0x7FFFFFFF, v0  }
0x326: {  	v36 =	vsub.f32 v58, v36;
	v58 =	vld [tilespmem:s22+$0x6EA0];
	v0 =	vadd.f32 v0, v2  }
0x327: {  	v12 =	vld [tilespmem:s22+$0x6C10];
	v60 =	vand.u32 $0x7FFFFFFF, v60;
	v52 =	vsub.f32 v61, v52  }
0x328: {  	v63 =	vld [tilespmem:s22+$0x3810];
	v0 =	vadd.f32 v60, v0  }
0x329: {  	v13 =	vld [tilespmem:s22+$0xA010];
	v57 =	vand.u32 $0x7FFFFFFF, v57;
	v52 =	vadd.f32 v59, v52  }
0x32a: {  	v8 =	vld [tilespmem:s22+$0x6C20];
	v0 =	vadd.f32 v57, v0  }
0x32b: {  	v9 =	vld [tilespmem:s22+$0x3830];
	v52 =	vand.u32 $0x7FFFFFFF, v52  }
0x32c: {  	v10 =	vld [tilespmem:s22+$0xA020];
	v0 =	vadd.f32 v52, v0  }
0x32d: {  	v12 =	vsub.f32 v63, v12;
	v63 =	vld [tilespmem:s22+$0x6F00];
	v59 =	vand.u32 $0x7FFFFFFF, v44  }
0x32e: {  	v6 =	vld [tilespmem:s22+$0x6C30];
	v0 =	vadd.f32 v59, v0  }
0x32f: {  	v29 =	vand.u32 $0x7FFFFFFF, v29;
	v8 =	vsub.f32 v11, v8;
	v11 =	vld [tilespmem:s22+$0x3A10]  }
0x330: {  	v12 =	vadd.f32 v13, v12;
	v13 =	vld [tilespmem:s22+$0x6E10];
	v0 =	vadd.f32 v29, v0  }
0x331: {  	v8 =	vadd.f32 v10, v8;
	v10 =	vld [tilespmem:s22+$0x3A20];
	v44 =	vand.u32 $0x7FFFFFFF, v23  }
0x332: {  	v15 =	vadd.f32 v16, v15;
	v7 =	vld [tilespmem:s22+$0x3880];
	v0 =	vadd.f32 v44, v0  }
0x333: {  	v14 =	vand.u32 $0x7FFFFFFF, v14;
	v6 =	vsub.f32 v9, v6;
	v9 =	vld [tilespmem:s22+$0xA210];
	v52 =	vsub.f32 v17, v18  }
0x334: {  	v56 =	vld [tilespmem:s22+$0xA030];
	v0 =	vadd.f32 v14, v0  }
0x335: {  	v15 =	vand.u32 $0x7FFFFFFF, v15;
	v3 =	vld [tilespmem:s22+$0x3890];
	v16 =	vadd.f32 v21, v52;
	v29 =	vsub.f32 v24, v25  }
0x336: {  	v4 =	vld [tilespmem:s22+$0x6C80];
	v0 =	vadd.f32 v15, v0  }
0x337: {  	v48 =	vld [tilespmem:s22+$0x6C90];
	v16 =	vand.u32 $0x7FFFFFFF, v16;
	v18 =	vadd.f32 v27, v29  }
0x338: {  	v5 =	vld [tilespmem:s22+$0xA080];
	v0 =	vadd.f32 v16, v0  }
0x339: {  	v1 =	vld [tilespmem:s22+$0xA090];
	v23 =	vadd.f32 v30, v31;
	v18 =	vand.u32 $0x7FFFFFFF, v18  }
0x33a: {  	v6 =	vadd.f32 v56, v6;
	v56 =	vld [tilespmem:s22+$0x6E90];
	v0 =	vadd.f32 v18, v0  }
0x33b: {  	v2 =	vld [tilespmem:s22+$0x38A0];
	v4 =	vsub.f32 v7, v4;
	v23 =	vand.u32 $0x7FFFFFFF, v23;
	v25 =	vadd.f32 v39, v34  }
0x33c: {  	v3 =	vsub.f32 v3, v48;
	v7 =	vld [tilespmem:s22+$0x6E20];
	v0 =	vadd.f32 v23, v0  }
0x33d: {  	v4 =	vadd.f32 v5, v4;
	v5 =	vld [tilespmem:s22+$0x6E30];
	v39 =	vsub.f32 v43, v33;
	v25 =	vand.u32 $0x7FFFFFFF, v25  }
0x33e: {  	v1 =	vadd.f32 v1, v3;
	v3 =	vld [tilespmem:s22+$0x3A80];
	v0 =	vadd.f32 v25, v0  }
0x33f: {  	v28 =	vand.u32 $0x7FFFFFFF, v28;
	v60 =	vld [tilespmem:s22+$0xA0A0];
	v30 =	vadd.f32 v46, v39  }
0x340: {  	v61 =	vld [tilespmem:s22+$0x6CA0];
	v0 =	vadd.f32 v28, v0  }
0x341: {  	v57 =	vld [tilespmem:s22+$0x6CB0];
	v30 =	vand.u32 $0x7FFFFFFF, v30  }
0x342: {  	v31 =	vld [tilespmem:s22+$0xA190];
	v0 =	vadd.f32 v30, v0  }
0x343: {  	v32 =	vand.u32 $0x7FFFFFFF, v32;
	v3 =	vsub.f32 v3, v53;
	v53 =	vld [tilespmem:s22+$0x6F90];
	v34 =	vadd.f32 v55, v42  }
0x344: {  	v17 =	vld [tilespmem:s22+$0x6D20];
	v0 =	vadd.f32 v32, v0  }
0x345: {  	v36 =	vadd.f32 v62, v36;
	v2 =	vsub.f32 v2, v61;
	v61 =	vld [tilespmem:s22+$0x6EB0];
	v34 =	vand.u32 $0x7FFFFFFF, v34  }
0x346: {  	v59 =	vld [tilespmem:s22+$0xA120];
	v0 =	vadd.f32 v34, v0  }
0x347: {  	v21 =	vld [tilespmem:s22+$0x3930];
	v43 =	vand.u32 $0x7FFFFFFF, v36  }
0x348: {  	v2 =	vadd.f32 v60, v2;
	v60 =	vld [tilespmem:s22+$0x3AB0];
	v0 =	vadd.f32 v43, v0  }
0x349: {  	v52 =	vsub.f32 v49, v57;
	v57 =	vand.u32 $0x7FFFFFFF, v37;
	v37 =	vld [tilespmem:s22+$0x3B20];
	v44 =	vand.u32 $0x7FFFFFFF, v12  }
0x34a: {  	v49 =	vld [tilespmem:s22+$0x6F80];
	v0 =	vadd.f32 v44, v0  }
0x34b: {  	v8 =	vand.u32 $0x7FFFFFFF, v8;
	v24 =	vld [tilespmem:s22+$0xA130]  }
0x34c: {  	v33 =	vld [tilespmem:s22+$0x6DA0];
	v0 =	vadd.f32 v8, v0  }
0x34d: {  	v55 =	vld [tilespmem:s22+$0x3A90];
	v46 =	vand.u32 $0x7FFFFFFF, v6  }
0x34e: {  	v42 =	vld [tilespmem:s22+$0xA320];
	v0 =	vadd.f32 v46, v0  }
0x34f: {  	v50 =	vand.u32 $0x7FFFFFFF, v4;
	v36 =	vld [tilespmem:s22+$0x7020]  }
0x350: {  	v27 =	vld [tilespmem:s22+$0x6D80];
	v0 =	vadd.f32 v50, v0  }
0x351: {  	v1 =	vand.u32 $0x7FFFFFFF, v1;
	v29 =	vld [tilespmem:s22+$0x3990]  }
0x352: {  	v39 =	vld [tilespmem:s22+$0x6E00];
	v0 =	vadd.f32 v1, v0  }
0x353: {  	v2 =	vand.u32 $0x7FFFFFFF, v2;
	v6 =	vld [tilespmem:s22+$0x3A30];
	v12 =	vadd.f32 v45, v52  }
0x354: {  	v15 =	vld [tilespmem:s22+$0x6D30];
	v0 =	vadd.f32 v2, v0  }
0x355: {  	v52 =	vld [tilespmem:s22+$0x3B90];
	v12 =	vand.u32 $0x7FFFFFFF, v12  }
0x356: {  	v17 =	vsub.f32 v20, v17;
	v16 =	vld [tilespmem:s22+$0x3980];
	v0 =	vadd.f32 v12, v0  }
0x357: {  	v18 =	vld [tilespmem:s22+$0xA180]  }
0x358: {  	v14 =	vadd.f32 v59, v17;
	v23 =	vld [tilespmem:s22+$0x6D90];
	v0 =	vadd.f32 v57, v0  }
0x359: {  	v59 =	vand.u32 $0x7FFFFFFF, v19;
	v17 =	vsub.f32 v60, v61;
	v60 =	vld [tilespmem:s22+$0x3BB0];
	v15 =	vsub.f32 v21, v15  }
0x35a: {  	v5 =	vsub.f32 v6, v5;
	v25 =	vld [tilespmem:s22+$0x39A0];
	v0 =	vadd.f32 v59, v0  }
0x35b: {  	v14 =	vand.u32 $0x7FFFFFFF, v14;
	v15 =	vadd.f32 v24, v15;
	v16 =	vsub.f32 v16, v27;
	v28 =	vld [tilespmem:s22+$0xA1A0]  }
0x35c: {  	v6 =	vsub.f32 v47, v49;
	v30 =	vld [tilespmem:s22+$0x6DB0];
	v0 =	vadd.f32 v14, v0  }
0x35d: {  	v61 =	vld [tilespmem:s22+$0x6FB0];
	v16 =	vadd.f32 v18, v16;
	v15 =	vand.u32 $0x7FFFFFFF, v15;
	v62 =	vsub.f32 v29, v23  }
0x35e: {  	v4 =	vadd.f32 v51, v5;
	v32 =	vld [tilespmem:s22+$0x3A00];
	v0 =	vadd.f32 v15, v0  }
0x35f: {  	v47 =	vld [tilespmem:s22+$0x3C90];
	v16 =	vand.u32 $0x7FFFFFFF, v16;
	v18 =	vadd.f32 v31, v62;
	v31 =	vsub.f32 v25, v33  }
0x360: {  	v5 =	vsub.f32 v52, v53;
	v34 =	vld [tilespmem:s22+$0xA200];
	v0 =	vadd.f32 v16, v0  }
0x361: {  	v52 =	vld [tilespmem:s22+$0x70A0];
	v24 =	vadd.f32 v28, v31;
	v18 =	vand.u32 $0x7FFFFFFF, v18;
	v33 =	vsub.f32 v35, v30  }
0x362: {  	v53 =	vld [tilespmem:s22+$0xA4A0];
	v0 =	vadd.f32 v18, v0  }
0x363: {  	v21 =	vld [tilespmem:s22+$0xA2B0];
	v24 =	vand.u32 $0x7FFFFFFF, v24;
	v27 =	vadd.f32 v38, v33;
	v39 =	vsub.f32 v32, v39  }
0x364: {  	v8 =	vld [tilespmem:s22+$0xA220];
	v0 =	vadd.f32 v24, v0  }
0x365: {  	v11 =	vsub.f32 v11, v13;
	v25 =	vld [tilespmem:s22+$0x3B10];
	v29 =	vadd.f32 v34, v39;
	v27 =	vand.u32 $0x7FFFFFFF, v27  }
0x366: {  	v62 =	vld [tilespmem:s22+$0xA3B0];
	v0 =	vadd.f32 v27, v0  }
0x367: {  	v9 =	vadd.f32 v9, v11;
	v7 =	vsub.f32 v10, v7;
	v31 =	vld [tilespmem:s22+$0x3C10];
	v45 =	vand.u32 $0x7FFFFFFF, v29  }
0x368: {  	v35 =	vld [tilespmem:s22+$0xA310];
	v0 =	vadd.f32 v45, v0  }
0x369: {  	v48 =	vand.u32 $0x7FFFFFFF, v9;
	v43 =	vld [tilespmem:s22+$0x3B30];
	v7 =	vadd.f32 v8, v7  }
0x36a: {  	v12 =	vld [tilespmem:s22+$0x3AA0];
	v0 =	vadd.f32 v48, v0  }
0x36b: {  	v32 =	vld [tilespmem:s22+$0x7010];
	v51 =	vand.u32 $0x7FFFFFFF, v7  }
0x36c: {  	v33 =	vld [tilespmem:s22+$0xA410];
	v0 =	vadd.f32 v51, v0  }
0x36d: {  	v44 =	vld [tilespmem:s22+$0x6F30];
	v1 =	vadd.f32 v54, v3;
	v54 =	vand.u32 $0x7FFFFFFF, v4;
	v2 =	vsub.f32 v55, v56  }
0x36e: {  	v14 =	vld [tilespmem:s22+$0x3B00];
	v0 =	vadd.f32 v54, v0  }
0x36f: {  	v1 =	vand.u32 $0x7FFFFFFF, v1;
	v2 =	vadd.f32 v26, v2;
	v57 =	vsub.f32 v12, v58;
	v15 =	vld [tilespmem:s22+$0xA300]  }
0x370: {  	v16 =	vld [tilespmem:s22+$0x6F10];
	v0 =	vadd.f32 v1, v0  }
0x371: {  	v46 =	vld [tilespmem:s22+$0xA330];
	v2 =	vand.u32 $0x7FFFFFFF, v2;
	v9 =	vadd.f32 v22, v57  }
0x372: {  	v34 =	vld [tilespmem:s22+$0x3C20];
	v0 =	vadd.f32 v2, v0  }
0x373: {  	v17 =	vadd.f32 v21, v17;
	v39 =	vld [tilespmem:s22+$0x3C30];
	v9 =	vand.u32 $0x7FFFFFFF, v9;
	v14 =	vsub.f32 v14, v63  }
0x374: {  	v29 =	vld [tilespmem:s22+$0xA400];
	v13 =	vsub.f32 v43, v44;
	v0 =	vadd.f32 v9, v0  }
0x375: {  	v23 =	vand.u32 $0x7FFFFFFF, v17;
	v43 =	vld [tilespmem:s22+$0x3C80];
	v14 =	vadd.f32 v15, v14;
	v16 =	vsub.f32 v25, v16  }
0x376: {  	v50 =	vld [tilespmem:s22+$0xA380];
	v10 =	vadd.f32 v46, v13;
	v0 =	vadd.f32 v23, v0  }
0x377: {  	v46 =	vld [tilespmem:s22+$0xA480];
	v18 =	vsub.f32 v37, v40;
	v14 =	vand.u32 $0x7FFFFFFF, v14;
	v16 =	vadd.f32 v35, v16  }
0x378: {  	v55 =	vld [tilespmem:s22+$0xA390];
	v0 =	vadd.f32 v14, v0  }
0x379: {  	v56 =	vld [tilespmem:s22+$0x3BA0];
	v18 =	vadd.f32 v42, v18;
	v16 =	vand.u32 $0x7FFFFFFF, v16  }
0x37a: {  	v58 =	vld [tilespmem:s22+$0x6FA0];
	v0 =	vadd.f32 v16, v0  }
0x37b: {  	v26 =	vld [tilespmem:s22+$0x7000];
	v35 =	vand.u32 $0x7FFFFFFF, v18  }
0x37c: {  	v59 =	vld [tilespmem:s22+$0xA3A0];
	v0 =	vadd.f32 v35, v0  }
0x37d: {  	v6 =	vadd.f32 v50, v6;
	v38 =	vand.u32 $0x7FFFFFFF, v10;
	v63 =	vld [tilespmem:s22+$0x3C00]  }
0x37e: {  	v49 =	vsub.f32 v31, v32;
	v37 =	vld [tilespmem:s22+$0xA420];
	v0 =	vadd.f32 v38, v0  }
0x37f: {  	v41 =	vand.u32 $0x7FFFFFFF, v6;
	v4 =	vadd.f32 v55, v5;
	v3 =	vsub.f32 v56, v58;
	v40 =	vld [tilespmem:s22+$0x7030]  }
0x380: {  	v11 =	vsub.f32 v34, v36;
	v42 =	vld [tilespmem:s22+$0xA430];
	v0 =	vadd.f32 v41, v0  }
0x381: {  	v44 =	vand.u32 $0x7FFFFFFF, v4;
	v45 =	vld [tilespmem:s22+$0x7080];
	v1 =	vadd.f32 v59, v3;
	v2 =	vsub.f32 v60, v61  }
0x382: {  	v12 =	vadd.f32 v33, v49;
	v48 =	vld [tilespmem:s22+$0x7090];
	v0 =	vadd.f32 v44, v0  }
0x383: {  	v50 =	vld [tilespmem:s22+$0xA490];
	v1 =	vand.u32 $0x7FFFFFFF, v1;
	v2 =	vadd.f32 v62, v2;
	v9 =	vsub.f32 v63, v26  }
0x384: {  	v11 =	vadd.f32 v37, v11;
	v51 =	vld [tilespmem:s22+$0x3CA0];
	v0 =	vadd.f32 v1, v0  }
0x385: {  	v55 =	vld [tilespmem:s22+$0x70B0];
	v7 =	vsub.f32 v39, v40;
	v9 =	vadd.f32 v29, v9;
	v2 =	vand.u32 $0x7FFFFFFF, v2  }
0x386: {  	v4 =	vsub.f32 v43, v45;
	v54 =	vld [tilespmem:s22+$0x3CB0];
	v0 =	vadd.f32 v2, v0  }
0x387: {  	v56 =	vadd.f32 v42, v7;
	v9 =	vand.u32 $0x7FFFFFFF, v9;
	v1 =	vsub.f32 v47, v48  }
0x388: {  	v57 =	vld [tilespmem:s22+$0xA4B0];
	v3 =	vadd.f32 v46, v4;
	v0 =	vadd.f32 v9, v0  }
0x389: {  	v12 =	vand.u32 $0x7FFFFFFF, v12;
	v2 =	vsub.f32 v51, v52;
	v1 =	vadd.f32 v50, v1  }
0x38a: {  	v59 =	vand.u32 $0x7FFFFFFF, v11;
	v3 =	vand.u32 $0x7FFFFFFF, v3;
	v0 =	vadd.f32 v12, v0  }
0x38b: {  	v58 =	vsub.f32 v54, v55;
	v2 =	vadd.f32 v53, v2;
	v1 =	vand.u32 $0x7FFFFFFF, v1  }
0x38c: {  	v1 =	vadd.f32 v1, v3;
	v0 =	vadd.f32 v59, v0  }
0x38d: {  	v61 =	vand.u32 $0x7FFFFFFF, v56;
	v60 =	vadd.f32 v57, v58;
	v2 =	vand.u32 $0x7FFFFFFF, v2  }
0x38e: {  	v1 =	vadd.f32 v2, v1;
	v0 =	vadd.f32 v61, v0  }
0x38f: {  	v62 =	vand.u32 $0x7FFFFFFF, v60  }
0x390: {  	v1 =	vadd.f32 v62, v1;
	(xrf2) =	vadd.scan.msk.f32 $0xffff, v0;
	_ =	sdelay $0x1  }
0x391: {  	(xrf2) =	vadd.scan.msk.f32 $0xffff, v1;
	_ =	sdelay $0x7  }
0x392: {  	v0, _, _ =	vpop (xrf2)  }
0x393: {  	(v2sf) =	vpush v0, $0xF  }
0x394: {  	v63, _, _ =	vpop (xrf2)  }
0x395: {  	(v2sf) =	vpush v63, $0xF;
	_ =	sdelay $0xc  }
0x396: {  	s31 =	spop (v2sf)  }
0x397: {  	s22 =	smul.f32 $-3.999999910e-02, s31  }
0x398: {  	s23 =	spop (v2sf)  }
0x399: {  	p0 =	sne.s32 s21, $0x3;
	s22 =	sadd.f32 s22, s23  }
.Ltmp1:
0x39a: {  	_ = 	snop;
	(pc) =	sbr.rel @p0 .LBB2_4-.Ltmp1, $3  }
0x39b: {  	s22 =	sadd.f32 $1.000000000e+00, s22;
	_ =	sdelay $0x1  }
0x39c: {  	s22 =	smax.f32 s22, $0.0e+00  }
0x39d: {  	s21 =	sadd.s32 $0x1, s21;
	s18 =	sadd.f32 s22, s18  }
0x39e: {  	s20 =	sadd.s32 $0x1, s20  }
0x39f: {  	p0 =	sne.s32 s20, $0x20  }
.Ltmp2:
0x3a0: {  	_ = 	snop;
	(pc) =	sbr.rel @p0 .LBB2_2-.Ltmp2, $2  }
0x3a1: {  	_ =	sdelay $0x2  }
0x3a2: {  	s19 =	sadd.s32 $0x80, s19;
	s16 =	sadd.s32 $0x80, s16;
	s17 =	sadd.s32 $0x80, s17  }
0x3a3: {  	v0 =	vmov s18;
	s15 =	sadd.s32 $0x1, s15  }
0x3a4: {  	v0 =	vnsel vm0, $0x0, v0;
	p0 =	sne.s32 s15, s9  }
.Ltmp3:
0x3a5: {  	[tilespmem:$0xCC00] =	vst v0;
	(pc) =	sbr.rel @p0 .LBB2_1-.Ltmp3, $4  }
0x3a6: {  	[hbm4b:s8+s2] =	stream.linear.scatter [tilespmem:s14], [sflag:$0x4], $0x80, $0x38;
	[tilespmem:$0xCC80] =	vst v63  }
0x3a7: {  	_ =	swait.ge [sflag:s10], $0x80  }
0x3a8: {  	[sflag:s10] =	ssyncset.done $0x0  }
0x3a9: {  	[sflag:s10] =	ssyncadd.s32 $0xFFFFFF80  }
0x3aa: {  	_ =	sfence.sel $0x180000  }
0x3ab: {  	[bflag:$0x0] =	sbarrier.arrive $0xFFFF  }
0x3ac: {  	p0 =	sne.s32 s0, $0x0;
	_ =	strace $0x90000047  }
0x3ad: {  	s0 =	sadd.s32 @!p0 $0x100000, s1;
	[bflag:$0x2] =	sbarrier.arrive $0xFFFF  }
0x3ae: {  	[sflag:s0] =	ssyncadd.tile.s32 @!p0 $0x1;
	_ =	shalt  }
.Lfunc_end2:
_tile_overlayer_lowered:
.L_overlay_start_2:
0x3af: {  	(tag) =	ssettag $0x2  }
0x3b0: {  	s0 =	rddreg [dreg:$0x0];
	s2 =	stileid.u32  }
0x3b1: {  	s1 =	rddreg [dreg:$0x1];
	p0 =	sne.s32 s2, $0x0  }
0x3b2: {  	s3 =	rddreg [dreg:$0x2];
	[bflag:$0x3] =	sbarrier.arrive $0xFFFF;
	s2 =	simm.s32 @!p0 $0x1C04  }
0x3b3: {  	[timem:s3], [sflag:s2] =	dma.local @!p0 [hbm:s0], s1  }
0x3b4: {  	s0 =	simm.s32 @!p0 $0x4  }
0x3b5: {  	_ =	swait.ge @!p0 [sflag:s0], s1  }
0x3b6: {  	s1 =	ssub.s32 @!p0 $0x0, s1;
	[sflag:s0] =	ssyncset.done @!p0 $0x0  }
0x3b7: {  	[sflag:s0] =	ssyncadd.s32 @!p0 s1  }
0x3b8: {  	[bflag:$0x3] =	sbarrier.arrive $0xFFFF  }
0x3b9: {  	_ =	shalt  }

</sc_bundles>
